<compile_context>
chip_gen: v7x
topology: tpu7x:2x2x1
jax: 0.10.2.dev20260603
libtpu: 0.0.44.dev20260713+nightly
codegen_flags: <defaults>
</compile_context>

<pallas_src>
import functools

import jax
import jax.numpy as jnp
from jax import lax
from jax.experimental import pallas as pl
from jax.experimental.pallas import tpu as pltpu
from jax.experimental.pallas import tpu_sc as plsc

NC = 2
NS = 16
CHUNK = 64
NBUF = 4
PIECE = 40
K_SPLIT = 240


def _round_up(a, b):
    return (a + b - 1) // b * b


def _sc_aggregate(x, col3, row3, zeros, n_pad):
    n_chunks = col3.shape[1]
    f = x.shape[1]
    rows_per_tile = n_pad // NS
    pieces0 = K_SPLIT // PIECE
    pieces1 = (n_chunks - K_SPLIT) // PIECE
    max_pieces = max(pieces0, pieces1)
    mesh = plsc.VectorSubcoreMesh(core_axis_name="c", subcore_axis_name="s")

    @functools.partial(
        pl.kernel,
        mesh=mesh,
        out_type=jax.ShapeDtypeStruct((NC, n_pad, f), jnp.float32),
        scratch_types=[
            pltpu.VMEM((PIECE, CHUNK), jnp.int32),
            pltpu.VMEM((PIECE, CHUNK), jnp.int32),
            pltpu.VMEM((NBUF, CHUNK, f), jnp.float32),
            pltpu.VMEM_SHARED((n_pad, f), jnp.float32),
        ] + [pltpu.SemaphoreType.DMA] * (2 * NBUF),
    )
    def agg(x_hbm, col_hbm, row_hbm, zero_hbm, out_hbm,
            col_v, row_v, rows_v, acc, *sems):
        c = lax.axis_index("c")
        s = lax.axis_index("s")
        gsems = sems[:NBUF]
        ssems = sems[NBUF:]
        tile_rows = pl.ds(s * rows_per_tile, rows_per_tile)
        base_piece = jnp.where(c == 0, 0, pieces0)
        n_pieces = jnp.where(c == 0, pieces0, pieces1)
        pltpu.sync_copy(zero_hbm.at[tile_rows], acc.at[tile_rows])
        plsc.subcore_barrier()

        def gather(j, b):
            pltpu.async_copy(x_hbm.at[col_v.at[j]], rows_v.at[b], gsems[b])

        def gather_wait(b):
            pltpu.make_async_copy(x_hbm.at[col_v.at[0]], rows_v.at[b],
                                  gsems[b]).wait()

        def scatter(j, b):
            pltpu.async_copy(rows_v.at[b], acc.at[row_v.at[j]], ssems[b],
                             add=True)

        def scatter_wait(b):
            pltpu.make_async_copy(rows_v.at[b], acc.at[pl.ds(0, CHUNK)],
                                  ssems[b]).wait()

        def run_piece(h):
            off = pl.ds((base_piece + h) * PIECE, PIECE)
            pltpu.sync_copy(col_hbm.at[s, off], col_v)
            pltpu.sync_copy(row_hbm.at[s, off], row_v)
            for b in range(NBUF):
                gather(b, b)

            def body(i, carry):
                for b in range(NBUF):
                    gather_wait(b)
                    scatter(NBUF * i + b, b)
                for b in range(NBUF):
                    scatter_wait(b)

                    @pl.when(NBUF * i + b + NBUF < PIECE)
                    def _():
                        gather(NBUF * i + b + NBUF, b)

                return carry

            lax.fori_loop(0, PIECE // NBUF, body, 0)

        for h in range(max_pieces):
            @pl.when(h < n_pieces)
            def _():
                run_piece(h)

        plsc.subcore_barrier()
        pltpu.sync_copy(acc.at[tile_rows], out_hbm.at[c, tile_rows])

    return agg(x, col3, row3, zeros)


def _tc_matmul_bias(parts, weight, bias):
    n_pad, f = parts.shape[1], parts.shape[2]
    blk = next(r for r in (1024, 512, 256, 128, 8) if n_pad % r == 0)

    def body(p_ref, w_ref, b_ref, o_ref):
        psum = p_ref[0] + p_ref[1]
        o_ref[...] = (
            jnp.dot(psum, w_ref[...], preferred_element_type=jnp.float32)
            + b_ref[...]
        )

    return pl.pallas_call(
        body,
        grid=(n_pad // blk,),
        in_specs=[
            pl.BlockSpec((2, blk, f), lambda i: (0, i, 0)),
            pl.BlockSpec((f, f), lambda i: (0, 0)),
            pl.BlockSpec((1, f), lambda i: (0, 0)),
        ],
        out_specs=pl.BlockSpec((blk, f), lambda i: (i, 0)),
        out_shape=jax.ShapeDtypeStruct((n_pad, f), jnp.float32),
    )(parts, weight, bias.reshape(1, f))


def kernel(x, edge_index, weight, bias):
    n_nodes, f = x.shape
    e = edge_index.shape[1]
    ei = edge_index.astype(jnp.int32)
    row, col = ei[0], ei[1]

    n_pad = _round_up(n_nodes + 1, 1024)
    dummy_row = n_nodes

    n_chunks = _round_up((e + NS - 1) // NS, PIECE * CHUNK) // CHUNK
    e_pad = NS * n_chunks * CHUNK
    col_p = jnp.zeros((e_pad,), jnp.int32).at[:e].set(col)
    row_p = jnp.full((e_pad,), dummy_row, jnp.int32).at[:e].set(row)
    col3 = col_p.reshape(NS, n_chunks, CHUNK)
    row3 = row_p.reshape(NS, n_chunks, CHUNK)
    zeros = jnp.zeros((n_pad, f), jnp.float32)

    parts = _sc_aggregate(x, col3, row3, zeros, n_pad)
    out = _tc_matmul_bias(parts, weight, bias)
    return out[:n_nodes]

# --- scband reference (transcript-rebuilt; emitter-appended) ---
"""Pipeline reference for scband-graph-convolution-14061722927710 (READ-ONLY COPY).

The authoritative reference and input builder live on the scoring server;
editing this copy changes nothing except your own understanding.
"""

import jax, jax.numpy as jnp
import numpy as np


def setup_inputs(seed: int = 0) -> dict:
    key = jax.random.key(seed)
    k_x, k_ei, k_w = jax.random.split(key, 3)
    n_nodes = 10000
    n_edges = 320000
    in_features = 128
    out_features = 128
    x = jax.random.normal(k_x, (n_nodes, in_features), dtype=jnp.float32)
    edge_index = jax.random.randint(k_ei, (2, n_edges), 0, n_nodes, dtype=jnp.int64)
    # kaiming uniform init: bound = sqrt(6 / fan_in) with a=sqrt(5) default in torch kaiming_uniform_ (here plain kaiming_uniform_, a=0 -> gain=sqrt(2))
    bound = np.sqrt(6.0 / in_features) * np.sqrt(2.0)
    weight = jax.random.uniform(k_w, (in_features, out_features), dtype=jnp.float32, minval=-bound, maxval=bound)
    bias = jnp.zeros((out_features,), dtype=jnp.float32)
    return {"x": x, "edge_index": edge_index, "weight": weight, "bias": bias}


def reference(x, edge_index, weight, bias):
    h = jnp.matmul(x, weight)
    row = edge_index[0]
    col = edge_index[1]
    out = jnp.zeros_like(h).at[row].add(h[col])
    return out + bias

if __name__ == "__main__":
    import jax
    _d = setup_inputs()
    print(jax.jit(kernel)(*tuple(_d.values())))

</pallas_src>

<mosaic_0001>
#map = affine_map<(d0, d1) -> (0, 0)>
#map1 = affine_map<(d0, d1) -> (0, 0, 0)>
module attributes {stable_mosaic.version = 14 : i64} {
  func.func @agg(%arg0: i32, %arg1: i32, %arg2: memref<10000x128xf32, #tpu.memory_space<hbm>>, %arg3: memref<16x320x64xi32, #tpu.memory_space<hbm>>, %arg4: memref<16x320x64xi32, #tpu.memory_space<hbm>>, %arg5: memref<10240x128xf32, #tpu.memory_space<hbm>>, %arg6: memref<2x10240x128xf32, #tpu.memory_space<hbm>>, %arg7: memref<40x64xi32, #tpu.memory_space<vmem>>, %arg8: memref<40x64xi32, #tpu.memory_space<vmem>>, %arg9: memref<4x64x128xf32, #tpu.memory_space<vmem>>, %arg10: memref<10240x128xf32, #tpu.memory_space<vmem_shared>>, %arg11: memref<!tpu.dma_semaphore, #tpu.memory_space<semaphore_mem>>, %arg12: memref<!tpu.dma_semaphore, #tpu.memory_space<semaphore_mem>>, %arg13: memref<!tpu.dma_semaphore, #tpu.memory_space<semaphore_mem>>, %arg14: memref<!tpu.dma_semaphore, #tpu.memory_space<semaphore_mem>>, %arg15: memref<!tpu.dma_semaphore, #tpu.memory_space<semaphore_mem>>, %arg16: memref<!tpu.dma_semaphore, #tpu.memory_space<semaphore_mem>>, %arg17: memref<!tpu.dma_semaphore, #tpu.memory_space<semaphore_mem>>, %arg18: memref<!tpu.dma_semaphore, #tpu.memory_space<semaphore_mem>>) attributes {dimension_semantics = [#tpu.dimension_semantics<core_parallel>, #tpu.dimension_semantics<subcore_parallel>], iteration_bounds = array<i64: 2, 16>, scalar_prefetch = 0 : i64, scratch_operands = 12 : i64, tpu.core_type = #tpu.core_type<sc_vector_subcore>, window_params = [{transform_indices = #map}, {transform_indices = #map1}, {transform_indices = #map1}, {transform_indices = #map}, {transform_indices = #map1}]} {
    %mul3A = arith.constant 640 : i32
    %mul3A_0 = arith.muli %arg1, %mul3A : i32
    %eq3A = arith.constant 0 : i32
    %eq3A_1 = arith.cmpi eq, %arg0, %eq3A : i32
    %jit3A = arith.constant 0 : i32
    %jit3A_2 = arith.constant 6 : i32
    %select_n3A = arith.select %eq3A_1, %jit3A, %jit3A_2 : i32
    %eq3A_3 = arith.constant 0 : i32
    %eq3A_4 = arith.cmpi eq, %arg0, %eq3A_3 : i32
    %jit3A_5 = arith.constant 6 : i32
    %jit3A_6 = arith.constant 2 : i32
    %select_n3A_7 = arith.select %eq3A_4, %jit3A_5, %jit3A_6 : i32
    "tpu.region"() ({
      %run_scoped3A = tpu.sem_alloc : memref<!tpu.dma_semaphore, #tpu.memory_space<semaphore_mem>>
      %dma_start3A = arith.constant 0 : i32
      %dma_start3A_36 = tpu.memref_slice %arg10[%mul3A_0, %dma_start3A] : memref<10240x128xf32, #tpu.memory_space<vmem_shared>> -> memref<640x128xf32, #tpu.memory_space<vmem_shared>>
      %dma_start3A_37 = arith.constant 0 : i32
      %dma_start3A_38 = tpu.memref_slice %arg5[%mul3A_0, %dma_start3A_37] : memref<10240x128xf32, #tpu.memory_space<hbm>> -> memref<640x128xf32, #tpu.memory_space<hbm>>
      tpu.enqueue_dma source(%dma_start3A_38 : memref<640x128xf32, #tpu.memory_space<hbm>>) target(%dma_start3A_36 : memref<640x128xf32, #tpu.memory_space<vmem_shared>>) target_semaphore(%run_scoped3A : memref<!tpu.dma_semaphore, #tpu.memory_space<semaphore_mem>>)
      %dma_wait3A = arith.constant 0 : i32
      %dma_wait3A_39 = tpu.memref_slice %arg10[%mul3A_0, %dma_wait3A] : memref<10240x128xf32, #tpu.memory_space<vmem_shared>> -> memref<640x128xf32, #tpu.memory_space<vmem_shared>>
      %dma_wait3A_40 = arith.constant 0 : i32
      %dma_wait3A_41 = tpu.memref_slice %arg5[%mul3A_0, %dma_wait3A_40] : memref<10240x128xf32, #tpu.memory_space<hbm>> -> memref<640x128xf32, #tpu.memory_space<hbm>>
      tpu.wait_dma2 semaphore(%run_scoped3A : memref<!tpu.dma_semaphore, #tpu.memory_space<semaphore_mem>>) src(%dma_wait3A_41 : memref<640x128xf32, #tpu.memory_space<hbm>>) dst(%dma_wait3A_39 : memref<640x128xf32, #tpu.memory_space<vmem_shared>>)
      tpu.yield
    }) : () -> ()
    %barrier3A = arith.constant 0 : index
    tpu.barrier barrier_id(%barrier3A)
    %gt3A = arith.constant 0 : i32
    %gt3A_8 = arith.cmpi sgt, %select_n3A_7, %gt3A : i32
    %convert_element_type3A = arith.extui %gt3A_8 : i1 to i32
    %cond3A = arith.constant 0 : i32
    %cond3A_9 = arith.cmpi ne, %convert_element_type3A, %cond3A : i32
    scf.if %cond3A_9 {
      %add3A = arith.constant 0 : i32
      %add3A_36 = arith.addi %select_n3A, %add3A : i32
      %mul3A_37 = arith.constant 40 : i32
      %mul3A_38 = arith.muli %add3A_36, %mul3A_37 : i32
      "tpu.region"() ({
        %run_scoped3A = tpu.sem_alloc : memref<!tpu.dma_semaphore, #tpu.memory_space<semaphore_mem>>
        %dma_start3A_91 = arith.constant 0 : i32
        %dma_start3A_92 = tpu.memref_slice %arg3[%arg1, %mul3A_38, %dma_start3A_91] : memref<16x320x64xi32, #tpu.memory_space<hbm>> -> memref<1x40x64xi32, #tpu.memory_space<hbm>>
        %dma_start3A_93 = tpu.memref_squeeze %dma_start3A_92 : memref<1x40x64xi32, #tpu.memory_space<hbm>> -> memref<40x64xi32, #tpu.memory_space<hbm>>
        %dma_start3A_94 = arith.constant 0 : i32
        %dma_start3A_95 = tpu.memref_slice %arg3[%arg1, %mul3A_38, %dma_start3A_94] : memref<16x320x64xi32, #tpu.memory_space<hbm>> -> memref<1x40x64xi32, #tpu.memory_space<hbm>>
        %dma_start3A_96 = tpu.memref_squeeze %dma_start3A_95 : memref<1x40x64xi32, #tpu.memory_space<hbm>> -> memref<40x64xi32, #tpu.memory_space<hbm>>
        tpu.enqueue_dma source(%dma_start3A_96 : memref<40x64xi32, #tpu.memory_space<hbm>>) target(%arg7 : memref<40x64xi32, #tpu.memory_space<vmem>>) target_semaphore(%run_scoped3A : memref<!tpu.dma_semaphore, #tpu.memory_space<semaphore_mem>>)
        %dma_wait3A = arith.constant 0 : i32
        %dma_wait3A_97 = tpu.memref_slice %arg3[%arg1, %mul3A_38, %dma_wait3A] : memref<16x320x64xi32, #tpu.memory_space<hbm>> -> memref<1x40x64xi32, #tpu.memory_space<hbm>>
        %dma_wait3A_98 = tpu.memref_squeeze %dma_wait3A_97 : memref<1x40x64xi32, #tpu.memory_space<hbm>> -> memref<40x64xi32, #tpu.memory_space<hbm>>
        %dma_wait3A_99 = arith.constant 0 : i32
        %dma_wait3A_100 = tpu.memref_slice %arg3[%arg1, %mul3A_38, %dma_wait3A_99] : memref<16x320x64xi32, #tpu.memory_space<hbm>> -> memref<1x40x64xi32, #tpu.memory_space<hbm>>
        %dma_wait3A_101 = tpu.memref_squeeze %dma_wait3A_100 : memref<1x40x64xi32, #tpu.memory_space<hbm>> -> memref<40x64xi32, #tpu.memory_space<hbm>>
        tpu.wait_dma2 semaphore(%run_scoped3A : memref<!tpu.dma_semaphore, #tpu.memory_space<semaphore_mem>>) src(%dma_wait3A_101 : memref<40x64xi32, #tpu.memory_space<hbm>>) dst(%arg7 : memref<40x64xi32, #tpu.memory_space<vmem>>)
        tpu.yield
      }) : () -> ()
      "tpu.region"() ({
        %run_scoped3A = tpu.sem_alloc : memref<!tpu.dma_semaphore, #tpu.memory_space<semaphore_mem>>
        %dma_start3A_91 = arith.constant 0 : i32
        %dma_start3A_92 = tpu.memref_slice %arg4[%arg1, %mul3A_38, %dma_start3A_91] : memref<16x320x64xi32, #tpu.memory_space<hbm>> -> memref<1x40x64xi32, #tpu.memory_space<hbm>>
        %dma_start3A_93 = tpu.memref_squeeze %dma_start3A_92 : memref<1x40x64xi32, #tpu.memory_space<hbm>> -> memref<40x64xi32, #tpu.memory_space<hbm>>
        %dma_start3A_94 = arith.constant 0 : i32
        %dma_start3A_95 = tpu.memref_slice %arg4[%arg1, %mul3A_38, %dma_start3A_94] : memref<16x320x64xi32, #tpu.memory_space<hbm>> -> memref<1x40x64xi32, #tpu.memory_space<hbm>>
        %dma_start3A_96 = tpu.memref_squeeze %dma_start3A_95 : memref<1x40x64xi32, #tpu.memory_space<hbm>> -> memref<40x64xi32, #tpu.memory_space<hbm>>
        tpu.enqueue_dma source(%dma_start3A_96 : memref<40x64xi32, #tpu.memory_space<hbm>>) target(%arg8 : memref<40x64xi32, #tpu.memory_space<vmem>>) target_semaphore(%run_scoped3A : memref<!tpu.dma_semaphore, #tpu.memory_space<semaphore_mem>>)
        %dma_wait3A = arith.constant 0 : i32
        %dma_wait3A_97 = tpu.memref_slice %arg4[%arg1, %mul3A_38, %dma_wait3A] : memref<16x320x64xi32, #tpu.memory_space<hbm>> -> memref<1x40x64xi32, #tpu.memory_space<hbm>>
        %dma_wait3A_98 = tpu.memref_squeeze %dma_wait3A_97 : memref<1x40x64xi32, #tpu.memory_space<hbm>> -> memref<40x64xi32, #tpu.memory_space<hbm>>
        %dma_wait3A_99 = arith.constant 0 : i32
        %dma_wait3A_100 = tpu.memref_slice %arg4[%arg1, %mul3A_38, %dma_wait3A_99] : memref<16x320x64xi32, #tpu.memory_space<hbm>> -> memref<1x40x64xi32, #tpu.memory_space<hbm>>
        %dma_wait3A_101 = tpu.memref_squeeze %dma_wait3A_100 : memref<1x40x64xi32, #tpu.memory_space<hbm>> -> memref<40x64xi32, #tpu.memory_space<hbm>>
        tpu.wait_dma2 semaphore(%run_scoped3A : memref<!tpu.dma_semaphore, #tpu.memory_space<semaphore_mem>>) src(%dma_wait3A_101 : memref<40x64xi32, #tpu.memory_space<hbm>>) dst(%arg8 : memref<40x64xi32, #tpu.memory_space<vmem>>)
        tpu.yield
      }) : () -> ()
      %dma_start3A = arith.constant 0 : i32
      %dma_start3A_39 = arith.constant 0 : i32
      %dma_start3A_40 = arith.constant 0 : i32
      %dma_start3A_41 = arith.constant 0 : i32
      %dma_start3A_42 = tpu.memref_slice %arg9[%dma_start3A_39, %dma_start3A_40, %dma_start3A_41] : memref<4x64x128xf32, #tpu.memory_space<vmem>> -> memref<1x64x128xf32, #tpu.memory_space<vmem>>
      %dma_start3A_43 = tpu.memref_squeeze %dma_start3A_42 : memref<1x64x128xf32, #tpu.memory_space<vmem>> -> memref<64x128xf32, #tpu.memory_space<vmem>>
      %dma_start3A_44 = arith.constant 0 : i32
      %dma_start3A_45 = tpu.memref_slice %arg7[%dma_start3A, %dma_start3A_44] : memref<40x64xi32, #tpu.memory_space<vmem>> -> memref<1x64xi32, #tpu.memory_space<vmem>>
      %dma_start3A_46 = tpu.memref_squeeze %dma_start3A_45 : memref<1x64xi32, #tpu.memory_space<vmem>> -> memref<64xi32, #tpu.memory_space<vmem>>
      %dma_start3A_47 = arith.constant 0 : i32
      %dma_start3A_48 = arith.constant 0 : i32
      %dma_start3A_49 = tpu.memref_slice %arg2[%dma_start3A_47, %dma_start3A_48] : memref<10000x128xf32, #tpu.memory_space<hbm>> -> memref<10000x128xf32, #tpu.memory_space<hbm>>
      tpu.enqueue_indirect_dma source(%dma_start3A_49 : memref<10000x128xf32, #tpu.memory_space<hbm>>) target(%dma_start3A_43 : memref<64x128xf32, #tpu.memory_space<vmem>>) offsets(%dma_start3A_46 : memref<64xi32, #tpu.memory_space<vmem>>) semaphore(%arg11 : memref<!tpu.dma_semaphore, #tpu.memory_space<semaphore_mem>>)
      %dma_start3A_50 = arith.constant 1 : i32
      %dma_start3A_51 = arith.constant 1 : i32
      %dma_start3A_52 = arith.constant 0 : i32
      %dma_start3A_53 = arith.constant 0 : i32
      %dma_start3A_54 = tpu.memref_slice %arg9[%dma_start3A_51, %dma_start3A_52, %dma_start3A_53] : memref<4x64x128xf32, #tpu.memory_space<vmem>> -> memref<1x64x128xf32, #tpu.memory_space<vmem>>
      %dma_start3A_55 = tpu.memref_squeeze %dma_start3A_54 : memref<1x64x128xf32, #tpu.memory_space<vmem>> -> memref<64x128xf32, #tpu.memory_space<vmem>>
      %dma_start3A_56 = arith.constant 0 : i32
      %dma_start3A_57 = tpu.memref_slice %arg7[%dma_start3A_50, %dma_start3A_56] : memref<40x64xi32, #tpu.memory_space<vmem>> -> memref<1x64xi32, #tpu.memory_space<vmem>>
      %dma_start3A_58 = tpu.memref_squeeze %dma_start3A_57 : memref<1x64xi32, #tpu.memory_space<vmem>> -> memref<64xi32, #tpu.memory_space<vmem>>
      %dma_start3A_59 = arith.constant 0 : i32
      %dma_start3A_60 = arith.constant 0 : i32
      %dma_start3A_61 = tpu.memref_slice %arg2[%dma_start3A_59, %dma_start3A_60] : memref<10000x128xf32, #tpu.memory_space<hbm>> -> memref<10000x128xf32, #tpu.memory_space<hbm>>
      tpu.enqueue_indirect_dma source(%dma_start3A_61 : memref<10000x128xf32, #tpu.memory_space<hbm>>) target(%dma_start3A_55 : memref<64x128xf32, #tpu.memory_space<vmem>>) offsets(%dma_start3A_58 : memref<64xi32, #tpu.memory_space<vmem>>) semaphore(%arg12 : memref<!tpu.dma_semaphore, #tpu.memory_space<semaphore_mem>>)
      %dma_start3A_62 = arith.constant 2 : i32
      %dma_start3A_63 = arith.constant 2 : i32
      %dma_start3A_64 = arith.constant 0 : i32
      %dma_start3A_65 = arith.constant 0 : i32
      %dma_start3A_66 = tpu.memref_slice %arg9[%dma_start3A_63, %dma_start3A_64, %dma_start3A_65] : memref<4x64x128xf32, #tpu.memory_space<vmem>> -> memref<1x64x128xf32, #tpu.memory_space<vmem>>
      %dma_start3A_67 = tpu.memref_squeeze %dma_start3A_66 : memref<1x64x128xf32, #tpu.memory_space<vmem>> -> memref<64x128xf32, #tpu.memory_space<vmem>>
      %dma_start3A_68 = arith.constant 0 : i32
      %dma_start3A_69 = tpu.memref_slice %arg7[%dma_start3A_62, %dma_start3A_68] : memref<40x64xi32, #tpu.memory_space<vmem>> -> memref<1x64xi32, #tpu.memory_space<vmem>>
      %dma_start3A_70 = tpu.memref_squeeze %dma_start3A_69 : memref<1x64xi32, #tpu.memory_space<vmem>> -> memref<64xi32, #tpu.memory_space<vmem>>
      %dma_start3A_71 = arith.constant 0 : i32
      %dma_start3A_72 = arith.constant 0 : i32
      %dma_start3A_73 = tpu.memref_slice %arg2[%dma_start3A_71, %dma_start3A_72] : memref<10000x128xf32, #tpu.memory_space<hbm>> -> memref<10000x128xf32, #tpu.memory_space<hbm>>
      tpu.enqueue_indirect_dma source(%dma_start3A_73 : memref<10000x128xf32, #tpu.memory_space<hbm>>) target(%dma_start3A_67 : memref<64x128xf32, #tpu.memory_space<vmem>>) offsets(%dma_start3A_70 : memref<64xi32, #tpu.memory_space<vmem>>) semaphore(%arg13 : memref<!tpu.dma_semaphore, #tpu.memory_space<semaphore_mem>>)
      %dma_start3A_74 = arith.constant 3 : i32
      %dma_start3A_75 = arith.constant 3 : i32
      %dma_start3A_76 = arith.constant 0 : i32
      %dma_start3A_77 = arith.constant 0 : i32
      %dma_start3A_78 = tpu.memref_slice %arg9[%dma_start3A_75, %dma_start3A_76, %dma_start3A_77] : memref<4x64x128xf32, #tpu.memory_space<vmem>> -> memref<1x64x128xf32, #tpu.memory_space<vmem>>
      %dma_start3A_79 = tpu.memref_squeeze %dma_start3A_78 : memref<1x64x128xf32, #tpu.memory_space<vmem>> -> memref<64x128xf32, #tpu.memory_space<vmem>>
      %dma_start3A_80 = arith.constant 0 : i32
      %dma_start3A_81 = tpu.memref_slice %arg7[%dma_start3A_74, %dma_start3A_80] : memref<40x64xi32, #tpu.memory_space<vmem>> -> memref<1x64xi32, #tpu.memory_space<vmem>>
      %dma_start3A_82 = tpu.memref_squeeze %dma_start3A_81 : memref<1x64xi32, #tpu.memory_space<vmem>> -> memref<64xi32, #tpu.memory_space<vmem>>
      %dma_start3A_83 = arith.constant 0 : i32
      %dma_start3A_84 = arith.constant 0 : i32
      %dma_start3A_85 = tpu.memref_slice %arg2[%dma_start3A_83, %dma_start3A_84] : memref<10000x128xf32, #tpu.memory_space<hbm>> -> memref<10000x128xf32, #tpu.memory_space<hbm>>
      tpu.enqueue_indirect_dma source(%dma_start3A_85 : memref<10000x128xf32, #tpu.memory_space<hbm>>) target(%dma_start3A_79 : memref<64x128xf32, #tpu.memory_space<vmem>>) offsets(%dma_start3A_82 : memref<64xi32, #tpu.memory_space<vmem>>) semaphore(%arg14 : memref<!tpu.dma_semaphore, #tpu.memory_space<semaphore_mem>>)
      %scan3A = arith.constant 0 : i32
      %scan3A_86 = arith.constant 0 : i32
      %scan3A_87 = arith.constant 10 : i32
      %scan3A_88 = arith.addi %scan3A_86, %scan3A_87 : i32
      %scan3A_89 = arith.constant 1 : i32
      scf.for %scan3A_91 = %scan3A_86 to %scan3A_88 step %scan3A_89  : i32 {
        %dma_wait3A = arith.constant 0 : i32
        %dma_wait3A_92 = arith.constant 0 : i32
        %dma_wait3A_93 = arith.constant 0 : i32
        %dma_wait3A_94 = arith.constant 0 : i32
        %dma_wait3A_95 = tpu.memref_slice %arg9[%dma_wait3A_92, %dma_wait3A_93, %dma_wait3A_94] : memref<4x64x128xf32, #tpu.memory_space<vmem>> -> memref<1x64x128xf32, #tpu.memory_space<vmem>>
        %dma_wait3A_96 = tpu.memref_squeeze %dma_wait3A_95 : memref<1x64x128xf32, #tpu.memory_space<vmem>> -> memref<64x128xf32, #tpu.memory_space<vmem>>
        %dma_wait3A_97 = arith.constant 0 : i32
        %dma_wait3A_98 = tpu.memref_slice %arg7[%dma_wait3A, %dma_wait3A_97] : memref<40x64xi32, #tpu.memory_space<vmem>> -> memref<1x64xi32, #tpu.memory_space<vmem>>
        %dma_wait3A_99 = tpu.memref_squeeze %dma_wait3A_98 : memref<1x64xi32, #tpu.memory_space<vmem>> -> memref<64xi32, #tpu.memory_space<vmem>>
        %dma_wait3A_100 = arith.constant 0 : i32
        %dma_wait3A_101 = arith.constant 0 : i32
        %dma_wait3A_102 = tpu.memref_slice %arg2[%dma_wait3A_100, %dma_wait3A_101] : memref<10000x128xf32, #tpu.memory_space<hbm>> -> memref<10000x128xf32, #tpu.memory_space<hbm>>
        tpu.wait_indirect_dma semaphore(%arg11 : memref<!tpu.dma_semaphore, #tpu.memory_space<semaphore_mem>>) src(%dma_wait3A_102 : memref<10000x128xf32, #tpu.memory_space<hbm>>) dst(%dma_wait3A_96 : memref<64x128xf32, #tpu.memory_space<vmem>>)
        %mul3A_103 = arith.constant 4 : i32
        %mul3A_104 = arith.muli %mul3A_103, %scan3A_91 : i32
        %add3A_105 = arith.constant 0 : i32
        %add3A_106 = arith.addi %mul3A_104, %add3A_105 : i32
        %dma_start3A_107 = arith.constant 0 : i32
        %dma_start3A_108 = arith.constant 0 : i32
        %dma_start3A_109 = arith.constant 0 : i32
        %dma_start3A_110 = tpu.memref_slice %arg9[%dma_start3A_107, %dma_start3A_108, %dma_start3A_109] : memref<4x64x128xf32, #tpu.memory_space<vmem>> -> memref<1x64x128xf32, #tpu.memory_space<vmem>>
        %dma_start3A_111 = tpu.memref_squeeze %dma_start3A_110 : memref<1x64x128xf32, #tpu.memory_space<vmem>> -> memref<64x128xf32, #tpu.memory_space<vmem>>
        %dma_start3A_112 = arith.constant 0 : i32
        %dma_start3A_113 = tpu.memref_slice %arg8[%add3A_106, %dma_start3A_112] : memref<40x64xi32, #tpu.memory_space<vmem>> -> memref<1x64xi32, #tpu.memory_space<vmem>>
        %dma_start3A_114 = tpu.memref_squeeze %dma_start3A_113 : memref<1x64xi32, #tpu.memory_space<vmem>> -> memref<64xi32, #tpu.memory_space<vmem>>
        %dma_start3A_115 = arith.constant 0 : i32
        %dma_start3A_116 = arith.constant 0 : i32
        %dma_start3A_117 = tpu.memref_slice %arg10[%dma_start3A_115, %dma_start3A_116] : memref<10240x128xf32, #tpu.memory_space<vmem_shared>> -> memref<10240x128xf32, #tpu.memory_space<vmem_shared>>
        tpu.enqueue_indirect_dma source(%dma_start3A_111 : memref<64x128xf32, #tpu.memory_space<vmem>>) target(%dma_start3A_117 : memref<10240x128xf32, #tpu.memory_space<vmem_shared>>) offsets(%dma_start3A_114 : memref<64xi32, #tpu.memory_space<vmem>>) semaphore(%arg15 : memref<!tpu.dma_semaphore, #tpu.memory_space<semaphore_mem>>) {add = true}
        %dma_wait3A_118 = arith.constant 0 : i32
        %dma_wait3A_119 = arith.constant 1 : i32
        %dma_wait3A_120 = arith.constant 0 : i32
        %dma_wait3A_121 = arith.constant 0 : i32
        %dma_wait3A_122 = tpu.memref_slice %arg9[%dma_wait3A_119, %dma_wait3A_120, %dma_wait3A_121] : memref<4x64x128xf32, #tpu.memory_space<vmem>> -> memref<1x64x128xf32, #tpu.memory_space<vmem>>
        %dma_wait3A_123 = tpu.memref_squeeze %dma_wait3A_122 : memref<1x64x128xf32, #tpu.memory_space<vmem>> -> memref<64x128xf32, #tpu.memory_space<vmem>>
        %dma_wait3A_124 = arith.constant 0 : i32
        %dma_wait3A_125 = tpu.memref_slice %arg7[%dma_wait3A_118, %dma_wait3A_124] : memref<40x64xi32, #tpu.memory_space<vmem>> -> memref<1x64xi32, #tpu.memory_space<vmem>>
        %dma_wait3A_126 = tpu.memref_squeeze %dma_wait3A_125 : memref<1x64xi32, #tpu.memory_space<vmem>> -> memref<64xi32, #tpu.memory_space<vmem>>
        %dma_wait3A_127 = arith.constant 0 : i32
        %dma_wait3A_128 = arith.constant 0 : i32
        %dma_wait3A_129 = tpu.memref_slice %arg2[%dma_wait3A_127, %dma_wait3A_128] : memref<10000x128xf32, #tpu.memory_space<hbm>> -> memref<10000x128xf32, #tpu.memory_space<hbm>>
        tpu.wait_indirect_dma semaphore(%arg12 : memref<!tpu.dma_semaphore, #tpu.memory_space<semaphore_mem>>) src(%dma_wait3A_129 : memref<10000x128xf32, #tpu.memory_space<hbm>>) dst(%dma_wait3A_123 : memref<64x128xf32, #tpu.memory_space<vmem>>)
        %mul3A_130 = arith.constant 4 : i32
        %mul3A_131 = arith.muli %mul3A_130, %scan3A_91 : i32
        %add3A_132 = arith.constant 1 : i32
        %add3A_133 = arith.addi %mul3A_131, %add3A_132 : i32
        %dma_start3A_134 = arith.constant 1 : i32
        %dma_start3A_135 = arith.constant 0 : i32
        %dma_start3A_136 = arith.constant 0 : i32
        %dma_start3A_137 = tpu.memref_slice %arg9[%dma_start3A_134, %dma_start3A_135, %dma_start3A_136] : memref<4x64x128xf32, #tpu.memory_space<vmem>> -> memref<1x64x128xf32, #tpu.memory_space<vmem>>
        %dma_start3A_138 = tpu.memref_squeeze %dma_start3A_137 : memref<1x64x128xf32, #tpu.memory_space<vmem>> -> memref<64x128xf32, #tpu.memory_space<vmem>>
        %dma_start3A_139 = arith.constant 0 : i32
        %dma_start3A_140 = tpu.memref_slice %arg8[%add3A_133, %dma_start3A_139] : memref<40x64xi32, #tpu.memory_space<vmem>> -> memref<1x64xi32, #tpu.memory_space<vmem>>
        %dma_start3A_141 = tpu.memref_squeeze %dma_start3A_140 : memref<1x64xi32, #tpu.memory_space<vmem>> -> memref<64xi32, #tpu.memory_space<vmem>>
        %dma_start3A_142 = arith.constant 0 : i32
        %dma_start3A_143 = arith.constant 0 : i32
        %dma_start3A_144 = tpu.memref_slice %arg10[%dma_start3A_142, %dma_start3A_143] : memref<10240x128xf32, #tpu.memory_space<vmem_shared>> -> memref<10240x128xf32, #tpu.memory_space<vmem_shared>>
        tpu.enqueue_indirect_dma source(%dma_start3A_138 : memref<64x128xf32, #tpu.memory_space<vmem>>) target(%dma_start3A_144 : memref<10240x128xf32, #tpu.memory_space<vmem_shared>>) offsets(%dma_start3A_141 : memref<64xi32, #tpu.memory_space<vmem>>) semaphore(%arg16 : memref<!tpu.dma_semaphore, #tpu.memory_space<semaphore_mem>>) {add = true}
        %dma_wait3A_145 = arith.constant 0 : i32
        %dma_wait3A_146 = arith.constant 2 : i32
        %dma_wait3A_147 = arith.constant 0 : i32
        %dma_wait3A_148 = arith.constant 0 : i32
        %dma_wait3A_149 = tpu.memref_slice %arg9[%dma_wait3A_146, %dma_wait3A_147, %dma_wait3A_148] : memref<4x64x128xf32, #tpu.memory_space<vmem>> -> memref<1x64x128xf32, #tpu.memory_space<vmem>>
        %dma_wait3A_150 = tpu.memref_squeeze %dma_wait3A_149 : memref<1x64x128xf32, #tpu.memory_space<vmem>> -> memref<64x128xf32, #tpu.memory_space<vmem>>
        %dma_wait3A_151 = arith.constant 0 : i32
        %dma_wait3A_152 = tpu.memref_slice %arg7[%dma_wait3A_145, %dma_wait3A_151] : memref<40x64xi32, #tpu.memory_space<vmem>> -> memref<1x64xi32, #tpu.memory_space<vmem>>
        %dma_wait3A_153 = tpu.memref_squeeze %dma_wait3A_152 : memref<1x64xi32, #tpu.memory_space<vmem>> -> memref<64xi32, #tpu.memory_space<vmem>>
        %dma_wait3A_154 = arith.constant 0 : i32
        %dma_wait3A_155 = arith.constant 0 : i32
        %dma_wait3A_156 = tpu.memref_slice %arg2[%dma_wait3A_154, %dma_wait3A_155] : memref<10000x128xf32, #tpu.memory_space<hbm>> -> memref<10000x128xf32, #tpu.memory_space<hbm>>
        tpu.wait_indirect_dma semaphore(%arg13 : memref<!tpu.dma_semaphore, #tpu.memory_space<semaphore_mem>>) src(%dma_wait3A_156 : memref<10000x128xf32, #tpu.memory_space<hbm>>) dst(%dma_wait3A_150 : memref<64x128xf32, #tpu.memory_space<vmem>>)
        %mul3A_157 = arith.constant 4 : i32
        %mul3A_158 = arith.muli %mul3A_157, %scan3A_91 : i32
        %add3A_159 = arith.constant 2 : i32
        %add3A_160 = arith.addi %mul3A_158, %add3A_159 : i32
        %dma_start3A_161 = arith.constant 2 : i32
        %dma_start3A_162 = arith.constant 0 : i32
        %dma_start3A_163 = arith.constant 0 : i32
        %dma_start3A_164 = tpu.memref_slice %arg9[%dma_start3A_161, %dma_start3A_162, %dma_start3A_163] : memref<4x64x128xf32, #tpu.memory_space<vmem>> -> memref<1x64x128xf32, #tpu.memory_space<vmem>>
        %dma_start3A_165 = tpu.memref_squeeze %dma_start3A_164 : memref<1x64x128xf32, #tpu.memory_space<vmem>> -> memref<64x128xf32, #tpu.memory_space<vmem>>
        %dma_start3A_166 = arith.constant 0 : i32
        %dma_start3A_167 = tpu.memref_slice %arg8[%add3A_160, %dma_start3A_166] : memref<40x64xi32, #tpu.memory_space<vmem>> -> memref<1x64xi32, #tpu.memory_space<vmem>>
        %dma_start3A_168 = tpu.memref_squeeze %dma_start3A_167 : memref<1x64xi32, #tpu.memory_space<vmem>> -> memref<64xi32, #tpu.memory_space<vmem>>
        %dma_start3A_169 = arith.constant 0 : i32
        %dma_start3A_170 = arith.constant 0 : i32
        %dma_start3A_171 = tpu.memref_slice %arg10[%dma_start3A_169, %dma_start3A_170] : memref<10240x128xf32, #tpu.memory_space<vmem_shared>> -> memref<10240x128xf32, #tpu.memory_space<vmem_shared>>
        tpu.enqueue_indirect_dma source(%dma_start3A_165 : memref<64x128xf32, #tpu.memory_space<vmem>>) target(%dma_start3A_171 : memref<10240x128xf32, #tpu.memory_space<vmem_shared>>) offsets(%dma_start3A_168 : memref<64xi32, #tpu.memory_space<vmem>>) semaphore(%arg17 : memref<!tpu.dma_semaphore, #tpu.memory_space<semaphore_mem>>) {add = true}
        %dma_wait3A_172 = arith.constant 0 : i32
        %dma_wait3A_173 = arith.constant 3 : i32
        %dma_wait3A_174 = arith.constant 0 : i32
        %dma_wait3A_175 = arith.constant 0 : i32
        %dma_wait3A_176 = tpu.memref_slice %arg9[%dma_wait3A_173, %dma_wait3A_174, %dma_wait3A_175] : memref<4x64x128xf32, #tpu.memory_space<vmem>> -> memref<1x64x128xf32, #tpu.memory_space<vmem>>
        %dma_wait3A_177 = tpu.memref_squeeze %dma_wait3A_176 : memref<1x64x128xf32, #tpu.memory_space<vmem>> -> memref<64x128xf32, #tpu.memory_space<vmem>>
        %dma_wait3A_178 = arith.constant 0 : i32
        %dma_wait3A_179 = tpu.memref_slice %arg7[%dma_wait3A_172, %dma_wait3A_178] : memref<40x64xi32, #tpu.memory_space<vmem>> -> memref<1x64xi32, #tpu.memory_space<vmem>>
        %dma_wait3A_180 = tpu.memref_squeeze %dma_wait3A_179 : memref<1x64xi32, #tpu.memory_space<vmem>> -> memref<64xi32, #tpu.memory_space<vmem>>
        %dma_wait3A_181 = arith.constant 0 : i32
        %dma_wait3A_182 = arith.constant 0 : i32
        %dma_wait3A_183 = tpu.memref_slice %arg2[%dma_wait3A_181, %dma_wait3A_182] : memref<10000x128xf32, #tpu.memory_space<hbm>> -> memref<10000x128xf32, #tpu.memory_space<hbm>>
        tpu.wait_indirect_dma semaphore(%arg14 : memref<!tpu.dma_semaphore, #tpu.memory_space<semaphore_mem>>) src(%dma_wait3A_183 : memref<10000x128xf32, #tpu.memory_space<hbm>>) dst(%dma_wait3A_177 : memref<64x128xf32, #tpu.memory_space<vmem>>)
        %mul3A_184 = arith.constant 4 : i32
        %mul3A_185 = arith.muli %mul3A_184, %scan3A_91 : i32
        %add3A_186 = arith.constant 3 : i32
        %add3A_187 = arith.addi %mul3A_185, %add3A_186 : i32
        %dma_start3A_188 = arith.constant 3 : i32
        %dma_start3A_189 = arith.constant 0 : i32
        %dma_start3A_190 = arith.constant 0 : i32
        %dma_start3A_191 = tpu.memref_slice %arg9[%dma_start3A_188, %dma_start3A_189, %dma_start3A_190] : memref<4x64x128xf32, #tpu.memory_space<vmem>> -> memref<1x64x128xf32, #tpu.memory_space<vmem>>
        %dma_start3A_192 = tpu.memref_squeeze %dma_start3A_191 : memref<1x64x128xf32, #tpu.memory_space<vmem>> -> memref<64x128xf32, #tpu.memory_space<vmem>>
        %dma_start3A_193 = arith.constant 0 : i32
        %dma_start3A_194 = tpu.memref_slice %arg8[%add3A_187, %dma_start3A_193] : memref<40x64xi32, #tpu.memory_space<vmem>> -> memref<1x64xi32, #tpu.memory_space<vmem>>
        %dma_start3A_195 = tpu.memref_squeeze %dma_start3A_194 : memref<1x64xi32, #tpu.memory_space<vmem>> -> memref<64xi32, #tpu.memory_space<vmem>>
        %dma_start3A_196 = arith.constant 0 : i32
        %dma_start3A_197 = arith.constant 0 : i32
        %dma_start3A_198 = tpu.memref_slice %arg10[%dma_start3A_196, %dma_start3A_197] : memref<10240x128xf32, #tpu.memory_space<vmem_shared>> -> memref<10240x128xf32, #tpu.memory_space<vmem_shared>>
        tpu.enqueue_indirect_dma source(%dma_start3A_192 : memref<64x128xf32, #tpu.memory_space<vmem>>) target(%dma_start3A_198 : memref<10240x128xf32, #tpu.memory_space<vmem_shared>>) offsets(%dma_start3A_195 : memref<64xi32, #tpu.memory_space<vmem>>) semaphore(%arg18 : memref<!tpu.dma_semaphore, #tpu.memory_space<semaphore_mem>>) {add = true}
        %dma_wait3A_199 = arith.constant 0 : i32
        %dma_wait3A_200 = arith.constant 0 : i32
        %dma_wait3A_201 = arith.constant 0 : i32
        %dma_wait3A_202 = tpu.memref_slice %arg9[%dma_wait3A_199, %dma_wait3A_200, %dma_wait3A_201] : memref<4x64x128xf32, #tpu.memory_space<vmem>> -> memref<1x64x128xf32, #tpu.memory_space<vmem>>
        %dma_wait3A_203 = tpu.memref_squeeze %dma_wait3A_202 : memref<1x64x128xf32, #tpu.memory_space<vmem>> -> memref<64x128xf32, #tpu.memory_space<vmem>>
        %dma_wait3A_204 = arith.constant 0 : i32
        %dma_wait3A_205 = arith.constant 0 : i32
        %dma_wait3A_206 = tpu.memref_slice %arg10[%dma_wait3A_204, %dma_wait3A_205] : memref<10240x128xf32, #tpu.memory_space<vmem_shared>> -> memref<64x128xf32, #tpu.memory_space<vmem_shared>>
        %dma_wait3A_207 = arith.constant 0 : i32
        %dma_wait3A_208 = arith.constant 0 : i32
        %dma_wait3A_209 = tpu.memref_slice %arg10[%dma_wait3A_207, %dma_wait3A_208] : memref<10240x128xf32, #tpu.memory_space<vmem_shared>> -> memref<64x128xf32, #tpu.memory_space<vmem_shared>>
        %dma_wait3A_210 = arith.constant 0 : i32
        %dma_wait3A_211 = arith.constant 0 : i32
        %dma_wait3A_212 = tpu.memref_slice %arg9[%dma_wait3A_199, %dma_wait3A_210, %dma_wait3A_211] : memref<4x64x128xf32, #tpu.memory_space<vmem>> -> memref<1x64x128xf32, #tpu.memory_space<vmem>>
        %dma_wait3A_213 = tpu.memref_squeeze %dma_wait3A_212 : memref<1x64x128xf32, #tpu.memory_space<vmem>> -> memref<64x128xf32, #tpu.memory_space<vmem>>
        tpu.wait_dma2 semaphore(%arg15 : memref<!tpu.dma_semaphore, #tpu.memory_space<semaphore_mem>>) src(%dma_wait3A_213 : memref<64x128xf32, #tpu.memory_space<vmem>>) dst(%dma_wait3A_209 : memref<64x128xf32, #tpu.memory_space<vmem_shared>>)
        %mul3A_214 = arith.constant 4 : i32
        %mul3A_215 = arith.muli %mul3A_214, %scan3A_91 : i32
        %add3A_216 = arith.constant 0 : i32
        %add3A_217 = arith.addi %mul3A_215, %add3A_216 : i32
        %add3A_218 = arith.constant 4 : i32
        %add3A_219 = arith.addi %add3A_217, %add3A_218 : i32
        %lt3A = arith.constant 40 : i32
        %lt3A_220 = arith.cmpi slt, %add3A_219, %lt3A : i32
        %convert_element_type3A_221 = arith.extui %lt3A_220 : i1 to i32
        %cond3A_222 = arith.constant 0 : i32
        %cond3A_223 = arith.cmpi ne, %convert_element_type3A_221, %cond3A_222 : i32
        scf.if %cond3A_223 {
          %mul3A_302 = arith.constant 4 : i32
          %mul3A_303 = arith.muli %mul3A_302, %scan3A_91 : i32
          %add3A_304 = arith.constant 0 : i32
          %add3A_305 = arith.addi %mul3A_303, %add3A_304 : i32
          %add3A_306 = arith.constant 4 : i32
          %add3A_307 = arith.addi %add3A_305, %add3A_306 : i32
          %dma_start3A_308 = arith.constant 0 : i32
          %dma_start3A_309 = arith.constant 0 : i32
          %dma_start3A_310 = arith.constant 0 : i32
          %dma_start3A_311 = tpu.memref_slice %arg9[%dma_start3A_308, %dma_start3A_309, %dma_start3A_310] : memref<4x64x128xf32, #tpu.memory_space<vmem>> -> memref<1x64x128xf32, #tpu.memory_space<vmem>>
          %dma_start3A_312 = tpu.memref_squeeze %dma_start3A_311 : memref<1x64x128xf32, #tpu.memory_space<vmem>> -> memref<64x128xf32, #tpu.memory_space<vmem>>
          %dma_start3A_313 = arith.constant 0 : i32
          %dma_start3A_314 = tpu.memref_slice %arg7[%add3A_307, %dma_start3A_313] : memref<40x64xi32, #tpu.memory_space<vmem>> -> memref<1x64xi32, #tpu.memory_space<vmem>>
          %dma_start3A_315 = tpu.memref_squeeze %dma_start3A_314 : memref<1x64xi32, #tpu.memory_space<vmem>> -> memref<64xi32, #tpu.memory_space<vmem>>
          %dma_start3A_316 = arith.constant 0 : i32
          %dma_start3A_317 = arith.constant 0 : i32
          %dma_start3A_318 = tpu.memref_slice %arg2[%dma_start3A_316, %dma_start3A_317] : memref<10000x128xf32, #tpu.memory_space<hbm>> -> memref<10000x128xf32, #tpu.memory_space<hbm>>
          tpu.enqueue_indirect_dma source(%dma_start3A_318 : memref<10000x128xf32, #tpu.memory_space<hbm>>) target(%dma_start3A_312 : memref<64x128xf32, #tpu.memory_space<vmem>>) offsets(%dma_start3A_315 : memref<64xi32, #tpu.memory_space<vmem>>) semaphore(%arg11 : memref<!tpu.dma_semaphore, #tpu.memory_space<semaphore_mem>>)
        } else {
        }
        %dma_wait3A_224 = arith.constant 1 : i32
        %dma_wait3A_225 = arith.constant 0 : i32
        %dma_wait3A_226 = arith.constant 0 : i32
        %dma_wait3A_227 = tpu.memref_slice %arg9[%dma_wait3A_224, %dma_wait3A_225, %dma_wait3A_226] : memref<4x64x128xf32, #tpu.memory_space<vmem>> -> memref<1x64x128xf32, #tpu.memory_space<vmem>>
        %dma_wait3A_228 = tpu.memref_squeeze %dma_wait3A_227 : memref<1x64x128xf32, #tpu.memory_space<vmem>> -> memref<64x128xf32, #tpu.memory_space<vmem>>
        %dma_wait3A_229 = arith.constant 0 : i32
        %dma_wait3A_230 = arith.constant 0 : i32
        %dma_wait3A_231 = tpu.memref_slice %arg10[%dma_wait3A_229, %dma_wait3A_230] : memref<10240x128xf32, #tpu.memory_space<vmem_shared>> -> memref<64x128xf32, #tpu.memory_space<vmem_shared>>
        %dma_wait3A_232 = arith.constant 0 : i32
        %dma_wait3A_233 = arith.constant 0 : i32
        %dma_wait3A_234 = tpu.memref_slice %arg10[%dma_wait3A_232, %dma_wait3A_233] : memref<10240x128xf32, #tpu.memory_space<vmem_shared>> -> memref<64x128xf32, #tpu.memory_space<vmem_shared>>
        %dma_wait3A_235 = arith.constant 0 : i32
        %dma_wait3A_236 = arith.constant 0 : i32
        %dma_wait3A_237 = tpu.memref_slice %arg9[%dma_wait3A_224, %dma_wait3A_235, %dma_wait3A_236] : memref<4x64x128xf32, #tpu.memory_space<vmem>> -> memref<1x64x128xf32, #tpu.memory_space<vmem>>
        %dma_wait3A_238 = tpu.memref_squeeze %dma_wait3A_237 : memref<1x64x128xf32, #tpu.memory_space<vmem>> -> memref<64x128xf32, #tpu.memory_space<vmem>>
        tpu.wait_dma2 semaphore(%arg16 : memref<!tpu.dma_semaphore, #tpu.memory_space<semaphore_mem>>) src(%dma_wait3A_238 : memref<64x128xf32, #tpu.memory_space<vmem>>) dst(%dma_wait3A_234 : memref<64x128xf32, #tpu.memory_space<vmem_shared>>)
        %mul3A_239 = arith.constant 4 : i32
        %mul3A_240 = arith.muli %mul3A_239, %scan3A_91 : i32
        %add3A_241 = arith.constant 1 : i32
        %add3A_242 = arith.addi %mul3A_240, %add3A_241 : i32
        %add3A_243 = arith.constant 4 : i32
        %add3A_244 = arith.addi %add3A_242, %add3A_243 : i32
        %lt3A_245 = arith.constant 40 : i32
        %lt3A_246 = arith.cmpi slt, %add3A_244, %lt3A_245 : i32
        %convert_element_type3A_247 = arith.extui %lt3A_246 : i1 to i32
        %cond3A_248 = arith.constant 0 : i32
        %cond3A_249 = arith.cmpi ne, %convert_element_type3A_247, %cond3A_248 : i32
        scf.if %cond3A_249 {
          %mul3A_302 = arith.constant 4 : i32
          %mul3A_303 = arith.muli %mul3A_302, %scan3A_91 : i32
          %add3A_304 = arith.constant 1 : i32
          %add3A_305 = arith.addi %mul3A_303, %add3A_304 : i32
          %add3A_306 = arith.constant 4 : i32
          %add3A_307 = arith.addi %add3A_305, %add3A_306 : i32
          %dma_start3A_308 = arith.constant 1 : i32
          %dma_start3A_309 = arith.constant 0 : i32
          %dma_start3A_310 = arith.constant 0 : i32
          %dma_start3A_311 = tpu.memref_slice %arg9[%dma_start3A_308, %dma_start3A_309, %dma_start3A_310] : memref<4x64x128xf32, #tpu.memory_space<vmem>> -> memref<1x64x128xf32, #tpu.memory_space<vmem>>
          %dma_start3A_312 = tpu.memref_squeeze %dma_start3A_311 : memref<1x64x128xf32, #tpu.memory_space<vmem>> -> memref<64x128xf32, #tpu.memory_space<vmem>>
          %dma_start3A_313 = arith.constant 0 : i32
          %dma_start3A_314 = tpu.memref_slice %arg7[%add3A_307, %dma_start3A_313] : memref<40x64xi32, #tpu.memory_space<vmem>> -> memref<1x64xi32, #tpu.memory_space<vmem>>
          %dma_start3A_315 = tpu.memref_squeeze %dma_start3A_314 : memref<1x64xi32, #tpu.memory_space<vmem>> -> memref<64xi32, #tpu.memory_space<vmem>>
          %dma_start3A_316 = arith.constant 0 : i32
          %dma_start3A_317 = arith.constant 0 : i32
          %dma_start3A_318 = tpu.memref_slice %arg2[%dma_start3A_316, %dma_start3A_317] : memref<10000x128xf32, #tpu.memory_space<hbm>> -> memref<10000x128xf32, #tpu.memory_space<hbm>>
          tpu.enqueue_indirect_dma source(%dma_start3A_318 : memref<10000x128xf32, #tpu.memory_space<hbm>>) target(%dma_start3A_312 : memref<64x128xf32, #tpu.memory_space<vmem>>) offsets(%dma_start3A_315 : memref<64xi32, #tpu.memory_space<vmem>>) semaphore(%arg12 : memref<!tpu.dma_semaphore, #tpu.memory_space<semaphore_mem>>)
        } else {
        }
        %dma_wait3A_250 = arith.constant 2 : i32
        %dma_wait3A_251 = arith.constant 0 : i32
        %dma_wait3A_252 = arith.constant 0 : i32
        %dma_wait3A_253 = tpu.memref_slice %arg9[%dma_wait3A_250, %dma_wait3A_251, %dma_wait3A_252] : memref<4x64x128xf32, #tpu.memory_space<vmem>> -> memref<1x64x128xf32, #tpu.memory_space<vmem>>
        %dma_wait3A_254 = tpu.memref_squeeze %dma_wait3A_253 : memref<1x64x128xf32, #tpu.memory_space<vmem>> -> memref<64x128xf32, #tpu.memory_space<vmem>>
        %dma_wait3A_255 = arith.constant 0 : i32
        %dma_wait3A_256 = arith.constant 0 : i32
        %dma_wait3A_257 = tpu.memref_slice %arg10[%dma_wait3A_255, %dma_wait3A_256] : memref<10240x128xf32, #tpu.memory_space<vmem_shared>> -> memref<64x128xf32, #tpu.memory_space<vmem_shared>>
        %dma_wait3A_258 = arith.constant 0 : i32
        %dma_wait3A_259 = arith.constant 0 : i32
        %dma_wait3A_260 = tpu.memref_slice %arg10[%dma_wait3A_258, %dma_wait3A_259] : memref<10240x128xf32, #tpu.memory_space<vmem_shared>> -> memref<64x128xf32, #tpu.memory_space<vmem_shared>>
        %dma_wait3A_261 = arith.constant 0 : i32
        %dma_wait3A_262 = arith.constant 0 : i32
        %dma_wait3A_263 = tpu.memref_slice %arg9[%dma_wait3A_250, %dma_wait3A_261, %dma_wait3A_262] : memref<4x64x128xf32, #tpu.memory_space<vmem>> -> memref<1x64x128xf32, #tpu.memory_space<vmem>>
        %dma_wait3A_264 = tpu.memref_squeeze %dma_wait3A_263 : memref<1x64x128xf32, #tpu.memory_space<vmem>> -> memref<64x128xf32, #tpu.memory_space<vmem>>
        tpu.wait_dma2 semaphore(%arg17 : memref<!tpu.dma_semaphore, #tpu.memory_space<semaphore_mem>>) src(%dma_wait3A_264 : memref<64x128xf32, #tpu.memory_space<vmem>>) dst(%dma_wait3A_260 : memref<64x128xf32, #tpu.memory_space<vmem_shared>>)
        %mul3A_265 = arith.constant 4 : i32
        %mul3A_266 = arith.muli %mul3A_265, %scan3A_91 : i32
        %add3A_267 = arith.constant 2 : i32
        %add3A_268 = arith.addi %mul3A_266, %add3A_267 : i32
        %add3A_269 = arith.constant 4 : i32
        %add3A_270 = arith.addi %add3A_268, %add3A_269 : i32
        %lt3A_271 = arith.constant 40 : i32
        %lt3A_272 = arith.cmpi slt, %add3A_270, %lt3A_271 : i32
        %convert_element_type3A_273 = arith.extui %lt3A_272 : i1 to i32
        %cond3A_274 = arith.constant 0 : i32
        %cond3A_275 = arith.cmpi ne, %convert_element_type3A_273, %cond3A_274 : i32
        scf.if %cond3A_275 {
          %mul3A_302 = arith.constant 4 : i32
          %mul3A_303 = arith.muli %mul3A_302, %scan3A_91 : i32
          %add3A_304 = arith.constant 2 : i32
          %add3A_305 = arith.addi %mul3A_303, %add3A_304 : i32
          %add3A_306 = arith.constant 4 : i32
          %add3A_307 = arith.addi %add3A_305, %add3A_306 : i32
          %dma_start3A_308 = arith.constant 2 : i32
          %dma_start3A_309 = arith.constant 0 : i32
          %dma_start3A_310 = arith.constant 0 : i32
          %dma_start3A_311 = tpu.memref_slice %arg9[%dma_start3A_308, %dma_start3A_309, %dma_start3A_310] : memref<4x64x128xf32, #tpu.memory_space<vmem>> -> memref<1x64x128xf32, #tpu.memory_space<vmem>>
          %dma_start3A_312 = tpu.memref_squeeze %dma_start3A_311 : memref<1x64x128xf32, #tpu.memory_space<vmem>> -> memref<64x128xf32, #tpu.memory_space<vmem>>
          %dma_start3A_313 = arith.constant 0 : i32
          %dma_start3A_314 = tpu.memref_slice %arg7[%add3A_307, %dma_start3A_313] : memref<40x64xi32, #tpu.memory_space<vmem>> -> memref<1x64xi32, #tpu.memory_space<vmem>>
          %dma_start3A_315 = tpu.memref_squeeze %dma_start3A_314 : memref<1x64xi32, #tpu.memory_space<vmem>> -> memref<64xi32, #tpu.memory_space<vmem>>
          %dma_start3A_316 = arith.constant 0 : i32
          %dma_start3A_317 = arith.constant 0 : i32
          %dma_start3A_318 = tpu.memref_slice %arg2[%dma_start3A_316, %dma_start3A_317] : memref<10000x128xf32, #tpu.memory_space<hbm>> -> memref<10000x128xf32, #tpu.memory_space<hbm>>
          tpu.enqueue_indirect_dma source(%dma_start3A_318 : memref<10000x128xf32, #tpu.memory_space<hbm>>) target(%dma_start3A_312 : memref<64x128xf32, #tpu.memory_space<vmem>>) offsets(%dma_start3A_315 : memref<64xi32, #tpu.memory_space<vmem>>) semaphore(%arg13 : memref<!tpu.dma_semaphore, #tpu.memory_space<semaphore_mem>>)
        } else {
        }
        %dma_wait3A_276 = arith.constant 3 : i32
        %dma_wait3A_277 = arith.constant 0 : i32
        %dma_wait3A_278 = arith.constant 0 : i32
        %dma_wait3A_279 = tpu.memref_slice %arg9[%dma_wait3A_276, %dma_wait3A_277, %dma_wait3A_278] : memref<4x64x128xf32, #tpu.memory_space<vmem>> -> memref<1x64x128xf32, #tpu.memory_space<vmem>>
        %dma_wait3A_280 = tpu.memref_squeeze %dma_wait3A_279 : memref<1x64x128xf32, #tpu.memory_space<vmem>> -> memref<64x128xf32, #tpu.memory_space<vmem>>
        %dma_wait3A_281 = arith.constant 0 : i32
        %dma_wait3A_282 = arith.constant 0 : i32
        %dma_wait3A_283 = tpu.memref_slice %arg10[%dma_wait3A_281, %dma_wait3A_282] : memref<10240x128xf32, #tpu.memory_space<vmem_shared>> -> memref<64x128xf32, #tpu.memory_space<vmem_shared>>
        %dma_wait3A_284 = arith.constant 0 : i32
        %dma_wait3A_285 = arith.constant 0 : i32
        %dma_wait3A_286 = tpu.memref_slice %arg10[%dma_wait3A_284, %dma_wait3A_285] : memref<10240x128xf32, #tpu.memory_space<vmem_shared>> -> memref<64x128xf32, #tpu.memory_space<vmem_shared>>
        %dma_wait3A_287 = arith.constant 0 : i32
        %dma_wait3A_288 = arith.constant 0 : i32
        %dma_wait3A_289 = tpu.memref_slice %arg9[%dma_wait3A_276, %dma_wait3A_287, %dma_wait3A_288] : memref<4x64x128xf32, #tpu.memory_space<vmem>> -> memref<1x64x128xf32, #tpu.memory_space<vmem>>
        %dma_wait3A_290 = tpu.memref_squeeze %dma_wait3A_289 : memref<1x64x128xf32, #tpu.memory_space<vmem>> -> memref<64x128xf32, #tpu.memory_space<vmem>>
        tpu.wait_dma2 semaphore(%arg18 : memref<!tpu.dma_semaphore, #tpu.memory_space<semaphore_mem>>) src(%dma_wait3A_290 : memref<64x128xf32, #tpu.memory_space<vmem>>) dst(%dma_wait3A_286 : memref<64x128xf32, #tpu.memory_space<vmem_shared>>)
        %mul3A_291 = arith.constant 4 : i32
        %mul3A_292 = arith.muli %mul3A_291, %scan3A_91 : i32
        %add3A_293 = arith.constant 3 : i32
        %add3A_294 = arith.addi %mul3A_292, %add3A_293 : i32
        %add3A_295 = arith.constant 4 : i32
        %add3A_296 = arith.addi %add3A_294, %add3A_295 : i32
        %lt3A_297 = arith.constant 40 : i32
        %lt3A_298 = arith.cmpi slt, %add3A_296, %lt3A_297 : i32
        %convert_element_type3A_299 = arith.extui %lt3A_298 : i1 to i32
        %cond3A_300 = arith.constant 0 : i32
        %cond3A_301 = arith.cmpi ne, %convert_element_type3A_299, %cond3A_300 : i32
        scf.if %cond3A_301 {
          %mul3A_302 = arith.constant 4 : i32
          %mul3A_303 = arith.muli %mul3A_302, %scan3A_91 : i32
          %add3A_304 = arith.constant 3 : i32
          %add3A_305 = arith.addi %mul3A_303, %add3A_304 : i32
          %add3A_306 = arith.constant 4 : i32
          %add3A_307 = arith.addi %add3A_305, %add3A_306 : i32
          %dma_start3A_308 = arith.constant 3 : i32
          %dma_start3A_309 = arith.constant 0 : i32
          %dma_start3A_310 = arith.constant 0 : i32
          %dma_start3A_311 = tpu.memref_slice %arg9[%dma_start3A_308, %dma_start3A_309, %dma_start3A_310] : memref<4x64x128xf32, #tpu.memory_space<vmem>> -> memref<1x64x128xf32, #tpu.memory_space<vmem>>
          %dma_start3A_312 = tpu.memref_squeeze %dma_start3A_311 : memref<1x64x128xf32, #tpu.memory_space<vmem>> -> memref<64x128xf32, #tpu.memory_space<vmem>>
          %dma_start3A_313 = arith.constant 0 : i32
          %dma_start3A_314 = tpu.memref_slice %arg7[%add3A_307, %dma_start3A_313] : memref<40x64xi32, #tpu.memory_space<vmem>> -> memref<1x64xi32, #tpu.memory_space<vmem>>
          %dma_start3A_315 = tpu.memref_squeeze %dma_start3A_314 : memref<1x64xi32, #tpu.memory_space<vmem>> -> memref<64xi32, #tpu.memory_space<vmem>>
          %dma_start3A_316 = arith.constant 0 : i32
          %dma_start3A_317 = arith.constant 0 : i32
          %dma_start3A_318 = tpu.memref_slice %arg2[%dma_start3A_316, %dma_start3A_317] : memref<10000x128xf32, #tpu.memory_space<hbm>> -> memref<10000x128xf32, #tpu.memory_space<hbm>>
          tpu.enqueue_indirect_dma source(%dma_start3A_318 : memref<10000x128xf32, #tpu.memory_space<hbm>>) target(%dma_start3A_312 : memref<64x128xf32, #tpu.memory_space<vmem>>) offsets(%dma_start3A_315 : memref<64xi32, #tpu.memory_space<vmem>>) semaphore(%arg14 : memref<!tpu.dma_semaphore, #tpu.memory_space<semaphore_mem>>)
        } else {
        }
      }
      %scan3A_90 = arith.constant 10 : i32
    } else {
    }
    %gt3A_10 = arith.constant 1 : i32
    %gt3A_11 = arith.cmpi sgt, %select_n3A_7, %gt3A_10 : i32
    %convert_element_type3A_12 = arith.extui %gt3A_11 : i1 to i32
    %cond3A_13 = arith.constant 0 : i32
    %cond3A_14 = arith.cmpi ne, %convert_element_type3A_12, %cond3A_13 : i32
    scf.if %cond3A_14 {
      %add3A = arith.constant 1 : i32
      %add3A_36 = arith.addi %select_n3A, %add3A : i32
      %mul3A_37 = arith.constant 40 : i32
      %mul3A_38 = arith.muli %add3A_36, %mul3A_37 : i32
      "tpu.region"() ({
        %run_scoped3A = tpu.sem_alloc : memref<!tpu.dma_semaphore, #tpu.memory_space<semaphore_mem>>
        %dma_start3A_91 = arith.constant 0 : i32
        %dma_start3A_92 = tpu.memref_slice %arg3[%arg1, %mul3A_38, %dma_start3A_91] : memref<16x320x64xi32, #tpu.memory_space<hbm>> -> memref<1x40x64xi32, #tpu.memory_space<hbm>>
        %dma_start3A_93 = tpu.memref_squeeze %dma_start3A_92 : memref<1x40x64xi32, #tpu.memory_space<hbm>> -> memref<40x64xi32, #tpu.memory_space<hbm>>
        %dma_start3A_94 = arith.constant 0 : i32
        %dma_start3A_95 = tpu.memref_slice %arg3[%arg1, %mul3A_38, %dma_start3A_94] : memref<16x320x64xi32, #tpu.memory_space<hbm>> -> memref<1x40x64xi32, #tpu.memory_space<hbm>>
        %dma_start3A_96 = tpu.memref_squeeze %dma_start3A_95 : memref<1x40x64xi32, #tpu.memory_space<hbm>> -> memref<40x64xi32, #tpu.memory_space<hbm>>
        tpu.enqueue_dma source(%dma_start3A_96 : memref<40x64xi32, #tpu.memory_space<hbm>>) target(%arg7 : memref<40x64xi32, #tpu.memory_space<vmem>>) target_semaphore(%run_scoped3A : memref<!tpu.dma_semaphore, #tpu.memory_space<semaphore_mem>>)
        %dma_wait3A = arith.constant 0 : i32
        %dma_wait3A_97 = tpu.memref_slice %arg3[%arg1, %mul3A_38, %dma_wait3A] : memref<16x320x64xi32, #tpu.memory_space<hbm>> -> memref<1x40x64xi32, #tpu.memory_space<hbm>>
        %dma_wait3A_98 = tpu.memref_squeeze %dma_wait3A_97 : memref<1x40x64xi32, #tpu.memory_space<hbm>> -> memref<40x64xi32, #tpu.memory_space<hbm>>
        %dma_wait3A_99 = arith.constant 0 : i32
        %dma_wait3A_100 = tpu.memref_slice %arg3[%arg1, %mul3A_38, %dma_wait3A_99] : memref<16x320x64xi32, #tpu.memory_space<hbm>> -> memref<1x40x64xi32, #tpu.memory_space<hbm>>
        %dma_wait3A_101 = tpu.memref_squeeze %dma_wait3A_100 : memref<1x40x64xi32, #tpu.memory_space<hbm>> -> memref<40x64xi32, #tpu.memory_space<hbm>>
        tpu.wait_dma2 semaphore(%run_scoped3A : memref<!tpu.dma_semaphore, #tpu.memory_space<semaphore_mem>>) src(%dma_wait3A_101 : memref<40x64xi32, #tpu.memory_space<hbm>>) dst(%arg7 : memref<40x64xi32, #tpu.memory_space<vmem>>)
        tpu.yield
      }) : () -> ()
      "tpu.region"() ({
        %run_scoped3A = tpu.sem_alloc : memref<!tpu.dma_semaphore, #tpu.memory_space<semaphore_mem>>
        %dma_start3A_91 = arith.constant 0 : i32
        %dma_start3A_92 = tpu.memref_slice %arg4[%arg1, %mul3A_38, %dma_start3A_91] : memref<16x320x64xi32, #tpu.memory_space<hbm>> -> memref<1x40x64xi32, #tpu.memory_space<hbm>>
        %dma_start3A_93 = tpu.memref_squeeze %dma_start3A_92 : memref<1x40x64xi32, #tpu.memory_space<hbm>> -> memref<40x64xi32, #tpu.memory_space<hbm>>
        %dma_start3A_94 = arith.constant 0 : i32
        %dma_start3A_95 = tpu.memref_slice %arg4[%arg1, %mul3A_38, %dma_start3A_94] : memref<16x320x64xi32, #tpu.memory_space<hbm>> -> memref<1x40x64xi32, #tpu.memory_space<hbm>>
        %dma_start3A_96 = tpu.memref_squeeze %dma_start3A_95 : memref<1x40x64xi32, #tpu.memory_space<hbm>> -> memref<40x64xi32, #tpu.memory_space<hbm>>
        tpu.enqueue_dma source(%dma_start3A_96 : memref<40x64xi32, #tpu.memory_space<hbm>>) target(%arg8 : memref<40x64xi32, #tpu.memory_space<vmem>>) target_semaphore(%run_scoped3A : memref<!tpu.dma_semaphore, #tpu.memory_space<semaphore_mem>>)
        %dma_wait3A = arith.constant 0 : i32
        %dma_wait3A_97 = tpu.memref_slice %arg4[%arg1, %mul3A_38, %dma_wait3A] : memref<16x320x64xi32, #tpu.memory_space<hbm>> -> memref<1x40x64xi32, #tpu.memory_space<hbm>>
        %dma_wait3A_98 = tpu.memref_squeeze %dma_wait3A_97 : memref<1x40x64xi32, #tpu.memory_space<hbm>> -> memref<40x64xi32, #tpu.memory_space<hbm>>
        %dma_wait3A_99 = arith.constant 0 : i32
        %dma_wait3A_100 = tpu.memref_slice %arg4[%arg1, %mul3A_38, %dma_wait3A_99] : memref<16x320x64xi32, #tpu.memory_space<hbm>> -> memref<1x40x64xi32, #tpu.memory_space<hbm>>
        %dma_wait3A_101 = tpu.memref_squeeze %dma_wait3A_100 : memref<1x40x64xi32, #tpu.memory_space<hbm>> -> memref<40x64xi32, #tpu.memory_space<hbm>>
        tpu.wait_dma2 semaphore(%run_scoped3A : memref<!tpu.dma_semaphore, #tpu.memory_space<semaphore_mem>>) src(%dma_wait3A_101 : memref<40x64xi32, #tpu.memory_space<hbm>>) dst(%arg8 : memref<40x64xi32, #tpu.memory_space<vmem>>)
        tpu.yield
      }) : () -> ()
      %dma_start3A = arith.constant 0 : i32
      %dma_start3A_39 = arith.constant 0 : i32
      %dma_start3A_40 = arith.constant 0 : i32
      %dma_start3A_41 = arith.constant 0 : i32
      %dma_start3A_42 = tpu.memref_slice %arg9[%dma_start3A_39, %dma_start3A_40, %dma_start3A_41] : memref<4x64x128xf32, #tpu.memory_space<vmem>> -> memref<1x64x128xf32, #tpu.memory_space<vmem>>
      %dma_start3A_43 = tpu.memref_squeeze %dma_start3A_42 : memref<1x64x128xf32, #tpu.memory_space<vmem>> -> memref<64x128xf32, #tpu.memory_space<vmem>>
      %dma_start3A_44 = arith.constant 0 : i32
      %dma_start3A_45 = tpu.memref_slice %arg7[%dma_start3A, %dma_start3A_44] : memref<40x64xi32, #tpu.memory_space<vmem>> -> memref<1x64xi32, #tpu.memory_space<vmem>>
      %dma_start3A_46 = tpu.memref_squeeze %dma_start3A_45 : memref<1x64xi32, #tpu.memory_space<vmem>> -> memref<64xi32, #tpu.memory_space<vmem>>
      %dma_start3A_47 = arith.constant 0 : i32
      %dma_start3A_48 = arith.constant 0 : i32
      %dma_start3A_49 = tpu.memref_slice %arg2[%dma_start3A_47, %dma_start3A_48] : memref<10000x128xf32, #tpu.memory_space<hbm>> -> memref<10000x128xf32, #tpu.memory_space<hbm>>
      tpu.enqueue_indirect_dma source(%dma_start3A_49 : memref<10000x128xf32, #tpu.memory_space<hbm>>) target(%dma_start3A_43 : memref<64x128xf32, #tpu.memory_space<vmem>>) offsets(%dma_start3A_46 : memref<64xi32, #tpu.memory_space<vmem>>) semaphore(%arg11 : memref<!tpu.dma_semaphore, #tpu.memory_space<semaphore_mem>>)
      %dma_start3A_50 = arith.constant 1 : i32
      %dma_start3A_51 = arith.constant 1 : i32
      %dma_start3A_52 = arith.constant 0 : i32
      %dma_start3A_53 = arith.constant 0 : i32
      %dma_start3A_54 = tpu.memref_slice %arg9[%dma_start3A_51, %dma_start3A_52, %dma_start3A_53] : memref<4x64x128xf32, #tpu.memory_space<vmem>> -> memref<1x64x128xf32, #tpu.memory_space<vmem>>
      %dma_start3A_55 = tpu.memref_squeeze %dma_start3A_54 : memref<1x64x128xf32, #tpu.memory_space<vmem>> -> memref<64x128xf32, #tpu.memory_space<vmem>>
      %dma_start3A_56 = arith.constant 0 : i32
      %dma_start3A_57 = tpu.memref_slice %arg7[%dma_start3A_50, %dma_start3A_56] : memref<40x64xi32, #tpu.memory_space<vmem>> -> memref<1x64xi32, #tpu.memory_space<vmem>>
      %dma_start3A_58 = tpu.memref_squeeze %dma_start3A_57 : memref<1x64xi32, #tpu.memory_space<vmem>> -> memref<64xi32, #tpu.memory_space<vmem>>
      %dma_start3A_59 = arith.constant 0 : i32
      %dma_start3A_60 = arith.constant 0 : i32
      %dma_start3A_61 = tpu.memref_slice %arg2[%dma_start3A_59, %dma_start3A_60] : memref<10000x128xf32, #tpu.memory_space<hbm>> -> memref<10000x128xf32, #tpu.memory_space<hbm>>
      tpu.enqueue_indirect_dma source(%dma_start3A_61 : memref<10000x128xf32, #tpu.memory_space<hbm>>) target(%dma_start3A_55 : memref<64x128xf32, #tpu.memory_space<vmem>>) offsets(%dma_start3A_58 : memref<64xi32, #tpu.memory_space<vmem>>) semaphore(%arg12 : memref<!tpu.dma_semaphore, #tpu.memory_space<semaphore_mem>>)
      %dma_start3A_62 = arith.constant 2 : i32
      %dma_start3A_63 = arith.constant 2 : i32
      %dma_start3A_64 = arith.constant 0 : i32
      %dma_start3A_65 = arith.constant 0 : i32
      %dma_start3A_66 = tpu.memref_slice %arg9[%dma_start3A_63, %dma_start3A_64, %dma_start3A_65] : memref<4x64x128xf32, #tpu.memory_space<vmem>> -> memref<1x64x128xf32, #tpu.memory_space<vmem>>
      %dma_start3A_67 = tpu.memref_squeeze %dma_start3A_66 : memref<1x64x128xf32, #tpu.memory_space<vmem>> -> memref<64x128xf32, #tpu.memory_space<vmem>>
      %dma_start3A_68 = arith.constant 0 : i32
      %dma_start3A_69 = tpu.memref_slice %arg7[%dma_start3A_62, %dma_start3A_68] : memref<40x64xi32, #tpu.memory_space<vmem>> -> memref<1x64xi32, #tpu.memory_space<vmem>>
      %dma_start3A_70 = tpu.memref_squeeze %dma_start3A_69 : memref<1x64xi32, #tpu.memory_space<vmem>> -> memref<64xi32, #tpu.memory_space<vmem>>
      %dma_start3A_71 = arith.constant 0 : i32
      %dma_start3A_72 = arith.constant 0 : i32
      %dma_start3A_73 = tpu.memref_slice %arg2[%dma_start3A_71, %dma_start3A_72] : memref<10000x128xf32, #tpu.memory_space<hbm>> -> memref<10000x128xf32, #tpu.memory_space<hbm>>
      tpu.enqueue_indirect_dma source(%dma_start3A_73 : memref<10000x128xf32, #tpu.memory_space<hbm>>) target(%dma_start3A_67 : memref<64x128xf32, #tpu.memory_space<vmem>>) offsets(%dma_start3A_70 : memref<64xi32, #tpu.memory_space<vmem>>) semaphore(%arg13 : memref<!tpu.dma_semaphore, #tpu.memory_space<semaphore_mem>>)
      %dma_start3A_74 = arith.constant 3 : i32
      %dma_start3A_75 = arith.constant 3 : i32
      %dma_start3A_76 = arith.constant 0 : i32
      %dma_start3A_77 = arith.constant 0 : i32
      %dma_start3A_78 = tpu.memref_slice %arg9[%dma_start3A_75, %dma_start3A_76, %dma_start3A_77] : memref<4x64x128xf32, #tpu.memory_space<vmem>> -> memref<1x64x128xf32, #tpu.memory_space<vmem>>
      %dma_start3A_79 = tpu.memref_squeeze %dma_start3A_78 : memref<1x64x128xf32, #tpu.memory_space<vmem>> -> memref<64x128xf32, #tpu.memory_space<vmem>>
      %dma_start3A_80 = arith.constant 0 : i32
      %dma_start3A_81 = tpu.memref_slice %arg7[%dma_start3A_74, %dma_start3A_80] : memref<40x64xi32, #tpu.memory_space<vmem>> -> memref<1x64xi32, #tpu.memory_space<vmem>>
      %dma_start3A_82 = tpu.memref_squeeze %dma_start3A_81 : memref<1x64xi32, #tpu.memory_space<vmem>> -> memref<64xi32, #tpu.memory_space<vmem>>
      %dma_start3A_83 = arith.constant 0 : i32
      %dma_start3A_84 = arith.constant 0 : i32
      %dma_start3A_85 = tpu.memref_slice %arg2[%dma_start3A_83, %dma_start3A_84] : memref<10000x128xf32, #tpu.memory_space<hbm>> -> memref<10000x128xf32, #tpu.memory_space<hbm>>
      tpu.enqueue_indirect_dma source(%dma_start3A_85 : memref<10000x128xf32, #tpu.memory_space<hbm>>) target(%dma_start3A_79 : memref<64x128xf32, #tpu.memory_space<vmem>>) offsets(%dma_start3A_82 : memref<64xi32, #tpu.memory_space<vmem>>) semaphore(%arg14 : memref<!tpu.dma_semaphore, #tpu.memory_space<semaphore_mem>>)
      %scan3A = arith.constant 0 : i32
      %scan3A_86 = arith.constant 0 : i32
      %scan3A_87 = arith.constant 10 : i32
      %scan3A_88 = arith.addi %scan3A_86, %scan3A_87 : i32
      %scan3A_89 = arith.constant 1 : i32
      scf.for %scan3A_91 = %scan3A_86 to %scan3A_88 step %scan3A_89  : i32 {
        %dma_wait3A = arith.constant 0 : i32
        %dma_wait3A_92 = arith.constant 0 : i32
        %dma_wait3A_93 = arith.constant 0 : i32
        %dma_wait3A_94 = arith.constant 0 : i32
        %dma_wait3A_95 = tpu.memref_slice %arg9[%dma_wait3A_92, %dma_wait3A_93, %dma_wait3A_94] : memref<4x64x128xf32, #tpu.memory_space<vmem>> -> memref<1x64x128xf32, #tpu.memory_space<vmem>>
        %dma_wait3A_96 = tpu.memref_squeeze %dma_wait3A_95 : memref<1x64x128xf32, #tpu.memory_space<vmem>> -> memref<64x128xf32, #tpu.memory_space<vmem>>
        %dma_wait3A_97 = arith.constant 0 : i32
        %dma_wait3A_98 = tpu.memref_slice %arg7[%dma_wait3A, %dma_wait3A_97] : memref<40x64xi32, #tpu.memory_space<vmem>> -> memref<1x64xi32, #tpu.memory_space<vmem>>
        %dma_wait3A_99 = tpu.memref_squeeze %dma_wait3A_98 : memref<1x64xi32, #tpu.memory_space<vmem>> -> memref<64xi32, #tpu.memory_space<vmem>>
        %dma_wait3A_100 = arith.constant 0 : i32
        %dma_wait3A_101 = arith.constant 0 : i32
        %dma_wait3A_102 = tpu.memref_slice %arg2[%dma_wait3A_100, %dma_wait3A_101] : memref<10000x128xf32, #tpu.memory_space<hbm>> -> memref<10000x128xf32, #tpu.memory_space<hbm>>
        tpu.wait_indirect_dma semaphore(%arg11 : memref<!tpu.dma_semaphore, #tpu.memory_space<semaphore_mem>>) src(%dma_wait3A_102 : memref<10000x128xf32, #tpu.memory_space<hbm>>) dst(%dma_wait3A_96 : memref<64x128xf32, #tpu.memory_space<vmem>>)
        %mul3A_103 = arith.constant 4 : i32
        %mul3A_104 = arith.muli %mul3A_103, %scan3A_91 : i32
        %add3A_105 = arith.constant 0 : i32
        %add3A_106 = arith.addi %mul3A_104, %add3A_105 : i32
        %dma_start3A_107 = arith.constant 0 : i32
        %dma_start3A_108 = arith.constant 0 : i32
        %dma_start3A_109 = arith.constant 0 : i32
        %dma_start3A_110 = tpu.memref_slice %arg9[%dma_start3A_107, %dma_start3A_108, %dma_start3A_109] : memref<4x64x128xf32, #tpu.memory_space<vmem>> -> memref<1x64x128xf32, #tpu.memory_space<vmem>>
        %dma_start3A_111 = tpu.memref_squeeze %dma_start3A_110 : memref<1x64x128xf32, #tpu.memory_space<vmem>> -> memref<64x128xf32, #tpu.memory_space<vmem>>
        %dma_start3A_112 = arith.constant 0 : i32
        %dma_start3A_113 = tpu.memref_slice %arg8[%add3A_106, %dma_start3A_112] : memref<40x64xi32, #tpu.memory_space<vmem>> -> memref<1x64xi32, #tpu.memory_space<vmem>>
        %dma_start3A_114 = tpu.memref_squeeze %dma_start3A_113 : memref<1x64xi32, #tpu.memory_space<vmem>> -> memref<64xi32, #tpu.memory_space<vmem>>
        %dma_start3A_115 = arith.constant 0 : i32
        %dma_start3A_116 = arith.constant 0 : i32
        %dma_start3A_117 = tpu.memref_slice %arg10[%dma_start3A_115, %dma_start3A_116] : memref<10240x128xf32, #tpu.memory_space<vmem_shared>> -> memref<10240x128xf32, #tpu.memory_space<vmem_shared>>
        tpu.enqueue_indirect_dma source(%dma_start3A_111 : memref<64x128xf32, #tpu.memory_space<vmem>>) target(%dma_start3A_117 : memref<10240x128xf32, #tpu.memory_space<vmem_shared>>) offsets(%dma_start3A_114 : memref<64xi32, #tpu.memory_space<vmem>>) semaphore(%arg15 : memref<!tpu.dma_semaphore, #tpu.memory_space<semaphore_mem>>) {add = true}
        %dma_wait3A_118 = arith.constant 0 : i32
        %dma_wait3A_119 = arith.constant 1 : i32
        %dma_wait3A_120 = arith.constant 0 : i32
        %dma_wait3A_121 = arith.constant 0 : i32
        %dma_wait3A_122 = tpu.memref_slice %arg9[%dma_wait3A_119, %dma_wait3A_120, %dma_wait3A_121] : memref<4x64x128xf32, #tpu.memory_space<vmem>> -> memref<1x64x128xf32, #tpu.memory_space<vmem>>
        %dma_wait3A_123 = tpu.memref_squeeze %dma_wait3A_122 : memref<1x64x128xf32, #tpu.memory_space<vmem>> -> memref<64x128xf32, #tpu.memory_space<vmem>>
        %dma_wait3A_124 = arith.constant 0 : i32
        %dma_wait3A_125 = tpu.memref_slice %arg7[%dma_wait3A_118, %dma_wait3A_124] : memref<40x64xi32, #tpu.memory_space<vmem>> -> memref<1x64xi32, #tpu.memory_space<vmem>>
        %dma_wait3A_126 = tpu.memref_squeeze %dma_wait3A_125 : memref<1x64xi32, #tpu.memory_space<vmem>> -> memref<64xi32, #tpu.memory_space<vmem>>
        %dma_wait3A_127 = arith.constant 0 : i32
        %dma_wait3A_128 = arith.constant 0 : i32
        %dma_wait3A_129 = tpu.memref_slice %arg2[%dma_wait3A_127, %dma_wait3A_128] : memref<10000x128xf32, #tpu.memory_space<hbm>> -> memref<10000x128xf32, #tpu.memory_space<hbm>>
        tpu.wait_indirect_dma semaphore(%arg12 : memref<!tpu.dma_semaphore, #tpu.memory_space<semaphore_mem>>) src(%dma_wait3A_129 : memref<10000x128xf32, #tpu.memory_space<hbm>>) dst(%dma_wait3A_123 : memref<64x128xf32, #tpu.memory_space<vmem>>)
        %mul3A_130 = arith.constant 4 : i32
        %mul3A_131 = arith.muli %mul3A_130, %scan3A_91 : i32
        %add3A_132 = arith.constant 1 : i32
        %add3A_133 = arith.addi %mul3A_131, %add3A_132 : i32
        %dma_start3A_134 = arith.constant 1 : i32
        %dma_start3A_135 = arith.constant 0 : i32
        %dma_start3A_136 = arith.constant 0 : i32
        %dma_start3A_137 = tpu.memref_slice %arg9[%dma_start3A_134, %dma_start3A_135, %dma_start3A_136] : memref<4x64x128xf32, #tpu.memory_space<vmem>> -> memref<1x64x128xf32, #tpu.memory_space<vmem>>
        %dma_start3A_138 = tpu.memref_squeeze %dma_start3A_137 : memref<1x64x128xf32, #tpu.memory_space<vmem>> -> memref<64x128xf32, #tpu.memory_space<vmem>>
        %dma_start3A_139 = arith.constant 0 : i32
        %dma_start3A_140 = tpu.memref_slice %arg8[%add3A_133, %dma_start3A_139] : memref<40x64xi32, #tpu.memory_space<vmem>> -> memref<1x64xi32, #tpu.memory_space<vmem>>
        %dma_start3A_141 = tpu.memref_squeeze %dma_start3A_140 : memref<1x64xi32, #tpu.memory_space<vmem>> -> memref<64xi32, #tpu.memory_space<vmem>>
        %dma_start3A_142 = arith.constant 0 : i32
        %dma_start3A_143 = arith.constant 0 : i32
        %dma_start3A_144 = tpu.memref_slice %arg10[%dma_start3A_142, %dma_start3A_143] : memref<10240x128xf32, #tpu.memory_space<vmem_shared>> -> memref<10240x128xf32, #tpu.memory_space<vmem_shared>>
        tpu.enqueue_indirect_dma source(%dma_start3A_138 : memref<64x128xf32, #tpu.memory_space<vmem>>) target(%dma_start3A_144 : memref<10240x128xf32, #tpu.memory_space<vmem_shared>>) offsets(%dma_start3A_141 : memref<64xi32, #tpu.memory_space<vmem>>) semaphore(%arg16 : memref<!tpu.dma_semaphore, #tpu.memory_space<semaphore_mem>>) {add = true}
        %dma_wait3A_145 = arith.constant 0 : i32
        %dma_wait3A_146 = arith.constant 2 : i32
        %dma_wait3A_147 = arith.constant 0 : i32
        %dma_wait3A_148 = arith.constant 0 : i32
        %dma_wait3A_149 = tpu.memref_slice %arg9[%dma_wait3A_146, %dma_wait3A_147, %dma_wait3A_148] : memref<4x64x128xf32, #tpu.memory_space<vmem>> -> memref<1x64x128xf32, #tpu.memory_space<vmem>>
        %dma_wait3A_150 = tpu.memref_squeeze %dma_wait3A_149 : memref<1x64x128xf32, #tpu.memory_space<vmem>> -> memref<64x128xf32, #tpu.memory_space<vmem>>
        %dma_wait3A_151 = arith.constant 0 : i32
        %dma_wait3A_152 = tpu.memref_slice %arg7[%dma_wait3A_145, %dma_wait3A_151] : memref<40x64xi32, #tpu.memory_space<vmem>> -> memref<1x64xi32, #tpu.memory_space<vmem>>
        %dma_wait3A_153 = tpu.memref_squeeze %dma_wait3A_152 : memref<1x64xi32, #tpu.memory_space<vmem>> -> memref<64xi32, #tpu.memory_space<vmem>>
        %dma_wait3A_154 = arith.constant 0 : i32
        %dma_wait3A_155 = arith.constant 0 : i32
        %dma_wait3A_156 = tpu.memref_slice %arg2[%dma_wait3A_154, %dma_wait3A_155] : memref<10000x128xf32, #tpu.memory_space<hbm>> -> memref<10000x128xf32, #tpu.memory_space<hbm>>
        tpu.wait_indirect_dma semaphore(%arg13 : memref<!tpu.dma_semaphore, #tpu.memory_space<semaphore_mem>>) src(%dma_wait3A_156 : memref<10000x128xf32, #tpu.memory_space<hbm>>) dst(%dma_wait3A_150 : memref<64x128xf32, #tpu.memory_space<vmem>>)
        %mul3A_157 = arith.constant 4 : i32
        %mul3A_158 = arith.muli %mul3A_157, %scan3A_91 : i32
        %add3A_159 = arith.constant 2 : i32
        %add3A_160 = arith.addi %mul3A_158, %add3A_159 : i32
        %dma_start3A_161 = arith.constant 2 : i32
        %dma_start3A_162 = arith.constant 0 : i32
        %dma_start3A_163 = arith.constant 0 : i32
        %dma_start3A_164 = tpu.memref_slice %arg9[%dma_start3A_161, %dma_start3A_162, %dma_start3A_163] : memref<4x64x128xf32, #tpu.memory_space<vmem>> -> memref<1x64x128xf32, #tpu.memory_space<vmem>>
        %dma_start3A_165 = tpu.memref_squeeze %dma_start3A_164 : memref<1x64x128xf32, #tpu.memory_space<vmem>> -> memref<64x128xf32, #tpu.memory_space<vmem>>
        %dma_start3A_166 = arith.constant 0 : i32
        %dma_start3A_167 = tpu.memref_slice %arg8[%add3A_160, %dma_start3A_166] : memref<40x64xi32, #tpu.memory_space<vmem>> -> memref<1x64xi32, #tpu.memory_space<vmem>>
        %dma_start3A_168 = tpu.memref_squeeze %dma_start3A_167 : memref<1x64xi32, #tpu.memory_space<vmem>> -> memref<64xi32, #tpu.memory_space<vmem>>
        %dma_start3A_169 = arith.constant 0 : i32
        %dma_start3A_170 = arith.constant 0 : i32
        %dma_start3A_171 = tpu.memref_slice %arg10[%dma_start3A_169, %dma_start3A_170] : memref<10240x128xf32, #tpu.memory_space<vmem_shared>> -> memref<10240x128xf32, #tpu.memory_space<vmem_shared>>
        tpu.enqueue_indirect_dma source(%dma_start3A_165 : memref<64x128xf32, #tpu.memory_space<vmem>>) target(%dma_start3A_171 : memref<10240x128xf32, #tpu.memory_space<vmem_shared>>) offsets(%dma_start3A_168 : memref<64xi32, #tpu.memory_space<vmem>>) semaphore(%arg17 : memref<!tpu.dma_semaphore, #tpu.memory_space<semaphore_mem>>) {add = true}
        %dma_wait3A_172 = arith.constant 0 : i32
        %dma_wait3A_173 = arith.constant 3 : i32
        %dma_wait3A_174 = arith.constant 0 : i32
        %dma_wait3A_175 = arith.constant 0 : i32
        %dma_wait3A_176 = tpu.memref_slice %arg9[%dma_wait3A_173, %dma_wait3A_174, %dma_wait3A_175] : memref<4x64x128xf32, #tpu.memory_space<vmem>> -> memref<1x64x128xf32, #tpu.memory_space<vmem>>
        %dma_wait3A_177 = tpu.memref_squeeze %dma_wait3A_176 : memref<1x64x128xf32, #tpu.memory_space<vmem>> -> memref<64x128xf32, #tpu.memory_space<vmem>>
        %dma_wait3A_178 = arith.constant 0 : i32
        %dma_wait3A_179 = tpu.memref_slice %arg7[%dma_wait3A_172, %dma_wait3A_178] : memref<40x64xi32, #tpu.memory_space<vmem>> -> memref<1x64xi32, #tpu.memory_space<vmem>>
        %dma_wait3A_180 = tpu.memref_squeeze %dma_wait3A_179 : memref<1x64xi32, #tpu.memory_space<vmem>> -> memref<64xi32, #tpu.memory_space<vmem>>
        %dma_wait3A_181 = arith.constant 0 : i32
        %dma_wait3A_182 = arith.constant 0 : i32
        %dma_wait3A_183 = tpu.memref_slice %arg2[%dma_wait3A_181, %dma_wait3A_182] : memref<10000x128xf32, #tpu.memory_space<hbm>> -> memref<10000x128xf32, #tpu.memory_space<hbm>>
        tpu.wait_indirect_dma semaphore(%arg14 : memref<!tpu.dma_semaphore, #tpu.memory_space<semaphore_mem>>) src(%dma_wait3A_183 : memref<10000x128xf32, #tpu.memory_space<hbm>>) dst(%dma_wait3A_177 : memref<64x128xf32, #tpu.memory_space<vmem>>)
        %mul3A_184 = arith.constant 4 : i32
        %mul3A_185 = arith.muli %mul3A_184, %scan3A_91 : i32
        %add3A_186 = arith.constant 3 : i32
        %add3A_187 = arith.addi %mul3A_185, %add3A_186 : i32
        %dma_start3A_188 = arith.constant 3 : i32
        %dma_start3A_189 = arith.constant 0 : i32
        %dma_start3A_190 = arith.constant 0 : i32
        %dma_start3A_191 = tpu.memref_slice %arg9[%dma_start3A_188, %dma_start3A_189, %dma_start3A_190] : memref<4x64x128xf32, #tpu.memory_space<vmem>> -> memref<1x64x128xf32, #tpu.memory_space<vmem>>
        %dma_start3A_192 = tpu.memref_squeeze %dma_start3A_191 : memref<1x64x128xf32, #tpu.memory_space<vmem>> -> memref<64x128xf32, #tpu.memory_space<vmem>>
        %dma_start3A_193 = arith.constant 0 : i32
        %dma_start3A_194 = tpu.memref_slice %arg8[%add3A_187, %dma_start3A_193] : memref<40x64xi32, #tpu.memory_space<vmem>> -> memref<1x64xi32, #tpu.memory_space<vmem>>
        %dma_start3A_195 = tpu.memref_squeeze %dma_start3A_194 : memref<1x64xi32, #tpu.memory_space<vmem>> -> memref<64xi32, #tpu.memory_space<vmem>>
        %dma_start3A_196 = arith.constant 0 : i32
        %dma_start3A_197 = arith.constant 0 : i32
        %dma_start3A_198 = tpu.memref_slice %arg10[%dma_start3A_196, %dma_start3A_197] : memref<10240x128xf32, #tpu.memory_space<vmem_shared>> -> memref<10240x128xf32, #tpu.memory_space<vmem_shared>>
        tpu.enqueue_indirect_dma source(%dma_start3A_192 : memref<64x128xf32, #tpu.memory_space<vmem>>) target(%dma_start3A_198 : memref<10240x128xf32, #tpu.memory_space<vmem_shared>>) offsets(%dma_start3A_195 : memref<64xi32, #tpu.memory_space<vmem>>) semaphore(%arg18 : memref<!tpu.dma_semaphore, #tpu.memory_space<semaphore_mem>>) {add = true}
        %dma_wait3A_199 = arith.constant 0 : i32
        %dma_wait3A_200 = arith.constant 0 : i32
        %dma_wait3A_201 = arith.constant 0 : i32
        %dma_wait3A_202 = tpu.memref_slice %arg9[%dma_wait3A_199, %dma_wait3A_200, %dma_wait3A_201] : memref<4x64x128xf32, #tpu.memory_space<vmem>> -> memref<1x64x128xf32, #tpu.memory_space<vmem>>
        %dma_wait3A_203 = tpu.memref_squeeze %dma_wait3A_202 : memref<1x64x128xf32, #tpu.memory_space<vmem>> -> memref<64x128xf32, #tpu.memory_space<vmem>>
        %dma_wait3A_204 = arith.constant 0 : i32
        %dma_wait3A_205 = arith.constant 0 : i32
        %dma_wait3A_206 = tpu.memref_slice %arg10[%dma_wait3A_204, %dma_wait3A_205] : memref<10240x128xf32, #tpu.memory_space<vmem_shared>> -> memref<64x128xf32, #tpu.memory_space<vmem_shared>>
        %dma_wait3A_207 = arith.constant 0 : i32
        %dma_wait3A_208 = arith.constant 0 : i32
        %dma_wait3A_209 = tpu.memref_slice %arg10[%dma_wait3A_207, %dma_wait3A_208] : memref<10240x128xf32, #tpu.memory_space<vmem_shared>> -> memref<64x128xf32, #tpu.memory_space<vmem_shared>>
        %dma_wait3A_210 = arith.constant 0 : i32
        %dma_wait3A_211 = arith.constant 0 : i32
        %dma_wait3A_212 = tpu.memref_slice %arg9[%dma_wait3A_199, %dma_wait3A_210, %dma_wait3A_211] : memref<4x64x128xf32, #tpu.memory_space<vmem>> -> memref<1x64x128xf32, #tpu.memory_space<vmem>>
        %dma_wait3A_213 = tpu.memref_squeeze %dma_wait3A_212 : memref<1x64x128xf32, #tpu.memory_space<vmem>> -> memref<64x128xf32, #tpu.memory_space<vmem>>
        tpu.wait_dma2 semaphore(%arg15 : memref<!tpu.dma_semaphore, #tpu.memory_space<semaphore_mem>>) src(%dma_wait3A_213 : memref<64x128xf32, #tpu.memory_space<vmem>>) dst(%dma_wait3A_209 : memref<64x128xf32, #tpu.memory_space<vmem_shared>>)
        %mul3A_214 = arith.constant 4 : i32
        %mul3A_215 = arith.muli %mul3A_214, %scan3A_91 : i32
        %add3A_216 = arith.constant 0 : i32
        %add3A_217 = arith.addi %mul3A_215, %add3A_216 : i32
        %add3A_218 = arith.constant 4 : i32
        %add3A_219 = arith.addi %add3A_217, %add3A_218 : i32
        %lt3A = arith.constant 40 : i32
        %lt3A_220 = arith.cmpi slt, %add3A_219, %lt3A : i32
        %convert_element_type3A_221 = arith.extui %lt3A_220 : i1 to i32
        %cond3A_222 = arith.constant 0 : i32
        %cond3A_223 = arith.cmpi ne, %convert_element_type3A_221, %cond3A_222 : i32
        scf.if %cond3A_223 {
          %mul3A_302 = arith.constant 4 : i32
          %mul3A_303 = arith.muli %mul3A_302, %scan3A_91 : i32
          %add3A_304 = arith.constant 0 : i32
          %add3A_305 = arith.addi %mul3A_303, %add3A_304 : i32
          %add3A_306 = arith.constant 4 : i32
          %add3A_307 = arith.addi %add3A_305, %add3A_306 : i32
          %dma_start3A_308 = arith.constant 0 : i32
          %dma_start3A_309 = arith.constant 0 : i32
          %dma_start3A_310 = arith.constant 0 : i32
          %dma_start3A_311 = tpu.memref_slice %arg9[%dma_start3A_308, %dma_start3A_309, %dma_start3A_310] : memref<4x64x128xf32, #tpu.memory_space<vmem>> -> memref<1x64x128xf32, #tpu.memory_space<vmem>>
          %dma_start3A_312 = tpu.memref_squeeze %dma_start3A_311 : memref<1x64x128xf32, #tpu.memory_space<vmem>> -> memref<64x128xf32, #tpu.memory_space<vmem>>
          %dma_start3A_313 = arith.constant 0 : i32
          %dma_start3A_314 = tpu.memref_slice %arg7[%add3A_307, %dma_start3A_313] : memref<40x64xi32, #tpu.memory_space<vmem>> -> memref<1x64xi32, #tpu.memory_space<vmem>>
          %dma_start3A_315 = tpu.memref_squeeze %dma_start3A_314 : memref<1x64xi32, #tpu.memory_space<vmem>> -> memref<64xi32, #tpu.memory_space<vmem>>
          %dma_start3A_316 = arith.constant 0 : i32
          %dma_start3A_317 = arith.constant 0 : i32
          %dma_start3A_318 = tpu.memref_slice %arg2[%dma_start3A_316, %dma_start3A_317] : memref<10000x128xf32, #tpu.memory_space<hbm>> -> memref<10000x128xf32, #tpu.memory_space<hbm>>
          tpu.enqueue_indirect_dma source(%dma_start3A_318 : memref<10000x128xf32, #tpu.memory_space<hbm>>) target(%dma_start3A_312 : memref<64x128xf32, #tpu.memory_space<vmem>>) offsets(%dma_start3A_315 : memref<64xi32, #tpu.memory_space<vmem>>) semaphore(%arg11 : memref<!tpu.dma_semaphore, #tpu.memory_space<semaphore_mem>>)
        } else {
        }
        %dma_wait3A_224 = arith.constant 1 : i32
        %dma_wait3A_225 = arith.constant 0 : i32
        %dma_wait3A_226 = arith.constant 0 : i32
        %dma_wait3A_227 = tpu.memref_slice %arg9[%dma_wait3A_224, %dma_wait3A_225, %dma_wait3A_226] : memref<4x64x128xf32, #tpu.memory_space<vmem>> -> memref<1x64x128xf32, #tpu.memory_space<vmem>>
        %dma_wait3A_228 = tpu.memref_squeeze %dma_wait3A_227 : memref<1x64x128xf32, #tpu.memory_space<vmem>> -> memref<64x128xf32, #tpu.memory_space<vmem>>
        %dma_wait3A_229 = arith.constant 0 : i32
        %dma_wait3A_230 = arith.constant 0 : i32
        %dma_wait3A_231 = tpu.memref_slice %arg10[%dma_wait3A_229, %dma_wait3A_230] : memref<10240x128xf32, #tpu.memory_space<vmem_shared>> -> memref<64x128xf32, #tpu.memory_space<vmem_shared>>
        %dma_wait3A_232 = arith.constant 0 : i32
        %dma_wait3A_233 = arith.constant 0 : i32
        %dma_wait3A_234 = tpu.memref_slice %arg10[%dma_wait3A_232, %dma_wait3A_233] : memref<10240x128xf32, #tpu.memory_space<vmem_shared>> -> memref<64x128xf32, #tpu.memory_space<vmem_shared>>
        %dma_wait3A_235 = arith.constant 0 : i32
        %dma_wait3A_236 = arith.constant 0 : i32
        %dma_wait3A_237 = tpu.memref_slice %arg9[%dma_wait3A_224, %dma_wait3A_235, %dma_wait3A_236] : memref<4x64x128xf32, #tpu.memory_space<vmem>> -> memref<1x64x128xf32, #tpu.memory_space<vmem>>
        %dma_wait3A_238 = tpu.memref_squeeze %dma_wait3A_237 : memref<1x64x128xf32, #tpu.memory_space<vmem>> -> memref<64x128xf32, #tpu.memory_space<vmem>>
        tpu.wait_dma2 semaphore(%arg16 : memref<!tpu.dma_semaphore, #tpu.memory_space<semaphore_mem>>) src(%dma_wait3A_238 : memref<64x128xf32, #tpu.memory_space<vmem>>) dst(%dma_wait3A_234 : memref<64x128xf32, #tpu.memory_space<vmem_shared>>)
        %mul3A_239 = arith.constant 4 : i32
        %mul3A_240 = arith.muli %mul3A_239, %scan3A_91 : i32
        %add3A_241 = arith.constant 1 : i32
        %add3A_242 = arith.addi %mul3A_240, %add3A_241 : i32
        %add3A_243 = arith.constant 4 : i32
        %add3A_244 = arith.addi %add3A_242, %add3A_243 : i32
        %lt3A_245 = arith.constant 40 : i32
        %lt3A_246 = arith.cmpi slt, %add3A_244, %lt3A_245 : i32
        %convert_element_type3A_247 = arith.extui %lt3A_246 : i1 to i32
        %cond3A_248 = arith.constant 0 : i32
        %cond3A_249 = arith.cmpi ne, %convert_element_type3A_247, %cond3A_248 : i32
        scf.if %cond3A_249 {
          %mul3A_302 = arith.constant 4 : i32
          %mul3A_303 = arith.muli %mul3A_302, %scan3A_91 : i32
          %add3A_304 = arith.constant 1 : i32
          %add3A_305 = arith.addi %mul3A_303, %add3A_304 : i32
          %add3A_306 = arith.constant 4 : i32
          %add3A_307 = arith.addi %add3A_305, %add3A_306 : i32
          %dma_start3A_308 = arith.constant 1 : i32
          %dma_start3A_309 = arith.constant 0 : i32
          %dma_start3A_310 = arith.constant 0 : i32
          %dma_start3A_311 = tpu.memref_slice %arg9[%dma_start3A_308, %dma_start3A_309, %dma_start3A_310] : memref<4x64x128xf32, #tpu.memory_space<vmem>> -> memref<1x64x128xf32, #tpu.memory_space<vmem>>
          %dma_start3A_312 = tpu.memref_squeeze %dma_start3A_311 : memref<1x64x128xf32, #tpu.memory_space<vmem>> -> memref<64x128xf32, #tpu.memory_space<vmem>>
          %dma_start3A_313 = arith.constant 0 : i32
          %dma_start3A_314 = tpu.memref_slice %arg7[%add3A_307, %dma_start3A_313] : memref<40x64xi32, #tpu.memory_space<vmem>> -> memref<1x64xi32, #tpu.memory_space<vmem>>
          %dma_start3A_315 = tpu.memref_squeeze %dma_start3A_314 : memref<1x64xi32, #tpu.memory_space<vmem>> -> memref<64xi32, #tpu.memory_space<vmem>>
          %dma_start3A_316 = arith.constant 0 : i32
          %dma_start3A_317 = arith.constant 0 : i32
          %dma_start3A_318 = tpu.memref_slice %arg2[%dma_start3A_316, %dma_start3A_317] : memref<10000x128xf32, #tpu.memory_space<hbm>> -> memref<10000x128xf32, #tpu.memory_space<hbm>>
          tpu.enqueue_indirect_dma source(%dma_start3A_318 : memref<10000x128xf32, #tpu.memory_space<hbm>>) target(%dma_start3A_312 : memref<64x128xf32, #tpu.memory_space<vmem>>) offsets(%dma_start3A_315 : memref<64xi32, #tpu.memory_space<vmem>>) semaphore(%arg12 : memref<!tpu.dma_semaphore, #tpu.memory_space<semaphore_mem>>)
        } else {
        }
        %dma_wait3A_250 = arith.constant 2 : i32
        %dma_wait3A_251 = arith.constant 0 : i32
        %dma_wait3A_252 = arith.constant 0 : i32
        %dma_wait3A_253 = tpu.memref_slice %arg9[%dma_wait3A_250, %dma_wait3A_251, %dma_wait3A_252] : memref<4x64x128xf32, #tpu.memory_space<vmem>> -> memref<1x64x128xf32, #tpu.memory_space<vmem>>
        %dma_wait3A_254 = tpu.memref_squeeze %dma_wait3A_253 : memref<1x64x128xf32, #tpu.memory_space<vmem>> -> memref<64x128xf32, #tpu.memory_space<vmem>>
        %dma_wait3A_255 = arith.constant 0 : i32
        %dma_wait3A_256 = arith.constant 0 : i32
        %dma_wait3A_257 = tpu.memref_slice %arg10[%dma_wait3A_255, %dma_wait3A_256] : memref<10240x128xf32, #tpu.memory_space<vmem_shared>> -> memref<64x128xf32, #tpu.memory_space<vmem_shared>>
        %dma_wait3A_258 = arith.constant 0 : i32
        %dma_wait3A_259 = arith.constant 0 : i32
        %dma_wait3A_260 = tpu.memref_slice %arg10[%dma_wait3A_258, %dma_wait3A_259] : memref<10240x128xf32, #tpu.memory_space<vmem_shared>> -> memref<64x128xf32, #tpu.memory_space<vmem_shared>>
        %dma_wait3A_261 = arith.constant 0 : i32
        %dma_wait3A_262 = arith.constant 0 : i32
        %dma_wait3A_263 = tpu.memref_slice %arg9[%dma_wait3A_250, %dma_wait3A_261, %dma_wait3A_262] : memref<4x64x128xf32, #tpu.memory_space<vmem>> -> memref<1x64x128xf32, #tpu.memory_space<vmem>>
        %dma_wait3A_264 = tpu.memref_squeeze %dma_wait3A_263 : memref<1x64x128xf32, #tpu.memory_space<vmem>> -> memref<64x128xf32, #tpu.memory_space<vmem>>
        tpu.wait_dma2 semaphore(%arg17 : memref<!tpu.dma_semaphore, #tpu.memory_space<semaphore_mem>>) src(%dma_wait3A_264 : memref<64x128xf32, #tpu.memory_space<vmem>>) dst(%dma_wait3A_260 : memref<64x128xf32, #tpu.memory_space<vmem_shared>>)
        %mul3A_265 = arith.constant 4 : i32
        %mul3A_266 = arith.muli %mul3A_265, %scan3A_91 : i32
        %add3A_267 = arith.constant 2 : i32
        %add3A_268 = arith.addi %mul3A_266, %add3A_267 : i32
        %add3A_269 = arith.constant 4 : i32
        %add3A_270 = arith.addi %add3A_268, %add3A_269 : i32
        %lt3A_271 = arith.constant 40 : i32
        %lt3A_272 = arith.cmpi slt, %add3A_270, %lt3A_271 : i32
        %convert_element_type3A_273 = arith.extui %lt3A_272 : i1 to i32
        %cond3A_274 = arith.constant 0 : i32
        %cond3A_275 = arith.cmpi ne, %convert_element_type3A_273, %cond3A_274 : i32
        scf.if %cond3A_275 {
          %mul3A_302 = arith.constant 4 : i32
          %mul3A_303 = arith.muli %mul3A_302, %scan3A_91 : i32
          %add3A_304 = arith.constant 2 : i32
          %add3A_305 = arith.addi %mul3A_303, %add3A_304 : i32
          %add3A_306 = arith.constant 4 : i32
          %add3A_307 = arith.addi %add3A_305, %add3A_306 : i32
          %dma_start3A_308 = arith.constant 2 : i32
          %dma_start3A_309 = arith.constant 0 : i32
          %dma_start3A_310 = arith.constant 0 : i32
          %dma_start3A_311 = tpu.memref_slice %arg9[%dma_start3A_308, %dma_start3A_309, %dma_start3A_310] : memref<4x64x128xf32, #tpu.memory_space<vmem>> -> memref<1x64x128xf32, #tpu.memory_space<vmem>>
          %dma_start3A_312 = tpu.memref_squeeze %dma_start3A_311 : memref<1x64x128xf32, #tpu.memory_space<vmem>> -> memref<64x128xf32, #tpu.memory_space<vmem>>
          %dma_start3A_313 = arith.constant 0 : i32
          %dma_start3A_314 = tpu.memref_slice %arg7[%add3A_307, %dma_start3A_313] : memref<40x64xi32, #tpu.memory_space<vmem>> -> memref<1x64xi32, #tpu.memory_space<vmem>>
          %dma_start3A_315 = tpu.memref_squeeze %dma_start3A_314 : memref<1x64xi32, #tpu.memory_space<vmem>> -> memref<64xi32, #tpu.memory_space<vmem>>
          %dma_start3A_316 = arith.constant 0 : i32
          %dma_start3A_317 = arith.constant 0 : i32
          %dma_start3A_318 = tpu.memref_slice %arg2[%dma_start3A_316, %dma_start3A_317] : memref<10000x128xf32, #tpu.memory_space<hbm>> -> memref<10000x128xf32, #tpu.memory_space<hbm>>
          tpu.enqueue_indirect_dma source(%dma_start3A_318 : memref<10000x128xf32, #tpu.memory_space<hbm>>) target(%dma_start3A_312 : memref<64x128xf32, #tpu.memory_space<vmem>>) offsets(%dma_start3A_315 : memref<64xi32, #tpu.memory_space<vmem>>) semaphore(%arg13 : memref<!tpu.dma_semaphore, #tpu.memory_space<semaphore_mem>>)
        } else {
        }
        %dma_wait3A_276 = arith.constant 3 : i32
        %dma_wait3A_277 = arith.constant 0 : i32
        %dma_wait3A_278 = arith.constant 0 : i32
        %dma_wait3A_279 = tpu.memref_slice %arg9[%dma_wait3A_276, %dma_wait3A_277, %dma_wait3A_278] : memref<4x64x128xf32, #tpu.memory_space<vmem>> -> memref<1x64x128xf32, #tpu.memory_space<vmem>>
        %dma_wait3A_280 = tpu.memref_squeeze %dma_wait3A_279 : memref<1x64x128xf32, #tpu.memory_space<vmem>> -> memref<64x128xf32, #tpu.memory_space<vmem>>
        %dma_wait3A_281 = arith.constant 0 : i32
        %dma_wait3A_282 = arith.constant 0 : i32
        %dma_wait3A_283 = tpu.memref_slice %arg10[%dma_wait3A_281, %dma_wait3A_282] : memref<10240x128xf32, #tpu.memory_space<vmem_shared>> -> memref<64x128xf32, #tpu.memory_space<vmem_shared>>
        %dma_wait3A_284 = arith.constant 0 : i32
        %dma_wait3A_285 = arith.constant 0 : i32
        %dma_wait3A_286 = tpu.memref_slice %arg10[%dma_wait3A_284, %dma_wait3A_285] : memref<10240x128xf32, #tpu.memory_space<vmem_shared>> -> memref<64x128xf32, #tpu.memory_space<vmem_shared>>
        %dma_wait3A_287 = arith.constant 0 : i32
        %dma_wait3A_288 = arith.constant 0 : i32
        %dma_wait3A_289 = tpu.memref_slice %arg9[%dma_wait3A_276, %dma_wait3A_287, %dma_wait3A_288] : memref<4x64x128xf32, #tpu.memory_space<vmem>> -> memref<1x64x128xf32, #tpu.memory_space<vmem>>
        %dma_wait3A_290 = tpu.memref_squeeze %dma_wait3A_289 : memref<1x64x128xf32, #tpu.memory_space<vmem>> -> memref<64x128xf32, #tpu.memory_space<vmem>>
        tpu.wait_dma2 semaphore(%arg18 : memref<!tpu.dma_semaphore, #tpu.memory_space<semaphore_mem>>) src(%dma_wait3A_290 : memref<64x128xf32, #tpu.memory_space<vmem>>) dst(%dma_wait3A_286 : memref<64x128xf32, #tpu.memory_space<vmem_shared>>)
        %mul3A_291 = arith.constant 4 : i32
        %mul3A_292 = arith.muli %mul3A_291, %scan3A_91 : i32
        %add3A_293 = arith.constant 3 : i32
        %add3A_294 = arith.addi %mul3A_292, %add3A_293 : i32
        %add3A_295 = arith.constant 4 : i32
        %add3A_296 = arith.addi %add3A_294, %add3A_295 : i32
        %lt3A_297 = arith.constant 40 : i32
        %lt3A_298 = arith.cmpi slt, %add3A_296, %lt3A_297 : i32
        %convert_element_type3A_299 = arith.extui %lt3A_298 : i1 to i32
        %cond3A_300 = arith.constant 0 : i32
        %cond3A_301 = arith.cmpi ne, %convert_element_type3A_299, %cond3A_300 : i32
        scf.if %cond3A_301 {
          %mul3A_302 = arith.constant 4 : i32
          %mul3A_303 = arith.muli %mul3A_302, %scan3A_91 : i32
          %add3A_304 = arith.constant 3 : i32
          %add3A_305 = arith.addi %mul3A_303, %add3A_304 : i32
          %add3A_306 = arith.constant 4 : i32
          %add3A_307 = arith.addi %add3A_305, %add3A_306 : i32
          %dma_start3A_308 = arith.constant 3 : i32
          %dma_start3A_309 = arith.constant 0 : i32
          %dma_start3A_310 = arith.constant 0 : i32
          %dma_start3A_311 = tpu.memref_slice %arg9[%dma_start3A_308, %dma_start3A_309, %dma_start3A_310] : memref<4x64x128xf32, #tpu.memory_space<vmem>> -> memref<1x64x128xf32, #tpu.memory_space<vmem>>
          %dma_start3A_312 = tpu.memref_squeeze %dma_start3A_311 : memref<1x64x128xf32, #tpu.memory_space<vmem>> -> memref<64x128xf32, #tpu.memory_space<vmem>>
          %dma_start3A_313 = arith.constant 0 : i32
          %dma_start3A_314 = tpu.memref_slice %arg7[%add3A_307, %dma_start3A_313] : memref<40x64xi32, #tpu.memory_space<vmem>> -> memref<1x64xi32, #tpu.memory_space<vmem>>
          %dma_start3A_315 = tpu.memref_squeeze %dma_start3A_314 : memref<1x64xi32, #tpu.memory_space<vmem>> -> memref<64xi32, #tpu.memory_space<vmem>>
          %dma_start3A_316 = arith.constant 0 : i32
          %dma_start3A_317 = arith.constant 0 : i32
          %dma_start3A_318 = tpu.memref_slice %arg2[%dma_start3A_316, %dma_start3A_317] : memref<10000x128xf32, #tpu.memory_space<hbm>> -> memref<10000x128xf32, #tpu.memory_space<hbm>>
          tpu.enqueue_indirect_dma source(%dma_start3A_318 : memref<10000x128xf32, #tpu.memory_space<hbm>>) target(%dma_start3A_312 : memref<64x128xf32, #tpu.memory_space<vmem>>) offsets(%dma_start3A_315 : memref<64xi32, #tpu.memory_space<vmem>>) semaphore(%arg14 : memref<!tpu.dma_semaphore, #tpu.memory_space<semaphore_mem>>)
        } else {
        }
      }
      %scan3A_90 = arith.constant 10 : i32
    } else {
    }
    %gt3A_15 = arith.constant 2 : i32
    %gt3A_16 = arith.cmpi sgt, %select_n3A_7, %gt3A_15 : i32
    %convert_element_type3A_17 = arith.extui %gt3A_16 : i1 to i32
    %cond3A_18 = arith.constant 0 : i32
    %cond3A_19 = arith.cmpi ne, %convert_element_type3A_17, %cond3A_18 : i32
    scf.if %cond3A_19 {
      %add3A = arith.constant 2 : i32
      %add3A_36 = arith.addi %select_n3A, %add3A : i32
      %mul3A_37 = arith.constant 40 : i32
      %mul3A_38 = arith.muli %add3A_36, %mul3A_37 : i32
      "tpu.region"() ({
        %run_scoped3A = tpu.sem_alloc : memref<!tpu.dma_semaphore, #tpu.memory_space<semaphore_mem>>
        %dma_start3A_91 = arith.constant 0 : i32
        %dma_start3A_92 = tpu.memref_slice %arg3[%arg1, %mul3A_38, %dma_start3A_91] : memref<16x320x64xi32, #tpu.memory_space<hbm>> -> memref<1x40x64xi32, #tpu.memory_space<hbm>>
        %dma_start3A_93 = tpu.memref_squeeze %dma_start3A_92 : memref<1x40x64xi32, #tpu.memory_space<hbm>> -> memref<40x64xi32, #tpu.memory_space<hbm>>
        %dma_start3A_94 = arith.constant 0 : i32
        %dma_start3A_95 = tpu.memref_slice %arg3[%arg1, %mul3A_38, %dma_start3A_94] : memref<16x320x64xi32, #tpu.memory_space<hbm>> -> memref<1x40x64xi32, #tpu.memory_space<hbm>>
        %dma_start3A_96 = tpu.memref_squeeze %dma_start3A_95 : memref<1x40x64xi32, #tpu.memory_space<hbm>> -> memref<40x64xi32, #tpu.memory_space<hbm>>
        tpu.enqueue_dma source(%dma_start3A_96 : memref<40x64xi32, #tpu.memory_space<hbm>>) target(%arg7 : memref<40x64xi32, #tpu.memory_space<vmem>>) target_semaphore(%run_scoped3A : memref<!tpu.dma_semaphore, #tpu.memory_space<semaphore_mem>>)
        %dma_wait3A = arith.constant 0 : i32
        %dma_wait3A_97 = tpu.memref_slice %arg3[%arg1, %mul3A_38, %dma_wait3A] : memref<16x320x64xi32, #tpu.memory_space<hbm>> -> memref<1x40x64xi32, #tpu.memory_space<hbm>>
        %dma_wait3A_98 = tpu.memref_squeeze %dma_wait3A_97 : memref<1x40x64xi32, #tpu.memory_space<hbm>> -> memref<40x64xi32, #tpu.memory_space<hbm>>
        %dma_wait3A_99 = arith.constant 0 : i32
        %dma_wait3A_100 = tpu.memref_slice %arg3[%arg1, %mul3A_38, %dma_wait3A_99] : memref<16x320x64xi32, #tpu.memory_space<hbm>> -> memref<1x40x64xi32, #tpu.memory_space<hbm>>
        %dma_wait3A_101 = tpu.memref_squeeze %dma_wait3A_100 : memref<1x40x64xi32, #tpu.memory_space<hbm>> -> memref<40x64xi32, #tpu.memory_space<hbm>>
        tpu.wait_dma2 semaphore(%run_scoped3A : memref<!tpu.dma_semaphore, #tpu.memory_space<semaphore_mem>>) src(%dma_wait3A_101 : memref<40x64xi32, #tpu.memory_space<hbm>>) dst(%arg7 : memref<40x64xi32, #tpu.memory_space<vmem>>)
        tpu.yield
      }) : () -> ()
      "tpu.region"() ({
        %run_scoped3A = tpu.sem_alloc : memref<!tpu.dma_semaphore, #tpu.memory_space<semaphore_mem>>
        %dma_start3A_91 = arith.constant 0 : i32
        %dma_start3A_92 = tpu.memref_slice %arg4[%arg1, %mul3A_38, %dma_start3A_91] : memref<16x320x64xi32, #tpu.memory_space<hbm>> -> memref<1x40x64xi32, #tpu.memory_space<hbm>>
        %dma_start3A_93 = tpu.memref_squeeze %dma_start3A_92 : memref<1x40x64xi32, #tpu.memory_space<hbm>> -> memref<40x64xi32, #tpu.memory_space<hbm>>
        %dma_start3A_94 = arith.constant 0 : i32
        %dma_start3A_95 = tpu.memref_slice %arg4[%arg1, %mul3A_38, %dma_start3A_94] : memref<16x320x64xi32, #tpu.memory_space<hbm>> -> memref<1x40x64xi32, #tpu.memory_space<hbm>>
        %dma_start3A_96 = tpu.memref_squeeze %dma_start3A_95 : memref<1x40x64xi32, #tpu.memory_space<hbm>> -> memref<40x64xi32, #tpu.memory_space<hbm>>
        tpu.enqueue_dma source(%dma_start3A_96 : memref<40x64xi32, #tpu.memory_space<hbm>>) target(%arg8 : memref<40x64xi32, #tpu.memory_space<vmem>>) target_semaphore(%run_scoped3A : memref<!tpu.dma_semaphore, #tpu.memory_space<semaphore_mem>>)
        %dma_wait3A = arith.constant 0 : i32
        %dma_wait3A_97 = tpu.memref_slice %arg4[%arg1, %mul3A_38, %dma_wait3A] : memref<16x320x64xi32, #tpu.memory_space<hbm>> -> memref<1x40x64xi32, #tpu.memory_space<hbm>>
        %dma_wait3A_98 = tpu.memref_squeeze %dma_wait3A_97 : memref<1x40x64xi32, #tpu.memory_space<hbm>> -> memref<40x64xi32, #tpu.memory_space<hbm>>
        %dma_wait3A_99 = arith.constant 0 : i32
        %dma_wait3A_100 = tpu.memref_slice %arg4[%arg1, %mul3A_38, %dma_wait3A_99] : memref<16x320x64xi32, #tpu.memory_space<hbm>> -> memref<1x40x64xi32, #tpu.memory_space<hbm>>
        %dma_wait3A_101 = tpu.memref_squeeze %dma_wait3A_100 : memref<1x40x64xi32, #tpu.memory_space<hbm>> -> memref<40x64xi32, #tpu.memory_space<hbm>>
        tpu.wait_dma2 semaphore(%run_scoped3A : memref<!tpu.dma_semaphore, #tpu.memory_space<semaphore_mem>>) src(%dma_wait3A_101 : memref<40x64xi32, #tpu.memory_space<hbm>>) dst(%arg8 : memref<40x64xi32, #tpu.memory_space<vmem>>)
        tpu.yield
      }) : () -> ()
      %dma_start3A = arith.constant 0 : i32
      %dma_start3A_39 = arith.constant 0 : i32
      %dma_start3A_40 = arith.constant 0 : i32
      %dma_start3A_41 = arith.constant 0 : i32
      %dma_start3A_42 = tpu.memref_slice %arg9[%dma_start3A_39, %dma_start3A_40, %dma_start3A_41] : memref<4x64x128xf32, #tpu.memory_space<vmem>> -> memref<1x64x128xf32, #tpu.memory_space<vmem>>
      %dma_start3A_43 = tpu.memref_squeeze %dma_start3A_42 : memref<1x64x128xf32, #tpu.memory_space<vmem>> -> memref<64x128xf32, #tpu.memory_space<vmem>>
      %dma_start3A_44 = arith.constant 0 : i32
      %dma_start3A_45 = tpu.memref_slice %arg7[%dma_start3A, %dma_start3A_44] : memref<40x64xi32, #tpu.memory_space<vmem>> -> memref<1x64xi32, #tpu.memory_space<vmem>>
      %dma_start3A_46 = tpu.memref_squeeze %dma_start3A_45 : memref<1x64xi32, #tpu.memory_space<vmem>> -> memref<64xi32, #tpu.memory_space<vmem>>
      %dma_start3A_47 = arith.constant 0 : i32
      %dma_start3A_48 = arith.constant 0 : i32
      %dma_start3A_49 = tpu.memref_slice %arg2[%dma_start3A_47, %dma_start3A_48] : memref<10000x128xf32, #tpu.memory_space<hbm>> -> memref<10000x128xf32, #tpu.memory_space<hbm>>
      tpu.enqueue_indirect_dma source(%dma_start3A_49 : memref<10000x128xf32, #tpu.memory_space<hbm>>) target(%dma_start3A_43 : memref<64x128xf32, #tpu.memory_space<vmem>>) offsets(%dma_start3A_46 : memref<64xi32, #tpu.memory_space<vmem>>) semaphore(%arg11 : memref<!tpu.dma_semaphore, #tpu.memory_space<semaphore_mem>>)
      %dma_start3A_50 = arith.constant 1 : i32
      %dma_start3A_51 = arith.constant 1 : i32
      %dma_start3A_52 = arith.constant 0 : i32
      %dma_start3A_53 = arith.constant 0 : i32
      %dma_start3A_54 = tpu.memref_slice %arg9[%dma_start3A_51, %dma_start3A_52, %dma_start3A_53] : memref<4x64x128xf32, #tpu.memory_space<vmem>> -> memref<1x64x128xf32, #tpu.memory_space<vmem>>
      %dma_start3A_55 = tpu.memref_squeeze %dma_start3A_54 : memref<1x64x128xf32, #tpu.memory_space<vmem>> -> memref<64x128xf32, #tpu.memory_space<vmem>>
      %dma_start3A_56 = arith.constant 0 : i32
      %dma_start3A_57 = tpu.memref_slice %arg7[%dma_start3A_50, %dma_start3A_56] : memref<40x64xi32, #tpu.memory_space<vmem>> -> memref<1x64xi32, #tpu.memory_space<vmem>>
      %dma_start3A_58 = tpu.memref_squeeze %dma_start3A_57 : memref<1x64xi32, #tpu.memory_space<vmem>> -> memref<64xi32, #tpu.memory_space<vmem>>
      %dma_start3A_59 = arith.constant 0 : i32
      %dma_start3A_60 = arith.constant 0 : i32
      %dma_start3A_61 = tpu.memref_slice %arg2[%dma_start3A_59, %dma_start3A_60] : memref<10000x128xf32, #tpu.memory_space<hbm>> -> memref<10000x128xf32, #tpu.memory_space<hbm>>
      tpu.enqueue_indirect_dma source(%dma_start3A_61 : memref<10000x128xf32, #tpu.memory_space<hbm>>) target(%dma_start3A_55 : memref<64x128xf32, #tpu.memory_space<vmem>>) offsets(%dma_start3A_58 : memref<64xi32, #tpu.memory_space<vmem>>) semaphore(%arg12 : memref<!tpu.dma_semaphore, #tpu.memory_space<semaphore_mem>>)
      %dma_start3A_62 = arith.constant 2 : i32
      %dma_start3A_63 = arith.constant 2 : i32
      %dma_start3A_64 = arith.constant 0 : i32
      %dma_start3A_65 = arith.constant 0 : i32
      %dma_start3A_66 = tpu.memref_slice %arg9[%dma_start3A_63, %dma_start3A_64, %dma_start3A_65] : memref<4x64x128xf32, #tpu.memory_space<vmem>> -> memref<1x64x128xf32, #tpu.memory_space<vmem>>
      %dma_start3A_67 = tpu.memref_squeeze %dma_start3A_66 : memref<1x64x128xf32, #tpu.memory_space<vmem>> -> memref<64x128xf32, #tpu.memory_space<vmem>>
      %dma_start3A_68 = arith.constant 0 : i32
      %dma_start3A_69 = tpu.memref_slice %arg7[%dma_start3A_62, %dma_start3A_68] : memref<40x64xi32, #tpu.memory_space<vmem>> -> memref<1x64xi32, #tpu.memory_space<vmem>>
      %dma_start3A_70 = tpu.memref_squeeze %dma_start3A_69 : memref<1x64xi32, #tpu.memory_space<vmem>> -> memref<64xi32, #tpu.memory_space<vmem>>
      %dma_start3A_71 = arith.constant 0 : i32
      %dma_start3A_72 = arith.constant 0 : i32
      %dma_start3A_73 = tpu.memref_slice %arg2[%dma_start3A_71, %dma_start3A_72] : memref<10000x128xf32, #tpu.memory_space<hbm>> -> memref<10000x128xf32, #tpu.memory_space<hbm>>
      tpu.enqueue_indirect_dma source(%dma_start3A_73 : memref<10000x128xf32, #tpu.memory_space<hbm>>) target(%dma_start3A_67 : memref<64x128xf32, #tpu.memory_space<vmem>>) offsets(%dma_start3A_70 : memref<64xi32, #tpu.memory_space<vmem>>) semaphore(%arg13 : memref<!tpu.dma_semaphore, #tpu.memory_space<semaphore_mem>>)
      %dma_start3A_74 = arith.constant 3 : i32
      %dma_start3A_75 = arith.constant 3 : i32
      %dma_start3A_76 = arith.constant 0 : i32
      %dma_start3A_77 = arith.constant 0 : i32
      %dma_start3A_78 = tpu.memref_slice %arg9[%dma_start3A_75, %dma_start3A_76, %dma_start3A_77] : memref<4x64x128xf32, #tpu.memory_space<vmem>> -> memref<1x64x128xf32, #tpu.memory_space<vmem>>
      %dma_start3A_79 = tpu.memref_squeeze %dma_start3A_78 : memref<1x64x128xf32, #tpu.memory_space<vmem>> -> memref<64x128xf32, #tpu.memory_space<vmem>>
      %dma_start3A_80 = arith.constant 0 : i32
      %dma_start3A_81 = tpu.memref_slice %arg7[%dma_start3A_74, %dma_start3A_80] : memref<40x64xi32, #tpu.memory_space<vmem>> -> memref<1x64xi32, #tpu.memory_space<vmem>>
      %dma_start3A_82 = tpu.memref_squeeze %dma_start3A_81 : memref<1x64xi32, #tpu.memory_space<vmem>> -> memref<64xi32, #tpu.memory_space<vmem>>
      %dma_start3A_83 = arith.constant 0 : i32
      %dma_start3A_84 = arith.constant 0 : i32
      %dma_start3A_85 = tpu.memref_slice %arg2[%dma_start3A_83, %dma_start3A_84] : memref<10000x128xf32, #tpu.memory_space<hbm>> -> memref<10000x128xf32, #tpu.memory_space<hbm>>
      tpu.enqueue_indirect_dma source(%dma_start3A_85 : memref<10000x128xf32, #tpu.memory_space<hbm>>) target(%dma_start3A_79 : memref<64x128xf32, #tpu.memory_space<vmem>>) offsets(%dma_start3A_82 : memref<64xi32, #tpu.memory_space<vmem>>) semaphore(%arg14 : memref<!tpu.dma_semaphore, #tpu.memory_space<semaphore_mem>>)
      %scan3A = arith.constant 0 : i32
      %scan3A_86 = arith.constant 0 : i32
      %scan3A_87 = arith.constant 10 : i32
      %scan3A_88 = arith.addi %scan3A_86, %scan3A_87 : i32
      %scan3A_89 = arith.constant 1 : i32
      scf.for %scan3A_91 = %scan3A_86 to %scan3A_88 step %scan3A_89  : i32 {
        %dma_wait3A = arith.constant 0 : i32
        %dma_wait3A_92 = arith.constant 0 : i32
        %dma_wait3A_93 = arith.constant 0 : i32
        %dma_wait3A_94 = arith.constant 0 : i32
        %dma_wait3A_95 = tpu.memref_slice %arg9[%dma_wait3A_92, %dma_wait3A_93, %dma_wait3A_94] : memref<4x64x128xf32, #tpu.memory_space<vmem>> -> memref<1x64x128xf32, #tpu.memory_space<vmem>>
        %dma_wait3A_96 = tpu.memref_squeeze %dma_wait3A_95 : memref<1x64x128xf32, #tpu.memory_space<vmem>> -> memref<64x128xf32, #tpu.memory_space<vmem>>
        %dma_wait3A_97 = arith.constant 0 : i32
        %dma_wait3A_98 = tpu.memref_slice %arg7[%dma_wait3A, %dma_wait3A_97] : memref<40x64xi32, #tpu.memory_space<vmem>> -> memref<1x64xi32, #tpu.memory_space<vmem>>
        %dma_wait3A_99 = tpu.memref_squeeze %dma_wait3A_98 : memref<1x64xi32, #tpu.memory_space<vmem>> -> memref<64xi32, #tpu.memory_space<vmem>>
        %dma_wait3A_100 = arith.constant 0 : i32
        %dma_wait3A_101 = arith.constant 0 : i32
        %dma_wait3A_102 = tpu.memref_slice %arg2[%dma_wait3A_100, %dma_wait3A_101] : memref<10000x128xf32, #tpu.memory_space<hbm>> -> memref<10000x128xf32, #tpu.memory_space<hbm>>
        tpu.wait_indirect_dma semaphore(%arg11 : memref<!tpu.dma_semaphore, #tpu.memory_space<semaphore_mem>>) src(%dma_wait3A_102 : memref<10000x128xf32, #tpu.memory_space<hbm>>) dst(%dma_wait3A_96 : memref<64x128xf32, #tpu.memory_space<vmem>>)
        %mul3A_103 = arith.constant 4 : i32
        %mul3A_104 = arith.muli %mul3A_103, %scan3A_91 : i32
        %add3A_105 = arith.constant 0 : i32
        %add3A_106 = arith.addi %mul3A_104, %add3A_105 : i32
        %dma_start3A_107 = arith.constant 0 : i32
        %dma_start3A_108 = arith.constant 0 : i32
        %dma_start3A_109 = arith.constant 0 : i32
        %dma_start3A_110 = tpu.memref_slice %arg9[%dma_start3A_107, %dma_start3A_108, %dma_start3A_109] : memref<4x64x128xf32, #tpu.memory_space<vmem>> -> memref<1x64x128xf32, #tpu.memory_space<vmem>>
        %dma_start3A_111 = tpu.memref_squeeze %dma_start3A_110 : memref<1x64x128xf32, #tpu.memory_space<vmem>> -> memref<64x128xf32, #tpu.memory_space<vmem>>
        %dma_start3A_112 = arith.constant 0 : i32
        %dma_start3A_113 = tpu.memref_slice %arg8[%add3A_106, %dma_start3A_112] : memref<40x64xi32, #tpu.memory_space<vmem>> -> memref<1x64xi32, #tpu.memory_space<vmem>>
        %dma_start3A_114 = tpu.memref_squeeze %dma_start3A_113 : memref<1x64xi32, #tpu.memory_space<vmem>> -> memref<64xi32, #tpu.memory_space<vmem>>
        %dma_start3A_115 = arith.constant 0 : i32
        %dma_start3A_116 = arith.constant 0 : i32
        %dma_start3A_117 = tpu.memref_slice %arg10[%dma_start3A_115, %dma_start3A_116] : memref<10240x128xf32, #tpu.memory_space<vmem_shared>> -> memref<10240x128xf32, #tpu.memory_space<vmem_shared>>
        tpu.enqueue_indirect_dma source(%dma_start3A_111 : memref<64x128xf32, #tpu.memory_space<vmem>>) target(%dma_start3A_117 : memref<10240x128xf32, #tpu.memory_space<vmem_shared>>) offsets(%dma_start3A_114 : memref<64xi32, #tpu.memory_space<vmem>>) semaphore(%arg15 : memref<!tpu.dma_semaphore, #tpu.memory_space<semaphore_mem>>) {add = true}
        %dma_wait3A_118 = arith.constant 0 : i32
        %dma_wait3A_119 = arith.constant 1 : i32
        %dma_wait3A_120 = arith.constant 0 : i32
        %dma_wait3A_121 = arith.constant 0 : i32
        %dma_wait3A_122 = tpu.memref_slice %arg9[%dma_wait3A_119, %dma_wait3A_120, %dma_wait3A_121] : memref<4x64x128xf32, #tpu.memory_space<vmem>> -> memref<1x64x128xf32, #tpu.memory_space<vmem>>
        %dma_wait3A_123 = tpu.memref_squeeze %dma_wait3A_122 : memref<1x64x128xf32, #tpu.memory_space<vmem>> -> memref<64x128xf32, #tpu.memory_space<vmem>>
        %dma_wait3A_124 = arith.constant 0 : i32
        %dma_wait3A_125 = tpu.memref_slice %arg7[%dma_wait3A_118, %dma_wait3A_124] : memref<40x64xi32, #tpu.memory_space<vmem>> -> memref<1x64xi32, #tpu.memory_space<vmem>>
        %dma_wait3A_126 = tpu.memref_squeeze %dma_wait3A_125 : memref<1x64xi32, #tpu.memory_space<vmem>> -> memref<64xi32, #tpu.memory_space<vmem>>
        %dma_wait3A_127 = arith.constant 0 : i32
        %dma_wait3A_128 = arith.constant 0 : i32
        %dma_wait3A_129 = tpu.memref_slice %arg2[%dma_wait3A_127, %dma_wait3A_128] : memref<10000x128xf32, #tpu.memory_space<hbm>> -> memref<10000x128xf32, #tpu.memory_space<hbm>>
        tpu.wait_indirect_dma semaphore(%arg12 : memref<!tpu.dma_semaphore, #tpu.memory_space<semaphore_mem>>) src(%dma_wait3A_129 : memref<10000x128xf32, #tpu.memory_space<hbm>>) dst(%dma_wait3A_123 : memref<64x128xf32, #tpu.memory_space<vmem>>)
        %mul3A_130 = arith.constant 4 : i32
        %mul3A_131 = arith.muli %mul3A_130, %scan3A_91 : i32
        %add3A_132 = arith.constant 1 : i32
        %add3A_133 = arith.addi %mul3A_131, %add3A_132 : i32
        %dma_start3A_134 = arith.constant 1 : i32
        %dma_start3A_135 = arith.constant 0 : i32
        %dma_start3A_136 = arith.constant 0 : i32
        %dma_start3A_137 = tpu.memref_slice %arg9[%dma_start3A_134, %dma_start3A_135, %dma_start3A_136] : memref<4x64x128xf32, #tpu.memory_space<vmem>> -> memref<1x64x128xf32, #tpu.memory_space<vmem>>
        %dma_start3A_138 = tpu.memref_squeeze %dma_start3A_137 : memref<1x64x128xf32, #tpu.memory_space<vmem>> -> memref<64x128xf32, #tpu.memory_space<vmem>>
        %dma_start3A_139 = arith.constant 0 : i32
        %dma_start3A_140 = tpu.memref_slice %arg8[%add3A_133, %dma_start3A_139] : memref<40x64xi32, #tpu.memory_space<vmem>> -> memref<1x64xi32, #tpu.memory_space<vmem>>
        %dma_start3A_141 = tpu.memref_squeeze %dma_start3A_140 : memref<1x64xi32, #tpu.memory_space<vmem>> -> memref<64xi32, #tpu.memory_space<vmem>>
        %dma_start3A_142 = arith.constant 0 : i32
        %dma_start3A_143 = arith.constant 0 : i32
        %dma_start3A_144 = tpu.memref_slice %arg10[%dma_start3A_142, %dma_start3A_143] : memref<10240x128xf32, #tpu.memory_space<vmem_shared>> -> memref<10240x128xf32, #tpu.memory_space<vmem_shared>>
        tpu.enqueue_indirect_dma source(%dma_start3A_138 : memref<64x128xf32, #tpu.memory_space<vmem>>) target(%dma_start3A_144 : memref<10240x128xf32, #tpu.memory_space<vmem_shared>>) offsets(%dma_start3A_141 : memref<64xi32, #tpu.memory_space<vmem>>) semaphore(%arg16 : memref<!tpu.dma_semaphore, #tpu.memory_space<semaphore_mem>>) {add = true}
        %dma_wait3A_145 = arith.constant 0 : i32
        %dma_wait3A_146 = arith.constant 2 : i32
        %dma_wait3A_147 = arith.constant 0 : i32
        %dma_wait3A_148 = arith.constant 0 : i32
        %dma_wait3A_149 = tpu.memref_slice %arg9[%dma_wait3A_146, %dma_wait3A_147, %dma_wait3A_148] : memref<4x64x128xf32, #tpu.memory_space<vmem>> -> memref<1x64x128xf32, #tpu.memory_space<vmem>>
        %dma_wait3A_150 = tpu.memref_squeeze %dma_wait3A_149 : memref<1x64x128xf32, #tpu.memory_space<vmem>> -> memref<64x128xf32, #tpu.memory_space<vmem>>
        %dma_wait3A_151 = arith.constant 0 : i32
        %dma_wait3A_152 = tpu.memref_slice %arg7[%dma_wait3A_145, %dma_wait3A_151] : memref<40x64xi32, #tpu.memory_space<vmem>> -> memref<1x64xi32, #tpu.memory_space<vmem>>
        %dma_wait3A_153 = tpu.memref_squeeze %dma_wait3A_152 : memref<1x64xi32, #tpu.memory_space<vmem>> -> memref<64xi32, #tpu.memory_space<vmem>>
        %dma_wait3A_154 = arith.constant 0 : i32
        %dma_wait3A_155 = arith.constant 0 : i32
        %dma_wait3A_156 = tpu.memref_slice %arg2[%dma_wait3A_154, %dma_wait3A_155] : memref<10000x128xf32, #tpu.memory_space<hbm>> -> memref<10000x128xf32, #tpu.memory_space<hbm>>
        tpu.wait_indirect_dma semaphore(%arg13 : memref<!tpu.dma_semaphore, #tpu.memory_space<semaphore_mem>>) src(%dma_wait3A_156 : memref<10000x128xf32, #tpu.memory_space<hbm>>) dst(%dma_wait3A_150 : memref<64x128xf32, #tpu.memory_space<vmem>>)
        %mul3A_157 = arith.constant 4 : i32
        %mul3A_158 = arith.muli %mul3A_157, %scan3A_91 : i32
        %add3A_159 = arith.constant 2 : i32
        %add3A_160 = arith.addi %mul3A_158, %add3A_159 : i32
        %dma_start3A_161 = arith.constant 2 : i32
        %dma_start3A_162 = arith.constant 0 : i32
        %dma_start3A_163 = arith.constant 0 : i32
        %dma_start3A_164 = tpu.memref_slice %arg9[%dma_start3A_161, %dma_start3A_162, %dma_start3A_163] : memref<4x64x128xf32, #tpu.memory_space<vmem>> -> memref<1x64x128xf32, #tpu.memory_space<vmem>>
        %dma_start3A_165 = tpu.memref_squeeze %dma_start3A_164 : memref<1x64x128xf32, #tpu.memory_space<vmem>> -> memref<64x128xf32, #tpu.memory_space<vmem>>
        %dma_start3A_166 = arith.constant 0 : i32
        %dma_start3A_167 = tpu.memref_slice %arg8[%add3A_160, %dma_start3A_166] : memref<40x64xi32, #tpu.memory_space<vmem>> -> memref<1x64xi32, #tpu.memory_space<vmem>>
        %dma_start3A_168 = tpu.memref_squeeze %dma_start3A_167 : memref<1x64xi32, #tpu.memory_space<vmem>> -> memref<64xi32, #tpu.memory_space<vmem>>
        %dma_start3A_169 = arith.constant 0 : i32
        %dma_start3A_170 = arith.constant 0 : i32
        %dma_start3A_171 = tpu.memref_slice %arg10[%dma_start3A_169, %dma_start3A_170] : memref<10240x128xf32, #tpu.memory_space<vmem_shared>> -> memref<10240x128xf32, #tpu.memory_space<vmem_shared>>
        tpu.enqueue_indirect_dma source(%dma_start3A_165 : memref<64x128xf32, #tpu.memory_space<vmem>>) target(%dma_start3A_171 : memref<10240x128xf32, #tpu.memory_space<vmem_shared>>) offsets(%dma_start3A_168 : memref<64xi32, #tpu.memory_space<vmem>>) semaphore(%arg17 : memref<!tpu.dma_semaphore, #tpu.memory_space<semaphore_mem>>) {add = true}
        %dma_wait3A_172 = arith.constant 0 : i32
        %dma_wait3A_173 = arith.constant 3 : i32
        %dma_wait3A_174 = arith.constant 0 : i32
        %dma_wait3A_175 = arith.constant 0 : i32
        %dma_wait3A_176 = tpu.memref_slice %arg9[%dma_wait3A_173, %dma_wait3A_174, %dma_wait3A_175] : memref<4x64x128xf32, #tpu.memory_space<vmem>> -> memref<1x64x128xf32, #tpu.memory_space<vmem>>
        %dma_wait3A_177 = tpu.memref_squeeze %dma_wait3A_176 : memref<1x64x128xf32, #tpu.memory_space<vmem>> -> memref<64x128xf32, #tpu.memory_space<vmem>>
        %dma_wait3A_178 = arith.constant 0 : i32
        %dma_wait3A_179 = tpu.memref_slice %arg7[%dma_wait3A_172, %dma_wait3A_178] : memref<40x64xi32, #tpu.memory_space<vmem>> -> memref<1x64xi32, #tpu.memory_space<vmem>>
        %dma_wait3A_180 = tpu.memref_squeeze %dma_wait3A_179 : memref<1x64xi32, #tpu.memory_space<vmem>> -> memref<64xi32, #tpu.memory_space<vmem>>
        %dma_wait3A_181 = arith.constant 0 : i32
        %dma_wait3A_182 = arith.constant 0 : i32
        %dma_wait3A_183 = tpu.memref_slice %arg2[%dma_wait3A_181, %dma_wait3A_182] : memref<10000x128xf32, #tpu.memory_space<hbm>> -> memref<10000x128xf32, #tpu.memory_space<hbm>>
        tpu.wait_indirect_dma semaphore(%arg14 : memref<!tpu.dma_semaphore, #tpu.memory_space<semaphore_mem>>) src(%dma_wait3A_183 : memref<10000x128xf32, #tpu.memory_space<hbm>>) dst(%dma_wait3A_177 : memref<64x128xf32, #tpu.memory_space<vmem>>)
        %mul3A_184 = arith.constant 4 : i32
        %mul3A_185 = arith.muli %mul3A_184, %scan3A_91 : i32
        %add3A_186 = arith.constant 3 : i32
        %add3A_187 = arith.addi %mul3A_185, %add3A_186 : i32
        %dma_start3A_188 = arith.constant 3 : i32
        %dma_start3A_189 = arith.constant 0 : i32
        %dma_start3A_190 = arith.constant 0 : i32
        %dma_start3A_191 = tpu.memref_slice %arg9[%dma_start3A_188, %dma_start3A_189, %dma_start3A_190] : memref<4x64x128xf32, #tpu.memory_space<vmem>> -> memref<1x64x128xf32, #tpu.memory_space<vmem>>
        %dma_start3A_192 = tpu.memref_squeeze %dma_start3A_191 : memref<1x64x128xf32, #tpu.memory_space<vmem>> -> memref<64x128xf32, #tpu.memory_space<vmem>>
        %dma_start3A_193 = arith.constant 0 : i32
        %dma_start3A_194 = tpu.memref_slice %arg8[%add3A_187, %dma_start3A_193] : memref<40x64xi32, #tpu.memory_space<vmem>> -> memref<1x64xi32, #tpu.memory_space<vmem>>
        %dma_start3A_195 = tpu.memref_squeeze %dma_start3A_194 : memref<1x64xi32, #tpu.memory_space<vmem>> -> memref<64xi32, #tpu.memory_space<vmem>>
        %dma_start3A_196 = arith.constant 0 : i32
        %dma_start3A_197 = arith.constant 0 : i32
        %dma_start3A_198 = tpu.memref_slice %arg10[%dma_start3A_196, %dma_start3A_197] : memref<10240x128xf32, #tpu.memory_space<vmem_shared>> -> memref<10240x128xf32, #tpu.memory_space<vmem_shared>>
        tpu.enqueue_indirect_dma source(%dma_start3A_192 : memref<64x128xf32, #tpu.memory_space<vmem>>) target(%dma_start3A_198 : memref<10240x128xf32, #tpu.memory_space<vmem_shared>>) offsets(%dma_start3A_195 : memref<64xi32, #tpu.memory_space<vmem>>) semaphore(%arg18 : memref<!tpu.dma_semaphore, #tpu.memory_space<semaphore_mem>>) {add = true}
        %dma_wait3A_199 = arith.constant 0 : i32
        %dma_wait3A_200 = arith.constant 0 : i32
        %dma_wait3A_201 = arith.constant 0 : i32
        %dma_wait3A_202 = tpu.memref_slice %arg9[%dma_wait3A_199, %dma_wait3A_200, %dma_wait3A_201] : memref<4x64x128xf32, #tpu.memory_space<vmem>> -> memref<1x64x128xf32, #tpu.memory_space<vmem>>
        %dma_wait3A_203 = tpu.memref_squeeze %dma_wait3A_202 : memref<1x64x128xf32, #tpu.memory_space<vmem>> -> memref<64x128xf32, #tpu.memory_space<vmem>>
        %dma_wait3A_204 = arith.constant 0 : i32
        %dma_wait3A_205 = arith.constant 0 : i32
        %dma_wait3A_206 = tpu.memref_slice %arg10[%dma_wait3A_204, %dma_wait3A_205] : memref<10240x128xf32, #tpu.memory_space<vmem_shared>> -> memref<64x128xf32, #tpu.memory_space<vmem_shared>>
        %dma_wait3A_207 = arith.constant 0 : i32
        %dma_wait3A_208 = arith.constant 0 : i32
        %dma_wait3A_209 = tpu.memref_slice %arg10[%dma_wait3A_207, %dma_wait3A_208] : memref<10240x128xf32, #tpu.memory_space<vmem_shared>> -> memref<64x128xf32, #tpu.memory_space<vmem_shared>>
        %dma_wait3A_210 = arith.constant 0 : i32
        %dma_wait3A_211 = arith.constant 0 : i32
        %dma_wait3A_212 = tpu.memref_slice %arg9[%dma_wait3A_199, %dma_wait3A_210, %dma_wait3A_211] : memref<4x64x128xf32, #tpu.memory_space<vmem>> -> memref<1x64x128xf32, #tpu.memory_space<vmem>>
        %dma_wait3A_213 = tpu.memref_squeeze %dma_wait3A_212 : memref<1x64x128xf32, #tpu.memory_space<vmem>> -> memref<64x128xf32, #tpu.memory_space<vmem>>
        tpu.wait_dma2 semaphore(%arg15 : memref<!tpu.dma_semaphore, #tpu.memory_space<semaphore_mem>>) src(%dma_wait3A_213 : memref<64x128xf32, #tpu.memory_space<vmem>>) dst(%dma_wait3A_209 : memref<64x128xf32, #tpu.memory_space<vmem_shared>>)
        %mul3A_214 = arith.constant 4 : i32
        %mul3A_215 = arith.muli %mul3A_214, %scan3A_91 : i32
        %add3A_216 = arith.constant 0 : i32
        %add3A_217 = arith.addi %mul3A_215, %add3A_216 : i32
        %add3A_218 = arith.constant 4 : i32
        %add3A_219 = arith.addi %add3A_217, %add3A_218 : i32
        %lt3A = arith.constant 40 : i32
        %lt3A_220 = arith.cmpi slt, %add3A_219, %lt3A : i32
        %convert_element_type3A_221 = arith.extui %lt3A_220 : i1 to i32
        %cond3A_222 = arith.constant 0 : i32
        %cond3A_223 = arith.cmpi ne, %convert_element_type3A_221, %cond3A_222 : i32
        scf.if %cond3A_223 {
          %mul3A_302 = arith.constant 4 : i32
          %mul3A_303 = arith.muli %mul3A_302, %scan3A_91 : i32
          %add3A_304 = arith.constant 0 : i32
          %add3A_305 = arith.addi %mul3A_303, %add3A_304 : i32
          %add3A_306 = arith.constant 4 : i32
          %add3A_307 = arith.addi %add3A_305, %add3A_306 : i32
          %dma_start3A_308 = arith.constant 0 : i32
          %dma_start3A_309 = arith.constant 0 : i32
          %dma_start3A_310 = arith.constant 0 : i32
          %dma_start3A_311 = tpu.memref_slice %arg9[%dma_start3A_308, %dma_start3A_309, %dma_start3A_310] : memref<4x64x128xf32, #tpu.memory_space<vmem>> -> memref<1x64x128xf32, #tpu.memory_space<vmem>>
          %dma_start3A_312 = tpu.memref_squeeze %dma_start3A_311 : memref<1x64x128xf32, #tpu.memory_space<vmem>> -> memref<64x128xf32, #tpu.memory_space<vmem>>
          %dma_start3A_313 = arith.constant 0 : i32
          %dma_start3A_314 = tpu.memref_slice %arg7[%add3A_307, %dma_start3A_313] : memref<40x64xi32, #tpu.memory_space<vmem>> -> memref<1x64xi32, #tpu.memory_space<vmem>>
          %dma_start3A_315 = tpu.memref_squeeze %dma_start3A_314 : memref<1x64xi32, #tpu.memory_space<vmem>> -> memref<64xi32, #tpu.memory_space<vmem>>
          %dma_start3A_316 = arith.constant 0 : i32
          %dma_start3A_317 = arith.constant 0 : i32
          %dma_start3A_318 = tpu.memref_slice %arg2[%dma_start3A_316, %dma_start3A_317] : memref<10000x128xf32, #tpu.memory_space<hbm>> -> memref<10000x128xf32, #tpu.memory_space<hbm>>
          tpu.enqueue_indirect_dma source(%dma_start3A_318 : memref<10000x128xf32, #tpu.memory_space<hbm>>) target(%dma_start3A_312 : memref<64x128xf32, #tpu.memory_space<vmem>>) offsets(%dma_start3A_315 : memref<64xi32, #tpu.memory_space<vmem>>) semaphore(%arg11 : memref<!tpu.dma_semaphore, #tpu.memory_space<semaphore_mem>>)
        } else {
        }
        %dma_wait3A_224 = arith.constant 1 : i32
        %dma_wait3A_225 = arith.constant 0 : i32
        %dma_wait3A_226 = arith.constant 0 : i32
        %dma_wait3A_227 = tpu.memref_slice %arg9[%dma_wait3A_224, %dma_wait3A_225, %dma_wait3A_226] : memref<4x64x128xf32, #tpu.memory_space<vmem>> -> memref<1x64x128xf32, #tpu.memory_space<vmem>>
        %dma_wait3A_228 = tpu.memref_squeeze %dma_wait3A_227 : memref<1x64x128xf32, #tpu.memory_space<vmem>> -> memref<64x128xf32, #tpu.memory_space<vmem>>
        %dma_wait3A_229 = arith.constant 0 : i32
        %dma_wait3A_230 = arith.constant 0 : i32
        %dma_wait3A_231 = tpu.memref_slice %arg10[%dma_wait3A_229, %dma_wait3A_230] : memref<10240x128xf32, #tpu.memory_space<vmem_shared>> -> memref<64x128xf32, #tpu.memory_space<vmem_shared>>
        %dma_wait3A_232 = arith.constant 0 : i32
        %dma_wait3A_233 = arith.constant 0 : i32
        %dma_wait3A_234 = tpu.memref_slice %arg10[%dma_wait3A_232, %dma_wait3A_233] : memref<10240x128xf32, #tpu.memory_space<vmem_shared>> -> memref<64x128xf32, #tpu.memory_space<vmem_shared>>
        %dma_wait3A_235 = arith.constant 0 : i32
        %dma_wait3A_236 = arith.constant 0 : i32
        %dma_wait3A_237 = tpu.memref_slice %arg9[%dma_wait3A_224, %dma_wait3A_235, %dma_wait3A_236] : memref<4x64x128xf32, #tpu.memory_space<vmem>> -> memref<1x64x128xf32, #tpu.memory_space<vmem>>
        %dma_wait3A_238 = tpu.memref_squeeze %dma_wait3A_237 : memref<1x64x128xf32, #tpu.memory_space<vmem>> -> memref<64x128xf32, #tpu.memory_space<vmem>>
        tpu.wait_dma2 semaphore(%arg16 : memref<!tpu.dma_semaphore, #tpu.memory_space<semaphore_mem>>) src(%dma_wait3A_238 : memref<64x128xf32, #tpu.memory_space<vmem>>) dst(%dma_wait3A_234 : memref<64x128xf32, #tpu.memory_space<vmem_shared>>)
        %mul3A_239 = arith.constant 4 : i32
        %mul3A_240 = arith.muli %mul3A_239, %scan3A_91 : i32
        %add3A_241 = arith.constant 1 : i32
        %add3A_242 = arith.addi %mul3A_240, %add3A_241 : i32
        %add3A_243 = arith.constant 4 : i32
        %add3A_244 = arith.addi %add3A_242, %add3A_243 : i32
        %lt3A_245 = arith.constant 40 : i32
        %lt3A_246 = arith.cmpi slt, %add3A_244, %lt3A_245 : i32
        %convert_element_type3A_247 = arith.extui %lt3A_246 : i1 to i32
        %cond3A_248 = arith.constant 0 : i32
        %cond3A_249 = arith.cmpi ne, %convert_element_type3A_247, %cond3A_248 : i32
        scf.if %cond3A_249 {
          %mul3A_302 = arith.constant 4 : i32
          %mul3A_303 = arith.muli %mul3A_302, %scan3A_91 : i32
          %add3A_304 = arith.constant 1 : i32
          %add3A_305 = arith.addi %mul3A_303, %add3A_304 : i32
          %add3A_306 = arith.constant 4 : i32
          %add3A_307 = arith.addi %add3A_305, %add3A_306 : i32
          %dma_start3A_308 = arith.constant 1 : i32
          %dma_start3A_309 = arith.constant 0 : i32
          %dma_start3A_310 = arith.constant 0 : i32
          %dma_start3A_311 = tpu.memref_slice %arg9[%dma_start3A_308, %dma_start3A_309, %dma_start3A_310] : memref<4x64x128xf32, #tpu.memory_space<vmem>> -> memref<1x64x128xf32, #tpu.memory_space<vmem>>
          %dma_start3A_312 = tpu.memref_squeeze %dma_start3A_311 : memref<1x64x128xf32, #tpu.memory_space<vmem>> -> memref<64x128xf32, #tpu.memory_space<vmem>>
          %dma_start3A_313 = arith.constant 0 : i32
          %dma_start3A_314 = tpu.memref_slice %arg7[%add3A_307, %dma_start3A_313] : memref<40x64xi32, #tpu.memory_space<vmem>> -> memref<1x64xi32, #tpu.memory_space<vmem>>
          %dma_start3A_315 = tpu.memref_squeeze %dma_start3A_314 : memref<1x64xi32, #tpu.memory_space<vmem>> -> memref<64xi32, #tpu.memory_space<vmem>>
          %dma_start3A_316 = arith.constant 0 : i32
          %dma_start3A_317 = arith.constant 0 : i32
          %dma_start3A_318 = tpu.memref_slice %arg2[%dma_start3A_316, %dma_start3A_317] : memref<10000x128xf32, #tpu.memory_space<hbm>> -> memref<10000x128xf32, #tpu.memory_space<hbm>>
          tpu.enqueue_indirect_dma source(%dma_start3A_318 : memref<10000x128xf32, #tpu.memory_space<hbm>>) target(%dma_start3A_312 : memref<64x128xf32, #tpu.memory_space<vmem>>) offsets(%dma_start3A_315 : memref<64xi32, #tpu.memory_space<vmem>>) semaphore(%arg12 : memref<!tpu.dma_semaphore, #tpu.memory_space<semaphore_mem>>)
        } else {
        }
        %dma_wait3A_250 = arith.constant 2 : i32
        %dma_wait3A_251 = arith.constant 0 : i32
        %dma_wait3A_252 = arith.constant 0 : i32
        %dma_wait3A_253 = tpu.memref_slice %arg9[%dma_wait3A_250, %dma_wait3A_251, %dma_wait3A_252] : memref<4x64x128xf32, #tpu.memory_space<vmem>> -> memref<1x64x128xf32, #tpu.memory_space<vmem>>
        %dma_wait3A_254 = tpu.memref_squeeze %dma_wait3A_253 : memref<1x64x128xf32, #tpu.memory_space<vmem>> -> memref<64x128xf32, #tpu.memory_space<vmem>>
        %dma_wait3A_255 = arith.constant 0 : i32
        %dma_wait3A_256 = arith.constant 0 : i32
        %dma_wait3A_257 = tpu.memref_slice %arg10[%dma_wait3A_255, %dma_wait3A_256] : memref<10240x128xf32, #tpu.memory_space<vmem_shared>> -> memref<64x128xf32, #tpu.memory_space<vmem_shared>>
        %dma_wait3A_258 = arith.constant 0 : i32
        %dma_wait3A_259 = arith.constant 0 : i32
        %dma_wait3A_260 = tpu.memref_slice %arg10[%dma_wait3A_258, %dma_wait3A_259] : memref<10240x128xf32, #tpu.memory_space<vmem_shared>> -> memref<64x128xf32, #tpu.memory_space<vmem_shared>>
        %dma_wait3A_261 = arith.constant 0 : i32
        %dma_wait3A_262 = arith.constant 0 : i32
        %dma_wait3A_263 = tpu.memref_slice %arg9[%dma_wait3A_250, %dma_wait3A_261, %dma_wait3A_262] : memref<4x64x128xf32, #tpu.memory_space<vmem>> -> memref<1x64x128xf32, #tpu.memory_space<vmem>>
        %dma_wait3A_264 = tpu.memref_squeeze %dma_wait3A_263 : memref<1x64x128xf32, #tpu.memory_space<vmem>> -> memref<64x128xf32, #tpu.memory_space<vmem>>
        tpu.wait_dma2 semaphore(%arg17 : memref<!tpu.dma_semaphore, #tpu.memory_space<semaphore_mem>>) src(%dma_wait3A_264 : memref<64x128xf32, #tpu.memory_space<vmem>>) dst(%dma_wait3A_260 : memref<64x128xf32, #tpu.memory_space<vmem_shared>>)
        %mul3A_265 = arith.constant 4 : i32
        %mul3A_266 = arith.muli %mul3A_265, %scan3A_91 : i32
        %add3A_267 = arith.constant 2 : i32
        %add3A_268 = arith.addi %mul3A_266, %add3A_267 : i32
        %add3A_269 = arith.constant 4 : i32
        %add3A_270 = arith.addi %add3A_268, %add3A_269 : i32
        %lt3A_271 = arith.constant 40 : i32
        %lt3A_272 = arith.cmpi slt, %add3A_270, %lt3A_271 : i32
        %convert_element_type3A_273 = arith.extui %lt3A_272 : i1 to i32
        %cond3A_274 = arith.constant 0 : i32
        %cond3A_275 = arith.cmpi ne, %convert_element_type3A_273, %cond3A_274 : i32
        scf.if %cond3A_275 {
          %mul3A_302 = arith.constant 4 : i32
          %mul3A_303 = arith.muli %mul3A_302, %scan3A_91 : i32
          %add3A_304 = arith.constant 2 : i32
          %add3A_305 = arith.addi %mul3A_303, %add3A_304 : i32
          %add3A_306 = arith.constant 4 : i32
          %add3A_307 = arith.addi %add3A_305, %add3A_306 : i32
          %dma_start3A_308 = arith.constant 2 : i32
          %dma_start3A_309 = arith.constant 0 : i32
          %dma_start3A_310 = arith.constant 0 : i32
          %dma_start3A_311 = tpu.memref_slice %arg9[%dma_start3A_308, %dma_start3A_309, %dma_start3A_310] : memref<4x64x128xf32, #tpu.memory_space<vmem>> -> memref<1x64x128xf32, #tpu.memory_space<vmem>>
          %dma_start3A_312 = tpu.memref_squeeze %dma_start3A_311 : memref<1x64x128xf32, #tpu.memory_space<vmem>> -> memref<64x128xf32, #tpu.memory_space<vmem>>
          %dma_start3A_313 = arith.constant 0 : i32
          %dma_start3A_314 = tpu.memref_slice %arg7[%add3A_307, %dma_start3A_313] : memref<40x64xi32, #tpu.memory_space<vmem>> -> memref<1x64xi32, #tpu.memory_space<vmem>>
          %dma_start3A_315 = tpu.memref_squeeze %dma_start3A_314 : memref<1x64xi32, #tpu.memory_space<vmem>> -> memref<64xi32, #tpu.memory_space<vmem>>
          %dma_start3A_316 = arith.constant 0 : i32
          %dma_start3A_317 = arith.constant 0 : i32
          %dma_start3A_318 = tpu.memref_slice %arg2[%dma_start3A_316, %dma_start3A_317] : memref<10000x128xf32, #tpu.memory_space<hbm>> -> memref<10000x128xf32, #tpu.memory_space<hbm>>
          tpu.enqueue_indirect_dma source(%dma_start3A_318 : memref<10000x128xf32, #tpu.memory_space<hbm>>) target(%dma_start3A_312 : memref<64x128xf32, #tpu.memory_space<vmem>>) offsets(%dma_start3A_315 : memref<64xi32, #tpu.memory_space<vmem>>) semaphore(%arg13 : memref<!tpu.dma_semaphore, #tpu.memory_space<semaphore_mem>>)
        } else {
        }
        %dma_wait3A_276 = arith.constant 3 : i32
        %dma_wait3A_277 = arith.constant 0 : i32
        %dma_wait3A_278 = arith.constant 0 : i32
        %dma_wait3A_279 = tpu.memref_slice %arg9[%dma_wait3A_276, %dma_wait3A_277, %dma_wait3A_278] : memref<4x64x128xf32, #tpu.memory_space<vmem>> -> memref<1x64x128xf32, #tpu.memory_space<vmem>>
        %dma_wait3A_280 = tpu.memref_squeeze %dma_wait3A_279 : memref<1x64x128xf32, #tpu.memory_space<vmem>> -> memref<64x128xf32, #tpu.memory_space<vmem>>
        %dma_wait3A_281 = arith.constant 0 : i32
        %dma_wait3A_282 = arith.constant 0 : i32
        %dma_wait3A_283 = tpu.memref_slice %arg10[%dma_wait3A_281, %dma_wait3A_282] : memref<10240x128xf32, #tpu.memory_space<vmem_shared>> -> memref<64x128xf32, #tpu.memory_space<vmem_shared>>
        %dma_wait3A_284 = arith.constant 0 : i32
        %dma_wait3A_285 = arith.constant 0 : i32
        %dma_wait3A_286 = tpu.memref_slice %arg10[%dma_wait3A_284, %dma_wait3A_285] : memref<10240x128xf32, #tpu.memory_space<vmem_shared>> -> memref<64x128xf32, #tpu.memory_space<vmem_shared>>
        %dma_wait3A_287 = arith.constant 0 : i32
        %dma_wait3A_288 = arith.constant 0 : i32
        %dma_wait3A_289 = tpu.memref_slice %arg9[%dma_wait3A_276, %dma_wait3A_287, %dma_wait3A_288] : memref<4x64x128xf32, #tpu.memory_space<vmem>> -> memref<1x64x128xf32, #tpu.memory_space<vmem>>
        %dma_wait3A_290 = tpu.memref_squeeze %dma_wait3A_289 : memref<1x64x128xf32, #tpu.memory_space<vmem>> -> memref<64x128xf32, #tpu.memory_space<vmem>>
        tpu.wait_dma2 semaphore(%arg18 : memref<!tpu.dma_semaphore, #tpu.memory_space<semaphore_mem>>) src(%dma_wait3A_290 : memref<64x128xf32, #tpu.memory_space<vmem>>) dst(%dma_wait3A_286 : memref<64x128xf32, #tpu.memory_space<vmem_shared>>)
        %mul3A_291 = arith.constant 4 : i32
        %mul3A_292 = arith.muli %mul3A_291, %scan3A_91 : i32
        %add3A_293 = arith.constant 3 : i32
        %add3A_294 = arith.addi %mul3A_292, %add3A_293 : i32
        %add3A_295 = arith.constant 4 : i32
        %add3A_296 = arith.addi %add3A_294, %add3A_295 : i32
        %lt3A_297 = arith.constant 40 : i32
        %lt3A_298 = arith.cmpi slt, %add3A_296, %lt3A_297 : i32
        %convert_element_type3A_299 = arith.extui %lt3A_298 : i1 to i32
        %cond3A_300 = arith.constant 0 : i32
        %cond3A_301 = arith.cmpi ne, %convert_element_type3A_299, %cond3A_300 : i32
        scf.if %cond3A_301 {
          %mul3A_302 = arith.constant 4 : i32
          %mul3A_303 = arith.muli %mul3A_302, %scan3A_91 : i32
          %add3A_304 = arith.constant 3 : i32
          %add3A_305 = arith.addi %mul3A_303, %add3A_304 : i32
          %add3A_306 = arith.constant 4 : i32
          %add3A_307 = arith.addi %add3A_305, %add3A_306 : i32
          %dma_start3A_308 = arith.constant 3 : i32
          %dma_start3A_309 = arith.constant 0 : i32
          %dma_start3A_310 = arith.constant 0 : i32
          %dma_start3A_311 = tpu.memref_slice %arg9[%dma_start3A_308, %dma_start3A_309, %dma_start3A_310] : memref<4x64x128xf32, #tpu.memory_space<vmem>> -> memref<1x64x128xf32, #tpu.memory_space<vmem>>
          %dma_start3A_312 = tpu.memref_squeeze %dma_start3A_311 : memref<1x64x128xf32, #tpu.memory_space<vmem>> -> memref<64x128xf32, #tpu.memory_space<vmem>>
          %dma_start3A_313 = arith.constant 0 : i32
          %dma_start3A_314 = tpu.memref_slice %arg7[%add3A_307, %dma_start3A_313] : memref<40x64xi32, #tpu.memory_space<vmem>> -> memref<1x64xi32, #tpu.memory_space<vmem>>
          %dma_start3A_315 = tpu.memref_squeeze %dma_start3A_314 : memref<1x64xi32, #tpu.memory_space<vmem>> -> memref<64xi32, #tpu.memory_space<vmem>>
          %dma_start3A_316 = arith.constant 0 : i32
          %dma_start3A_317 = arith.constant 0 : i32
          %dma_start3A_318 = tpu.memref_slice %arg2[%dma_start3A_316, %dma_start3A_317] : memref<10000x128xf32, #tpu.memory_space<hbm>> -> memref<10000x128xf32, #tpu.memory_space<hbm>>
          tpu.enqueue_indirect_dma source(%dma_start3A_318 : memref<10000x128xf32, #tpu.memory_space<hbm>>) target(%dma_start3A_312 : memref<64x128xf32, #tpu.memory_space<vmem>>) offsets(%dma_start3A_315 : memref<64xi32, #tpu.memory_space<vmem>>) semaphore(%arg14 : memref<!tpu.dma_semaphore, #tpu.memory_space<semaphore_mem>>)
        } else {
        }
      }
      %scan3A_90 = arith.constant 10 : i32
    } else {
    }
    %gt3A_20 = arith.constant 3 : i32
    %gt3A_21 = arith.cmpi sgt, %select_n3A_7, %gt3A_20 : i32
    %convert_element_type3A_22 = arith.extui %gt3A_21 : i1 to i32
    %cond3A_23 = arith.constant 0 : i32
    %cond3A_24 = arith.cmpi ne, %convert_element_type3A_22, %cond3A_23 : i32
    scf.if %cond3A_24 {
      %add3A = arith.constant 3 : i32
      %add3A_36 = arith.addi %select_n3A, %add3A : i32
      %mul3A_37 = arith.constant 40 : i32
      %mul3A_38 = arith.muli %add3A_36, %mul3A_37 : i32
      "tpu.region"() ({
        %run_scoped3A = tpu.sem_alloc : memref<!tpu.dma_semaphore, #tpu.memory_space<semaphore_mem>>
        %dma_start3A_91 = arith.constant 0 : i32
        %dma_start3A_92 = tpu.memref_slice %arg3[%arg1, %mul3A_38, %dma_start3A_91] : memref<16x320x64xi32, #tpu.memory_space<hbm>> -> memref<1x40x64xi32, #tpu.memory_space<hbm>>
        %dma_start3A_93 = tpu.memref_squeeze %dma_start3A_92 : memref<1x40x64xi32, #tpu.memory_space<hbm>> -> memref<40x64xi32, #tpu.memory_space<hbm>>
        %dma_start3A_94 = arith.constant 0 : i32
        %dma_start3A_95 = tpu.memref_slice %arg3[%arg1, %mul3A_38, %dma_start3A_94] : memref<16x320x64xi32, #tpu.memory_space<hbm>> -> memref<1x40x64xi32, #tpu.memory_space<hbm>>
        %dma_start3A_96 = tpu.memref_squeeze %dma_start3A_95 : memref<1x40x64xi32, #tpu.memory_space<hbm>> -> memref<40x64xi32, #tpu.memory_space<hbm>>
        tpu.enqueue_dma source(%dma_start3A_96 : memref<40x64xi32, #tpu.memory_space<hbm>>) target(%arg7 : memref<40x64xi32, #tpu.memory_space<vmem>>) target_semaphore(%run_scoped3A : memref<!tpu.dma_semaphore, #tpu.memory_space<semaphore_mem>>)
        %dma_wait3A = arith.constant 0 : i32
        %dma_wait3A_97 = tpu.memref_slice %arg3[%arg1, %mul3A_38, %dma_wait3A] : memref<16x320x64xi32, #tpu.memory_space<hbm>> -> memref<1x40x64xi32, #tpu.memory_space<hbm>>
        %dma_wait3A_98 = tpu.memref_squeeze %dma_wait3A_97 : memref<1x40x64xi32, #tpu.memory_space<hbm>> -> memref<40x64xi32, #tpu.memory_space<hbm>>
        %dma_wait3A_99 = arith.constant 0 : i32
        %dma_wait3A_100 = tpu.memref_slice %arg3[%arg1, %mul3A_38, %dma_wait3A_99] : memref<16x320x64xi32, #tpu.memory_space<hbm>> -> memref<1x40x64xi32, #tpu.memory_space<hbm>>
        %dma_wait3A_101 = tpu.memref_squeeze %dma_wait3A_100 : memref<1x40x64xi32, #tpu.memory_space<hbm>> -> memref<40x64xi32, #tpu.memory_space<hbm>>
        tpu.wait_dma2 semaphore(%run_scoped3A : memref<!tpu.dma_semaphore, #tpu.memory_space<semaphore_mem>>) src(%dma_wait3A_101 : memref<40x64xi32, #tpu.memory_space<hbm>>) dst(%arg7 : memref<40x64xi32, #tpu.memory_space<vmem>>)
        tpu.yield
      }) : () -> ()
      "tpu.region"() ({
        %run_scoped3A = tpu.sem_alloc : memref<!tpu.dma_semaphore, #tpu.memory_space<semaphore_mem>>
        %dma_start3A_91 = arith.constant 0 : i32
        %dma_start3A_92 = tpu.memref_slice %arg4[%arg1, %mul3A_38, %dma_start3A_91] : memref<16x320x64xi32, #tpu.memory_space<hbm>> -> memref<1x40x64xi32, #tpu.memory_space<hbm>>
        %dma_start3A_93 = tpu.memref_squeeze %dma_start3A_92 : memref<1x40x64xi32, #tpu.memory_space<hbm>> -> memref<40x64xi32, #tpu.memory_space<hbm>>
        %dma_start3A_94 = arith.constant 0 : i32
        %dma_start3A_95 = tpu.memref_slice %arg4[%arg1, %mul3A_38, %dma_start3A_94] : memref<16x320x64xi32, #tpu.memory_space<hbm>> -> memref<1x40x64xi32, #tpu.memory_space<hbm>>
        %dma_start3A_96 = tpu.memref_squeeze %dma_start3A_95 : memref<1x40x64xi32, #tpu.memory_space<hbm>> -> memref<40x64xi32, #tpu.memory_space<hbm>>
        tpu.enqueue_dma source(%dma_start3A_96 : memref<40x64xi32, #tpu.memory_space<hbm>>) target(%arg8 : memref<40x64xi32, #tpu.memory_space<vmem>>) target_semaphore(%run_scoped3A : memref<!tpu.dma_semaphore, #tpu.memory_space<semaphore_mem>>)
        %dma_wait3A = arith.constant 0 : i32
        %dma_wait3A_97 = tpu.memref_slice %arg4[%arg1, %mul3A_38, %dma_wait3A] : memref<16x320x64xi32, #tpu.memory_space<hbm>> -> memref<1x40x64xi32, #tpu.memory_space<hbm>>
        %dma_wait3A_98 = tpu.memref_squeeze %dma_wait3A_97 : memref<1x40x64xi32, #tpu.memory_space<hbm>> -> memref<40x64xi32, #tpu.memory_space<hbm>>
        %dma_wait3A_99 = arith.constant 0 : i32
        %dma_wait3A_100 = tpu.memref_slice %arg4[%arg1, %mul3A_38, %dma_wait3A_99] : memref<16x320x64xi32, #tpu.memory_space<hbm>> -> memref<1x40x64xi32, #tpu.memory_space<hbm>>
        %dma_wait3A_101 = tpu.memref_squeeze %dma_wait3A_100 : memref<1x40x64xi32, #tpu.memory_space<hbm>> -> memref<40x64xi32, #tpu.memory_space<hbm>>
        tpu.wait_dma2 semaphore(%run_scoped3A : memref<!tpu.dma_semaphore, #tpu.memory_space<semaphore_mem>>) src(%dma_wait3A_101 : memref<40x64xi32, #tpu.memory_space<hbm>>) dst(%arg8 : memref<40x64xi32, #tpu.memory_space<vmem>>)
        tpu.yield
      }) : () -> ()
      %dma_start3A = arith.constant 0 : i32
      %dma_start3A_39 = arith.constant 0 : i32
      %dma_start3A_40 = arith.constant 0 : i32
      %dma_start3A_41 = arith.constant 0 : i32
      %dma_start3A_42 = tpu.memref_slice %arg9[%dma_start3A_39, %dma_start3A_40, %dma_start3A_41] : memref<4x64x128xf32, #tpu.memory_space<vmem>> -> memref<1x64x128xf32, #tpu.memory_space<vmem>>
      %dma_start3A_43 = tpu.memref_squeeze %dma_start3A_42 : memref<1x64x128xf32, #tpu.memory_space<vmem>> -> memref<64x128xf32, #tpu.memory_space<vmem>>
      %dma_start3A_44 = arith.constant 0 : i32
      %dma_start3A_45 = tpu.memref_slice %arg7[%dma_start3A, %dma_start3A_44] : memref<40x64xi32, #tpu.memory_space<vmem>> -> memref<1x64xi32, #tpu.memory_space<vmem>>
      %dma_start3A_46 = tpu.memref_squeeze %dma_start3A_45 : memref<1x64xi32, #tpu.memory_space<vmem>> -> memref<64xi32, #tpu.memory_space<vmem>>
      %dma_start3A_47 = arith.constant 0 : i32
      %dma_start3A_48 = arith.constant 0 : i32
      %dma_start3A_49 = tpu.memref_slice %arg2[%dma_start3A_47, %dma_start3A_48] : memref<10000x128xf32, #tpu.memory_space<hbm>> -> memref<10000x128xf32, #tpu.memory_space<hbm>>
      tpu.enqueue_indirect_dma source(%dma_start3A_49 : memref<10000x128xf32, #tpu.memory_space<hbm>>) target(%dma_start3A_43 : memref<64x128xf32, #tpu.memory_space<vmem>>) offsets(%dma_start3A_46 : memref<64xi32, #tpu.memory_space<vmem>>) semaphore(%arg11 : memref<!tpu.dma_semaphore, #tpu.memory_space<semaphore_mem>>)
      %dma_start3A_50 = arith.constant 1 : i32
      %dma_start3A_51 = arith.constant 1 : i32
      %dma_start3A_52 = arith.constant 0 : i32
      %dma_start3A_53 = arith.constant 0 : i32
      %dma_start3A_54 = tpu.memref_slice %arg9[%dma_start3A_51, %dma_start3A_52, %dma_start3A_53] : memref<4x64x128xf32, #tpu.memory_space<vmem>> -> memref<1x64x128xf32, #tpu.memory_space<vmem>>
      %dma_start3A_55 = tpu.memref_squeeze %dma_start3A_54 : memref<1x64x128xf32, #tpu.memory_space<vmem>> -> memref<64x128xf32, #tpu.memory_space<vmem>>
      %dma_start3A_56 = arith.constant 0 : i32
      %dma_start3A_57 = tpu.memref_slice %arg7[%dma_start3A_50, %dma_start3A_56] : memref<40x64xi32, #tpu.memory_space<vmem>> -> memref<1x64xi32, #tpu.memory_space<vmem>>
      %dma_start3A_58 = tpu.memref_squeeze %dma_start3A_57 : memref<1x64xi32, #tpu.memory_space<vmem>> -> memref<64xi32, #tpu.memory_space<vmem>>
      %dma_start3A_59 = arith.constant 0 : i32
      %dma_start3A_60 = arith.constant 0 : i32
      %dma_start3A_61 = tpu.memref_slice %arg2[%dma_start3A_59, %dma_start3A_60] : memref<10000x128xf32, #tpu.memory_space<hbm>> -> memref<10000x128xf32, #tpu.memory_space<hbm>>
      tpu.enqueue_indirect_dma source(%dma_start3A_61 : memref<10000x128xf32, #tpu.memory_space<hbm>>) target(%dma_start3A_55 : memref<64x128xf32, #tpu.memory_space<vmem>>) offsets(%dma_start3A_58 : memref<64xi32, #tpu.memory_space<vmem>>) semaphore(%arg12 : memref<!tpu.dma_semaphore, #tpu.memory_space<semaphore_mem>>)
      %dma_start3A_62 = arith.constant 2 : i32
      %dma_start3A_63 = arith.constant 2 : i32
      %dma_start3A_64 = arith.constant 0 : i32
      %dma_start3A_65 = arith.constant 0 : i32
      %dma_start3A_66 = tpu.memref_slice %arg9[%dma_start3A_63, %dma_start3A_64, %dma_start3A_65] : memref<4x64x128xf32, #tpu.memory_space<vmem>> -> memref<1x64x128xf32, #tpu.memory_space<vmem>>
      %dma_start3A_67 = tpu.memref_squeeze %dma_start3A_66 : memref<1x64x128xf32, #tpu.memory_space<vmem>> -> memref<64x128xf32, #tpu.memory_space<vmem>>
      %dma_start3A_68 = arith.constant 0 : i32
      %dma_start3A_69 = tpu.memref_slice %arg7[%dma_start3A_62, %dma_start3A_68] : memref<40x64xi32, #tpu.memory_space<vmem>> -> memref<1x64xi32, #tpu.memory_space<vmem>>
      %dma_start3A_70 = tpu.memref_squeeze %dma_start3A_69 : memref<1x64xi32, #tpu.memory_space<vmem>> -> memref<64xi32, #tpu.memory_space<vmem>>
      %dma_start3A_71 = arith.constant 0 : i32
      %dma_start3A_72 = arith.constant 0 : i32
      %dma_start3A_73 = tpu.memref_slice %arg2[%dma_start3A_71, %dma_start3A_72] : memref<10000x128xf32, #tpu.memory_space<hbm>> -> memref<10000x128xf32, #tpu.memory_space<hbm>>
      tpu.enqueue_indirect_dma source(%dma_start3A_73 : memref<10000x128xf32, #tpu.memory_space<hbm>>) target(%dma_start3A_67 : memref<64x128xf32, #tpu.memory_space<vmem>>) offsets(%dma_start3A_70 : memref<64xi32, #tpu.memory_space<vmem>>) semaphore(%arg13 : memref<!tpu.dma_semaphore, #tpu.memory_space<semaphore_mem>>)
      %dma_start3A_74 = arith.constant 3 : i32
      %dma_start3A_75 = arith.constant 3 : i32
      %dma_start3A_76 = arith.constant 0 : i32
      %dma_start3A_77 = arith.constant 0 : i32
      %dma_start3A_78 = tpu.memref_slice %arg9[%dma_start3A_75, %dma_start3A_76, %dma_start3A_77] : memref<4x64x128xf32, #tpu.memory_space<vmem>> -> memref<1x64x128xf32, #tpu.memory_space<vmem>>
      %dma_start3A_79 = tpu.memref_squeeze %dma_start3A_78 : memref<1x64x128xf32, #tpu.memory_space<vmem>> -> memref<64x128xf32, #tpu.memory_space<vmem>>
      %dma_start3A_80 = arith.constant 0 : i32
      %dma_start3A_81 = tpu.memref_slice %arg7[%dma_start3A_74, %dma_start3A_80] : memref<40x64xi32, #tpu.memory_space<vmem>> -> memref<1x64xi32, #tpu.memory_space<vmem>>
      %dma_start3A_82 = tpu.memref_squeeze %dma_start3A_81 : memref<1x64xi32, #tpu.memory_space<vmem>> -> memref<64xi32, #tpu.memory_space<vmem>>
      %dma_start3A_83 = arith.constant 0 : i32
      %dma_start3A_84 = arith.constant 0 : i32
      %dma_start3A_85 = tpu.memref_slice %arg2[%dma_start3A_83, %dma_start3A_84] : memref<10000x128xf32, #tpu.memory_space<hbm>> -> memref<10000x128xf32, #tpu.memory_space<hbm>>
      tpu.enqueue_indirect_dma source(%dma_start3A_85 : memref<10000x128xf32, #tpu.memory_space<hbm>>) target(%dma_start3A_79 : memref<64x128xf32, #tpu.memory_space<vmem>>) offsets(%dma_start3A_82 : memref<64xi32, #tpu.memory_space<vmem>>) semaphore(%arg14 : memref<!tpu.dma_semaphore, #tpu.memory_space<semaphore_mem>>)
      %scan3A = arith.constant 0 : i32
      %scan3A_86 = arith.constant 0 : i32
      %scan3A_87 = arith.constant 10 : i32
      %scan3A_88 = arith.addi %scan3A_86, %scan3A_87 : i32
      %scan3A_89 = arith.constant 1 : i32
      scf.for %scan3A_91 = %scan3A_86 to %scan3A_88 step %scan3A_89  : i32 {
        %dma_wait3A = arith.constant 0 : i32
        %dma_wait3A_92 = arith.constant 0 : i32
        %dma_wait3A_93 = arith.constant 0 : i32
        %dma_wait3A_94 = arith.constant 0 : i32
        %dma_wait3A_95 = tpu.memref_slice %arg9[%dma_wait3A_92, %dma_wait3A_93, %dma_wait3A_94] : memref<4x64x128xf32, #tpu.memory_space<vmem>> -> memref<1x64x128xf32, #tpu.memory_space<vmem>>
        %dma_wait3A_96 = tpu.memref_squeeze %dma_wait3A_95 : memref<1x64x128xf32, #tpu.memory_space<vmem>> -> memref<64x128xf32, #tpu.memory_space<vmem>>
        %dma_wait3A_97 = arith.constant 0 : i32
        %dma_wait3A_98 = tpu.memref_slice %arg7[%dma_wait3A, %dma_wait3A_97] : memref<40x64xi32, #tpu.memory_space<vmem>> -> memref<1x64xi32, #tpu.memory_space<vmem>>
        %dma_wait3A_99 = tpu.memref_squeeze %dma_wait3A_98 : memref<1x64xi32, #tpu.memory_space<vmem>> -> memref<64xi32, #tpu.memory_space<vmem>>
        %dma_wait3A_100 = arith.constant 0 : i32
        %dma_wait3A_101 = arith.constant 0 : i32
        %dma_wait3A_102 = tpu.memref_slice %arg2[%dma_wait3A_100, %dma_wait3A_101] : memref<10000x128xf32, #tpu.memory_space<hbm>> -> memref<10000x128xf32, #tpu.memory_space<hbm>>
        tpu.wait_indirect_dma semaphore(%arg11 : memref<!tpu.dma_semaphore, #tpu.memory_space<semaphore_mem>>) src(%dma_wait3A_102 : memref<10000x128xf32, #tpu.memory_space<hbm>>) dst(%dma_wait3A_96 : memref<64x128xf32, #tpu.memory_space<vmem>>)
        %mul3A_103 = arith.constant 4 : i32
        %mul3A_104 = arith.muli %mul3A_103, %scan3A_91 : i32
        %add3A_105 = arith.constant 0 : i32
        %add3A_106 = arith.addi %mul3A_104, %add3A_105 : i32
        %dma_start3A_107 = arith.constant 0 : i32
        %dma_start3A_108 = arith.constant 0 : i32
        %dma_start3A_109 = arith.constant 0 : i32
        %dma_start3A_110 = tpu.memref_slice %arg9[%dma_start3A_107, %dma_start3A_108, %dma_start3A_109] : memref<4x64x128xf32, #tpu.memory_space<vmem>> -> memref<1x64x128xf32, #tpu.memory_space<vmem>>
        %dma_start3A_111 = tpu.memref_squeeze %dma_start3A_110 : memref<1x64x128xf32, #tpu.memory_space<vmem>> -> memref<64x128xf32, #tpu.memory_space<vmem>>
        %dma_start3A_112 = arith.constant 0 : i32
        %dma_start3A_113 = tpu.memref_slice %arg8[%add3A_106, %dma_start3A_112] : memref<40x64xi32, #tpu.memory_space<vmem>> -> memref<1x64xi32, #tpu.memory_space<vmem>>
        %dma_start3A_114 = tpu.memref_squeeze %dma_start3A_113 : memref<1x64xi32, #tpu.memory_space<vmem>> -> memref<64xi32, #tpu.memory_space<vmem>>
        %dma_start3A_115 = arith.constant 0 : i32
        %dma_start3A_116 = arith.constant 0 : i32
        %dma_start3A_117 = tpu.memref_slice %arg10[%dma_start3A_115, %dma_start3A_116] : memref<10240x128xf32, #tpu.memory_space<vmem_shared>> -> memref<10240x128xf32, #tpu.memory_space<vmem_shared>>
        tpu.enqueue_indirect_dma source(%dma_start3A_111 : memref<64x128xf32, #tpu.memory_space<vmem>>) target(%dma_start3A_117 : memref<10240x128xf32, #tpu.memory_space<vmem_shared>>) offsets(%dma_start3A_114 : memref<64xi32, #tpu.memory_space<vmem>>) semaphore(%arg15 : memref<!tpu.dma_semaphore, #tpu.memory_space<semaphore_mem>>) {add = true}
        %dma_wait3A_118 = arith.constant 0 : i32
        %dma_wait3A_119 = arith.constant 1 : i32
        %dma_wait3A_120 = arith.constant 0 : i32
        %dma_wait3A_121 = arith.constant 0 : i32
        %dma_wait3A_122 = tpu.memref_slice %arg9[%dma_wait3A_119, %dma_wait3A_120, %dma_wait3A_121] : memref<4x64x128xf32, #tpu.memory_space<vmem>> -> memref<1x64x128xf32, #tpu.memory_space<vmem>>
        %dma_wait3A_123 = tpu.memref_squeeze %dma_wait3A_122 : memref<1x64x128xf32, #tpu.memory_space<vmem>> -> memref<64x128xf32, #tpu.memory_space<vmem>>
        %dma_wait3A_124 = arith.constant 0 : i32
        %dma_wait3A_125 = tpu.memref_slice %arg7[%dma_wait3A_118, %dma_wait3A_124] : memref<40x64xi32, #tpu.memory_space<vmem>> -> memref<1x64xi32, #tpu.memory_space<vmem>>
        %dma_wait3A_126 = tpu.memref_squeeze %dma_wait3A_125 : memref<1x64xi32, #tpu.memory_space<vmem>> -> memref<64xi32, #tpu.memory_space<vmem>>
        %dma_wait3A_127 = arith.constant 0 : i32
        %dma_wait3A_128 = arith.constant 0 : i32
        %dma_wait3A_129 = tpu.memref_slice %arg2[%dma_wait3A_127, %dma_wait3A_128] : memref<10000x128xf32, #tpu.memory_space<hbm>> -> memref<10000x128xf32, #tpu.memory_space<hbm>>
        tpu.wait_indirect_dma semaphore(%arg12 : memref<!tpu.dma_semaphore, #tpu.memory_space<semaphore_mem>>) src(%dma_wait3A_129 : memref<10000x128xf32, #tpu.memory_space<hbm>>) dst(%dma_wait3A_123 : memref<64x128xf32, #tpu.memory_space<vmem>>)
        %mul3A_130 = arith.constant 4 : i32
        %mul3A_131 = arith.muli %mul3A_130, %scan3A_91 : i32
        %add3A_132 = arith.constant 1 : i32
        %add3A_133 = arith.addi %mul3A_131, %add3A_132 : i32
        %dma_start3A_134 = arith.constant 1 : i32
        %dma_start3A_135 = arith.constant 0 : i32
        %dma_start3A_136 = arith.constant 0 : i32
        %dma_start3A_137 = tpu.memref_slice %arg9[%dma_start3A_134, %dma_start3A_135, %dma_start3A_136] : memref<4x64x128xf32, #tpu.memory_space<vmem>> -> memref<1x64x128xf32, #tpu.memory_space<vmem>>
        %dma_start3A_138 = tpu.memref_squeeze %dma_start3A_137 : memref<1x64x128xf32, #tpu.memory_space<vmem>> -> memref<64x128xf32, #tpu.memory_space<vmem>>
        %dma_start3A_139 = arith.constant 0 : i32
        %dma_start3A_140 = tpu.memref_slice %arg8[%add3A_133, %dma_start3A_139] : memref<40x64xi32, #tpu.memory_space<vmem>> -> memref<1x64xi32, #tpu.memory_space<vmem>>
        %dma_start3A_141 = tpu.memref_squeeze %dma_start3A_140 : memref<1x64xi32, #tpu.memory_space<vmem>> -> memref<64xi32, #tpu.memory_space<vmem>>
        %dma_start3A_142 = arith.constant 0 : i32
        %dma_start3A_143 = arith.constant 0 : i32
        %dma_start3A_144 = tpu.memref_slice %arg10[%dma_start3A_142, %dma_start3A_143] : memref<10240x128xf32, #tpu.memory_space<vmem_shared>> -> memref<10240x128xf32, #tpu.memory_space<vmem_shared>>
        tpu.enqueue_indirect_dma source(%dma_start3A_138 : memref<64x128xf32, #tpu.memory_space<vmem>>) target(%dma_start3A_144 : memref<10240x128xf32, #tpu.memory_space<vmem_shared>>) offsets(%dma_start3A_141 : memref<64xi32, #tpu.memory_space<vmem>>) semaphore(%arg16 : memref<!tpu.dma_semaphore, #tpu.memory_space<semaphore_mem>>) {add = true}
        %dma_wait3A_145 = arith.constant 0 : i32
        %dma_wait3A_146 = arith.constant 2 : i32
        %dma_wait3A_147 = arith.constant 0 : i32
        %dma_wait3A_148 = arith.constant 0 : i32
        %dma_wait3A_149 = tpu.memref_slice %arg9[%dma_wait3A_146, %dma_wait3A_147, %dma_wait3A_148] : memref<4x64x128xf32, #tpu.memory_space<vmem>> -> memref<1x64x128xf32, #tpu.memory_space<vmem>>
        %dma_wait3A_150 = tpu.memref_squeeze %dma_wait3A_149 : memref<1x64x128xf32, #tpu.memory_space<vmem>> -> memref<64x128xf32, #tpu.memory_space<vmem>>
        %dma_wait3A_151 = arith.constant 0 : i32
        %dma_wait3A_152 = tpu.memref_slice %arg7[%dma_wait3A_145, %dma_wait3A_151] : memref<40x64xi32, #tpu.memory_space<vmem>> -> memref<1x64xi32, #tpu.memory_space<vmem>>
        %dma_wait3A_153 = tpu.memref_squeeze %dma_wait3A_152 : memref<1x64xi32, #tpu.memory_space<vmem>> -> memref<64xi32, #tpu.memory_space<vmem>>
        %dma_wait3A_154 = arith.constant 0 : i32
        %dma_wait3A_155 = arith.constant 0 : i32
        %dma_wait3A_156 = tpu.memref_slice %arg2[%dma_wait3A_154, %dma_wait3A_155] : memref<10000x128xf32, #tpu.memory_space<hbm>> -> memref<10000x128xf32, #tpu.memory_space<hbm>>
        tpu.wait_indirect_dma semaphore(%arg13 : memref<!tpu.dma_semaphore, #tpu.memory_space<semaphore_mem>>) src(%dma_wait3A_156 : memref<10000x128xf32, #tpu.memory_space<hbm>>) dst(%dma_wait3A_150 : memref<64x128xf32, #tpu.memory_space<vmem>>)
        %mul3A_157 = arith.constant 4 : i32
        %mul3A_158 = arith.muli %mul3A_157, %scan3A_91 : i32
        %add3A_159 = arith.constant 2 : i32
        %add3A_160 = arith.addi %mul3A_158, %add3A_159 : i32
        %dma_start3A_161 = arith.constant 2 : i32
        %dma_start3A_162 = arith.constant 0 : i32
        %dma_start3A_163 = arith.constant 0 : i32
        %dma_start3A_164 = tpu.memref_slice %arg9[%dma_start3A_161, %dma_start3A_162, %dma_start3A_163] : memref<4x64x128xf32, #tpu.memory_space<vmem>> -> memref<1x64x128xf32, #tpu.memory_space<vmem>>
        %dma_start3A_165 = tpu.memref_squeeze %dma_start3A_164 : memref<1x64x128xf32, #tpu.memory_space<vmem>> -> memref<64x128xf32, #tpu.memory_space<vmem>>
        %dma_start3A_166 = arith.constant 0 : i32
        %dma_start3A_167 = tpu.memref_slice %arg8[%add3A_160, %dma_start3A_166] : memref<40x64xi32, #tpu.memory_space<vmem>> -> memref<1x64xi32, #tpu.memory_space<vmem>>
        %dma_start3A_168 = tpu.memref_squeeze %dma_start3A_167 : memref<1x64xi32, #tpu.memory_space<vmem>> -> memref<64xi32, #tpu.memory_space<vmem>>
        %dma_start3A_169 = arith.constant 0 : i32
        %dma_start3A_170 = arith.constant 0 : i32
        %dma_start3A_171 = tpu.memref_slice %arg10[%dma_start3A_169, %dma_start3A_170] : memref<10240x128xf32, #tpu.memory_space<vmem_shared>> -> memref<10240x128xf32, #tpu.memory_space<vmem_shared>>
        tpu.enqueue_indirect_dma source(%dma_start3A_165 : memref<64x128xf32, #tpu.memory_space<vmem>>) target(%dma_start3A_171 : memref<10240x128xf32, #tpu.memory_space<vmem_shared>>) offsets(%dma_start3A_168 : memref<64xi32, #tpu.memory_space<vmem>>) semaphore(%arg17 : memref<!tpu.dma_semaphore, #tpu.memory_space<semaphore_mem>>) {add = true}
        %dma_wait3A_172 = arith.constant 0 : i32
        %dma_wait3A_173 = arith.constant 3 : i32
        %dma_wait3A_174 = arith.constant 0 : i32
        %dma_wait3A_175 = arith.constant 0 : i32
        %dma_wait3A_176 = tpu.memref_slice %arg9[%dma_wait3A_173, %dma_wait3A_174, %dma_wait3A_175] : memref<4x64x128xf32, #tpu.memory_space<vmem>> -> memref<1x64x128xf32, #tpu.memory_space<vmem>>
        %dma_wait3A_177 = tpu.memref_squeeze %dma_wait3A_176 : memref<1x64x128xf32, #tpu.memory_space<vmem>> -> memref<64x128xf32, #tpu.memory_space<vmem>>
        %dma_wait3A_178 = arith.constant 0 : i32
        %dma_wait3A_179 = tpu.memref_slice %arg7[%dma_wait3A_172, %dma_wait3A_178] : memref<40x64xi32, #tpu.memory_space<vmem>> -> memref<1x64xi32, #tpu.memory_space<vmem>>
        %dma_wait3A_180 = tpu.memref_squeeze %dma_wait3A_179 : memref<1x64xi32, #tpu.memory_space<vmem>> -> memref<64xi32, #tpu.memory_space<vmem>>
        %dma_wait3A_181 = arith.constant 0 : i32
        %dma_wait3A_182 = arith.constant 0 : i32
        %dma_wait3A_183 = tpu.memref_slice %arg2[%dma_wait3A_181, %dma_wait3A_182] : memref<10000x128xf32, #tpu.memory_space<hbm>> -> memref<10000x128xf32, #tpu.memory_space<hbm>>
        tpu.wait_indirect_dma semaphore(%arg14 : memref<!tpu.dma_semaphore, #tpu.memory_space<semaphore_mem>>) src(%dma_wait3A_183 : memref<10000x128xf32, #tpu.memory_space<hbm>>) dst(%dma_wait3A_177 : memref<64x128xf32, #tpu.memory_space<vmem>>)
        %mul3A_184 = arith.constant 4 : i32
        %mul3A_185 = arith.muli %mul3A_184, %scan3A_91 : i32
        %add3A_186 = arith.constant 3 : i32
        %add3A_187 = arith.addi %mul3A_185, %add3A_186 : i32
        %dma_start3A_188 = arith.constant 3 : i32
        %dma_start3A_189 = arith.constant 0 : i32
        %dma_start3A_190 = arith.constant 0 : i32
        %dma_start3A_191 = tpu.memref_slice %arg9[%dma_start3A_188, %dma_start3A_189, %dma_start3A_190] : memref<4x64x128xf32, #tpu.memory_space<vmem>> -> memref<1x64x128xf32, #tpu.memory_space<vmem>>
        %dma_start3A_192 = tpu.memref_squeeze %dma_start3A_191 : memref<1x64x128xf32, #tpu.memory_space<vmem>> -> memref<64x128xf32, #tpu.memory_space<vmem>>
        %dma_start3A_193 = arith.constant 0 : i32
        %dma_start3A_194 = tpu.memref_slice %arg8[%add3A_187, %dma_start3A_193] : memref<40x64xi32, #tpu.memory_space<vmem>> -> memref<1x64xi32, #tpu.memory_space<vmem>>
        %dma_start3A_195 = tpu.memref_squeeze %dma_start3A_194 : memref<1x64xi32, #tpu.memory_space<vmem>> -> memref<64xi32, #tpu.memory_space<vmem>>
        %dma_start3A_196 = arith.constant 0 : i32
        %dma_start3A_197 = arith.constant 0 : i32
        %dma_start3A_198 = tpu.memref_slice %arg10[%dma_start3A_196, %dma_start3A_197] : memref<10240x128xf32, #tpu.memory_space<vmem_shared>> -> memref<10240x128xf32, #tpu.memory_space<vmem_shared>>
        tpu.enqueue_indirect_dma source(%dma_start3A_192 : memref<64x128xf32, #tpu.memory_space<vmem>>) target(%dma_start3A_198 : memref<10240x128xf32, #tpu.memory_space<vmem_shared>>) offsets(%dma_start3A_195 : memref<64xi32, #tpu.memory_space<vmem>>) semaphore(%arg18 : memref<!tpu.dma_semaphore, #tpu.memory_space<semaphore_mem>>) {add = true}
        %dma_wait3A_199 = arith.constant 0 : i32
        %dma_wait3A_200 = arith.constant 0 : i32
        %dma_wait3A_201 = arith.constant 0 : i32
        %dma_wait3A_202 = tpu.memref_slice %arg9[%dma_wait3A_199, %dma_wait3A_200, %dma_wait3A_201] : memref<4x64x128xf32, #tpu.memory_space<vmem>> -> memref<1x64x128xf32, #tpu.memory_space<vmem>>
        %dma_wait3A_203 = tpu.memref_squeeze %dma_wait3A_202 : memref<1x64x128xf32, #tpu.memory_space<vmem>> -> memref<64x128xf32, #tpu.memory_space<vmem>>
        %dma_wait3A_204 = arith.constant 0 : i32
        %dma_wait3A_205 = arith.constant 0 : i32
        %dma_wait3A_206 = tpu.memref_slice %arg10[%dma_wait3A_204, %dma_wait3A_205] : memref<10240x128xf32, #tpu.memory_space<vmem_shared>> -> memref<64x128xf32, #tpu.memory_space<vmem_shared>>
        %dma_wait3A_207 = arith.constant 0 : i32
        %dma_wait3A_208 = arith.constant 0 : i32
        %dma_wait3A_209 = tpu.memref_slice %arg10[%dma_wait3A_207, %dma_wait3A_208] : memref<10240x128xf32, #tpu.memory_space<vmem_shared>> -> memref<64x128xf32, #tpu.memory_space<vmem_shared>>
        %dma_wait3A_210 = arith.constant 0 : i32
        %dma_wait3A_211 = arith.constant 0 : i32
        %dma_wait3A_212 = tpu.memref_slice %arg9[%dma_wait3A_199, %dma_wait3A_210, %dma_wait3A_211] : memref<4x64x128xf32, #tpu.memory_space<vmem>> -> memref<1x64x128xf32, #tpu.memory_space<vmem>>
        %dma_wait3A_213 = tpu.memref_squeeze %dma_wait3A_212 : memref<1x64x128xf32, #tpu.memory_space<vmem>> -> memref<64x128xf32, #tpu.memory_space<vmem>>
        tpu.wait_dma2 semaphore(%arg15 : memref<!tpu.dma_semaphore, #tpu.memory_space<semaphore_mem>>) src(%dma_wait3A_213 : memref<64x128xf32, #tpu.memory_space<vmem>>) dst(%dma_wait3A_209 : memref<64x128xf32, #tpu.memory_space<vmem_shared>>)
        %mul3A_214 = arith.constant 4 : i32
        %mul3A_215 = arith.muli %mul3A_214, %scan3A_91 : i32
        %add3A_216 = arith.constant 0 : i32
        %add3A_217 = arith.addi %mul3A_215, %add3A_216 : i32
        %add3A_218 = arith.constant 4 : i32
        %add3A_219 = arith.addi %add3A_217, %add3A_218 : i32
        %lt3A = arith.constant 40 : i32
        %lt3A_220 = arith.cmpi slt, %add3A_219, %lt3A : i32
        %convert_element_type3A_221 = arith.extui %lt3A_220 : i1 to i32
        %cond3A_222 = arith.constant 0 : i32
        %cond3A_223 = arith.cmpi ne, %convert_element_type3A_221, %cond3A_222 : i32
        scf.if %cond3A_223 {
          %mul3A_302 = arith.constant 4 : i32
          %mul3A_303 = arith.muli %mul3A_302, %scan3A_91 : i32
          %add3A_304 = arith.constant 0 : i32
          %add3A_305 = arith.addi %mul3A_303, %add3A_304 : i32
          %add3A_306 = arith.constant 4 : i32
          %add3A_307 = arith.addi %add3A_305, %add3A_306 : i32
          %dma_start3A_308 = arith.constant 0 : i32
          %dma_start3A_309 = arith.constant 0 : i32
          %dma_start3A_310 = arith.constant 0 : i32
          %dma_start3A_311 = tpu.memref_slice %arg9[%dma_start3A_308, %dma_start3A_309, %dma_start3A_310] : memref<4x64x128xf32, #tpu.memory_space<vmem>> -> memref<1x64x128xf32, #tpu.memory_space<vmem>>
          %dma_start3A_312 = tpu.memref_squeeze %dma_start3A_311 : memref<1x64x128xf32, #tpu.memory_space<vmem>> -> memref<64x128xf32, #tpu.memory_space<vmem>>
          %dma_start3A_313 = arith.constant 0 : i32
          %dma_start3A_314 = tpu.memref_slice %arg7[%add3A_307, %dma_start3A_313] : memref<40x64xi32, #tpu.memory_space<vmem>> -> memref<1x64xi32, #tpu.memory_space<vmem>>
          %dma_start3A_315 = tpu.memref_squeeze %dma_start3A_314 : memref<1x64xi32, #tpu.memory_space<vmem>> -> memref<64xi32, #tpu.memory_space<vmem>>
          %dma_start3A_316 = arith.constant 0 : i32
          %dma_start3A_317 = arith.constant 0 : i32
          %dma_start3A_318 = tpu.memref_slice %arg2[%dma_start3A_316, %dma_start3A_317] : memref<10000x128xf32, #tpu.memory_space<hbm>> -> memref<10000x128xf32, #tpu.memory_space<hbm>>
          tpu.enqueue_indirect_dma source(%dma_start3A_318 : memref<10000x128xf32, #tpu.memory_space<hbm>>) target(%dma_start3A_312 : memref<64x128xf32, #tpu.memory_space<vmem>>) offsets(%dma_start3A_315 : memref<64xi32, #tpu.memory_space<vmem>>) semaphore(%arg11 : memref<!tpu.dma_semaphore, #tpu.memory_space<semaphore_mem>>)
        } else {
        }
        %dma_wait3A_224 = arith.constant 1 : i32
        %dma_wait3A_225 = arith.constant 0 : i32
        %dma_wait3A_226 = arith.constant 0 : i32
        %dma_wait3A_227 = tpu.memref_slice %arg9[%dma_wait3A_224, %dma_wait3A_225, %dma_wait3A_226] : memref<4x64x128xf32, #tpu.memory_space<vmem>> -> memref<1x64x128xf32, #tpu.memory_space<vmem>>
        %dma_wait3A_228 = tpu.memref_squeeze %dma_wait3A_227 : memref<1x64x128xf32, #tpu.memory_space<vmem>> -> memref<64x128xf32, #tpu.memory_space<vmem>>
        %dma_wait3A_229 = arith.constant 0 : i32
        %dma_wait3A_230 = arith.constant 0 : i32
        %dma_wait3A_231 = tpu.memref_slice %arg10[%dma_wait3A_229, %dma_wait3A_230] : memref<10240x128xf32, #tpu.memory_space<vmem_shared>> -> memref<64x128xf32, #tpu.memory_space<vmem_shared>>
        %dma_wait3A_232 = arith.constant 0 : i32
        %dma_wait3A_233 = arith.constant 0 : i32
        %dma_wait3A_234 = tpu.memref_slice %arg10[%dma_wait3A_232, %dma_wait3A_233] : memref<10240x128xf32, #tpu.memory_space<vmem_shared>> -> memref<64x128xf32, #tpu.memory_space<vmem_shared>>
        %dma_wait3A_235 = arith.constant 0 : i32
        %dma_wait3A_236 = arith.constant 0 : i32
        %dma_wait3A_237 = tpu.memref_slice %arg9[%dma_wait3A_224, %dma_wait3A_235, %dma_wait3A_236] : memref<4x64x128xf32, #tpu.memory_space<vmem>> -> memref<1x64x128xf32, #tpu.memory_space<vmem>>
        %dma_wait3A_238 = tpu.memref_squeeze %dma_wait3A_237 : memref<1x64x128xf32, #tpu.memory_space<vmem>> -> memref<64x128xf32, #tpu.memory_space<vmem>>
        tpu.wait_dma2 semaphore(%arg16 : memref<!tpu.dma_semaphore, #tpu.memory_space<semaphore_mem>>) src(%dma_wait3A_238 : memref<64x128xf32, #tpu.memory_space<vmem>>) dst(%dma_wait3A_234 : memref<64x128xf32, #tpu.memory_space<vmem_shared>>)
        %mul3A_239 = arith.constant 4 : i32
        %mul3A_240 = arith.muli %mul3A_239, %scan3A_91 : i32
        %add3A_241 = arith.constant 1 : i32
        %add3A_242 = arith.addi %mul3A_240, %add3A_241 : i32
        %add3A_243 = arith.constant 4 : i32
        %add3A_244 = arith.addi %add3A_242, %add3A_243 : i32
        %lt3A_245 = arith.constant 40 : i32
        %lt3A_246 = arith.cmpi slt, %add3A_244, %lt3A_245 : i32
        %convert_element_type3A_247 = arith.extui %lt3A_246 : i1 to i32
        %cond3A_248 = arith.constant 0 : i32
        %cond3A_249 = arith.cmpi ne, %convert_element_type3A_247, %cond3A_248 : i32
        scf.if %cond3A_249 {
          %mul3A_302 = arith.constant 4 : i32
          %mul3A_303 = arith.muli %mul3A_302, %scan3A_91 : i32
          %add3A_304 = arith.constant 1 : i32
          %add3A_305 = arith.addi %mul3A_303, %add3A_304 : i32
          %add3A_306 = arith.constant 4 : i32
          %add3A_307 = arith.addi %add3A_305, %add3A_306 : i32
          %dma_start3A_308 = arith.constant 1 : i32
          %dma_start3A_309 = arith.constant 0 : i32
          %dma_start3A_310 = arith.constant 0 : i32
          %dma_start3A_311 = tpu.memref_slice %arg9[%dma_start3A_308, %dma_start3A_309, %dma_start3A_310] : memref<4x64x128xf32, #tpu.memory_space<vmem>> -> memref<1x64x128xf32, #tpu.memory_space<vmem>>
          %dma_start3A_312 = tpu.memref_squeeze %dma_start3A_311 : memref<1x64x128xf32, #tpu.memory_space<vmem>> -> memref<64x128xf32, #tpu.memory_space<vmem>>
          %dma_start3A_313 = arith.constant 0 : i32
          %dma_start3A_314 = tpu.memref_slice %arg7[%add3A_307, %dma_start3A_313] : memref<40x64xi32, #tpu.memory_space<vmem>> -> memref<1x64xi32, #tpu.memory_space<vmem>>
          %dma_start3A_315 = tpu.memref_squeeze %dma_start3A_314 : memref<1x64xi32, #tpu.memory_space<vmem>> -> memref<64xi32, #tpu.memory_space<vmem>>
          %dma_start3A_316 = arith.constant 0 : i32
          %dma_start3A_317 = arith.constant 0 : i32
          %dma_start3A_318 = tpu.memref_slice %arg2[%dma_start3A_316, %dma_start3A_317] : memref<10000x128xf32, #tpu.memory_space<hbm>> -> memref<10000x128xf32, #tpu.memory_space<hbm>>
          tpu.enqueue_indirect_dma source(%dma_start3A_318 : memref<10000x128xf32, #tpu.memory_space<hbm>>) target(%dma_start3A_312 : memref<64x128xf32, #tpu.memory_space<vmem>>) offsets(%dma_start3A_315 : memref<64xi32, #tpu.memory_space<vmem>>) semaphore(%arg12 : memref<!tpu.dma_semaphore, #tpu.memory_space<semaphore_mem>>)
        } else {
        }
        %dma_wait3A_250 = arith.constant 2 : i32
        %dma_wait3A_251 = arith.constant 0 : i32
        %dma_wait3A_252 = arith.constant 0 : i32
        %dma_wait3A_253 = tpu.memref_slice %arg9[%dma_wait3A_250, %dma_wait3A_251, %dma_wait3A_252] : memref<4x64x128xf32, #tpu.memory_space<vmem>> -> memref<1x64x128xf32, #tpu.memory_space<vmem>>
        %dma_wait3A_254 = tpu.memref_squeeze %dma_wait3A_253 : memref<1x64x128xf32, #tpu.memory_space<vmem>> -> memref<64x128xf32, #tpu.memory_space<vmem>>
        %dma_wait3A_255 = arith.constant 0 : i32
        %dma_wait3A_256 = arith.constant 0 : i32
        %dma_wait3A_257 = tpu.memref_slice %arg10[%dma_wait3A_255, %dma_wait3A_256] : memref<10240x128xf32, #tpu.memory_space<vmem_shared>> -> memref<64x128xf32, #tpu.memory_space<vmem_shared>>
        %dma_wait3A_258 = arith.constant 0 : i32
        %dma_wait3A_259 = arith.constant 0 : i32
        %dma_wait3A_260 = tpu.memref_slice %arg10[%dma_wait3A_258, %dma_wait3A_259] : memref<10240x128xf32, #tpu.memory_space<vmem_shared>> -> memref<64x128xf32, #tpu.memory_space<vmem_shared>>
        %dma_wait3A_261 = arith.constant 0 : i32
        %dma_wait3A_262 = arith.constant 0 : i32
        %dma_wait3A_263 = tpu.memref_slice %arg9[%dma_wait3A_250, %dma_wait3A_261, %dma_wait3A_262] : memref<4x64x128xf32, #tpu.memory_space<vmem>> -> memref<1x64x128xf32, #tpu.memory_space<vmem>>
        %dma_wait3A_264 = tpu.memref_squeeze %dma_wait3A_263 : memref<1x64x128xf32, #tpu.memory_space<vmem>> -> memref<64x128xf32, #tpu.memory_space<vmem>>
        tpu.wait_dma2 semaphore(%arg17 : memref<!tpu.dma_semaphore, #tpu.memory_space<semaphore_mem>>) src(%dma_wait3A_264 : memref<64x128xf32, #tpu.memory_space<vmem>>) dst(%dma_wait3A_260 : memref<64x128xf32, #tpu.memory_space<vmem_shared>>)
        %mul3A_265 = arith.constant 4 : i32
        %mul3A_266 = arith.muli %mul3A_265, %scan3A_91 : i32
        %add3A_267 = arith.constant 2 : i32
        %add3A_268 = arith.addi %mul3A_266, %add3A_267 : i32
        %add3A_269 = arith.constant 4 : i32
        %add3A_270 = arith.addi %add3A_268, %add3A_269 : i32
        %lt3A_271 = arith.constant 40 : i32
        %lt3A_272 = arith.cmpi slt, %add3A_270, %lt3A_271 : i32
        %convert_element_type3A_273 = arith.extui %lt3A_272 : i1 to i32
        %cond3A_274 = arith.constant 0 : i32
        %cond3A_275 = arith.cmpi ne, %convert_element_type3A_273, %cond3A_274 : i32
        scf.if %cond3A_275 {
          %mul3A_302 = arith.constant 4 : i32
          %mul3A_303 = arith.muli %mul3A_302, %scan3A_91 : i32
          %add3A_304 = arith.constant 2 : i32
          %add3A_305 = arith.addi %mul3A_303, %add3A_304 : i32
          %add3A_306 = arith.constant 4 : i32
          %add3A_307 = arith.addi %add3A_305, %add3A_306 : i32
          %dma_start3A_308 = arith.constant 2 : i32
          %dma_start3A_309 = arith.constant 0 : i32
          %dma_start3A_310 = arith.constant 0 : i32
          %dma_start3A_311 = tpu.memref_slice %arg9[%dma_start3A_308, %dma_start3A_309, %dma_start3A_310] : memref<4x64x128xf32, #tpu.memory_space<vmem>> -> memref<1x64x128xf32, #tpu.memory_space<vmem>>
          %dma_start3A_312 = tpu.memref_squeeze %dma_start3A_311 : memref<1x64x128xf32, #tpu.memory_space<vmem>> -> memref<64x128xf32, #tpu.memory_space<vmem>>
          %dma_start3A_313 = arith.constant 0 : i32
          %dma_start3A_314 = tpu.memref_slice %arg7[%add3A_307, %dma_start3A_313] : memref<40x64xi32, #tpu.memory_space<vmem>> -> memref<1x64xi32, #tpu.memory_space<vmem>>
          %dma_start3A_315 = tpu.memref_squeeze %dma_start3A_314 : memref<1x64xi32, #tpu.memory_space<vmem>> -> memref<64xi32, #tpu.memory_space<vmem>>
          %dma_start3A_316 = arith.constant 0 : i32
          %dma_start3A_317 = arith.constant 0 : i32
          %dma_start3A_318 = tpu.memref_slice %arg2[%dma_start3A_316, %dma_start3A_317] : memref<10000x128xf32, #tpu.memory_space<hbm>> -> memref<10000x128xf32, #tpu.memory_space<hbm>>
          tpu.enqueue_indirect_dma source(%dma_start3A_318 : memref<10000x128xf32, #tpu.memory_space<hbm>>) target(%dma_start3A_312 : memref<64x128xf32, #tpu.memory_space<vmem>>) offsets(%dma_start3A_315 : memref<64xi32, #tpu.memory_space<vmem>>) semaphore(%arg13 : memref<!tpu.dma_semaphore, #tpu.memory_space<semaphore_mem>>)
        } else {
        }
        %dma_wait3A_276 = arith.constant 3 : i32
        %dma_wait3A_277 = arith.constant 0 : i32
        %dma_wait3A_278 = arith.constant 0 : i32
        %dma_wait3A_279 = tpu.memref_slice %arg9[%dma_wait3A_276, %dma_wait3A_277, %dma_wait3A_278] : memref<4x64x128xf32, #tpu.memory_space<vmem>> -> memref<1x64x128xf32, #tpu.memory_space<vmem>>
        %dma_wait3A_280 = tpu.memref_squeeze %dma_wait3A_279 : memref<1x64x128xf32, #tpu.memory_space<vmem>> -> memref<64x128xf32, #tpu.memory_space<vmem>>
        %dma_wait3A_281 = arith.constant 0 : i32
        %dma_wait3A_282 = arith.constant 0 : i32
        %dma_wait3A_283 = tpu.memref_slice %arg10[%dma_wait3A_281, %dma_wait3A_282] : memref<10240x128xf32, #tpu.memory_space<vmem_shared>> -> memref<64x128xf32, #tpu.memory_space<vmem_shared>>
        %dma_wait3A_284 = arith.constant 0 : i32
        %dma_wait3A_285 = arith.constant 0 : i32
        %dma_wait3A_286 = tpu.memref_slice %arg10[%dma_wait3A_284, %dma_wait3A_285] : memref<10240x128xf32, #tpu.memory_space<vmem_shared>> -> memref<64x128xf32, #tpu.memory_space<vmem_shared>>
        %dma_wait3A_287 = arith.constant 0 : i32
        %dma_wait3A_288 = arith.constant 0 : i32
        %dma_wait3A_289 = tpu.memref_slice %arg9[%dma_wait3A_276, %dma_wait3A_287, %dma_wait3A_288] : memref<4x64x128xf32, #tpu.memory_space<vmem>> -> memref<1x64x128xf32, #tpu.memory_space<vmem>>
        %dma_wait3A_290 = tpu.memref_squeeze %dma_wait3A_289 : memref<1x64x128xf32, #tpu.memory_space<vmem>> -> memref<64x128xf32, #tpu.memory_space<vmem>>
        tpu.wait_dma2 semaphore(%arg18 : memref<!tpu.dma_semaphore, #tpu.memory_space<semaphore_mem>>) src(%dma_wait3A_290 : memref<64x128xf32, #tpu.memory_space<vmem>>) dst(%dma_wait3A_286 : memref<64x128xf32, #tpu.memory_space<vmem_shared>>)
        %mul3A_291 = arith.constant 4 : i32
        %mul3A_292 = arith.muli %mul3A_291, %scan3A_91 : i32
        %add3A_293 = arith.constant 3 : i32
        %add3A_294 = arith.addi %mul3A_292, %add3A_293 : i32
        %add3A_295 = arith.constant 4 : i32
        %add3A_296 = arith.addi %add3A_294, %add3A_295 : i32
        %lt3A_297 = arith.constant 40 : i32
        %lt3A_298 = arith.cmpi slt, %add3A_296, %lt3A_297 : i32
        %convert_element_type3A_299 = arith.extui %lt3A_298 : i1 to i32
        %cond3A_300 = arith.constant 0 : i32
        %cond3A_301 = arith.cmpi ne, %convert_element_type3A_299, %cond3A_300 : i32
        scf.if %cond3A_301 {
          %mul3A_302 = arith.constant 4 : i32
          %mul3A_303 = arith.muli %mul3A_302, %scan3A_91 : i32
          %add3A_304 = arith.constant 3 : i32
          %add3A_305 = arith.addi %mul3A_303, %add3A_304 : i32
          %add3A_306 = arith.constant 4 : i32
          %add3A_307 = arith.addi %add3A_305, %add3A_306 : i32
          %dma_start3A_308 = arith.constant 3 : i32
          %dma_start3A_309 = arith.constant 0 : i32
          %dma_start3A_310 = arith.constant 0 : i32
          %dma_start3A_311 = tpu.memref_slice %arg9[%dma_start3A_308, %dma_start3A_309, %dma_start3A_310] : memref<4x64x128xf32, #tpu.memory_space<vmem>> -> memref<1x64x128xf32, #tpu.memory_space<vmem>>
          %dma_start3A_312 = tpu.memref_squeeze %dma_start3A_311 : memref<1x64x128xf32, #tpu.memory_space<vmem>> -> memref<64x128xf32, #tpu.memory_space<vmem>>
          %dma_start3A_313 = arith.constant 0 : i32
          %dma_start3A_314 = tpu.memref_slice %arg7[%add3A_307, %dma_start3A_313] : memref<40x64xi32, #tpu.memory_space<vmem>> -> memref<1x64xi32, #tpu.memory_space<vmem>>
          %dma_start3A_315 = tpu.memref_squeeze %dma_start3A_314 : memref<1x64xi32, #tpu.memory_space<vmem>> -> memref<64xi32, #tpu.memory_space<vmem>>
          %dma_start3A_316 = arith.constant 0 : i32
          %dma_start3A_317 = arith.constant 0 : i32
          %dma_start3A_318 = tpu.memref_slice %arg2[%dma_start3A_316, %dma_start3A_317] : memref<10000x128xf32, #tpu.memory_space<hbm>> -> memref<10000x128xf32, #tpu.memory_space<hbm>>
          tpu.enqueue_indirect_dma source(%dma_start3A_318 : memref<10000x128xf32, #tpu.memory_space<hbm>>) target(%dma_start3A_312 : memref<64x128xf32, #tpu.memory_space<vmem>>) offsets(%dma_start3A_315 : memref<64xi32, #tpu.memory_space<vmem>>) semaphore(%arg14 : memref<!tpu.dma_semaphore, #tpu.memory_space<semaphore_mem>>)
        } else {
        }
      }
      %scan3A_90 = arith.constant 10 : i32
    } else {
    }
    %gt3A_25 = arith.constant 4 : i32
    %gt3A_26 = arith.cmpi sgt, %select_n3A_7, %gt3A_25 : i32
    %convert_element_type3A_27 = arith.extui %gt3A_26 : i1 to i32
    %cond3A_28 = arith.constant 0 : i32
    %cond3A_29 = arith.cmpi ne, %convert_element_type3A_27, %cond3A_28 : i32
    scf.if %cond3A_29 {
      %add3A = arith.constant 4 : i32
      %add3A_36 = arith.addi %select_n3A, %add3A : i32
      %mul3A_37 = arith.constant 40 : i32
      %mul3A_38 = arith.muli %add3A_36, %mul3A_37 : i32
      "tpu.region"() ({
        %run_scoped3A = tpu.sem_alloc : memref<!tpu.dma_semaphore, #tpu.memory_space<semaphore_mem>>
        %dma_start3A_91 = arith.constant 0 : i32
        %dma_start3A_92 = tpu.memref_slice %arg3[%arg1, %mul3A_38, %dma_start3A_91] : memref<16x320x64xi32, #tpu.memory_space<hbm>> -> memref<1x40x64xi32, #tpu.memory_space<hbm>>
        %dma_start3A_93 = tpu.memref_squeeze %dma_start3A_92 : memref<1x40x64xi32, #tpu.memory_space<hbm>> -> memref<40x64xi32, #tpu.memory_space<hbm>>
        %dma_start3A_94 = arith.constant 0 : i32
        %dma_start3A_95 = tpu.memref_slice %arg3[%arg1, %mul3A_38, %dma_start3A_94] : memref<16x320x64xi32, #tpu.memory_space<hbm>> -> memref<1x40x64xi32, #tpu.memory_space<hbm>>
        %dma_start3A_96 = tpu.memref_squeeze %dma_start3A_95 : memref<1x40x64xi32, #tpu.memory_space<hbm>> -> memref<40x64xi32, #tpu.memory_space<hbm>>
        tpu.enqueue_dma source(%dma_start3A_96 : memref<40x64xi32, #tpu.memory_space<hbm>>) target(%arg7 : memref<40x64xi32, #tpu.memory_space<vmem>>) target_semaphore(%run_scoped3A : memref<!tpu.dma_semaphore, #tpu.memory_space<semaphore_mem>>)
        %dma_wait3A = arith.constant 0 : i32
        %dma_wait3A_97 = tpu.memref_slice %arg3[%arg1, %mul3A_38, %dma_wait3A] : memref<16x320x64xi32, #tpu.memory_space<hbm>> -> memref<1x40x64xi32, #tpu.memory_space<hbm>>
        %dma_wait3A_98 = tpu.memref_squeeze %dma_wait3A_97 : memref<1x40x64xi32, #tpu.memory_space<hbm>> -> memref<40x64xi32, #tpu.memory_space<hbm>>
        %dma_wait3A_99 = arith.constant 0 : i32
        %dma_wait3A_100 = tpu.memref_slice %arg3[%arg1, %mul3A_38, %dma_wait3A_99] : memref<16x320x64xi32, #tpu.memory_space<hbm>> -> memref<1x40x64xi32, #tpu.memory_space<hbm>>
        %dma_wait3A_101 = tpu.memref_squeeze %dma_wait3A_100 : memref<1x40x64xi32, #tpu.memory_space<hbm>> -> memref<40x64xi32, #tpu.memory_space<hbm>>
        tpu.wait_dma2 semaphore(%run_scoped3A : memref<!tpu.dma_semaphore, #tpu.memory_space<semaphore_mem>>) src(%dma_wait3A_101 : memref<40x64xi32, #tpu.memory_space<hbm>>) dst(%arg7 : memref<40x64xi32, #tpu.memory_space<vmem>>)
        tpu.yield
      }) : () -> ()
      "tpu.region"() ({
        %run_scoped3A = tpu.sem_alloc : memref<!tpu.dma_semaphore, #tpu.memory_space<semaphore_mem>>
        %dma_start3A_91 = arith.constant 0 : i32
        %dma_start3A_92 = tpu.memref_slice %arg4[%arg1, %mul3A_38, %dma_start3A_91] : memref<16x320x64xi32, #tpu.memory_space<hbm>> -> memref<1x40x64xi32, #tpu.memory_space<hbm>>
        %dma_start3A_93 = tpu.memref_squeeze %dma_start3A_92 : memref<1x40x64xi32, #tpu.memory_space<hbm>> -> memref<40x64xi32, #tpu.memory_space<hbm>>
        %dma_start3A_94 = arith.constant 0 : i32
        %dma_start3A_95 = tpu.memref_slice %arg4[%arg1, %mul3A_38, %dma_start3A_94] : memref<16x320x64xi32, #tpu.memory_space<hbm>> -> memref<1x40x64xi32, #tpu.memory_space<hbm>>
        %dma_start3A_96 = tpu.memref_squeeze %dma_start3A_95 : memref<1x40x64xi32, #tpu.memory_space<hbm>> -> memref<40x64xi32, #tpu.memory_space<hbm>>
        tpu.enqueue_dma source(%dma_start3A_96 : memref<40x64xi32, #tpu.memory_space<hbm>>) target(%arg8 : memref<40x64xi32, #tpu.memory_space<vmem>>) target_semaphore(%run_scoped3A : memref<!tpu.dma_semaphore, #tpu.memory_space<semaphore_mem>>)
        %dma_wait3A = arith.constant 0 : i32
        %dma_wait3A_97 = tpu.memref_slice %arg4[%arg1, %mul3A_38, %dma_wait3A] : memref<16x320x64xi32, #tpu.memory_space<hbm>> -> memref<1x40x64xi32, #tpu.memory_space<hbm>>
        %dma_wait3A_98 = tpu.memref_squeeze %dma_wait3A_97 : memref<1x40x64xi32, #tpu.memory_space<hbm>> -> memref<40x64xi32, #tpu.memory_space<hbm>>
        %dma_wait3A_99 = arith.constant 0 : i32
        %dma_wait3A_100 = tpu.memref_slice %arg4[%arg1, %mul3A_38, %dma_wait3A_99] : memref<16x320x64xi32, #tpu.memory_space<hbm>> -> memref<1x40x64xi32, #tpu.memory_space<hbm>>
        %dma_wait3A_101 = tpu.memref_squeeze %dma_wait3A_100 : memref<1x40x64xi32, #tpu.memory_space<hbm>> -> memref<40x64xi32, #tpu.memory_space<hbm>>
        tpu.wait_dma2 semaphore(%run_scoped3A : memref<!tpu.dma_semaphore, #tpu.memory_space<semaphore_mem>>) src(%dma_wait3A_101 : memref<40x64xi32, #tpu.memory_space<hbm>>) dst(%arg8 : memref<40x64xi32, #tpu.memory_space<vmem>>)
        tpu.yield
      }) : () -> ()
      %dma_start3A = arith.constant 0 : i32
      %dma_start3A_39 = arith.constant 0 : i32
      %dma_start3A_40 = arith.constant 0 : i32
      %dma_start3A_41 = arith.constant 0 : i32
      %dma_start3A_42 = tpu.memref_slice %arg9[%dma_start3A_39, %dma_start3A_40, %dma_start3A_41] : memref<4x64x128xf32, #tpu.memory_space<vmem>> -> memref<1x64x128xf32, #tpu.memory_space<vmem>>
      %dma_start3A_43 = tpu.memref_squeeze %dma_start3A_42 : memref<1x64x128xf32, #tpu.memory_space<vmem>> -> memref<64x128xf32, #tpu.memory_space<vmem>>
      %dma_start3A_44 = arith.constant 0 : i32
      %dma_start3A_45 = tpu.memref_slice %arg7[%dma_start3A, %dma_start3A_44] : memref<40x64xi32, #tpu.memory_space<vmem>> -> memref<1x64xi32, #tpu.memory_space<vmem>>
      %dma_start3A_46 = tpu.memref_squeeze %dma_start3A_45 : memref<1x64xi32, #tpu.memory_space<vmem>> -> memref<64xi32, #tpu.memory_space<vmem>>
      %dma_start3A_47 = arith.constant 0 : i32
      %dma_start3A_48 = arith.constant 0 : i32
      %dma_start3A_49 = tpu.memref_slice %arg2[%dma_start3A_47, %dma_start3A_48] : memref<10000x128xf32, #tpu.memory_space<hbm>> -> memref<10000x128xf32, #tpu.memory_space<hbm>>
      tpu.enqueue_indirect_dma source(%dma_start3A_49 : memref<10000x128xf32, #tpu.memory_space<hbm>>) target(%dma_start3A_43 : memref<64x128xf32, #tpu.memory_space<vmem>>) offsets(%dma_start3A_46 : memref<64xi32, #tpu.memory_space<vmem>>) semaphore(%arg11 : memref<!tpu.dma_semaphore, #tpu.memory_space<semaphore_mem>>)
      %dma_start3A_50 = arith.constant 1 : i32
      %dma_start3A_51 = arith.constant 1 : i32
      %dma_start3A_52 = arith.constant 0 : i32
      %dma_start3A_53 = arith.constant 0 : i32
      %dma_start3A_54 = tpu.memref_slice %arg9[%dma_start3A_51, %dma_start3A_52, %dma_start3A_53] : memref<4x64x128xf32, #tpu.memory_space<vmem>> -> memref<1x64x128xf32, #tpu.memory_space<vmem>>
      %dma_start3A_55 = tpu.memref_squeeze %dma_start3A_54 : memref<1x64x128xf32, #tpu.memory_space<vmem>> -> memref<64x128xf32, #tpu.memory_space<vmem>>
      %dma_start3A_56 = arith.constant 0 : i32
      %dma_start3A_57 = tpu.memref_slice %arg7[%dma_start3A_50, %dma_start3A_56] : memref<40x64xi32, #tpu.memory_space<vmem>> -> memref<1x64xi32, #tpu.memory_space<vmem>>
      %dma_start3A_58 = tpu.memref_squeeze %dma_start3A_57 : memref<1x64xi32, #tpu.memory_space<vmem>> -> memref<64xi32, #tpu.memory_space<vmem>>
      %dma_start3A_59 = arith.constant 0 : i32
      %dma_start3A_60 = arith.constant 0 : i32
      %dma_start3A_61 = tpu.memref_slice %arg2[%dma_start3A_59, %dma_start3A_60] : memref<10000x128xf32, #tpu.memory_space<hbm>> -> memref<10000x128xf32, #tpu.memory_space<hbm>>
      tpu.enqueue_indirect_dma source(%dma_start3A_61 : memref<10000x128xf32, #tpu.memory_space<hbm>>) target(%dma_start3A_55 : memref<64x128xf32, #tpu.memory_space<vmem>>) offsets(%dma_start3A_58 : memref<64xi32, #tpu.memory_space<vmem>>) semaphore(%arg12 : memref<!tpu.dma_semaphore, #tpu.memory_space<semaphore_mem>>)
      %dma_start3A_62 = arith.constant 2 : i32
      %dma_start3A_63 = arith.constant 2 : i32
      %dma_start3A_64 = arith.constant 0 : i32
      %dma_start3A_65 = arith.constant 0 : i32
      %dma_start3A_66 = tpu.memref_slice %arg9[%dma_start3A_63, %dma_start3A_64, %dma_start3A_65] : memref<4x64x128xf32, #tpu.memory_space<vmem>> -> memref<1x64x128xf32, #tpu.memory_space<vmem>>
      %dma_start3A_67 = tpu.memref_squeeze %dma_start3A_66 : memref<1x64x128xf32, #tpu.memory_space<vmem>> -> memref<64x128xf32, #tpu.memory_space<vmem>>
      %dma_start3A_68 = arith.constant 0 : i32
      %dma_start3A_69 = tpu.memref_slice %arg7[%dma_start3A_62, %dma_start3A_68] : memref<40x64xi32, #tpu.memory_space<vmem>> -> memref<1x64xi32, #tpu.memory_space<vmem>>
      %dma_start3A_70 = tpu.memref_squeeze %dma_start3A_69 : memref<1x64xi32, #tpu.memory_space<vmem>> -> memref<64xi32, #tpu.memory_space<vmem>>
      %dma_start3A_71 = arith.constant 0 : i32
      %dma_start3A_72 = arith.constant 0 : i32
      %dma_start3A_73 = tpu.memref_slice %arg2[%dma_start3A_71, %dma_start3A_72] : memref<10000x128xf32, #tpu.memory_space<hbm>> -> memref<10000x128xf32, #tpu.memory_space<hbm>>
      tpu.enqueue_indirect_dma source(%dma_start3A_73 : memref<10000x128xf32, #tpu.memory_space<hbm>>) target(%dma_start3A_67 : memref<64x128xf32, #tpu.memory_space<vmem>>) offsets(%dma_start3A_70 : memref<64xi32, #tpu.memory_space<vmem>>) semaphore(%arg13 : memref<!tpu.dma_semaphore, #tpu.memory_space<semaphore_mem>>)
      %dma_start3A_74 = arith.constant 3 : i32
      %dma_start3A_75 = arith.constant 3 : i32
      %dma_start3A_76 = arith.constant 0 : i32
      %dma_start3A_77 = arith.constant 0 : i32
      %dma_start3A_78 = tpu.memref_slice %arg9[%dma_start3A_75, %dma_start3A_76, %dma_start3A_77] : memref<4x64x128xf32, #tpu.memory_space<vmem>> -> memref<1x64x128xf32, #tpu.memory_space<vmem>>
      %dma_start3A_79 = tpu.memref_squeeze %dma_start3A_78 : memref<1x64x128xf32, #tpu.memory_space<vmem>> -> memref<64x128xf32, #tpu.memory_space<vmem>>
      %dma_start3A_80 = arith.constant 0 : i32
      %dma_start3A_81 = tpu.memref_slice %arg7[%dma_start3A_74, %dma_start3A_80] : memref<40x64xi32, #tpu.memory_space<vmem>> -> memref<1x64xi32, #tpu.memory_space<vmem>>
      %dma_start3A_82 = tpu.memref_squeeze %dma_start3A_81 : memref<1x64xi32, #tpu.memory_space<vmem>> -> memref<64xi32, #tpu.memory_space<vmem>>
      %dma_start3A_83 = arith.constant 0 : i32
      %dma_start3A_84 = arith.constant 0 : i32
      %dma_start3A_85 = tpu.memref_slice %arg2[%dma_start3A_83, %dma_start3A_84] : memref<10000x128xf32, #tpu.memory_space<hbm>> -> memref<10000x128xf32, #tpu.memory_space<hbm>>
      tpu.enqueue_indirect_dma source(%dma_start3A_85 : memref<10000x128xf32, #tpu.memory_space<hbm>>) target(%dma_start3A_79 : memref<64x128xf32, #tpu.memory_space<vmem>>) offsets(%dma_start3A_82 : memref<64xi32, #tpu.memory_space<vmem>>) semaphore(%arg14 : memref<!tpu.dma_semaphore, #tpu.memory_space<semaphore_mem>>)
      %scan3A = arith.constant 0 : i32
      %scan3A_86 = arith.constant 0 : i32
      %scan3A_87 = arith.constant 10 : i32
      %scan3A_88 = arith.addi %scan3A_86, %scan3A_87 : i32
      %scan3A_89 = arith.constant 1 : i32
      scf.for %scan3A_91 = %scan3A_86 to %scan3A_88 step %scan3A_89  : i32 {
        %dma_wait3A = arith.constant 0 : i32
        %dma_wait3A_92 = arith.constant 0 : i32
        %dma_wait3A_93 = arith.constant 0 : i32
        %dma_wait3A_94 = arith.constant 0 : i32
        %dma_wait3A_95 = tpu.memref_slice %arg9[%dma_wait3A_92, %dma_wait3A_93, %dma_wait3A_94] : memref<4x64x128xf32, #tpu.memory_space<vmem>> -> memref<1x64x128xf32, #tpu.memory_space<vmem>>
        %dma_wait3A_96 = tpu.memref_squeeze %dma_wait3A_95 : memref<1x64x128xf32, #tpu.memory_space<vmem>> -> memref<64x128xf32, #tpu.memory_space<vmem>>
        %dma_wait3A_97 = arith.constant 0 : i32
        %dma_wait3A_98 = tpu.memref_slice %arg7[%dma_wait3A, %dma_wait3A_97] : memref<40x64xi32, #tpu.memory_space<vmem>> -> memref<1x64xi32, #tpu.memory_space<vmem>>
        %dma_wait3A_99 = tpu.memref_squeeze %dma_wait3A_98 : memref<1x64xi32, #tpu.memory_space<vmem>> -> memref<64xi32, #tpu.memory_space<vmem>>
        %dma_wait3A_100 = arith.constant 0 : i32
        %dma_wait3A_101 = arith.constant 0 : i32
        %dma_wait3A_102 = tpu.memref_slice %arg2[%dma_wait3A_100, %dma_wait3A_101] : memref<10000x128xf32, #tpu.memory_space<hbm>> -> memref<10000x128xf32, #tpu.memory_space<hbm>>
        tpu.wait_indirect_dma semaphore(%arg11 : memref<!tpu.dma_semaphore, #tpu.memory_space<semaphore_mem>>) src(%dma_wait3A_102 : memref<10000x128xf32, #tpu.memory_space<hbm>>) dst(%dma_wait3A_96 : memref<64x128xf32, #tpu.memory_space<vmem>>)
        %mul3A_103 = arith.constant 4 : i32
        %mul3A_104 = arith.muli %mul3A_103, %scan3A_91 : i32
        %add3A_105 = arith.constant 0 : i32
        %add3A_106 = arith.addi %mul3A_104, %add3A_105 : i32
        %dma_start3A_107 = arith.constant 0 : i32
        %dma_start3A_108 = arith.constant 0 : i32
        %dma_start3A_109 = arith.constant 0 : i32
        %dma_start3A_110 = tpu.memref_slice %arg9[%dma_start3A_107, %dma_start3A_108, %dma_start3A_109] : memref<4x64x128xf32, #tpu.memory_space<vmem>> -> memref<1x64x128xf32, #tpu.memory_space<vmem>>
        %dma_start3A_111 = tpu.memref_squeeze %dma_start3A_110 : memref<1x64x128xf32, #tpu.memory_space<vmem>> -> memref<64x128xf32, #tpu.memory_space<vmem>>
        %dma_start3A_112 = arith.constant 0 : i32
        %dma_start3A_113 = tpu.memref_slice %arg8[%add3A_106, %dma_start3A_112] : memref<40x64xi32, #tpu.memory_space<vmem>> -> memref<1x64xi32, #tpu.memory_space<vmem>>
        %dma_start3A_114 = tpu.memref_squeeze %dma_start3A_113 : memref<1x64xi32, #tpu.memory_space<vmem>> -> memref<64xi32, #tpu.memory_space<vmem>>
        %dma_start3A_115 = arith.constant 0 : i32
        %dma_start3A_116 = arith.constant 0 : i32
        %dma_start3A_117 = tpu.memref_slice %arg10[%dma_start3A_115, %dma_start3A_116] : memref<10240x128xf32, #tpu.memory_space<vmem_shared>> -> memref<10240x128xf32, #tpu.memory_space<vmem_shared>>
        tpu.enqueue_indirect_dma source(%dma_start3A_111 : memref<64x128xf32, #tpu.memory_space<vmem>>) target(%dma_start3A_117 : memref<10240x128xf32, #tpu.memory_space<vmem_shared>>) offsets(%dma_start3A_114 : memref<64xi32, #tpu.memory_space<vmem>>) semaphore(%arg15 : memref<!tpu.dma_semaphore, #tpu.memory_space<semaphore_mem>>) {add = true}
        %dma_wait3A_118 = arith.constant 0 : i32
        %dma_wait3A_119 = arith.constant 1 : i32
        %dma_wait3A_120 = arith.constant 0 : i32
        %dma_wait3A_121 = arith.constant 0 : i32
        %dma_wait3A_122 = tpu.memref_slice %arg9[%dma_wait3A_119, %dma_wait3A_120, %dma_wait3A_121] : memref<4x64x128xf32, #tpu.memory_space<vmem>> -> memref<1x64x128xf32, #tpu.memory_space<vmem>>
        %dma_wait3A_123 = tpu.memref_squeeze %dma_wait3A_122 : memref<1x64x128xf32, #tpu.memory_space<vmem>> -> memref<64x128xf32, #tpu.memory_space<vmem>>
        %dma_wait3A_124 = arith.constant 0 : i32
        %dma_wait3A_125 = tpu.memref_slice %arg7[%dma_wait3A_118, %dma_wait3A_124] : memref<40x64xi32, #tpu.memory_space<vmem>> -> memref<1x64xi32, #tpu.memory_space<vmem>>
        %dma_wait3A_126 = tpu.memref_squeeze %dma_wait3A_125 : memref<1x64xi32, #tpu.memory_space<vmem>> -> memref<64xi32, #tpu.memory_space<vmem>>
        %dma_wait3A_127 = arith.constant 0 : i32
        %dma_wait3A_128 = arith.constant 0 : i32
        %dma_wait3A_129 = tpu.memref_slice %arg2[%dma_wait3A_127, %dma_wait3A_128] : memref<10000x128xf32, #tpu.memory_space<hbm>> -> memref<10000x128xf32, #tpu.memory_space<hbm>>
        tpu.wait_indirect_dma semaphore(%arg12 : memref<!tpu.dma_semaphore, #tpu.memory_space<semaphore_mem>>) src(%dma_wait3A_129 : memref<10000x128xf32, #tpu.memory_space<hbm>>) dst(%dma_wait3A_123 : memref<64x128xf32, #tpu.memory_space<vmem>>)
        %mul3A_130 = arith.constant 4 : i32
        %mul3A_131 = arith.muli %mul3A_130, %scan3A_91 : i32
        %add3A_132 = arith.constant 1 : i32
        %add3A_133 = arith.addi %mul3A_131, %add3A_132 : i32
        %dma_start3A_134 = arith.constant 1 : i32
        %dma_start3A_135 = arith.constant 0 : i32
        %dma_start3A_136 = arith.constant 0 : i32
        %dma_start3A_137 = tpu.memref_slice %arg9[%dma_start3A_134, %dma_start3A_135, %dma_start3A_136] : memref<4x64x128xf32, #tpu.memory_space<vmem>> -> memref<1x64x128xf32, #tpu.memory_space<vmem>>
        %dma_start3A_138 = tpu.memref_squeeze %dma_start3A_137 : memref<1x64x128xf32, #tpu.memory_space<vmem>> -> memref<64x128xf32, #tpu.memory_space<vmem>>
        %dma_start3A_139 = arith.constant 0 : i32
        %dma_start3A_140 = tpu.memref_slice %arg8[%add3A_133, %dma_start3A_139] : memref<40x64xi32, #tpu.memory_space<vmem>> -> memref<1x64xi32, #tpu.memory_space<vmem>>
        %dma_start3A_141 = tpu.memref_squeeze %dma_start3A_140 : memref<1x64xi32, #tpu.memory_space<vmem>> -> memref<64xi32, #tpu.memory_space<vmem>>
        %dma_start3A_142 = arith.constant 0 : i32
        %dma_start3A_143 = arith.constant 0 : i32
        %dma_start3A_144 = tpu.memref_slice %arg10[%dma_start3A_142, %dma_start3A_143] : memref<10240x128xf32, #tpu.memory_space<vmem_shared>> -> memref<10240x128xf32, #tpu.memory_space<vmem_shared>>
        tpu.enqueue_indirect_dma source(%dma_start3A_138 : memref<64x128xf32, #tpu.memory_space<vmem>>) target(%dma_start3A_144 : memref<10240x128xf32, #tpu.memory_space<vmem_shared>>) offsets(%dma_start3A_141 : memref<64xi32, #tpu.memory_space<vmem>>) semaphore(%arg16 : memref<!tpu.dma_semaphore, #tpu.memory_space<semaphore_mem>>) {add = true}
        %dma_wait3A_145 = arith.constant 0 : i32
        %dma_wait3A_146 = arith.constant 2 : i32
        %dma_wait3A_147 = arith.constant 0 : i32
        %dma_wait3A_148 = arith.constant 0 : i32
        %dma_wait3A_149 = tpu.memref_slice %arg9[%dma_wait3A_146, %dma_wait3A_147, %dma_wait3A_148] : memref<4x64x128xf32, #tpu.memory_space<vmem>> -> memref<1x64x128xf32, #tpu.memory_space<vmem>>
        %dma_wait3A_150 = tpu.memref_squeeze %dma_wait3A_149 : memref<1x64x128xf32, #tpu.memory_space<vmem>> -> memref<64x128xf32, #tpu.memory_space<vmem>>
        %dma_wait3A_151 = arith.constant 0 : i32
        %dma_wait3A_152 = tpu.memref_slice %arg7[%dma_wait3A_145, %dma_wait3A_151] : memref<40x64xi32, #tpu.memory_space<vmem>> -> memref<1x64xi32, #tpu.memory_space<vmem>>
        %dma_wait3A_153 = tpu.memref_squeeze %dma_wait3A_152 : memref<1x64xi32, #tpu.memory_space<vmem>> -> memref<64xi32, #tpu.memory_space<vmem>>
        %dma_wait3A_154 = arith.constant 0 : i32
        %dma_wait3A_155 = arith.constant 0 : i32
        %dma_wait3A_156 = tpu.memref_slice %arg2[%dma_wait3A_154, %dma_wait3A_155] : memref<10000x128xf32, #tpu.memory_space<hbm>> -> memref<10000x128xf32, #tpu.memory_space<hbm>>
        tpu.wait_indirect_dma semaphore(%arg13 : memref<!tpu.dma_semaphore, #tpu.memory_space<semaphore_mem>>) src(%dma_wait3A_156 : memref<10000x128xf32, #tpu.memory_space<hbm>>) dst(%dma_wait3A_150 : memref<64x128xf32, #tpu.memory_space<vmem>>)
        %mul3A_157 = arith.constant 4 : i32
        %mul3A_158 = arith.muli %mul3A_157, %scan3A_91 : i32
        %add3A_159 = arith.constant 2 : i32
        %add3A_160 = arith.addi %mul3A_158, %add3A_159 : i32
        %dma_start3A_161 = arith.constant 2 : i32
        %dma_start3A_162 = arith.constant 0 : i32
        %dma_start3A_163 = arith.constant 0 : i32
        %dma_start3A_164 = tpu.memref_slice %arg9[%dma_start3A_161, %dma_start3A_162, %dma_start3A_163] : memref<4x64x128xf32, #tpu.memory_space<vmem>> -> memref<1x64x128xf32, #tpu.memory_space<vmem>>
        %dma_start3A_165 = tpu.memref_squeeze %dma_start3A_164 : memref<1x64x128xf32, #tpu.memory_space<vmem>> -> memref<64x128xf32, #tpu.memory_space<vmem>>
        %dma_start3A_166 = arith.constant 0 : i32
        %dma_start3A_167 = tpu.memref_slice %arg8[%add3A_160, %dma_start3A_166] : memref<40x64xi32, #tpu.memory_space<vmem>> -> memref<1x64xi32, #tpu.memory_space<vmem>>
        %dma_start3A_168 = tpu.memref_squeeze %dma_start3A_167 : memref<1x64xi32, #tpu.memory_space<vmem>> -> memref<64xi32, #tpu.memory_space<vmem>>
        %dma_start3A_169 = arith.constant 0 : i32
        %dma_start3A_170 = arith.constant 0 : i32
        %dma_start3A_171 = tpu.memref_slice %arg10[%dma_start3A_169, %dma_start3A_170] : memref<10240x128xf32, #tpu.memory_space<vmem_shared>> -> memref<10240x128xf32, #tpu.memory_space<vmem_shared>>
        tpu.enqueue_indirect_dma source(%dma_start3A_165 : memref<64x128xf32, #tpu.memory_space<vmem>>) target(%dma_start3A_171 : memref<10240x128xf32, #tpu.memory_space<vmem_shared>>) offsets(%dma_start3A_168 : memref<64xi32, #tpu.memory_space<vmem>>) semaphore(%arg17 : memref<!tpu.dma_semaphore, #tpu.memory_space<semaphore_mem>>) {add = true}
        %dma_wait3A_172 = arith.constant 0 : i32
        %dma_wait3A_173 = arith.constant 3 : i32
        %dma_wait3A_174 = arith.constant 0 : i32
        %dma_wait3A_175 = arith.constant 0 : i32
        %dma_wait3A_176 = tpu.memref_slice %arg9[%dma_wait3A_173, %dma_wait3A_174, %dma_wait3A_175] : memref<4x64x128xf32, #tpu.memory_space<vmem>> -> memref<1x64x128xf32, #tpu.memory_space<vmem>>
        %dma_wait3A_177 = tpu.memref_squeeze %dma_wait3A_176 : memref<1x64x128xf32, #tpu.memory_space<vmem>> -> memref<64x128xf32, #tpu.memory_space<vmem>>
        %dma_wait3A_178 = arith.constant 0 : i32
        %dma_wait3A_179 = tpu.memref_slice %arg7[%dma_wait3A_172, %dma_wait3A_178] : memref<40x64xi32, #tpu.memory_space<vmem>> -> memref<1x64xi32, #tpu.memory_space<vmem>>
        %dma_wait3A_180 = tpu.memref_squeeze %dma_wait3A_179 : memref<1x64xi32, #tpu.memory_space<vmem>> -> memref<64xi32, #tpu.memory_space<vmem>>
        %dma_wait3A_181 = arith.constant 0 : i32
        %dma_wait3A_182 = arith.constant 0 : i32
        %dma_wait3A_183 = tpu.memref_slice %arg2[%dma_wait3A_181, %dma_wait3A_182] : memref<10000x128xf32, #tpu.memory_space<hbm>> -> memref<10000x128xf32, #tpu.memory_space<hbm>>
        tpu.wait_indirect_dma semaphore(%arg14 : memref<!tpu.dma_semaphore, #tpu.memory_space<semaphore_mem>>) src(%dma_wait3A_183 : memref<10000x128xf32, #tpu.memory_space<hbm>>) dst(%dma_wait3A_177 : memref<64x128xf32, #tpu.memory_space<vmem>>)
        %mul3A_184 = arith.constant 4 : i32
        %mul3A_185 = arith.muli %mul3A_184, %scan3A_91 : i32
        %add3A_186 = arith.constant 3 : i32
        %add3A_187 = arith.addi %mul3A_185, %add3A_186 : i32
        %dma_start3A_188 = arith.constant 3 : i32
        %dma_start3A_189 = arith.constant 0 : i32
        %dma_start3A_190 = arith.constant 0 : i32
        %dma_start3A_191 = tpu.memref_slice %arg9[%dma_start3A_188, %dma_start3A_189, %dma_start3A_190] : memref<4x64x128xf32, #tpu.memory_space<vmem>> -> memref<1x64x128xf32, #tpu.memory_space<vmem>>
        %dma_start3A_192 = tpu.memref_squeeze %dma_start3A_191 : memref<1x64x128xf32, #tpu.memory_space<vmem>> -> memref<64x128xf32, #tpu.memory_space<vmem>>
        %dma_start3A_193 = arith.constant 0 : i32
        %dma_start3A_194 = tpu.memref_slice %arg8[%add3A_187, %dma_start3A_193] : memref<40x64xi32, #tpu.memory_space<vmem>> -> memref<1x64xi32, #tpu.memory_space<vmem>>
        %dma_start3A_195 = tpu.memref_squeeze %dma_start3A_194 : memref<1x64xi32, #tpu.memory_space<vmem>> -> memref<64xi32, #tpu.memory_space<vmem>>
        %dma_start3A_196 = arith.constant 0 : i32
        %dma_start3A_197 = arith.constant 0 : i32
        %dma_start3A_198 = tpu.memref_slice %arg10[%dma_start3A_196, %dma_start3A_197] : memref<10240x128xf32, #tpu.memory_space<vmem_shared>> -> memref<10240x128xf32, #tpu.memory_space<vmem_shared>>
        tpu.enqueue_indirect_dma source(%dma_start3A_192 : memref<64x128xf32, #tpu.memory_space<vmem>>) target(%dma_start3A_198 : memref<10240x128xf32, #tpu.memory_space<vmem_shared>>) offsets(%dma_start3A_195 : memref<64xi32, #tpu.memory_space<vmem>>) semaphore(%arg18 : memref<!tpu.dma_semaphore, #tpu.memory_space<semaphore_mem>>) {add = true}
        %dma_wait3A_199 = arith.constant 0 : i32
        %dma_wait3A_200 = arith.constant 0 : i32
        %dma_wait3A_201 = arith.constant 0 : i32
        %dma_wait3A_202 = tpu.memref_slice %arg9[%dma_wait3A_199, %dma_wait3A_200, %dma_wait3A_201] : memref<4x64x128xf32, #tpu.memory_space<vmem>> -> memref<1x64x128xf32, #tpu.memory_space<vmem>>
        %dma_wait3A_203 = tpu.memref_squeeze %dma_wait3A_202 : memref<1x64x128xf32, #tpu.memory_space<vmem>> -> memref<64x128xf32, #tpu.memory_space<vmem>>
        %dma_wait3A_204 = arith.constant 0 : i32
        %dma_wait3A_205 = arith.constant 0 : i32
        %dma_wait3A_206 = tpu.memref_slice %arg10[%dma_wait3A_204, %dma_wait3A_205] : memref<10240x128xf32, #tpu.memory_space<vmem_shared>> -> memref<64x128xf32, #tpu.memory_space<vmem_shared>>
        %dma_wait3A_207 = arith.constant 0 : i32
        %dma_wait3A_208 = arith.constant 0 : i32
        %dma_wait3A_209 = tpu.memref_slice %arg10[%dma_wait3A_207, %dma_wait3A_208] : memref<10240x128xf32, #tpu.memory_space<vmem_shared>> -> memref<64x128xf32, #tpu.memory_space<vmem_shared>>
        %dma_wait3A_210 = arith.constant 0 : i32
        %dma_wait3A_211 = arith.constant 0 : i32
        %dma_wait3A_212 = tpu.memref_slice %arg9[%dma_wait3A_199, %dma_wait3A_210, %dma_wait3A_211] : memref<4x64x128xf32, #tpu.memory_space<vmem>> -> memref<1x64x128xf32, #tpu.memory_space<vmem>>
        %dma_wait3A_213 = tpu.memref_squeeze %dma_wait3A_212 : memref<1x64x128xf32, #tpu.memory_space<vmem>> -> memref<64x128xf32, #tpu.memory_space<vmem>>
        tpu.wait_dma2 semaphore(%arg15 : memref<!tpu.dma_semaphore, #tpu.memory_space<semaphore_mem>>) src(%dma_wait3A_213 : memref<64x128xf32, #tpu.memory_space<vmem>>) dst(%dma_wait3A_209 : memref<64x128xf32, #tpu.memory_space<vmem_shared>>)
        %mul3A_214 = arith.constant 4 : i32
        %mul3A_215 = arith.muli %mul3A_214, %scan3A_91 : i32
        %add3A_216 = arith.constant 0 : i32
        %add3A_217 = arith.addi %mul3A_215, %add3A_216 : i32
        %add3A_218 = arith.constant 4 : i32
        %add3A_219 = arith.addi %add3A_217, %add3A_218 : i32
        %lt3A = arith.constant 40 : i32
        %lt3A_220 = arith.cmpi slt, %add3A_219, %lt3A : i32
        %convert_element_type3A_221 = arith.extui %lt3A_220 : i1 to i32
        %cond3A_222 = arith.constant 0 : i32
        %cond3A_223 = arith.cmpi ne, %convert_element_type3A_221, %cond3A_222 : i32
        scf.if %cond3A_223 {
          %mul3A_302 = arith.constant 4 : i32
          %mul3A_303 = arith.muli %mul3A_302, %scan3A_91 : i32
          %add3A_304 = arith.constant 0 : i32
          %add3A_305 = arith.addi %mul3A_303, %add3A_304 : i32
          %add3A_306 = arith.constant 4 : i32
          %add3A_307 = arith.addi %add3A_305, %add3A_306 : i32
          %dma_start3A_308 = arith.constant 0 : i32
          %dma_start3A_309 = arith.constant 0 : i32
          %dma_start3A_310 = arith.constant 0 : i32
          %dma_start3A_311 = tpu.memref_slice %arg9[%dma_start3A_308, %dma_start3A_309, %dma_start3A_310] : memref<4x64x128xf32, #tpu.memory_space<vmem>> -> memref<1x64x128xf32, #tpu.memory_space<vmem>>
          %dma_start3A_312 = tpu.memref_squeeze %dma_start3A_311 : memref<1x64x128xf32, #tpu.memory_space<vmem>> -> memref<64x128xf32, #tpu.memory_space<vmem>>
          %dma_start3A_313 = arith.constant 0 : i32
          %dma_start3A_314 = tpu.memref_slice %arg7[%add3A_307, %dma_start3A_313] : memref<40x64xi32, #tpu.memory_space<vmem>> -> memref<1x64xi32, #tpu.memory_space<vmem>>
          %dma_start3A_315 = tpu.memref_squeeze %dma_start3A_314 : memref<1x64xi32, #tpu.memory_space<vmem>> -> memref<64xi32, #tpu.memory_space<vmem>>
          %dma_start3A_316 = arith.constant 0 : i32
          %dma_start3A_317 = arith.constant 0 : i32
          %dma_start3A_318 = tpu.memref_slice %arg2[%dma_start3A_316, %dma_start3A_317] : memref<10000x128xf32, #tpu.memory_space<hbm>> -> memref<10000x128xf32, #tpu.memory_space<hbm>>
          tpu.enqueue_indirect_dma source(%dma_start3A_318 : memref<10000x128xf32, #tpu.memory_space<hbm>>) target(%dma_start3A_312 : memref<64x128xf32, #tpu.memory_space<vmem>>) offsets(%dma_start3A_315 : memref<64xi32, #tpu.memory_space<vmem>>) semaphore(%arg11 : memref<!tpu.dma_semaphore, #tpu.memory_space<semaphore_mem>>)
        } else {
        }
        %dma_wait3A_224 = arith.constant 1 : i32
        %dma_wait3A_225 = arith.constant 0 : i32
        %dma_wait3A_226 = arith.constant 0 : i32
        %dma_wait3A_227 = tpu.memref_slice %arg9[%dma_wait3A_224, %dma_wait3A_225, %dma_wait3A_226] : memref<4x64x128xf32, #tpu.memory_space<vmem>> -> memref<1x64x128xf32, #tpu.memory_space<vmem>>
        %dma_wait3A_228 = tpu.memref_squeeze %dma_wait3A_227 : memref<1x64x128xf32, #tpu.memory_space<vmem>> -> memref<64x128xf32, #tpu.memory_space<vmem>>
        %dma_wait3A_229 = arith.constant 0 : i32
        %dma_wait3A_230 = arith.constant 0 : i32
        %dma_wait3A_231 = tpu.memref_slice %arg10[%dma_wait3A_229, %dma_wait3A_230] : memref<10240x128xf32, #tpu.memory_space<vmem_shared>> -> memref<64x128xf32, #tpu.memory_space<vmem_shared>>
        %dma_wait3A_232 = arith.constant 0 : i32
        %dma_wait3A_233 = arith.constant 0 : i32
        %dma_wait3A_234 = tpu.memref_slice %arg10[%dma_wait3A_232, %dma_wait3A_233] : memref<10240x128xf32, #tpu.memory_space<vmem_shared>> -> memref<64x128xf32, #tpu.memory_space<vmem_shared>>
        %dma_wait3A_235 = arith.constant 0 : i32
        %dma_wait3A_236 = arith.constant 0 : i32
        %dma_wait3A_237 = tpu.memref_slice %arg9[%dma_wait3A_224, %dma_wait3A_235, %dma_wait3A_236] : memref<4x64x128xf32, #tpu.memory_space<vmem>> -> memref<1x64x128xf32, #tpu.memory_space<vmem>>
        %dma_wait3A_238 = tpu.memref_squeeze %dma_wait3A_237 : memref<1x64x128xf32, #tpu.memory_space<vmem>> -> memref<64x128xf32, #tpu.memory_space<vmem>>
        tpu.wait_dma2 semaphore(%arg16 : memref<!tpu.dma_semaphore, #tpu.memory_space<semaphore_mem>>) src(%dma_wait3A_238 : memref<64x128xf32, #tpu.memory_space<vmem>>) dst(%dma_wait3A_234 : memref<64x128xf32, #tpu.memory_space<vmem_shared>>)
        %mul3A_239 = arith.constant 4 : i32
        %mul3A_240 = arith.muli %mul3A_239, %scan3A_91 : i32
        %add3A_241 = arith.constant 1 : i32
        %add3A_242 = arith.addi %mul3A_240, %add3A_241 : i32
        %add3A_243 = arith.constant 4 : i32
        %add3A_244 = arith.addi %add3A_242, %add3A_243 : i32
        %lt3A_245 = arith.constant 40 : i32
        %lt3A_246 = arith.cmpi slt, %add3A_244, %lt3A_245 : i32
        %convert_element_type3A_247 = arith.extui %lt3A_246 : i1 to i32
        %cond3A_248 = arith.constant 0 : i32
        %cond3A_249 = arith.cmpi ne, %convert_element_type3A_247, %cond3A_248 : i32
        scf.if %cond3A_249 {
          %mul3A_302 = arith.constant 4 : i32
          %mul3A_303 = arith.muli %mul3A_302, %scan3A_91 : i32
          %add3A_304 = arith.constant 1 : i32
          %add3A_305 = arith.addi %mul3A_303, %add3A_304 : i32
          %add3A_306 = arith.constant 4 : i32
          %add3A_307 = arith.addi %add3A_305, %add3A_306 : i32
          %dma_start3A_308 = arith.constant 1 : i32
          %dma_start3A_309 = arith.constant 0 : i32
          %dma_start3A_310 = arith.constant 0 : i32
          %dma_start3A_311 = tpu.memref_slice %arg9[%dma_start3A_308, %dma_start3A_309, %dma_start3A_310] : memref<4x64x128xf32, #tpu.memory_space<vmem>> -> memref<1x64x128xf32, #tpu.memory_space<vmem>>
          %dma_start3A_312 = tpu.memref_squeeze %dma_start3A_311 : memref<1x64x128xf32, #tpu.memory_space<vmem>> -> memref<64x128xf32, #tpu.memory_space<vmem>>
          %dma_start3A_313 = arith.constant 0 : i32
          %dma_start3A_314 = tpu.memref_slice %arg7[%add3A_307, %dma_start3A_313] : memref<40x64xi32, #tpu.memory_space<vmem>> -> memref<1x64xi32, #tpu.memory_space<vmem>>
          %dma_start3A_315 = tpu.memref_squeeze %dma_start3A_314 : memref<1x64xi32, #tpu.memory_space<vmem>> -> memref<64xi32, #tpu.memory_space<vmem>>
          %dma_start3A_316 = arith.constant 0 : i32
          %dma_start3A_317 = arith.constant 0 : i32
          %dma_start3A_318 = tpu.memref_slice %arg2[%dma_start3A_316, %dma_start3A_317] : memref<10000x128xf32, #tpu.memory_space<hbm>> -> memref<10000x128xf32, #tpu.memory_space<hbm>>
          tpu.enqueue_indirect_dma source(%dma_start3A_318 : memref<10000x128xf32, #tpu.memory_space<hbm>>) target(%dma_start3A_312 : memref<64x128xf32, #tpu.memory_space<vmem>>) offsets(%dma_start3A_315 : memref<64xi32, #tpu.memory_space<vmem>>) semaphore(%arg12 : memref<!tpu.dma_semaphore, #tpu.memory_space<semaphore_mem>>)
        } else {
        }
        %dma_wait3A_250 = arith.constant 2 : i32
        %dma_wait3A_251 = arith.constant 0 : i32
        %dma_wait3A_252 = arith.constant 0 : i32
        %dma_wait3A_253 = tpu.memref_slice %arg9[%dma_wait3A_250, %dma_wait3A_251, %dma_wait3A_252] : memref<4x64x128xf32, #tpu.memory_space<vmem>> -> memref<1x64x128xf32, #tpu.memory_space<vmem>>
        %dma_wait3A_254 = tpu.memref_squeeze %dma_wait3A_253 : memref<1x64x128xf32, #tpu.memory_space<vmem>> -> memref<64x128xf32, #tpu.memory_space<vmem>>
        %dma_wait3A_255 = arith.constant 0 : i32
        %dma_wait3A_256 = arith.constant 0 : i32
        %dma_wait3A_257 = tpu.memref_slice %arg10[%dma_wait3A_255, %dma_wait3A_256] : memref<10240x128xf32, #tpu.memory_space<vmem_shared>> -> memref<64x128xf32, #tpu.memory_space<vmem_shared>>
        %dma_wait3A_258 = arith.constant 0 : i32
        %dma_wait3A_259 = arith.constant 0 : i32
        %dma_wait3A_260 = tpu.memref_slice %arg10[%dma_wait3A_258, %dma_wait3A_259] : memref<10240x128xf32, #tpu.memory_space<vmem_shared>> -> memref<64x128xf32, #tpu.memory_space<vmem_shared>>
        %dma_wait3A_261 = arith.constant 0 : i32
        %dma_wait3A_262 = arith.constant 0 : i32
        %dma_wait3A_263 = tpu.memref_slice %arg9[%dma_wait3A_250, %dma_wait3A_261, %dma_wait3A_262] : memref<4x64x128xf32, #tpu.memory_space<vmem>> -> memref<1x64x128xf32, #tpu.memory_space<vmem>>
        %dma_wait3A_264 = tpu.memref_squeeze %dma_wait3A_263 : memref<1x64x128xf32, #tpu.memory_space<vmem>> -> memref<64x128xf32, #tpu.memory_space<vmem>>
        tpu.wait_dma2 semaphore(%arg17 : memref<!tpu.dma_semaphore, #tpu.memory_space<semaphore_mem>>) src(%dma_wait3A_264 : memref<64x128xf32, #tpu.memory_space<vmem>>) dst(%dma_wait3A_260 : memref<64x128xf32, #tpu.memory_space<vmem_shared>>)
        %mul3A_265 = arith.constant 4 : i32
        %mul3A_266 = arith.muli %mul3A_265, %scan3A_91 : i32
        %add3A_267 = arith.constant 2 : i32
        %add3A_268 = arith.addi %mul3A_266, %add3A_267 : i32
        %add3A_269 = arith.constant 4 : i32
        %add3A_270 = arith.addi %add3A_268, %add3A_269 : i32
        %lt3A_271 = arith.constant 40 : i32
        %lt3A_272 = arith.cmpi slt, %add3A_270, %lt3A_271 : i32
        %convert_element_type3A_273 = arith.extui %lt3A_272 : i1 to i32
        %cond3A_274 = arith.constant 0 : i32
        %cond3A_275 = arith.cmpi ne, %convert_element_type3A_273, %cond3A_274 : i32
        scf.if %cond3A_275 {
          %mul3A_302 = arith.constant 4 : i32
          %mul3A_303 = arith.muli %mul3A_302, %scan3A_91 : i32
          %add3A_304 = arith.constant 2 : i32
          %add3A_305 = arith.addi %mul3A_303, %add3A_304 : i32
          %add3A_306 = arith.constant 4 : i32
          %add3A_307 = arith.addi %add3A_305, %add3A_306 : i32
          %dma_start3A_308 = arith.constant 2 : i32
          %dma_start3A_309 = arith.constant 0 : i32
          %dma_start3A_310 = arith.constant 0 : i32
          %dma_start3A_311 = tpu.memref_slice %arg9[%dma_start3A_308, %dma_start3A_309, %dma_start3A_310] : memref<4x64x128xf32, #tpu.memory_space<vmem>> -> memref<1x64x128xf32, #tpu.memory_space<vmem>>
          %dma_start3A_312 = tpu.memref_squeeze %dma_start3A_311 : memref<1x64x128xf32, #tpu.memory_space<vmem>> -> memref<64x128xf32, #tpu.memory_space<vmem>>
          %dma_start3A_313 = arith.constant 0 : i32
          %dma_start3A_314 = tpu.memref_slice %arg7[%add3A_307, %dma_start3A_313] : memref<40x64xi32, #tpu.memory_space<vmem>> -> memref<1x64xi32, #tpu.memory_space<vmem>>
          %dma_start3A_315 = tpu.memref_squeeze %dma_start3A_314 : memref<1x64xi32, #tpu.memory_space<vmem>> -> memref<64xi32, #tpu.memory_space<vmem>>
          %dma_start3A_316 = arith.constant 0 : i32
          %dma_start3A_317 = arith.constant 0 : i32
          %dma_start3A_318 = tpu.memref_slice %arg2[%dma_start3A_316, %dma_start3A_317] : memref<10000x128xf32, #tpu.memory_space<hbm>> -> memref<10000x128xf32, #tpu.memory_space<hbm>>
          tpu.enqueue_indirect_dma source(%dma_start3A_318 : memref<10000x128xf32, #tpu.memory_space<hbm>>) target(%dma_start3A_312 : memref<64x128xf32, #tpu.memory_space<vmem>>) offsets(%dma_start3A_315 : memref<64xi32, #tpu.memory_space<vmem>>) semaphore(%arg13 : memref<!tpu.dma_semaphore, #tpu.memory_space<semaphore_mem>>)
        } else {
        }
        %dma_wait3A_276 = arith.constant 3 : i32
        %dma_wait3A_277 = arith.constant 0 : i32
        %dma_wait3A_278 = arith.constant 0 : i32
        %dma_wait3A_279 = tpu.memref_slice %arg9[%dma_wait3A_276, %dma_wait3A_277, %dma_wait3A_278] : memref<4x64x128xf32, #tpu.memory_space<vmem>> -> memref<1x64x128xf32, #tpu.memory_space<vmem>>
        %dma_wait3A_280 = tpu.memref_squeeze %dma_wait3A_279 : memref<1x64x128xf32, #tpu.memory_space<vmem>> -> memref<64x128xf32, #tpu.memory_space<vmem>>
        %dma_wait3A_281 = arith.constant 0 : i32
        %dma_wait3A_282 = arith.constant 0 : i32
        %dma_wait3A_283 = tpu.memref_slice %arg10[%dma_wait3A_281, %dma_wait3A_282] : memref<10240x128xf32, #tpu.memory_space<vmem_shared>> -> memref<64x128xf32, #tpu.memory_space<vmem_shared>>
        %dma_wait3A_284 = arith.constant 0 : i32
        %dma_wait3A_285 = arith.constant 0 : i32
        %dma_wait3A_286 = tpu.memref_slice %arg10[%dma_wait3A_284, %dma_wait3A_285] : memref<10240x128xf32, #tpu.memory_space<vmem_shared>> -> memref<64x128xf32, #tpu.memory_space<vmem_shared>>
        %dma_wait3A_287 = arith.constant 0 : i32
        %dma_wait3A_288 = arith.constant 0 : i32
        %dma_wait3A_289 = tpu.memref_slice %arg9[%dma_wait3A_276, %dma_wait3A_287, %dma_wait3A_288] : memref<4x64x128xf32, #tpu.memory_space<vmem>> -> memref<1x64x128xf32, #tpu.memory_space<vmem>>
        %dma_wait3A_290 = tpu.memref_squeeze %dma_wait3A_289 : memref<1x64x128xf32, #tpu.memory_space<vmem>> -> memref<64x128xf32, #tpu.memory_space<vmem>>
        tpu.wait_dma2 semaphore(%arg18 : memref<!tpu.dma_semaphore, #tpu.memory_space<semaphore_mem>>) src(%dma_wait3A_290 : memref<64x128xf32, #tpu.memory_space<vmem>>) dst(%dma_wait3A_286 : memref<64x128xf32, #tpu.memory_space<vmem_shared>>)
        %mul3A_291 = arith.constant 4 : i32
        %mul3A_292 = arith.muli %mul3A_291, %scan3A_91 : i32
        %add3A_293 = arith.constant 3 : i32
        %add3A_294 = arith.addi %mul3A_292, %add3A_293 : i32
        %add3A_295 = arith.constant 4 : i32
        %add3A_296 = arith.addi %add3A_294, %add3A_295 : i32
        %lt3A_297 = arith.constant 40 : i32
        %lt3A_298 = arith.cmpi slt, %add3A_296, %lt3A_297 : i32
        %convert_element_type3A_299 = arith.extui %lt3A_298 : i1 to i32
        %cond3A_300 = arith.constant 0 : i32
        %cond3A_301 = arith.cmpi ne, %convert_element_type3A_299, %cond3A_300 : i32
        scf.if %cond3A_301 {
          %mul3A_302 = arith.constant 4 : i32
          %mul3A_303 = arith.muli %mul3A_302, %scan3A_91 : i32
          %add3A_304 = arith.constant 3 : i32
          %add3A_305 = arith.addi %mul3A_303, %add3A_304 : i32
          %add3A_306 = arith.constant 4 : i32
          %add3A_307 = arith.addi %add3A_305, %add3A_306 : i32
          %dma_start3A_308 = arith.constant 3 : i32
          %dma_start3A_309 = arith.constant 0 : i32
          %dma_start3A_310 = arith.constant 0 : i32
          %dma_start3A_311 = tpu.memref_slice %arg9[%dma_start3A_308, %dma_start3A_309, %dma_start3A_310] : memref<4x64x128xf32, #tpu.memory_space<vmem>> -> memref<1x64x128xf32, #tpu.memory_space<vmem>>
          %dma_start3A_312 = tpu.memref_squeeze %dma_start3A_311 : memref<1x64x128xf32, #tpu.memory_space<vmem>> -> memref<64x128xf32, #tpu.memory_space<vmem>>
          %dma_start3A_313 = arith.constant 0 : i32
          %dma_start3A_314 = tpu.memref_slice %arg7[%add3A_307, %dma_start3A_313] : memref<40x64xi32, #tpu.memory_space<vmem>> -> memref<1x64xi32, #tpu.memory_space<vmem>>
          %dma_start3A_315 = tpu.memref_squeeze %dma_start3A_314 : memref<1x64xi32, #tpu.memory_space<vmem>> -> memref<64xi32, #tpu.memory_space<vmem>>
          %dma_start3A_316 = arith.constant 0 : i32
          %dma_start3A_317 = arith.constant 0 : i32
          %dma_start3A_318 = tpu.memref_slice %arg2[%dma_start3A_316, %dma_start3A_317] : memref<10000x128xf32, #tpu.memory_space<hbm>> -> memref<10000x128xf32, #tpu.memory_space<hbm>>
          tpu.enqueue_indirect_dma source(%dma_start3A_318 : memref<10000x128xf32, #tpu.memory_space<hbm>>) target(%dma_start3A_312 : memref<64x128xf32, #tpu.memory_space<vmem>>) offsets(%dma_start3A_315 : memref<64xi32, #tpu.memory_space<vmem>>) semaphore(%arg14 : memref<!tpu.dma_semaphore, #tpu.memory_space<semaphore_mem>>)
        } else {
        }
      }
      %scan3A_90 = arith.constant 10 : i32
    } else {
    }
    %gt3A_30 = arith.constant 5 : i32
    %gt3A_31 = arith.cmpi sgt, %select_n3A_7, %gt3A_30 : i32
    %convert_element_type3A_32 = arith.extui %gt3A_31 : i1 to i32
    %cond3A_33 = arith.constant 0 : i32
    %cond3A_34 = arith.cmpi ne, %convert_element_type3A_32, %cond3A_33 : i32
    scf.if %cond3A_34 {
      %add3A = arith.constant 5 : i32
      %add3A_36 = arith.addi %select_n3A, %add3A : i32
      %mul3A_37 = arith.constant 40 : i32
      %mul3A_38 = arith.muli %add3A_36, %mul3A_37 : i32
      "tpu.region"() ({
        %run_scoped3A = tpu.sem_alloc : memref<!tpu.dma_semaphore, #tpu.memory_space<semaphore_mem>>
        %dma_start3A_91 = arith.constant 0 : i32
        %dma_start3A_92 = tpu.memref_slice %arg3[%arg1, %mul3A_38, %dma_start3A_91] : memref<16x320x64xi32, #tpu.memory_space<hbm>> -> memref<1x40x64xi32, #tpu.memory_space<hbm>>
        %dma_start3A_93 = tpu.memref_squeeze %dma_start3A_92 : memref<1x40x64xi32, #tpu.memory_space<hbm>> -> memref<40x64xi32, #tpu.memory_space<hbm>>
        %dma_start3A_94 = arith.constant 0 : i32
        %dma_start3A_95 = tpu.memref_slice %arg3[%arg1, %mul3A_38, %dma_start3A_94] : memref<16x320x64xi32, #tpu.memory_space<hbm>> -> memref<1x40x64xi32, #tpu.memory_space<hbm>>
        %dma_start3A_96 = tpu.memref_squeeze %dma_start3A_95 : memref<1x40x64xi32, #tpu.memory_space<hbm>> -> memref<40x64xi32, #tpu.memory_space<hbm>>
        tpu.enqueue_dma source(%dma_start3A_96 : memref<40x64xi32, #tpu.memory_space<hbm>>) target(%arg7 : memref<40x64xi32, #tpu.memory_space<vmem>>) target_semaphore(%run_scoped3A : memref<!tpu.dma_semaphore, #tpu.memory_space<semaphore_mem>>)
        %dma_wait3A = arith.constant 0 : i32
        %dma_wait3A_97 = tpu.memref_slice %arg3[%arg1, %mul3A_38, %dma_wait3A] : memref<16x320x64xi32, #tpu.memory_space<hbm>> -> memref<1x40x64xi32, #tpu.memory_space<hbm>>
        %dma_wait3A_98 = tpu.memref_squeeze %dma_wait3A_97 : memref<1x40x64xi32, #tpu.memory_space<hbm>> -> memref<40x64xi32, #tpu.memory_space<hbm>>
        %dma_wait3A_99 = arith.constant 0 : i32
        %dma_wait3A_100 = tpu.memref_slice %arg3[%arg1, %mul3A_38, %dma_wait3A_99] : memref<16x320x64xi32, #tpu.memory_space<hbm>> -> memref<1x40x64xi32, #tpu.memory_space<hbm>>
        %dma_wait3A_101 = tpu.memref_squeeze %dma_wait3A_100 : memref<1x40x64xi32, #tpu.memory_space<hbm>> -> memref<40x64xi32, #tpu.memory_space<hbm>>
        tpu.wait_dma2 semaphore(%run_scoped3A : memref<!tpu.dma_semaphore, #tpu.memory_space<semaphore_mem>>) src(%dma_wait3A_101 : memref<40x64xi32, #tpu.memory_space<hbm>>) dst(%arg7 : memref<40x64xi32, #tpu.memory_space<vmem>>)
        tpu.yield
      }) : () -> ()
      "tpu.region"() ({
        %run_scoped3A = tpu.sem_alloc : memref<!tpu.dma_semaphore, #tpu.memory_space<semaphore_mem>>
        %dma_start3A_91 = arith.constant 0 : i32
        %dma_start3A_92 = tpu.memref_slice %arg4[%arg1, %mul3A_38, %dma_start3A_91] : memref<16x320x64xi32, #tpu.memory_space<hbm>> -> memref<1x40x64xi32, #tpu.memory_space<hbm>>
        %dma_start3A_93 = tpu.memref_squeeze %dma_start3A_92 : memref<1x40x64xi32, #tpu.memory_space<hbm>> -> memref<40x64xi32, #tpu.memory_space<hbm>>
        %dma_start3A_94 = arith.constant 0 : i32
        %dma_start3A_95 = tpu.memref_slice %arg4[%arg1, %mul3A_38, %dma_start3A_94] : memref<16x320x64xi32, #tpu.memory_space<hbm>> -> memref<1x40x64xi32, #tpu.memory_space<hbm>>
        %dma_start3A_96 = tpu.memref_squeeze %dma_start3A_95 : memref<1x40x64xi32, #tpu.memory_space<hbm>> -> memref<40x64xi32, #tpu.memory_space<hbm>>
        tpu.enqueue_dma source(%dma_start3A_96 : memref<40x64xi32, #tpu.memory_space<hbm>>) target(%arg8 : memref<40x64xi32, #tpu.memory_space<vmem>>) target_semaphore(%run_scoped3A : memref<!tpu.dma_semaphore, #tpu.memory_space<semaphore_mem>>)
        %dma_wait3A = arith.constant 0 : i32
        %dma_wait3A_97 = tpu.memref_slice %arg4[%arg1, %mul3A_38, %dma_wait3A] : memref<16x320x64xi32, #tpu.memory_space<hbm>> -> memref<1x40x64xi32, #tpu.memory_space<hbm>>
        %dma_wait3A_98 = tpu.memref_squeeze %dma_wait3A_97 : memref<1x40x64xi32, #tpu.memory_space<hbm>> -> memref<40x64xi32, #tpu.memory_space<hbm>>
        %dma_wait3A_99 = arith.constant 0 : i32
        %dma_wait3A_100 = tpu.memref_slice %arg4[%arg1, %mul3A_38, %dma_wait3A_99] : memref<16x320x64xi32, #tpu.memory_space<hbm>> -> memref<1x40x64xi32, #tpu.memory_space<hbm>>
        %dma_wait3A_101 = tpu.memref_squeeze %dma_wait3A_100 : memref<1x40x64xi32, #tpu.memory_space<hbm>> -> memref<40x64xi32, #tpu.memory_space<hbm>>
        tpu.wait_dma2 semaphore(%run_scoped3A : memref<!tpu.dma_semaphore, #tpu.memory_space<semaphore_mem>>) src(%dma_wait3A_101 : memref<40x64xi32, #tpu.memory_space<hbm>>) dst(%arg8 : memref<40x64xi32, #tpu.memory_space<vmem>>)
        tpu.yield
      }) : () -> ()
      %dma_start3A = arith.constant 0 : i32
      %dma_start3A_39 = arith.constant 0 : i32
      %dma_start3A_40 = arith.constant 0 : i32
      %dma_start3A_41 = arith.constant 0 : i32
      %dma_start3A_42 = tpu.memref_slice %arg9[%dma_start3A_39, %dma_start3A_40, %dma_start3A_41] : memref<4x64x128xf32, #tpu.memory_space<vmem>> -> memref<1x64x128xf32, #tpu.memory_space<vmem>>
      %dma_start3A_43 = tpu.memref_squeeze %dma_start3A_42 : memref<1x64x128xf32, #tpu.memory_space<vmem>> -> memref<64x128xf32, #tpu.memory_space<vmem>>
      %dma_start3A_44 = arith.constant 0 : i32
      %dma_start3A_45 = tpu.memref_slice %arg7[%dma_start3A, %dma_start3A_44] : memref<40x64xi32, #tpu.memory_space<vmem>> -> memref<1x64xi32, #tpu.memory_space<vmem>>
      %dma_start3A_46 = tpu.memref_squeeze %dma_start3A_45 : memref<1x64xi32, #tpu.memory_space<vmem>> -> memref<64xi32, #tpu.memory_space<vmem>>
      %dma_start3A_47 = arith.constant 0 : i32
      %dma_start3A_48 = arith.constant 0 : i32
      %dma_start3A_49 = tpu.memref_slice %arg2[%dma_start3A_47, %dma_start3A_48] : memref<10000x128xf32, #tpu.memory_space<hbm>> -> memref<10000x128xf32, #tpu.memory_space<hbm>>
      tpu.enqueue_indirect_dma source(%dma_start3A_49 : memref<10000x128xf32, #tpu.memory_space<hbm>>) target(%dma_start3A_43 : memref<64x128xf32, #tpu.memory_space<vmem>>) offsets(%dma_start3A_46 : memref<64xi32, #tpu.memory_space<vmem>>) semaphore(%arg11 : memref<!tpu.dma_semaphore, #tpu.memory_space<semaphore_mem>>)
      %dma_start3A_50 = arith.constant 1 : i32
      %dma_start3A_51 = arith.constant 1 : i32
      %dma_start3A_52 = arith.constant 0 : i32
      %dma_start3A_53 = arith.constant 0 : i32
      %dma_start3A_54 = tpu.memref_slice %arg9[%dma_start3A_51, %dma_start3A_52, %dma_start3A_53] : memref<4x64x128xf32, #tpu.memory_space<vmem>> -> memref<1x64x128xf32, #tpu.memory_space<vmem>>
      %dma_start3A_55 = tpu.memref_squeeze %dma_start3A_54 : memref<1x64x128xf32, #tpu.memory_space<vmem>> -> memref<64x128xf32, #tpu.memory_space<vmem>>
      %dma_start3A_56 = arith.constant 0 : i32
      %dma_start3A_57 = tpu.memref_slice %arg7[%dma_start3A_50, %dma_start3A_56] : memref<40x64xi32, #tpu.memory_space<vmem>> -> memref<1x64xi32, #tpu.memory_space<vmem>>
      %dma_start3A_58 = tpu.memref_squeeze %dma_start3A_57 : memref<1x64xi32, #tpu.memory_space<vmem>> -> memref<64xi32, #tpu.memory_space<vmem>>
      %dma_start3A_59 = arith.constant 0 : i32
      %dma_start3A_60 = arith.constant 0 : i32
      %dma_start3A_61 = tpu.memref_slice %arg2[%dma_start3A_59, %dma_start3A_60] : memref<10000x128xf32, #tpu.memory_space<hbm>> -> memref<10000x128xf32, #tpu.memory_space<hbm>>
      tpu.enqueue_indirect_dma source(%dma_start3A_61 : memref<10000x128xf32, #tpu.memory_space<hbm>>) target(%dma_start3A_55 : memref<64x128xf32, #tpu.memory_space<vmem>>) offsets(%dma_start3A_58 : memref<64xi32, #tpu.memory_space<vmem>>) semaphore(%arg12 : memref<!tpu.dma_semaphore, #tpu.memory_space<semaphore_mem>>)
      %dma_start3A_62 = arith.constant 2 : i32
      %dma_start3A_63 = arith.constant 2 : i32
      %dma_start3A_64 = arith.constant 0 : i32
      %dma_start3A_65 = arith.constant 0 : i32
      %dma_start3A_66 = tpu.memref_slice %arg9[%dma_start3A_63, %dma_start3A_64, %dma_start3A_65] : memref<4x64x128xf32, #tpu.memory_space<vmem>> -> memref<1x64x128xf32, #tpu.memory_space<vmem>>
      %dma_start3A_67 = tpu.memref_squeeze %dma_start3A_66 : memref<1x64x128xf32, #tpu.memory_space<vmem>> -> memref<64x128xf32, #tpu.memory_space<vmem>>
      %dma_start3A_68 = arith.constant 0 : i32
      %dma_start3A_69 = tpu.memref_slice %arg7[%dma_start3A_62, %dma_start3A_68] : memref<40x64xi32, #tpu.memory_space<vmem>> -> memref<1x64xi32, #tpu.memory_space<vmem>>
      %dma_start3A_70 = tpu.memref_squeeze %dma_start3A_69 : memref<1x64xi32, #tpu.memory_space<vmem>> -> memref<64xi32, #tpu.memory_space<vmem>>
      %dma_start3A_71 = arith.constant 0 : i32
      %dma_start3A_72 = arith.constant 0 : i32
      %dma_start3A_73 = tpu.memref_slice %arg2[%dma_start3A_71, %dma_start3A_72] : memref<10000x128xf32, #tpu.memory_space<hbm>> -> memref<10000x128xf32, #tpu.memory_space<hbm>>
      tpu.enqueue_indirect_dma source(%dma_start3A_73 : memref<10000x128xf32, #tpu.memory_space<hbm>>) target(%dma_start3A_67 : memref<64x128xf32, #tpu.memory_space<vmem>>) offsets(%dma_start3A_70 : memref<64xi32, #tpu.memory_space<vmem>>) semaphore(%arg13 : memref<!tpu.dma_semaphore, #tpu.memory_space<semaphore_mem>>)
      %dma_start3A_74 = arith.constant 3 : i32
      %dma_start3A_75 = arith.constant 3 : i32
      %dma_start3A_76 = arith.constant 0 : i32
      %dma_start3A_77 = arith.constant 0 : i32
      %dma_start3A_78 = tpu.memref_slice %arg9[%dma_start3A_75, %dma_start3A_76, %dma_start3A_77] : memref<4x64x128xf32, #tpu.memory_space<vmem>> -> memref<1x64x128xf32, #tpu.memory_space<vmem>>
      %dma_start3A_79 = tpu.memref_squeeze %dma_start3A_78 : memref<1x64x128xf32, #tpu.memory_space<vmem>> -> memref<64x128xf32, #tpu.memory_space<vmem>>
      %dma_start3A_80 = arith.constant 0 : i32
      %dma_start3A_81 = tpu.memref_slice %arg7[%dma_start3A_74, %dma_start3A_80] : memref<40x64xi32, #tpu.memory_space<vmem>> -> memref<1x64xi32, #tpu.memory_space<vmem>>
      %dma_start3A_82 = tpu.memref_squeeze %dma_start3A_81 : memref<1x64xi32, #tpu.memory_space<vmem>> -> memref<64xi32, #tpu.memory_space<vmem>>
      %dma_start3A_83 = arith.constant 0 : i32
      %dma_start3A_84 = arith.constant 0 : i32
      %dma_start3A_85 = tpu.memref_slice %arg2[%dma_start3A_83, %dma_start3A_84] : memref<10000x128xf32, #tpu.memory_space<hbm>> -> memref<10000x128xf32, #tpu.memory_space<hbm>>
      tpu.enqueue_indirect_dma source(%dma_start3A_85 : memref<10000x128xf32, #tpu.memory_space<hbm>>) target(%dma_start3A_79 : memref<64x128xf32, #tpu.memory_space<vmem>>) offsets(%dma_start3A_82 : memref<64xi32, #tpu.memory_space<vmem>>) semaphore(%arg14 : memref<!tpu.dma_semaphore, #tpu.memory_space<semaphore_mem>>)
      %scan3A = arith.constant 0 : i32
      %scan3A_86 = arith.constant 0 : i32
      %scan3A_87 = arith.constant 10 : i32
      %scan3A_88 = arith.addi %scan3A_86, %scan3A_87 : i32
      %scan3A_89 = arith.constant 1 : i32
      scf.for %scan3A_91 = %scan3A_86 to %scan3A_88 step %scan3A_89  : i32 {
        %dma_wait3A = arith.constant 0 : i32
        %dma_wait3A_92 = arith.constant 0 : i32
        %dma_wait3A_93 = arith.constant 0 : i32
        %dma_wait3A_94 = arith.constant 0 : i32
        %dma_wait3A_95 = tpu.memref_slice %arg9[%dma_wait3A_92, %dma_wait3A_93, %dma_wait3A_94] : memref<4x64x128xf32, #tpu.memory_space<vmem>> -> memref<1x64x128xf32, #tpu.memory_space<vmem>>
        %dma_wait3A_96 = tpu.memref_squeeze %dma_wait3A_95 : memref<1x64x128xf32, #tpu.memory_space<vmem>> -> memref<64x128xf32, #tpu.memory_space<vmem>>
        %dma_wait3A_97 = arith.constant 0 : i32
        %dma_wait3A_98 = tpu.memref_slice %arg7[%dma_wait3A, %dma_wait3A_97] : memref<40x64xi32, #tpu.memory_space<vmem>> -> memref<1x64xi32, #tpu.memory_space<vmem>>
        %dma_wait3A_99 = tpu.memref_squeeze %dma_wait3A_98 : memref<1x64xi32, #tpu.memory_space<vmem>> -> memref<64xi32, #tpu.memory_space<vmem>>
        %dma_wait3A_100 = arith.constant 0 : i32
        %dma_wait3A_101 = arith.constant 0 : i32
        %dma_wait3A_102 = tpu.memref_slice %arg2[%dma_wait3A_100, %dma_wait3A_101] : memref<10000x128xf32, #tpu.memory_space<hbm>> -> memref<10000x128xf32, #tpu.memory_space<hbm>>
        tpu.wait_indirect_dma semaphore(%arg11 : memref<!tpu.dma_semaphore, #tpu.memory_space<semaphore_mem>>) src(%dma_wait3A_102 : memref<10000x128xf32, #tpu.memory_space<hbm>>) dst(%dma_wait3A_96 : memref<64x128xf32, #tpu.memory_space<vmem>>)
        %mul3A_103 = arith.constant 4 : i32
        %mul3A_104 = arith.muli %mul3A_103, %scan3A_91 : i32
        %add3A_105 = arith.constant 0 : i32
        %add3A_106 = arith.addi %mul3A_104, %add3A_105 : i32
        %dma_start3A_107 = arith.constant 0 : i32
        %dma_start3A_108 = arith.constant 0 : i32
        %dma_start3A_109 = arith.constant 0 : i32
        %dma_start3A_110 = tpu.memref_slice %arg9[%dma_start3A_107, %dma_start3A_108, %dma_start3A_109] : memref<4x64x128xf32, #tpu.memory_space<vmem>> -> memref<1x64x128xf32, #tpu.memory_space<vmem>>
        %dma_start3A_111 = tpu.memref_squeeze %dma_start3A_110 : memref<1x64x128xf32, #tpu.memory_space<vmem>> -> memref<64x128xf32, #tpu.memory_space<vmem>>
        %dma_start3A_112 = arith.constant 0 : i32
        %dma_start3A_113 = tpu.memref_slice %arg8[%add3A_106, %dma_start3A_112] : memref<40x64xi32, #tpu.memory_space<vmem>> -> memref<1x64xi32, #tpu.memory_space<vmem>>
        %dma_start3A_114 = tpu.memref_squeeze %dma_start3A_113 : memref<1x64xi32, #tpu.memory_space<vmem>> -> memref<64xi32, #tpu.memory_space<vmem>>
        %dma_start3A_115 = arith.constant 0 : i32
        %dma_start3A_116 = arith.constant 0 : i32
        %dma_start3A_117 = tpu.memref_slice %arg10[%dma_start3A_115, %dma_start3A_116] : memref<10240x128xf32, #tpu.memory_space<vmem_shared>> -> memref<10240x128xf32, #tpu.memory_space<vmem_shared>>
        tpu.enqueue_indirect_dma source(%dma_start3A_111 : memref<64x128xf32, #tpu.memory_space<vmem>>) target(%dma_start3A_117 : memref<10240x128xf32, #tpu.memory_space<vmem_shared>>) offsets(%dma_start3A_114 : memref<64xi32, #tpu.memory_space<vmem>>) semaphore(%arg15 : memref<!tpu.dma_semaphore, #tpu.memory_space<semaphore_mem>>) {add = true}
        %dma_wait3A_118 = arith.constant 0 : i32
        %dma_wait3A_119 = arith.constant 1 : i32
        %dma_wait3A_120 = arith.constant 0 : i32
        %dma_wait3A_121 = arith.constant 0 : i32
        %dma_wait3A_122 = tpu.memref_slice %arg9[%dma_wait3A_119, %dma_wait3A_120, %dma_wait3A_121] : memref<4x64x128xf32, #tpu.memory_space<vmem>> -> memref<1x64x128xf32, #tpu.memory_space<vmem>>
        %dma_wait3A_123 = tpu.memref_squeeze %dma_wait3A_122 : memref<1x64x128xf32, #tpu.memory_space<vmem>> -> memref<64x128xf32, #tpu.memory_space<vmem>>
        %dma_wait3A_124 = arith.constant 0 : i32
        %dma_wait3A_125 = tpu.memref_slice %arg7[%dma_wait3A_118, %dma_wait3A_124] : memref<40x64xi32, #tpu.memory_space<vmem>> -> memref<1x64xi32, #tpu.memory_space<vmem>>
        %dma_wait3A_126 = tpu.memref_squeeze %dma_wait3A_125 : memref<1x64xi32, #tpu.memory_space<vmem>> -> memref<64xi32, #tpu.memory_space<vmem>>
        %dma_wait3A_127 = arith.constant 0 : i32
        %dma_wait3A_128 = arith.constant 0 : i32
        %dma_wait3A_129 = tpu.memref_slice %arg2[%dma_wait3A_127, %dma_wait3A_128] : memref<10000x128xf32, #tpu.memory_space<hbm>> -> memref<10000x128xf32, #tpu.memory_space<hbm>>
        tpu.wait_indirect_dma semaphore(%arg12 : memref<!tpu.dma_semaphore, #tpu.memory_space<semaphore_mem>>) src(%dma_wait3A_129 : memref<10000x128xf32, #tpu.memory_space<hbm>>) dst(%dma_wait3A_123 : memref<64x128xf32, #tpu.memory_space<vmem>>)
        %mul3A_130 = arith.constant 4 : i32
        %mul3A_131 = arith.muli %mul3A_130, %scan3A_91 : i32
        %add3A_132 = arith.constant 1 : i32
        %add3A_133 = arith.addi %mul3A_131, %add3A_132 : i32
        %dma_start3A_134 = arith.constant 1 : i32
        %dma_start3A_135 = arith.constant 0 : i32
        %dma_start3A_136 = arith.constant 0 : i32
        %dma_start3A_137 = tpu.memref_slice %arg9[%dma_start3A_134, %dma_start3A_135, %dma_start3A_136] : memref<4x64x128xf32, #tpu.memory_space<vmem>> -> memref<1x64x128xf32, #tpu.memory_space<vmem>>
        %dma_start3A_138 = tpu.memref_squeeze %dma_start3A_137 : memref<1x64x128xf32, #tpu.memory_space<vmem>> -> memref<64x128xf32, #tpu.memory_space<vmem>>
        %dma_start3A_139 = arith.constant 0 : i32
        %dma_start3A_140 = tpu.memref_slice %arg8[%add3A_133, %dma_start3A_139] : memref<40x64xi32, #tpu.memory_space<vmem>> -> memref<1x64xi32, #tpu.memory_space<vmem>>
        %dma_start3A_141 = tpu.memref_squeeze %dma_start3A_140 : memref<1x64xi32, #tpu.memory_space<vmem>> -> memref<64xi32, #tpu.memory_space<vmem>>
        %dma_start3A_142 = arith.constant 0 : i32
        %dma_start3A_143 = arith.constant 0 : i32
        %dma_start3A_144 = tpu.memref_slice %arg10[%dma_start3A_142, %dma_start3A_143] : memref<10240x128xf32, #tpu.memory_space<vmem_shared>> -> memref<10240x128xf32, #tpu.memory_space<vmem_shared>>
        tpu.enqueue_indirect_dma source(%dma_start3A_138 : memref<64x128xf32, #tpu.memory_space<vmem>>) target(%dma_start3A_144 : memref<10240x128xf32, #tpu.memory_space<vmem_shared>>) offsets(%dma_start3A_141 : memref<64xi32, #tpu.memory_space<vmem>>) semaphore(%arg16 : memref<!tpu.dma_semaphore, #tpu.memory_space<semaphore_mem>>) {add = true}
        %dma_wait3A_145 = arith.constant 0 : i32
        %dma_wait3A_146 = arith.constant 2 : i32
        %dma_wait3A_147 = arith.constant 0 : i32
        %dma_wait3A_148 = arith.constant 0 : i32
        %dma_wait3A_149 = tpu.memref_slice %arg9[%dma_wait3A_146, %dma_wait3A_147, %dma_wait3A_148] : memref<4x64x128xf32, #tpu.memory_space<vmem>> -> memref<1x64x128xf32, #tpu.memory_space<vmem>>
        %dma_wait3A_150 = tpu.memref_squeeze %dma_wait3A_149 : memref<1x64x128xf32, #tpu.memory_space<vmem>> -> memref<64x128xf32, #tpu.memory_space<vmem>>
        %dma_wait3A_151 = arith.constant 0 : i32
        %dma_wait3A_152 = tpu.memref_slice %arg7[%dma_wait3A_145, %dma_wait3A_151] : memref<40x64xi32, #tpu.memory_space<vmem>> -> memref<1x64xi32, #tpu.memory_space<vmem>>
        %dma_wait3A_153 = tpu.memref_squeeze %dma_wait3A_152 : memref<1x64xi32, #tpu.memory_space<vmem>> -> memref<64xi32, #tpu.memory_space<vmem>>
        %dma_wait3A_154 = arith.constant 0 : i32
        %dma_wait3A_155 = arith.constant 0 : i32
        %dma_wait3A_156 = tpu.memref_slice %arg2[%dma_wait3A_154, %dma_wait3A_155] : memref<10000x128xf32, #tpu.memory_space<hbm>> -> memref<10000x128xf32, #tpu.memory_space<hbm>>
        tpu.wait_indirect_dma semaphore(%arg13 : memref<!tpu.dma_semaphore, #tpu.memory_space<semaphore_mem>>) src(%dma_wait3A_156 : memref<10000x128xf32, #tpu.memory_space<hbm>>) dst(%dma_wait3A_150 : memref<64x128xf32, #tpu.memory_space<vmem>>)
        %mul3A_157 = arith.constant 4 : i32
        %mul3A_158 = arith.muli %mul3A_157, %scan3A_91 : i32
        %add3A_159 = arith.constant 2 : i32
        %add3A_160 = arith.addi %mul3A_158, %add3A_159 : i32
        %dma_start3A_161 = arith.constant 2 : i32
        %dma_start3A_162 = arith.constant 0 : i32
        %dma_start3A_163 = arith.constant 0 : i32
        %dma_start3A_164 = tpu.memref_slice %arg9[%dma_start3A_161, %dma_start3A_162, %dma_start3A_163] : memref<4x64x128xf32, #tpu.memory_space<vmem>> -> memref<1x64x128xf32, #tpu.memory_space<vmem>>
        %dma_start3A_165 = tpu.memref_squeeze %dma_start3A_164 : memref<1x64x128xf32, #tpu.memory_space<vmem>> -> memref<64x128xf32, #tpu.memory_space<vmem>>
        %dma_start3A_166 = arith.constant 0 : i32
        %dma_start3A_167 = tpu.memref_slice %arg8[%add3A_160, %dma_start3A_166] : memref<40x64xi32, #tpu.memory_space<vmem>> -> memref<1x64xi32, #tpu.memory_space<vmem>>
        %dma_start3A_168 = tpu.memref_squeeze %dma_start3A_167 : memref<1x64xi32, #tpu.memory_space<vmem>> -> memref<64xi32, #tpu.memory_space<vmem>>
        %dma_start3A_169 = arith.constant 0 : i32
        %dma_start3A_170 = arith.constant 0 : i32
        %dma_start3A_171 = tpu.memref_slice %arg10[%dma_start3A_169, %dma_start3A_170] : memref<10240x128xf32, #tpu.memory_space<vmem_shared>> -> memref<10240x128xf32, #tpu.memory_space<vmem_shared>>
        tpu.enqueue_indirect_dma source(%dma_start3A_165 : memref<64x128xf32, #tpu.memory_space<vmem>>) target(%dma_start3A_171 : memref<10240x128xf32, #tpu.memory_space<vmem_shared>>) offsets(%dma_start3A_168 : memref<64xi32, #tpu.memory_space<vmem>>) semaphore(%arg17 : memref<!tpu.dma_semaphore, #tpu.memory_space<semaphore_mem>>) {add = true}
        %dma_wait3A_172 = arith.constant 0 : i32
        %dma_wait3A_173 = arith.constant 3 : i32
        %dma_wait3A_174 = arith.constant 0 : i32
        %dma_wait3A_175 = arith.constant 0 : i32
        %dma_wait3A_176 = tpu.memref_slice %arg9[%dma_wait3A_173, %dma_wait3A_174, %dma_wait3A_175] : memref<4x64x128xf32, #tpu.memory_space<vmem>> -> memref<1x64x128xf32, #tpu.memory_space<vmem>>
        %dma_wait3A_177 = tpu.memref_squeeze %dma_wait3A_176 : memref<1x64x128xf32, #tpu.memory_space<vmem>> -> memref<64x128xf32, #tpu.memory_space<vmem>>
        %dma_wait3A_178 = arith.constant 0 : i32
        %dma_wait3A_179 = tpu.memref_slice %arg7[%dma_wait3A_172, %dma_wait3A_178] : memref<40x64xi32, #tpu.memory_space<vmem>> -> memref<1x64xi32, #tpu.memory_space<vmem>>
        %dma_wait3A_180 = tpu.memref_squeeze %dma_wait3A_179 : memref<1x64xi32, #tpu.memory_space<vmem>> -> memref<64xi32, #tpu.memory_space<vmem>>
        %dma_wait3A_181 = arith.constant 0 : i32
        %dma_wait3A_182 = arith.constant 0 : i32
        %dma_wait3A_183 = tpu.memref_slice %arg2[%dma_wait3A_181, %dma_wait3A_182] : memref<10000x128xf32, #tpu.memory_space<hbm>> -> memref<10000x128xf32, #tpu.memory_space<hbm>>
        tpu.wait_indirect_dma semaphore(%arg14 : memref<!tpu.dma_semaphore, #tpu.memory_space<semaphore_mem>>) src(%dma_wait3A_183 : memref<10000x128xf32, #tpu.memory_space<hbm>>) dst(%dma_wait3A_177 : memref<64x128xf32, #tpu.memory_space<vmem>>)
        %mul3A_184 = arith.constant 4 : i32
        %mul3A_185 = arith.muli %mul3A_184, %scan3A_91 : i32
        %add3A_186 = arith.constant 3 : i32
        %add3A_187 = arith.addi %mul3A_185, %add3A_186 : i32
        %dma_start3A_188 = arith.constant 3 : i32
        %dma_start3A_189 = arith.constant 0 : i32
        %dma_start3A_190 = arith.constant 0 : i32
        %dma_start3A_191 = tpu.memref_slice %arg9[%dma_start3A_188, %dma_start3A_189, %dma_start3A_190] : memref<4x64x128xf32, #tpu.memory_space<vmem>> -> memref<1x64x128xf32, #tpu.memory_space<vmem>>
        %dma_start3A_192 = tpu.memref_squeeze %dma_start3A_191 : memref<1x64x128xf32, #tpu.memory_space<vmem>> -> memref<64x128xf32, #tpu.memory_space<vmem>>
        %dma_start3A_193 = arith.constant 0 : i32
        %dma_start3A_194 = tpu.memref_slice %arg8[%add3A_187, %dma_start3A_193] : memref<40x64xi32, #tpu.memory_space<vmem>> -> memref<1x64xi32, #tpu.memory_space<vmem>>
        %dma_start3A_195 = tpu.memref_squeeze %dma_start3A_194 : memref<1x64xi32, #tpu.memory_space<vmem>> -> memref<64xi32, #tpu.memory_space<vmem>>
        %dma_start3A_196 = arith.constant 0 : i32
        %dma_start3A_197 = arith.constant 0 : i32
        %dma_start3A_198 = tpu.memref_slice %arg10[%dma_start3A_196, %dma_start3A_197] : memref<10240x128xf32, #tpu.memory_space<vmem_shared>> -> memref<10240x128xf32, #tpu.memory_space<vmem_shared>>
        tpu.enqueue_indirect_dma source(%dma_start3A_192 : memref<64x128xf32, #tpu.memory_space<vmem>>) target(%dma_start3A_198 : memref<10240x128xf32, #tpu.memory_space<vmem_shared>>) offsets(%dma_start3A_195 : memref<64xi32, #tpu.memory_space<vmem>>) semaphore(%arg18 : memref<!tpu.dma_semaphore, #tpu.memory_space<semaphore_mem>>) {add = true}
        %dma_wait3A_199 = arith.constant 0 : i32
        %dma_wait3A_200 = arith.constant 0 : i32
        %dma_wait3A_201 = arith.constant 0 : i32
        %dma_wait3A_202 = tpu.memref_slice %arg9[%dma_wait3A_199, %dma_wait3A_200, %dma_wait3A_201] : memref<4x64x128xf32, #tpu.memory_space<vmem>> -> memref<1x64x128xf32, #tpu.memory_space<vmem>>
        %dma_wait3A_203 = tpu.memref_squeeze %dma_wait3A_202 : memref<1x64x128xf32, #tpu.memory_space<vmem>> -> memref<64x128xf32, #tpu.memory_space<vmem>>
        %dma_wait3A_204 = arith.constant 0 : i32
        %dma_wait3A_205 = arith.constant 0 : i32
        %dma_wait3A_206 = tpu.memref_slice %arg10[%dma_wait3A_204, %dma_wait3A_205] : memref<10240x128xf32, #tpu.memory_space<vmem_shared>> -> memref<64x128xf32, #tpu.memory_space<vmem_shared>>
        %dma_wait3A_207 = arith.constant 0 : i32
        %dma_wait3A_208 = arith.constant 0 : i32
        %dma_wait3A_209 = tpu.memref_slice %arg10[%dma_wait3A_207, %dma_wait3A_208] : memref<10240x128xf32, #tpu.memory_space<vmem_shared>> -> memref<64x128xf32, #tpu.memory_space<vmem_shared>>
        %dma_wait3A_210 = arith.constant 0 : i32
        %dma_wait3A_211 = arith.constant 0 : i32
        %dma_wait3A_212 = tpu.memref_slice %arg9[%dma_wait3A_199, %dma_wait3A_210, %dma_wait3A_211] : memref<4x64x128xf32, #tpu.memory_space<vmem>> -> memref<1x64x128xf32, #tpu.memory_space<vmem>>
        %dma_wait3A_213 = tpu.memref_squeeze %dma_wait3A_212 : memref<1x64x128xf32, #tpu.memory_space<vmem>> -> memref<64x128xf32, #tpu.memory_space<vmem>>
        tpu.wait_dma2 semaphore(%arg15 : memref<!tpu.dma_semaphore, #tpu.memory_space<semaphore_mem>>) src(%dma_wait3A_213 : memref<64x128xf32, #tpu.memory_space<vmem>>) dst(%dma_wait3A_209 : memref<64x128xf32, #tpu.memory_space<vmem_shared>>)
        %mul3A_214 = arith.constant 4 : i32
        %mul3A_215 = arith.muli %mul3A_214, %scan3A_91 : i32
        %add3A_216 = arith.constant 0 : i32
        %add3A_217 = arith.addi %mul3A_215, %add3A_216 : i32
        %add3A_218 = arith.constant 4 : i32
        %add3A_219 = arith.addi %add3A_217, %add3A_218 : i32
        %lt3A = arith.constant 40 : i32
        %lt3A_220 = arith.cmpi slt, %add3A_219, %lt3A : i32
        %convert_element_type3A_221 = arith.extui %lt3A_220 : i1 to i32
        %cond3A_222 = arith.constant 0 : i32
        %cond3A_223 = arith.cmpi ne, %convert_element_type3A_221, %cond3A_222 : i32
        scf.if %cond3A_223 {
          %mul3A_302 = arith.constant 4 : i32
          %mul3A_303 = arith.muli %mul3A_302, %scan3A_91 : i32
          %add3A_304 = arith.constant 0 : i32
          %add3A_305 = arith.addi %mul3A_303, %add3A_304 : i32
          %add3A_306 = arith.constant 4 : i32
          %add3A_307 = arith.addi %add3A_305, %add3A_306 : i32
          %dma_start3A_308 = arith.constant 0 : i32
          %dma_start3A_309 = arith.constant 0 : i32
          %dma_start3A_310 = arith.constant 0 : i32
          %dma_start3A_311 = tpu.memref_slice %arg9[%dma_start3A_308, %dma_start3A_309, %dma_start3A_310] : memref<4x64x128xf32, #tpu.memory_space<vmem>> -> memref<1x64x128xf32, #tpu.memory_space<vmem>>
          %dma_start3A_312 = tpu.memref_squeeze %dma_start3A_311 : memref<1x64x128xf32, #tpu.memory_space<vmem>> -> memref<64x128xf32, #tpu.memory_space<vmem>>
          %dma_start3A_313 = arith.constant 0 : i32
          %dma_start3A_314 = tpu.memref_slice %arg7[%add3A_307, %dma_start3A_313] : memref<40x64xi32, #tpu.memory_space<vmem>> -> memref<1x64xi32, #tpu.memory_space<vmem>>
          %dma_start3A_315 = tpu.memref_squeeze %dma_start3A_314 : memref<1x64xi32, #tpu.memory_space<vmem>> -> memref<64xi32, #tpu.memory_space<vmem>>
          %dma_start3A_316 = arith.constant 0 : i32
          %dma_start3A_317 = arith.constant 0 : i32
          %dma_start3A_318 = tpu.memref_slice %arg2[%dma_start3A_316, %dma_start3A_317] : memref<10000x128xf32, #tpu.memory_space<hbm>> -> memref<10000x128xf32, #tpu.memory_space<hbm>>
          tpu.enqueue_indirect_dma source(%dma_start3A_318 : memref<10000x128xf32, #tpu.memory_space<hbm>>) target(%dma_start3A_312 : memref<64x128xf32, #tpu.memory_space<vmem>>) offsets(%dma_start3A_315 : memref<64xi32, #tpu.memory_space<vmem>>) semaphore(%arg11 : memref<!tpu.dma_semaphore, #tpu.memory_space<semaphore_mem>>)
        } else {
        }
        %dma_wait3A_224 = arith.constant 1 : i32
        %dma_wait3A_225 = arith.constant 0 : i32
        %dma_wait3A_226 = arith.constant 0 : i32
        %dma_wait3A_227 = tpu.memref_slice %arg9[%dma_wait3A_224, %dma_wait3A_225, %dma_wait3A_226] : memref<4x64x128xf32, #tpu.memory_space<vmem>> -> memref<1x64x128xf32, #tpu.memory_space<vmem>>
        %dma_wait3A_228 = tpu.memref_squeeze %dma_wait3A_227 : memref<1x64x128xf32, #tpu.memory_space<vmem>> -> memref<64x128xf32, #tpu.memory_space<vmem>>
        %dma_wait3A_229 = arith.constant 0 : i32
        %dma_wait3A_230 = arith.constant 0 : i32
        %dma_wait3A_231 = tpu.memref_slice %arg10[%dma_wait3A_229, %dma_wait3A_230] : memref<10240x128xf32, #tpu.memory_space<vmem_shared>> -> memref<64x128xf32, #tpu.memory_space<vmem_shared>>
        %dma_wait3A_232 = arith.constant 0 : i32
        %dma_wait3A_233 = arith.constant 0 : i32
        %dma_wait3A_234 = tpu.memref_slice %arg10[%dma_wait3A_232, %dma_wait3A_233] : memref<10240x128xf32, #tpu.memory_space<vmem_shared>> -> memref<64x128xf32, #tpu.memory_space<vmem_shared>>
        %dma_wait3A_235 = arith.constant 0 : i32
        %dma_wait3A_236 = arith.constant 0 : i32
        %dma_wait3A_237 = tpu.memref_slice %arg9[%dma_wait3A_224, %dma_wait3A_235, %dma_wait3A_236] : memref<4x64x128xf32, #tpu.memory_space<vmem>> -> memref<1x64x128xf32, #tpu.memory_space<vmem>>
        %dma_wait3A_238 = tpu.memref_squeeze %dma_wait3A_237 : memref<1x64x128xf32, #tpu.memory_space<vmem>> -> memref<64x128xf32, #tpu.memory_space<vmem>>
        tpu.wait_dma2 semaphore(%arg16 : memref<!tpu.dma_semaphore, #tpu.memory_space<semaphore_mem>>) src(%dma_wait3A_238 : memref<64x128xf32, #tpu.memory_space<vmem>>) dst(%dma_wait3A_234 : memref<64x128xf32, #tpu.memory_space<vmem_shared>>)
        %mul3A_239 = arith.constant 4 : i32
        %mul3A_240 = arith.muli %mul3A_239, %scan3A_91 : i32
        %add3A_241 = arith.constant 1 : i32
        %add3A_242 = arith.addi %mul3A_240, %add3A_241 : i32
        %add3A_243 = arith.constant 4 : i32
        %add3A_244 = arith.addi %add3A_242, %add3A_243 : i32
        %lt3A_245 = arith.constant 40 : i32
        %lt3A_246 = arith.cmpi slt, %add3A_244, %lt3A_245 : i32
        %convert_element_type3A_247 = arith.extui %lt3A_246 : i1 to i32
        %cond3A_248 = arith.constant 0 : i32
        %cond3A_249 = arith.cmpi ne, %convert_element_type3A_247, %cond3A_248 : i32
        scf.if %cond3A_249 {
          %mul3A_302 = arith.constant 4 : i32
          %mul3A_303 = arith.muli %mul3A_302, %scan3A_91 : i32
          %add3A_304 = arith.constant 1 : i32
          %add3A_305 = arith.addi %mul3A_303, %add3A_304 : i32
          %add3A_306 = arith.constant 4 : i32
          %add3A_307 = arith.addi %add3A_305, %add3A_306 : i32
          %dma_start3A_308 = arith.constant 1 : i32
          %dma_start3A_309 = arith.constant 0 : i32
          %dma_start3A_310 = arith.constant 0 : i32
          %dma_start3A_311 = tpu.memref_slice %arg9[%dma_start3A_308, %dma_start3A_309, %dma_start3A_310] : memref<4x64x128xf32, #tpu.memory_space<vmem>> -> memref<1x64x128xf32, #tpu.memory_space<vmem>>
          %dma_start3A_312 = tpu.memref_squeeze %dma_start3A_311 : memref<1x64x128xf32, #tpu.memory_space<vmem>> -> memref<64x128xf32, #tpu.memory_space<vmem>>
          %dma_start3A_313 = arith.constant 0 : i32
          %dma_start3A_314 = tpu.memref_slice %arg7[%add3A_307, %dma_start3A_313] : memref<40x64xi32, #tpu.memory_space<vmem>> -> memref<1x64xi32, #tpu.memory_space<vmem>>
          %dma_start3A_315 = tpu.memref_squeeze %dma_start3A_314 : memref<1x64xi32, #tpu.memory_space<vmem>> -> memref<64xi32, #tpu.memory_space<vmem>>
          %dma_start3A_316 = arith.constant 0 : i32
          %dma_start3A_317 = arith.constant 0 : i32
          %dma_start3A_318 = tpu.memref_slice %arg2[%dma_start3A_316, %dma_start3A_317] : memref<10000x128xf32, #tpu.memory_space<hbm>> -> memref<10000x128xf32, #tpu.memory_space<hbm>>
          tpu.enqueue_indirect_dma source(%dma_start3A_318 : memref<10000x128xf32, #tpu.memory_space<hbm>>) target(%dma_start3A_312 : memref<64x128xf32, #tpu.memory_space<vmem>>) offsets(%dma_start3A_315 : memref<64xi32, #tpu.memory_space<vmem>>) semaphore(%arg12 : memref<!tpu.dma_semaphore, #tpu.memory_space<semaphore_mem>>)
        } else {
        }
        %dma_wait3A_250 = arith.constant 2 : i32
        %dma_wait3A_251 = arith.constant 0 : i32
        %dma_wait3A_252 = arith.constant 0 : i32
        %dma_wait3A_253 = tpu.memref_slice %arg9[%dma_wait3A_250, %dma_wait3A_251, %dma_wait3A_252] : memref<4x64x128xf32, #tpu.memory_space<vmem>> -> memref<1x64x128xf32, #tpu.memory_space<vmem>>
        %dma_wait3A_254 = tpu.memref_squeeze %dma_wait3A_253 : memref<1x64x128xf32, #tpu.memory_space<vmem>> -> memref<64x128xf32, #tpu.memory_space<vmem>>
        %dma_wait3A_255 = arith.constant 0 : i32
        %dma_wait3A_256 = arith.constant 0 : i32
        %dma_wait3A_257 = tpu.memref_slice %arg10[%dma_wait3A_255, %dma_wait3A_256] : memref<10240x128xf32, #tpu.memory_space<vmem_shared>> -> memref<64x128xf32, #tpu.memory_space<vmem_shared>>
        %dma_wait3A_258 = arith.constant 0 : i32
        %dma_wait3A_259 = arith.constant 0 : i32
        %dma_wait3A_260 = tpu.memref_slice %arg10[%dma_wait3A_258, %dma_wait3A_259] : memref<10240x128xf32, #tpu.memory_space<vmem_shared>> -> memref<64x128xf32, #tpu.memory_space<vmem_shared>>
        %dma_wait3A_261 = arith.constant 0 : i32
        %dma_wait3A_262 = arith.constant 0 : i32
        %dma_wait3A_263 = tpu.memref_slice %arg9[%dma_wait3A_250, %dma_wait3A_261, %dma_wait3A_262] : memref<4x64x128xf32, #tpu.memory_space<vmem>> -> memref<1x64x128xf32, #tpu.memory_space<vmem>>
        %dma_wait3A_264 = tpu.memref_squeeze %dma_wait3A_263 : memref<1x64x128xf32, #tpu.memory_space<vmem>> -> memref<64x128xf32, #tpu.memory_space<vmem>>
        tpu.wait_dma2 semaphore(%arg17 : memref<!tpu.dma_semaphore, #tpu.memory_space<semaphore_mem>>) src(%dma_wait3A_264 : memref<64x128xf32, #tpu.memory_space<vmem>>) dst(%dma_wait3A_260 : memref<64x128xf32, #tpu.memory_space<vmem_shared>>)
        %mul3A_265 = arith.constant 4 : i32
        %mul3A_266 = arith.muli %mul3A_265, %scan3A_91 : i32
        %add3A_267 = arith.constant 2 : i32
        %add3A_268 = arith.addi %mul3A_266, %add3A_267 : i32
        %add3A_269 = arith.constant 4 : i32
        %add3A_270 = arith.addi %add3A_268, %add3A_269 : i32
        %lt3A_271 = arith.constant 40 : i32
        %lt3A_272 = arith.cmpi slt, %add3A_270, %lt3A_271 : i32
        %convert_element_type3A_273 = arith.extui %lt3A_272 : i1 to i32
        %cond3A_274 = arith.constant 0 : i32
        %cond3A_275 = arith.cmpi ne, %convert_element_type3A_273, %cond3A_274 : i32
        scf.if %cond3A_275 {
          %mul3A_302 = arith.constant 4 : i32
          %mul3A_303 = arith.muli %mul3A_302, %scan3A_91 : i32
          %add3A_304 = arith.constant 2 : i32
          %add3A_305 = arith.addi %mul3A_303, %add3A_304 : i32
          %add3A_306 = arith.constant 4 : i32
          %add3A_307 = arith.addi %add3A_305, %add3A_306 : i32
          %dma_start3A_308 = arith.constant 2 : i32
          %dma_start3A_309 = arith.constant 0 : i32
          %dma_start3A_310 = arith.constant 0 : i32
          %dma_start3A_311 = tpu.memref_slice %arg9[%dma_start3A_308, %dma_start3A_309, %dma_start3A_310] : memref<4x64x128xf32, #tpu.memory_space<vmem>> -> memref<1x64x128xf32, #tpu.memory_space<vmem>>
          %dma_start3A_312 = tpu.memref_squeeze %dma_start3A_311 : memref<1x64x128xf32, #tpu.memory_space<vmem>> -> memref<64x128xf32, #tpu.memory_space<vmem>>
          %dma_start3A_313 = arith.constant 0 : i32
          %dma_start3A_314 = tpu.memref_slice %arg7[%add3A_307, %dma_start3A_313] : memref<40x64xi32, #tpu.memory_space<vmem>> -> memref<1x64xi32, #tpu.memory_space<vmem>>
          %dma_start3A_315 = tpu.memref_squeeze %dma_start3A_314 : memref<1x64xi32, #tpu.memory_space<vmem>> -> memref<64xi32, #tpu.memory_space<vmem>>
          %dma_start3A_316 = arith.constant 0 : i32
          %dma_start3A_317 = arith.constant 0 : i32
          %dma_start3A_318 = tpu.memref_slice %arg2[%dma_start3A_316, %dma_start3A_317] : memref<10000x128xf32, #tpu.memory_space<hbm>> -> memref<10000x128xf32, #tpu.memory_space<hbm>>
          tpu.enqueue_indirect_dma source(%dma_start3A_318 : memref<10000x128xf32, #tpu.memory_space<hbm>>) target(%dma_start3A_312 : memref<64x128xf32, #tpu.memory_space<vmem>>) offsets(%dma_start3A_315 : memref<64xi32, #tpu.memory_space<vmem>>) semaphore(%arg13 : memref<!tpu.dma_semaphore, #tpu.memory_space<semaphore_mem>>)
        } else {
        }
        %dma_wait3A_276 = arith.constant 3 : i32
        %dma_wait3A_277 = arith.constant 0 : i32
        %dma_wait3A_278 = arith.constant 0 : i32
        %dma_wait3A_279 = tpu.memref_slice %arg9[%dma_wait3A_276, %dma_wait3A_277, %dma_wait3A_278] : memref<4x64x128xf32, #tpu.memory_space<vmem>> -> memref<1x64x128xf32, #tpu.memory_space<vmem>>
        %dma_wait3A_280 = tpu.memref_squeeze %dma_wait3A_279 : memref<1x64x128xf32, #tpu.memory_space<vmem>> -> memref<64x128xf32, #tpu.memory_space<vmem>>
        %dma_wait3A_281 = arith.constant 0 : i32
        %dma_wait3A_282 = arith.constant 0 : i32
        %dma_wait3A_283 = tpu.memref_slice %arg10[%dma_wait3A_281, %dma_wait3A_282] : memref<10240x128xf32, #tpu.memory_space<vmem_shared>> -> memref<64x128xf32, #tpu.memory_space<vmem_shared>>
        %dma_wait3A_284 = arith.constant 0 : i32
        %dma_wait3A_285 = arith.constant 0 : i32
        %dma_wait3A_286 = tpu.memref_slice %arg10[%dma_wait3A_284, %dma_wait3A_285] : memref<10240x128xf32, #tpu.memory_space<vmem_shared>> -> memref<64x128xf32, #tpu.memory_space<vmem_shared>>
        %dma_wait3A_287 = arith.constant 0 : i32
        %dma_wait3A_288 = arith.constant 0 : i32
        %dma_wait3A_289 = tpu.memref_slice %arg9[%dma_wait3A_276, %dma_wait3A_287, %dma_wait3A_288] : memref<4x64x128xf32, #tpu.memory_space<vmem>> -> memref<1x64x128xf32, #tpu.memory_space<vmem>>
        %dma_wait3A_290 = tpu.memref_squeeze %dma_wait3A_289 : memref<1x64x128xf32, #tpu.memory_space<vmem>> -> memref<64x128xf32, #tpu.memory_space<vmem>>
        tpu.wait_dma2 semaphore(%arg18 : memref<!tpu.dma_semaphore, #tpu.memory_space<semaphore_mem>>) src(%dma_wait3A_290 : memref<64x128xf32, #tpu.memory_space<vmem>>) dst(%dma_wait3A_286 : memref<64x128xf32, #tpu.memory_space<vmem_shared>>)
        %mul3A_291 = arith.constant 4 : i32
        %mul3A_292 = arith.muli %mul3A_291, %scan3A_91 : i32
        %add3A_293 = arith.constant 3 : i32
        %add3A_294 = arith.addi %mul3A_292, %add3A_293 : i32
        %add3A_295 = arith.constant 4 : i32
        %add3A_296 = arith.addi %add3A_294, %add3A_295 : i32
        %lt3A_297 = arith.constant 40 : i32
        %lt3A_298 = arith.cmpi slt, %add3A_296, %lt3A_297 : i32
        %convert_element_type3A_299 = arith.extui %lt3A_298 : i1 to i32
        %cond3A_300 = arith.constant 0 : i32
        %cond3A_301 = arith.cmpi ne, %convert_element_type3A_299, %cond3A_300 : i32
        scf.if %cond3A_301 {
          %mul3A_302 = arith.constant 4 : i32
          %mul3A_303 = arith.muli %mul3A_302, %scan3A_91 : i32
          %add3A_304 = arith.constant 3 : i32
          %add3A_305 = arith.addi %mul3A_303, %add3A_304 : i32
          %add3A_306 = arith.constant 4 : i32
          %add3A_307 = arith.addi %add3A_305, %add3A_306 : i32
          %dma_start3A_308 = arith.constant 3 : i32
          %dma_start3A_309 = arith.constant 0 : i32
          %dma_start3A_310 = arith.constant 0 : i32
          %dma_start3A_311 = tpu.memref_slice %arg9[%dma_start3A_308, %dma_start3A_309, %dma_start3A_310] : memref<4x64x128xf32, #tpu.memory_space<vmem>> -> memref<1x64x128xf32, #tpu.memory_space<vmem>>
          %dma_start3A_312 = tpu.memref_squeeze %dma_start3A_311 : memref<1x64x128xf32, #tpu.memory_space<vmem>> -> memref<64x128xf32, #tpu.memory_space<vmem>>
          %dma_start3A_313 = arith.constant 0 : i32
          %dma_start3A_314 = tpu.memref_slice %arg7[%add3A_307, %dma_start3A_313] : memref<40x64xi32, #tpu.memory_space<vmem>> -> memref<1x64xi32, #tpu.memory_space<vmem>>
          %dma_start3A_315 = tpu.memref_squeeze %dma_start3A_314 : memref<1x64xi32, #tpu.memory_space<vmem>> -> memref<64xi32, #tpu.memory_space<vmem>>
          %dma_start3A_316 = arith.constant 0 : i32
          %dma_start3A_317 = arith.constant 0 : i32
          %dma_start3A_318 = tpu.memref_slice %arg2[%dma_start3A_316, %dma_start3A_317] : memref<10000x128xf32, #tpu.memory_space<hbm>> -> memref<10000x128xf32, #tpu.memory_space<hbm>>
          tpu.enqueue_indirect_dma source(%dma_start3A_318 : memref<10000x128xf32, #tpu.memory_space<hbm>>) target(%dma_start3A_312 : memref<64x128xf32, #tpu.memory_space<vmem>>) offsets(%dma_start3A_315 : memref<64xi32, #tpu.memory_space<vmem>>) semaphore(%arg14 : memref<!tpu.dma_semaphore, #tpu.memory_space<semaphore_mem>>)
        } else {
        }
      }
      %scan3A_90 = arith.constant 10 : i32
    } else {
    }
    %barrier3A_35 = arith.constant 0 : index
    tpu.barrier barrier_id(%barrier3A_35)
    "tpu.region"() ({
      %run_scoped3A = tpu.sem_alloc : memref<!tpu.dma_semaphore, #tpu.memory_space<semaphore_mem>>
      %dma_start3A = arith.constant 0 : i32
      %dma_start3A_36 = tpu.memref_slice %arg6[%arg0, %mul3A_0, %dma_start3A] : memref<2x10240x128xf32, #tpu.memory_space<hbm>> -> memref<1x640x128xf32, #tpu.memory_space<hbm>>
      %dma_start3A_37 = tpu.memref_squeeze %dma_start3A_36 : memref<1x640x128xf32, #tpu.memory_space<hbm>> -> memref<640x128xf32, #tpu.memory_space<hbm>>
      %dma_start3A_38 = arith.constant 0 : i32
      %dma_start3A_39 = tpu.memref_slice %arg10[%mul3A_0, %dma_start3A_38] : memref<10240x128xf32, #tpu.memory_space<vmem_shared>> -> memref<640x128xf32, #tpu.memory_space<vmem_shared>>
      tpu.enqueue_dma source(%dma_start3A_39 : memref<640x128xf32, #tpu.memory_space<vmem_shared>>) target(%dma_start3A_37 : memref<640x128xf32, #tpu.memory_space<hbm>>) target_semaphore(%run_scoped3A : memref<!tpu.dma_semaphore, #tpu.memory_space<semaphore_mem>>)
      %dma_wait3A = arith.constant 0 : i32
      %dma_wait3A_40 = tpu.memref_slice %arg6[%arg0, %mul3A_0, %dma_wait3A] : memref<2x10240x128xf32, #tpu.memory_space<hbm>> -> memref<1x640x128xf32, #tpu.memory_space<hbm>>
      %dma_wait3A_41 = tpu.memref_squeeze %dma_wait3A_40 : memref<1x640x128xf32, #tpu.memory_space<hbm>> -> memref<640x128xf32, #tpu.memory_space<hbm>>
      %dma_wait3A_42 = arith.constant 0 : i32
      %dma_wait3A_43 = tpu.memref_slice %arg10[%mul3A_0, %dma_wait3A_42] : memref<10240x128xf32, #tpu.memory_space<vmem_shared>> -> memref<640x128xf32, #tpu.memory_space<vmem_shared>>
      tpu.wait_dma2 semaphore(%run_scoped3A : memref<!tpu.dma_semaphore, #tpu.memory_space<semaphore_mem>>) src(%dma_wait3A_43 : memref<640x128xf32, #tpu.memory_space<vmem_shared>>) dst(%dma_wait3A_41 : memref<640x128xf32, #tpu.memory_space<hbm>>)
      tpu.yield
    }) : () -> ()
    return
  }
}

module attributes {stable_mosaic.version = 14 : i64} {
  func.func @body(%arg0: i32, %arg1: memref<2x1024x128xf32, #tpu.memory_space<vmem>>, %arg2: memref<128x128xf32, #tpu.memory_space<vmem>>, %arg3: memref<1x128xf32, #tpu.memory_space<vmem>>, %arg4: memref<1024x128xf32, #tpu.memory_space<vmem>>) attributes {dimension_semantics = [#tpu.dimension_semantics<arbitrary>], iteration_bounds = array<i64: 10>, scalar_prefetch = 0 : i64, scratch_operands = 0 : i64, tpu.core_type = #tpu.core_type<tc>, window_params = [{transform_indices = @transform_0, window_bounds = array<i64: 2, 1024, 128>}, {pipeline_mode = #tpu.pipeline_mode<synchronous>, transform_indices = @transform_1, window_bounds = array<i64: 128, 128>}, {pipeline_mode = #tpu.pipeline_mode<synchronous>, transform_indices = @transform_2, window_bounds = array<i64: 1, 128>}, {transform_indices = @transform_3, window_bounds = array<i64: 1024, 128>}]} {
    %get3A = arith.constant 0 : index
    %get3A_0 = arith.constant 0 : index
    %get3A_1 = arith.constant 0 : index
    %get3A_2 = vector.load %arg1[%get3A, %get3A_0, %get3A_1] : memref<2x1024x128xf32, #tpu.memory_space<vmem>>, vector<1x1024x128xf32>
    %get3A_3 = vector.shape_cast %get3A_2 : vector<1x1024x128xf32> to vector<1024x128xf32>
    %get3A_4 = arith.constant 1 : index
    %get3A_5 = arith.constant 0 : index
    %get3A_6 = arith.constant 0 : index
    %get3A_7 = vector.load %arg1[%get3A_4, %get3A_5, %get3A_6] : memref<2x1024x128xf32, #tpu.memory_space<vmem>>, vector<1x1024x128xf32>
    %get3A_8 = vector.shape_cast %get3A_7 : vector<1x1024x128xf32> to vector<1024x128xf32>
    %add3A = arith.addf %get3A_3, %get3A_8 : vector<1024x128xf32>
    %get3A_9 = arith.constant 0 : index
    %get3A_10 = arith.constant 0 : index
    %get3A_11 = vector.load %arg2[%get3A_9, %get3A_10] : memref<128x128xf32, #tpu.memory_space<vmem>>, vector<128x128xf32>
    %dot_general3A = arith.constant dense<0.000000e+00> : vector<1024x128xf32>
    %dot_general3A_12 = tpu.matmul %add3A, %get3A_11, %dot_general3A {dimension_numbers = #tpu.dot_dimension_numbers<[1], [0], [0], [1], [0, 0, 1, 1], [], []>, transpose_lhs_hint = false} : vector<1024x128xf32>, vector<128x128xf32>, vector<1024x128xf32> -> vector<1024x128xf32>
    %get3A_13 = arith.constant 0 : index
    %get3A_14 = arith.constant 0 : index
    %get3A_15 = vector.load %arg3[%get3A_13, %get3A_14] : memref<1x128xf32, #tpu.memory_space<vmem>>, vector<1x128xf32>
    %add3A_16 = vector.broadcast %get3A_15 : vector<1x128xf32> to vector<1024x128xf32>
    %add3A_17 = arith.addf %dot_general3A_12, %add3A_16 : vector<1024x128xf32>
    %swap3A = arith.constant 0 : index
    %swap3A_18 = arith.constant 0 : index
    %swap3A_19 = vector.load %arg4[%swap3A, %swap3A_18] : memref<1024x128xf32, #tpu.memory_space<vmem>>, vector<1024x128xf32>
    tpu.vector_store %arg4[%swap3A, %swap3A_18], %add3A_17 {strides = array<i32>} : memref<1024x128xf32, #tpu.memory_space<vmem>>, vector<1024x128xf32>,
    return
  }
  func.func @transform_0(%arg0: i32) -> (i32, i32, i32) {
    %c0_i32 = arith.constant 0 : i32
    %c0_i32_0 = arith.constant 0 : i32
    %c0_i32_1 = arith.constant 0 : i32
    return %c0_i32, %arg0, %c0_i32_0 : i32, i32, i32
  }
  func.func @transform_1(%arg0: i32) -> (i32, i32) {
    %c0_i32 = arith.constant 0 : i32
    %c0_i32_0 = arith.constant 0 : i32
    %c0_i32_1 = arith.constant 0 : i32
    return %c0_i32, %c0_i32_0 : i32, i32
  }
  func.func @transform_2(%arg0: i32) -> (i32, i32) {
    %c0_i32 = arith.constant 0 : i32
    %c0_i32_0 = arith.constant 0 : i32
    %c0_i32_1 = arith.constant 0 : i32
    return %c0_i32, %c0_i32_0 : i32, i32
  }
  func.func @transform_3(%arg0: i32) -> (i32, i32) {
    %c0_i32 = arith.constant 0 : i32
    %c0_i32_0 = arith.constant 0 : i32
    return %arg0, %c0_i32 : i32, i32
  }
}

</mosaic_0001>

<sc_bundles>
// kernel: kernel.4.cloned.1.call-start
scs
__scs_entry_jumppad:
0x0: {  	(pc) =	sbr.rel $0x88, $3  }
0x1: {  	(tag) =	ssettag $0x0;
	lr =	simm.s32 $0x1  }
0x2: {  	[smem:$0x3F9D] =	sst lr;
	_ =	strace $0xD0000000  }
0x3: {  	_ = 	snop  }
0x4: {  	_ = 	snop  }
0x5: {  	_ = 	snop  }
0x6: {  	_ = 	snop  }
0x7: {  	_ = 	snop  }
__scs_overlays_trampoline_lowered:
0x8: {  	[smem:$0x3FAC] =	sst s0  }
0x9: {  	[smem:$0x3FAD] =	sst s1  }
0xa: {  	[smem:$0x3FAE] =	sst s2  }
0xb: {  	[smem:$0x3FAF] =	sst s3  }
0xc: {  	[smem:$0x3FB0] =	sst s4  }
0xd: {  	[smem:$0x3FB1] =	sst s5  }
0xe: {  	[smem:$0x3FB2] =	sst s6  }
0xf: {  	[smem:$0x3FB3] =	sst s7  }
0x10: {  	[smem:$0x3FB4] =	sst s8  }
0x11: {  	[smem:$0x3FB5] =	sst s9;
	s0 =	simm.s32 @!p0 $0x0  }
0x12: {  	s1 =	sld [smem:$0x3F9B];
	s0 =	simm.s32 @p0 $0x1  }
0x13: {  	[smem:$0x3FB6] =	sst s0;
	s0 =	simm.s32 @!p1 $0x0  }
0x14: {  	s2 =	sld [smem:$0x3F9A];
	s0 =	simm.s32 @p1 $0x1  }
0x15: {  	[smem:$0x3FB7] =	sst s0;
	s0 =	simm.s32 @!p2 $0x0  }
0x16: {  	s3 =	sld [smem:$0x3FDB];
	s0 =	simm.s32 @p2 $0x1  }
0x17: {  	s4 =	simm.s32 $0x1BF5;
	[smem:$0x3FB9] =	sst s0  }
0x18: {  	s0 =	sld [smem:$0x3F9C];
	_ =	swait.ge [sflag:s4], $0x0  }
0x19: {  	s7 =	sld [smem:$0x3F9D]  }
0x1a: {  	s8 =	sadd.s32 $0xFFFFE003, lr  }
0x1b: {  	s9 =	sadd.s32 $0xFFFFFEF7, lr;
	s5 =	simm.s32 $0xFFFFFFFF;
	p2 =	slt.u32 s8, $0xFFFFF086  }
0x1c: {  	p1 =	slt.u32 s9, $0xF7A;
	s5 =	simm.s32 @!p2 $0x0  }
0x1d: {  	s5 =	simm.s32 @p1 $0x1;
	p0 =	seq.s32 s7, s2  }
0x1e: {  	s7 =	smul.u32 @!p0 $0xF7A, s2;
	p2 =	seq.s32 @!p0 s5, $0x0  }
0x1f: {  	s9 =	smul.u32 $0xF7A, s1;
	s8 =	simm.s32 @!p0 $0x1BF5;
	p2 =	por !p2, p0  }
0x20: {  	[sflag:s8] =	ssyncset.s32 @!p0 $0xFFFFF086;
	s6 =	sadd.s32 @!p0 s3, s7;
	s7 =	simm.s32 @!p0 $0x108  }
0x21: {  	s3 =	sadd.s32 s3, s9;
	s6 =	sadd.s32 @!p0 $0x88, s6;
	s7 =	simm.s32 @p2 $0x1082  }
0x22: {  	[simem:s7], [sflag:s8] =	dma.local @!p0 [hbm:s6], $0xF7A  }
0x23: {  	s9 =	sor.u32 $0xD0000000, s2;
	s6 =	simm.s32 $0x108;
	_ =	swait.ge @!p0 [sflag:s8], $0x0  }
0x24: {  	s3 =	sadd.s32 $0x88, s3;
	s6 =	simm.s32 @!p1 $0x1082;
	[sflag:s4] =	ssyncset.s32 $0xFFFFF086  }
0x25: {  	[simem:s6], [sflag:s4] =	dma.local [hbm:s3], $0xF7A  }
0x26: {  	[smem:$0x3F9D] =	sst s1;
	(tag) =	ssettag s2;
	_ =	strace s9  }
0x27: {  	s1 =	sld [smem:$0x3FAD]  }
0x28: {  	s2 =	sld [smem:$0x3FAE]  }
0x29: {  	s4 =	sld [smem:$0x3FB0]  }
0x2a: {  	p0 =	seq.s32 s5, $0x0;
	s5 =	sld [smem:$0x3FB1]  }
0x2b: {  	s6 =	sld [smem:$0x3FB2]  }
0x2c: {  	s7 =	sld [smem:$0x3FB3]  }
0x2d: {  	s3 =	simm.s32 $0x108;
	s8 =	sld [smem:$0x3FB4]  }
0x2e: {  	s3 =	simm.s32 @!p0 $0x1082;
	s9 =	sld [smem:$0x3FB5]  }
0x2f: {  	lr =	sadd.s32 s0, s3;
	s0 =	sld [smem:$0x3FAC]  }
0x30: {  	s3 =	sld [smem:$0x3FAF]  }
0x31: {  	[smem:$0x3FB8] =	sst s10  }
0x32: {  	s10 =	sld [smem:$0x3FB6];
	_ =	sdelay $0x3  }
0x33: {  	p0 =	seq.s32 s10, $0x1;
	s10 =	sld [smem:$0x3FB8];
	_ =	sdelay $0x3  }
0x34: {  	[smem:$0x3FB8] =	sst s10  }
0x35: {  	s10 =	sld [smem:$0x3FB7];
	_ =	sdelay $0x3  }
0x36: {  	p1 =	seq.s32 s10, $0x1;
	s10 =	sld [smem:$0x3FB8];
	_ =	sdelay $0x3  }
0x37: {  	[smem:$0x3FB8] =	sst s10  }
0x38: {  	s10 =	sld [smem:$0x3FB9]  }
0x39: {  	_ = 	snop;
	(pc) =	sbr.ind lr, $3  }
0x3a: {  	_ = 	snop  }
0x3b: {  	_ = 	snop  }
0x3c: {  	p2 =	seq.s32 s10, $0x1;
	s10 =	sld [smem:$0x3FB8]  }
0x3d: {  	_ =	shalt  }
0x3e: {  	_ =	shalt  }
0x3f: {  	_ =	shalt  }
0x40: {  	_ =	shalt  }
0x41: {  	_ =	shalt  }
0x42: {  	_ =	shalt  }
0x43: {  	_ =	shalt  }
0x44: {  	_ =	shalt  }
0x45: {  	_ =	shalt  }
0x46: {  	_ =	shalt  }
0x47: {  	_ =	shalt  }
0x48: {  	_ =	shalt  }
0x49: {  	_ =	shalt  }
0x4a: {  	_ =	shalt  }
0x4b: {  	_ =	shalt  }
0x4c: {  	_ =	shalt  }
0x4d: {  	_ =	shalt  }
0x4e: {  	_ =	shalt  }
0x4f: {  	_ =	shalt  }
0x50: {  	_ =	shalt  }
0x51: {  	_ =	shalt  }
0x52: {  	_ =	shalt  }
0x53: {  	_ =	shalt  }
0x54: {  	_ =	shalt  }
0x55: {  	_ =	shalt  }
0x56: {  	_ =	shalt  }
0x57: {  	_ =	shalt  }
0x58: {  	_ =	shalt  }
0x59: {  	_ =	shalt  }
0x5a: {  	_ =	shalt  }
0x5b: {  	_ =	shalt  }
0x5c: {  	_ =	shalt  }
0x5d: {  	_ =	shalt  }
0x5e: {  	_ =	shalt  }
0x5f: {  	_ =	shalt  }
0x60: {  	_ =	shalt  }
0x61: {  	_ =	shalt  }
0x62: {  	_ =	shalt  }
0x63: {  	_ =	shalt  }
0x64: {  	_ =	shalt  }
0x65: {  	_ =	shalt  }
0x66: {  	_ =	shalt  }
0x67: {  	_ =	shalt  }
0x68: {  	_ =	shalt  }
0x69: {  	_ =	shalt  }
0x6a: {  	_ =	shalt  }
0x6b: {  	_ =	shalt  }
0x6c: {  	_ =	shalt  }
0x6d: {  	_ =	shalt  }
0x6e: {  	_ =	shalt  }
0x6f: {  	_ =	shalt  }
0x70: {  	_ =	shalt  }
0x71: {  	_ =	shalt  }
0x72: {  	_ =	shalt  }
0x73: {  	_ =	shalt  }
0x74: {  	_ =	shalt  }
0x75: {  	_ =	shalt  }
0x76: {  	_ =	shalt  }
0x77: {  	_ =	shalt  }
0x78: {  	_ =	shalt  }
0x79: {  	_ =	shalt  }
0x7a: {  	_ =	shalt  }
0x7b: {  	_ =	shalt  }
0x7c: {  	_ =	shalt  }
0x7d: {  	_ =	shalt  }
0x7e: {  	_ =	shalt  }
0x7f: {  	_ =	shalt  }
0x80: {  	_ =	shalt  }
0x81: {  	_ =	shalt  }
0x82: {  	_ =	shalt  }
0x83: {  	_ =	shalt  }
0x84: {  	_ =	shalt  }
0x85: {  	_ =	shalt  }
0x86: {  	_ =	shalt  }
0x87: {  	_ =	shalt  }
.Lfunc_end0:
.L_simem_size_0:
called_computation_lowered:
.L_overlay_start_0:
0x88: {  	s2 =	sld [smem:$0x3FD9]  }
0x89: {  	s3 =	sld [smem:$0x3FFE];
	_ =	sdelay $0x1  }
0x8a: {  	s1 =	srdreg.scid  }
0x8b: {  	s0 =	sand.u32 $0x1, s1  }
0x8c: {  	s17 =	sshll.u32 s0, $0xA;
	s2 =	sadd.s32 s3, s2  }
0x8d: {  	s2 =	sadd.s32 s2, s17  }
0x8e: {  	[smem:$0x3FC4] =	sst s2  }
0x8f: {  	_ = 	snop  }
0x90: {  	s2 =	sld [smem:$0x3FC9]  }
0x91: {  	s18 =	sld [smem:$0x3FD0];
	(tm) =	ssettm $0x1  }
0x92: {  	s4 =	sld [smem:$0x3FFB];
	_ =	sdelay $0x3  }
0x93: {  	_ =	strace s4  }
0x94: {  	s4 =	sld [smem:$0x3FFC];
	_ =	sdelay $0x3  }
0x95: {  	_ =	strace s4  }
0x96: {  	s4 =	sld [smem:$0x3FFD];
	_ =	sdelay $0x3  }
0x97: {  	_ =	strace s4  }
0x98: {  	_ =	strace $0x8FFFFFFF  }
0x99: {  	s19 =	sld [smem:$0x3FDB];
	_ =	sdelay $0x1  }
0x9a: {  	s5 =	simm.s32 $_scs_section_size  }
0x9b: {  	s6 =	simm.s32 $_size__tile_overlayer_lowered;
	s7 =	simm.s32 $_tile_overlayer_lowered  }
0x9c: {  	s22 =	simm.s32 $0x1BFF;
	s21 =	sshll.u32 s7, $0x1;
	s4 =	sadd.s32 s5, s19  }
0x9d: {  	s8 =	simm.s32 $0x0;
	s20 =	sshll.u32 s6, $0x1;
	s6 =	sadd.s32 s21, s4  }
0x9e: {  	[timem:s8], [sflag:s22] =	dma.local [hbm:s6], s20  }
0x9f: {  	_ =	swait.ge [sflag:s22], s20  }
0xa0: {  	s5 =	ssub.s32 $0x0, s20;
	[sflag:s22] =	ssyncset.done $0x0  }
0xa1: {  	[sflag:s22] =	ssyncadd.s32 s5;
	_ =	sdelay $0x1  }
0xa2: {  	s23 =	simm.s32 $0x1B8B  }
0xa3: {  	_ =	swait.ge [sflag:s23], $0x1  }
0xa4: {  	[sflag:s23] =	ssyncset.done $0x0  }
0xa5: {  	s25 =	simm.s32 $0x1B8E;
	s24 =	sld [smem:$0x3FFE];
	[sflag:s23] =	ssyncadd.s32 $0xFFFFFFFF  }
0xa6: {  	s26 =	simm.s32 $execute0_lowered;
	[smem:$0x3FD2] =	sst s25  }
0xa7: {  	s6 =	sshll.u32 s26, $0x1;
	_ =	strace $0x80000046;
	[dreg:$0x1] =	wrdreg $0xFFFFFFFF  }
0xa8: {  	s28 =	simm.s32 $_size_execute0_lowered;
	s4 =	sadd.s32 s4, s6;
	[dreg:$0x0] =	wrdreg $0x0  }
0xa9: {  	s6 =	sshll.u32 s28, $0x1;
	[dreg:$0x2] =	wrdreg s4  }
0xaa: {  	[dreg:$0x3] =	wrdreg s6  }
0xab: {  	[dreg:$0x4] =	wrdreg $0xC0  }
0xac: {  	_ =	task [dreg:s8], $0x5FFFF  }
0xad: {  	[dreg:$0x1] =	wrdreg $0xFFFFFFFF  }
0xae: {  	[dreg:$0x0] =	wrdreg $0x60  }
0xaf: {  	[dreg:$0x2] =	wrdreg s2  }
0xb0: {  	[dreg:$0x3] =	wrdreg s18  }
0xb1: {  	[dreg:$0x4] =	wrdreg s24  }
0xb2: {  	[dreg:$0x5] =	wrdreg $0xA8000  }
0xb3: {  	[dreg:$0x6] =	wrdreg $0x9  }
0xb4: {  	_ =	task.clear_ibuf [dreg:s8], $0x7FFFF;
	_ =	strace $0x90000046  }
0xb5: {  	s29 =	simm.s32 $0x9;
	_ =	strace $0x80000048  }
0xb6: {  	_ =	swait.ge [sflag:s29], $0x1  }
0xb7: {  	[sflag:s29] =	ssyncadd.s32 $0xFFFFFFFF  }
0xb8: {  	_ =	strace $0x90000048  }
0xb9: {  	_ =	sfence  }
0xba: {  	s30 =	sld [smem:$0x0];
	_ =	sdelay $0x2  }
0xbb: {  	s31 =	sshll.u32 s1, $0xD;
	s1 =	sshrl.u32 s1, $0x2  }
0xbc: {  	s3 =	sand.u32 $0x4000, s31;
	s1 =	sadd.s32 s1, s30  }
0xbd: {  	s0 =	sor.u32 s3, s0;
	s1 =	sshll.u32 s1, $0x11  }
0xbe: {  	s0 =	sor.u32 s1, s0  }
0xbf: {  	s0 =	sadd.s32 $0x8F2B, s0  }
0xc0: {  	[sflag:s0] =	ssyncadd.remote.s32 $0x1  }
0xc1: {  	_ =	sfence.sel $0xFFFF  }
0xc2: {  	[dreg:$0x0] =	wrdreg $0xFFFFFFFF;
	(pc) =	sbr.abs _section_cstart, $3  }
0xc3: {  	[dreg:$0x1] =	wrdreg $0xFFFFFFFF  }
0xc4: {  	_ =	task.clear_ibuf [dreg:s8], $0x2FFFF;
	_ =	strace $0x9FFFFFFF  }
0xc5: {  	(tm) =	ssettm $0x7FFFFFFF  }
tec
execute0_lowered:
.L_overlay_start_1:
0x0: {  	(tag) =	ssettag $0x1  }
0x1: {  	s1 =	rddreg [dreg:$0x0]  }
0x2: {  	s0 =	rddreg [dreg:$0x1]  }
0x3: {  	s2 =	rddreg [dreg:$0x2]  }
0x4: {  	s3 =	rddreg [dreg:$0x3];
	s13 =	stileid.u32  }
0x5: {  	s5 =	srdreg.scid;
	s4 =	simm.s32 $0x0;
	s28 =	simm.s32 $0x4800  }
0x6: {  	s29 =	simm.s32 $0x100;
	s30 =	simm.s32 $0x6800;
	s6 =	smul.u32 $0x14000, s13  }
0x7: {  	s31 =	simm.s32 $0x180;
	s5 =	sand.u32 $0x1, s5;
	s25 =	smul.u32 $0x50000, s13  }
0x8: {  	[smem:$0x7FF] =	sst s4;
	s8 =	sadd.s32 $0x200, s2;
	s12 =	smul.u32 $0xA000, s13  }
0x9: {  	s7 =	smul.u32 $0x140000, s5;
	_ =	strace $0x80000047;
	s10 =	ssub.s32 $0x0, s5  }
0xa: {  	s11 =	ssub.s32 $0x2, s5;
	p0 =	sne.s32 s5, $0x0;
	s5 =	simm.s32 $0x2680  }
0xb: {  	s9 =	sshrl.u32 s6, $0x3;
	s26 =	sshrl.u32 s11, $0x1;
	s10 =	sand.u32 $0x7800, s10  }
0xc: {  	s6 =	sadd.s32 s6, s7;
	s24 =	sadd.s32 s9, s2;
	s9 =	sshrl.u32 s25, $0x2  }
0xd: {  	s10 =	sadd.s32 s12, s10;
	s12 =	sshll.u32 s13, $0x6;
	s6 =	sshrl.u32 s6, $0x3  }
0xe: {  	s9 =	sadd.s32 s9, s3;
	s10 =	sshrl.u32 s10, $0x3;
	s7 =	sadd.s32 $0x14200, s24  }
0xf: {  	s2 =	sadd.s32 s6, s2;
	s6 =	ssub.s32 s11, s26;
	[dreg:$0x5] =	wrdreg s9  }
0x10: {  	[dreg:$0x6] =	wrdreg s7;
	s7 =	sor.u32 $0x1C09, s12;
	s14 =	sadd.s32 s0, s10  }
0x11: {  	s13 =	sadd.s32 $0x280, s10;
	s15 =	sadd.s32 s8, s10;
	[dreg:$0x7] =	wrdreg s14  }
0x12: {  	s17 =	sadd.s32 $0x500, s10;
	[dreg:$0x8] =	wrdreg s15;
	s16 =	sadd.s32 s0, s13  }
0x13: {  	s18 =	sadd.s32 $0x780, s10;
	s9 =	sadd.s32 s8, s13;
	[dreg:$0x9] =	wrdreg s16  }
0x14: {  	s22 =	sadd.s32 $0xA00, s10;
	s19 =	sadd.s32 s0, s17;
	[dreg:$0xa] =	wrdreg s9  }
0x15: {  	s10 =	sadd.s32 $0xC80, s10;
	s20 =	sadd.s32 s0, s18;
	[dreg:$0xb] =	wrdreg s19  }
0x16: {  	s12 =	simm.s32 $0x2;
	s21 =	sadd.s32 s8, s18;
	[dreg:$0xd] =	wrdreg s20  }
0x17: {  	s23 =	sadd.s32 s0, s22;
	s0 =	sadd.s32 s0, s10;
	[dreg:$0xe] =	wrdreg s21  }
0x18: {  	s24 =	sadd.s32 s8, s10;
	s25 =	sadd.s32 $0x3C200, s2;
	[dreg:$0xf] =	wrdreg s23  }
0x19: {  	s26 =	smax.u32 s6, $0x1;
	s2 =	simm.s32 $0x1;
	[dreg:$0x11] =	wrdreg s0  }
0x1a: {  	s13 =	simm.s32 $0x3;
	s14 =	simm.s32 $0x4;
	[dreg:$0x12] =	wrdreg s24  }
0x1b: {  	s15 =	simm.s32 $0x5;
	s18 =	simm.s32 $0x8;
	[dreg:$0x13] =	wrdreg s25  }
0x1c: {  	s6 =	simm.s32 $0x2700;
	s9 =	sadd.s32 s8, s17;
	[dreg:$0x14] =	wrdreg s26  }
.Ltmp0:
0x1d: {  	s23 =	simm.s32 $0x1400;
	s24 =	simm.s32 $0x40;
	(pc) =	sbr.rel .LBB2_1-.Ltmp0, $4  }
0x1e: {  	s25 =	simm.s32 $0x2800;
	s26 =	simm.s32 $0x80;
	s0 =	simm.s32 $0x8800  }
0x1f: {  	s16 =	simm.s32 $0x6;
	s17 =	simm.s32 $0x7;
	s19 =	simm.s32 $0x2600  }
0x20: {  	[dreg:$0xc] =	wrdreg s9;
	s9 =	sadd.s32 s8, s22;
	s22 =	simm.s32 $0x9  }
0x21: {  	s8 =	simm.s32 $0x2780;
	[dreg:$0x10] =	wrdreg s9;
	s9 =	simm.s32 $0x0  }
.LBB2_14:
0x22: {  	[tilespmem:s0], [sflag:$0x4] =	stream.indirect.gather [hbm4b:s1+s24], $0x80, s20, s24, $0xb8;
	[tilespmem:$0x1E800] =	vst v63  }
0x23: {  	_ =	swait.ge [sflag:s2], $0x2000  }
0x24: {  	[sflag:s2] =	ssyncset.done $0x0  }
0x25: {  	[sflag:s2] =	ssyncadd.s32 $0xFFFFE000  }
0x26: {  	[spmem:s3] =	stream.indirect.scatter.add.f32 [tilespmem:s25], [sflag:$0x5], $0x80, s19, s24, $0xb8;
	[tilespmem:$0x1E800] =	vst v63  }
0x27: {  	_ =	swait.ge [sflag:s12], $0x2000  }
0x28: {  	[sflag:s12] =	ssyncset.done $0x0  }
0x29: {  	[sflag:s12] =	ssyncadd.s32 $0xFFFFE000  }
0x2a: {  	[spmem:s3] =	stream.indirect.scatter.add.f32 [tilespmem:s28], [sflag:$0x6], $0x80, s5, s24, $0xb8;
	[tilespmem:$0x1E800] =	vst v63  }
0x2b: {  	_ =	swait.ge [sflag:s13], $0x2000  }
0x2c: {  	[sflag:s13] =	ssyncset.done $0x0  }
0x2d: {  	[sflag:s13] =	ssyncadd.s32 $0xFFFFE000  }
0x2e: {  	[spmem:s3] =	stream.indirect.scatter.add.f32 [tilespmem:s30], [sflag:$0x7], $0x80, s6, s24, $0xb8;
	[tilespmem:$0x1E800] =	vst v63  }
0x2f: {  	_ =	swait.ge [sflag:s14], $0x2000  }
0x30: {  	[sflag:s14] =	ssyncset.done $0x0  }
0x31: {  	[sflag:s14] =	ssyncadd.s32 $0xFFFFE000  }
0x32: {  	[spmem:s3] =	stream.indirect.scatter.add.f32 [tilespmem:s0], [sflag:$0x8], $0x80, s8, s24, $0xb8;
	[tilespmem:$0x1E800] =	vst v63  }
0x33: {  	_ =	swait.ge [sflag:s15], $0x2000  }
0x34: {  	[sflag:s15] =	ssyncset.done $0x0  }
0x35: {  	[sflag:s15] =	ssyncadd.s32 $0xFFFFE000  }
0x36: {  	_ =	swait.ge [sflag:s16], $0x2000  }
0x37: {  	[sflag:s16] =	ssyncset.done $0x0  }
0x38: {  	[sflag:s16] =	ssyncadd.s32 $0xFFFFE000  }
0x39: {  	_ =	swait.ge [sflag:s17], $0x2000  }
0x3a: {  	[sflag:s17] =	ssyncset.done $0x0  }
0x3b: {  	[sflag:s17] =	ssyncadd.s32 $0xFFFFE000  }
0x3c: {  	_ =	swait.ge [sflag:s18], $0x2000  }
0x3d: {  	[sflag:s18] =	ssyncset.done $0x0  }
0x3e: {  	[sflag:s18] =	ssyncadd.s32 $0xFFFFE000  }
.LBB2_15:
0x3f: {  	[bflag:$0x0] =	sbarrier.arrive $0xFFFF  }
0x40: {  	s11 =	rddreg [dreg:$0x13]  }
0x41: {  	[hbm:s11], [sflag:s7] =	dma.local [spmem:s10], $0x2800  }
0x42: {  	_ =	swait.ge [sflag:s22], $0x2800  }
0x43: {  	s9 =	sadd.s32 $0x1, s9;
	s21 =	rddreg [dreg:$0x14]  }
0x44: {  	p1 =	sne.s32 s9, s21  }
.Ltmp1:
0x45: {  	_ = 	snop;
	(pc) =	sbr.rel @!p1 .LBB2_16-.Ltmp1, $3  }
0x46: {  	_ =	sdelay $0x1  }
0x47: {  	[sflag:s22] =	ssyncset.done $0x0  }
0x48: {  	[sflag:s22] =	ssyncadd.s32 $0xFFFFD800  }
.LBB2_1:
0x49: {  	s10 =	rddreg [dreg:$0x5]  }
0x4a: {  	s11 =	rddreg [dreg:$0x6];
	s10 =	sshrl.u32 s10, $0x3  }
0x4b: {  	[spmem:s10], [sflag:s7] =	dma.local [hbm:s11], $0x2800  }
0x4c: {  	_ =	swait.ge [sflag:s22], $0x2800  }
0x4d: {  	[sflag:s22] =	ssyncset.done $0x0  }
0x4e: {  	[sflag:s22] =	ssyncadd.s32 $0xFFFFD800  }
0x4f: {  	[bflag:$0x0] =	sbarrier.arrive $0xFFFF  }
0x50: {  	s21 =	rddreg [dreg:$0x7]  }
0x51: {  	[tilespmem:s4], [sflag:$0x9] =	stream.linear.gather [hbm4b:s21+s4], $0x1400, $0x38;
	[tilespmem:$0x1E800] =	vst v63  }
0x52: {  	_ =	swait.ge [sflag:s22], $0x1400  }
0x53: {  	[sflag:s22] =	ssyncset.done $0x0  }
0x54: {  	s20 =	rddreg [dreg:$0x8];
	[sflag:s22] =	ssyncadd.s32 $0xFFFFEC00  }
0x55: {  	[tilespmem:s23], [sflag:$0x9] =	stream.linear.gather [hbm4b:s20+s4], $0x1400, $0x38;
	[tilespmem:$0x1E800] =	vst v63  }
0x56: {  	_ =	swait.ge [sflag:s22], $0x1400  }
0x57: {  	[sflag:s22] =	ssyncset.done $0x0  }
0x58: {  	[sflag:s22] =	ssyncadd.s32 $0xFFFFEC00  }
0x59: {  	[tilespmem:s25], [sflag:$0x1] =	stream.indirect.gather [hbm4b:s1+s24], $0x80, s4, s24, $0xb8;
	[tilespmem:$0x1E800] =	vst v63  }
0x5a: {  	_ = 	snop  }
0x5b: {  	[tilespmem:s28], [sflag:$0x2] =	stream.indirect.gather [hbm4b:s1+s24], $0x80, s26, s24, $0xb8;
	[tilespmem:$0x1E800] =	vst v63  }
0x5c: {  	_ = 	snop  }
0x5d: {  	[tilespmem:s30], [sflag:$0x3] =	stream.indirect.gather [hbm4b:s1+s24], $0x80, s29, s24, $0xb8;
	[tilespmem:$0x1E800] =	vst v63  }
0x5e: {  	_ = 	snop  }
0x5f: {  	[tilespmem:s0], [sflag:$0x4] =	stream.indirect.gather [hbm4b:s1+s24], $0x80, s31, s24, $0xb8;
	[tilespmem:$0x1E800] =	vst v63  }
0x60: {  	_ =	swait.ge [sflag:s2], $0x2000  }
0x61: {  	[sflag:s2] =	ssyncset.done $0x0  }
0x62: {  	s21 =	simm.s32 $0x1400;
	[sflag:s2] =	ssyncadd.s32 $0xFFFFE000  }
0x63: {  	[spmem:s3] =	stream.indirect.scatter.add.f32 [tilespmem:s25], [sflag:$0x5], $0x80, s21, s24, $0xb8;
	[tilespmem:$0x1E800] =	vst v63  }
0x64: {  	_ =	swait.ge [sflag:s12], $0x2000  }
0x65: {  	[sflag:s12] =	ssyncset.done $0x0  }
0x66: {  	s20 =	simm.s32 $0x1480;
	[sflag:s12] =	ssyncadd.s32 $0xFFFFE000  }
0x67: {  	[spmem:s3] =	stream.indirect.scatter.add.f32 [tilespmem:s28], [sflag:$0x6], $0x80, s20, s24, $0xb8;
	[tilespmem:$0x1E800] =	vst v63  }
0x68: {  	_ =	swait.ge [sflag:s13], $0x2000  }
0x69: {  	[sflag:s13] =	ssyncset.done $0x0  }
0x6a: {  	s21 =	simm.s32 $0x1500;
	[sflag:s13] =	ssyncadd.s32 $0xFFFFE000  }
0x6b: {  	[spmem:s3] =	stream.indirect.scatter.add.f32 [tilespmem:s30], [sflag:$0x7], $0x80, s21, s24, $0xb8;
	[tilespmem:$0x1E800] =	vst v63  }
0x6c: {  	_ =	swait.ge [sflag:s14], $0x2000  }
0x6d: {  	[sflag:s14] =	ssyncset.done $0x0  }
0x6e: {  	s20 =	simm.s32 $0x1580;
	[sflag:s14] =	ssyncadd.s32 $0xFFFFE000  }
0x6f: {  	[spmem:s3] =	stream.indirect.scatter.add.f32 [tilespmem:s0], [sflag:$0x8], $0x80, s20, s24, $0xb8;
	[tilespmem:$0x1E800] =	vst v63  }
0x70: {  	_ =	swait.ge [sflag:s15], $0x2000  }
0x71: {  	[sflag:s15] =	ssyncset.done $0x0  }
0x72: {  	s21 =	simm.s32 $0x200;
	[sflag:s15] =	ssyncadd.s32 $0xFFFFE000  }
0x73: {  	[tilespmem:s25], [sflag:$0x1] =	stream.indirect.gather [hbm4b:s1+s24], $0x80, s21, s24, $0xb8;
	[tilespmem:$0x1E800] =	vst v63  }
0x74: {  	_ =	swait.ge [sflag:s16], $0x2000  }
0x75: {  	[sflag:s16] =	ssyncset.done $0x0  }
0x76: {  	s20 =	simm.s32 $0x280;
	[sflag:s16] =	ssyncadd.s32 $0xFFFFE000  }
0x77: {  	[tilespmem:s28], [sflag:$0x2] =	stream.indirect.gather [hbm4b:s1+s24], $0x80, s20, s24, $0xb8;
	[tilespmem:$0x1E800] =	vst v63  }
0x78: {  	_ =	swait.ge [sflag:s17], $0x2000  }
0x79: {  	[sflag:s17] =	ssyncset.done $0x0  }
0x7a: {  	s21 =	simm.s32 $0x300;
	[sflag:s17] =	ssyncadd.s32 $0xFFFFE000  }
0x7b: {  	[tilespmem:s30], [sflag:$0x3] =	stream.indirect.gather [hbm4b:s1+s24], $0x80, s21, s24, $0xb8;
	[tilespmem:$0x1E800] =	vst v63  }
0x7c: {  	_ =	swait.ge [sflag:s18], $0x2000  }
0x7d: {  	[sflag:s18] =	ssyncset.done $0x0  }
0x7e: {  	s11 =	simm.s32 $0x800;
	s20 =	simm.s32 $0x380;
	[sflag:s18] =	ssyncadd.s32 $0xFFFFE000  }
.LBB2_2:
0x7f: {  	[tilespmem:s0], [sflag:$0x4] =	stream.indirect.gather [hbm4b:s1+s24], $0x80, s20, s24, $0xb8;
	[tilespmem:$0x1E800] =	vst v63  }
0x80: {  	s20 =	smov.u32 s11  }
0x81: {  	p1 =	sne.s32 s11, $0x4000;
	s11 =	sadd.s32 $0x800, s11;
	_ =	swait.ge [sflag:s2], $0x2000  }
0x82: {  	s20 =	sshra.s32 s20, $0x2;
	[sflag:s2] =	ssyncset.done $0x0  }
0x83: {  	s21 =	sadd.s32 $0x1400, s20;
	[sflag:s2] =	ssyncadd.s32 $0xFFFFE000  }
0x84: {  	[spmem:s3] =	stream.indirect.scatter.add.f32 [tilespmem:s25], [sflag:$0x5], $0x80, s21, s24, $0xb8;
	[tilespmem:$0x1E800] =	vst v63  }
0x85: {  	_ =	swait.ge [sflag:s12], $0x2000  }
0x86: {  	[sflag:s12] =	ssyncset.done $0x0  }
0x87: {  	s21 =	sadd.s32 $0x1480, s20;
	[sflag:s12] =	ssyncadd.s32 $0xFFFFE000  }
0x88: {  	[spmem:s3] =	stream.indirect.scatter.add.f32 [tilespmem:s28], [sflag:$0x6], $0x80, s21, s24, $0xb8;
	[tilespmem:$0x1E800] =	vst v63  }
0x89: {  	_ =	swait.ge [sflag:s13], $0x2000  }
0x8a: {  	[sflag:s13] =	ssyncset.done $0x0  }
0x8b: {  	s21 =	sadd.s32 $0x1500, s20;
	[sflag:s13] =	ssyncadd.s32 $0xFFFFE000  }
0x8c: {  	[spmem:s3] =	stream.indirect.scatter.add.f32 [tilespmem:s30], [sflag:$0x7], $0x80, s21, s24, $0xb8;
	[tilespmem:$0x1E800] =	vst v63  }
0x8d: {  	_ =	swait.ge [sflag:s14], $0x2000  }
0x8e: {  	[sflag:s14] =	ssyncset.done $0x0  }
0x8f: {  	s21 =	sadd.s32 $0x1580, s20;
	[sflag:s14] =	ssyncadd.s32 $0xFFFFE000  }
0x90: {  	[spmem:s3] =	stream.indirect.scatter.add.f32 [tilespmem:s0], [sflag:$0x8], $0x80, s21, s24, $0xb8;
	[tilespmem:$0x1E800] =	vst v63  }
0x91: {  	_ =	swait.ge [sflag:s15], $0x2000  }
0x92: {  	[sflag:s15] =	ssyncset.done $0x0  }
0x93: {  	s21 =	sadd.s32 $0x200, s20;
	[sflag:s15] =	ssyncadd.s32 $0xFFFFE000  }
0x94: {  	[tilespmem:s25], [sflag:$0x1] =	stream.indirect.gather [hbm4b:s1+s24], $0x80, s21, s24, $0xb8;
	[tilespmem:$0x1E800] =	vst v63  }
0x95: {  	_ =	swait.ge [sflag:s16], $0x2000  }
0x96: {  	[sflag:s16] =	ssyncset.done $0x0  }
0x97: {  	s21 =	sadd.s32 $0x280, s20;
	[sflag:s16] =	ssyncadd.s32 $0xFFFFE000  }
0x98: {  	[tilespmem:s28], [sflag:$0x2] =	stream.indirect.gather [hbm4b:s1+s24], $0x80, s21, s24, $0xb8;
	[tilespmem:$0x1E800] =	vst v63  }
0x99: {  	_ =	swait.ge [sflag:s17], $0x2000  }
0x9a: {  	[sflag:s17] =	ssyncset.done $0x0  }
.Ltmp2:
0x9b: {  	s21 =	sadd.s32 $0x300, s20;
	[sflag:s17] =	ssyncadd.s32 $0xFFFFE000;
	(pc) =	sbr.rel @p1 .LBB2_2-.Ltmp2, $4  }
0x9c: {  	[tilespmem:s30], [sflag:$0x3] =	stream.indirect.gather [hbm4b:s1+s24], $0x80, s21, s24, $0xb8;
	[tilespmem:$0x1E800] =	vst v63  }
0x9d: {  	_ =	swait.ge [sflag:s18], $0x2000  }
0x9e: {  	[sflag:s18] =	ssyncset.done $0x0  }
0x9f: {  	s20 =	sadd.s32 $0x380, s20;
	[sflag:s18] =	ssyncadd.s32 $0xFFFFE000  }
0xa0: {  	[tilespmem:s0], [sflag:$0x4] =	stream.indirect.gather [hbm4b:s1+s24], $0x80, s20, s24, $0xb8;
	[tilespmem:$0x1E800] =	vst v63  }
0xa1: {  	_ =	swait.ge [sflag:s2], $0x2000  }
0xa2: {  	[sflag:s2] =	ssyncset.done $0x0  }
0xa3: {  	[sflag:s2] =	ssyncadd.s32 $0xFFFFE000  }
0xa4: {  	[spmem:s3] =	stream.indirect.scatter.add.f32 [tilespmem:s25], [sflag:$0x5], $0x80, s19, s24, $0xb8;
	[tilespmem:$0x1E800] =	vst v63  }
0xa5: {  	_ =	swait.ge [sflag:s12], $0x2000  }
0xa6: {  	[sflag:s12] =	ssyncset.done $0x0  }
0xa7: {  	[sflag:s12] =	ssyncadd.s32 $0xFFFFE000  }
0xa8: {  	[spmem:s3] =	stream.indirect.scatter.add.f32 [tilespmem:s28], [sflag:$0x6], $0x80, s5, s24, $0xb8;
	[tilespmem:$0x1E800] =	vst v63  }
0xa9: {  	_ =	swait.ge [sflag:s13], $0x2000  }
0xaa: {  	[sflag:s13] =	ssyncset.done $0x0  }
0xab: {  	[sflag:s13] =	ssyncadd.s32 $0xFFFFE000  }
0xac: {  	[spmem:s3] =	stream.indirect.scatter.add.f32 [tilespmem:s30], [sflag:$0x7], $0x80, s6, s24, $0xb8;
	[tilespmem:$0x1E800] =	vst v63  }
0xad: {  	_ =	swait.ge [sflag:s14], $0x2000  }
0xae: {  	[sflag:s14] =	ssyncset.done $0x0  }
0xaf: {  	[sflag:s14] =	ssyncadd.s32 $0xFFFFE000  }
0xb0: {  	[spmem:s3] =	stream.indirect.scatter.add.f32 [tilespmem:s0], [sflag:$0x8], $0x80, s8, s24, $0xb8;
	[tilespmem:$0x1E800] =	vst v63  }
0xb1: {  	_ =	swait.ge [sflag:s15], $0x2000  }
0xb2: {  	[sflag:s15] =	ssyncset.done $0x0  }
0xb3: {  	[sflag:s15] =	ssyncadd.s32 $0xFFFFE000  }
0xb4: {  	_ =	swait.ge [sflag:s16], $0x2000  }
0xb5: {  	[sflag:s16] =	ssyncset.done $0x0  }
0xb6: {  	[sflag:s16] =	ssyncadd.s32 $0xFFFFE000  }
0xb7: {  	_ =	swait.ge [sflag:s17], $0x2000  }
0xb8: {  	[sflag:s17] =	ssyncset.done $0x0  }
0xb9: {  	[sflag:s17] =	ssyncadd.s32 $0xFFFFE000  }
0xba: {  	_ =	swait.ge [sflag:s18], $0x2000  }
0xbb: {  	[sflag:s18] =	ssyncset.done $0x0  }
0xbc: {  	s11 =	simm.s32 $0x0;
	s21 =	rddreg [dreg:$0x9];
	[sflag:s18] =	ssyncadd.s32 $0xFFFFE000  }
0xbd: {  	[tilespmem:s11], [sflag:$0x9] =	stream.linear.gather [hbm4b:s21+s11], $0x1400, $0x38;
	[tilespmem:$0x1E800] =	vst v63  }
0xbe: {  	_ =	swait.ge [sflag:s22], $0x1400  }
0xbf: {  	[sflag:s22] =	ssyncset.done $0x0  }
0xc0: {  	s21 =	rddreg [dreg:$0xa];
	[sflag:s22] =	ssyncadd.s32 $0xFFFFEC00  }
0xc1: {  	[tilespmem:s23], [sflag:$0x9] =	stream.linear.gather [hbm4b:s21+s11], $0x1400, $0x38;
	[tilespmem:$0x1E800] =	vst v63  }
0xc2: {  	_ =	swait.ge [sflag:s22], $0x1400  }
0xc3: {  	[sflag:s22] =	ssyncset.done $0x0  }
0xc4: {  	[sflag:s22] =	ssyncadd.s32 $0xFFFFEC00  }
0xc5: {  	[tilespmem:s25], [sflag:$0x1] =	stream.indirect.gather [hbm4b:s1+s24], $0x80, s11, s24, $0xb8;
	[tilespmem:$0x1E800] =	vst v63  }
0xc6: {  	_ = 	snop  }
0xc7: {  	[tilespmem:s28], [sflag:$0x2] =	stream.indirect.gather [hbm4b:s1+s24], $0x80, s26, s24, $0xb8;
	[tilespmem:$0x1E800] =	vst v63  }
0xc8: {  	_ = 	snop  }
0xc9: {  	[tilespmem:s30], [sflag:$0x3] =	stream.indirect.gather [hbm4b:s1+s24], $0x80, s29, s24, $0xb8;
	[tilespmem:$0x1E800] =	vst v63  }
0xca: {  	_ = 	snop  }
0xcb: {  	[tilespmem:s0], [sflag:$0x4] =	stream.indirect.gather [hbm4b:s1+s24], $0x80, s31, s24, $0xb8;
	[tilespmem:$0x1E800] =	vst v63  }
0xcc: {  	_ =	swait.ge [sflag:s2], $0x2000  }
0xcd: {  	[sflag:s2] =	ssyncset.done $0x0  }
0xce: {  	s21 =	simm.s32 $0x1400;
	[sflag:s2] =	ssyncadd.s32 $0xFFFFE000  }
0xcf: {  	[spmem:s3] =	stream.indirect.scatter.add.f32 [tilespmem:s25], [sflag:$0x5], $0x80, s21, s24, $0xb8;
	[tilespmem:$0x1E800] =	vst v63  }
0xd0: {  	_ =	swait.ge [sflag:s12], $0x2000  }
0xd1: {  	[sflag:s12] =	ssyncset.done $0x0  }
0xd2: {  	s20 =	simm.s32 $0x1480;
	[sflag:s12] =	ssyncadd.s32 $0xFFFFE000  }
0xd3: {  	[spmem:s3] =	stream.indirect.scatter.add.f32 [tilespmem:s28], [sflag:$0x6], $0x80, s20, s24, $0xb8;
	[tilespmem:$0x1E800] =	vst v63  }
0xd4: {  	_ =	swait.ge [sflag:s13], $0x2000  }
0xd5: {  	[sflag:s13] =	ssyncset.done $0x0  }
0xd6: {  	s21 =	simm.s32 $0x1500;
	[sflag:s13] =	ssyncadd.s32 $0xFFFFE000  }
0xd7: {  	[spmem:s3] =	stream.indirect.scatter.add.f32 [tilespmem:s30], [sflag:$0x7], $0x80, s21, s24, $0xb8;
	[tilespmem:$0x1E800] =	vst v63  }
0xd8: {  	_ =	swait.ge [sflag:s14], $0x2000  }
0xd9: {  	[sflag:s14] =	ssyncset.done $0x0  }
0xda: {  	s20 =	simm.s32 $0x1580;
	[sflag:s14] =	ssyncadd.s32 $0xFFFFE000  }
0xdb: {  	[spmem:s3] =	stream.indirect.scatter.add.f32 [tilespmem:s0], [sflag:$0x8], $0x80, s20, s24, $0xb8;
	[tilespmem:$0x1E800] =	vst v63  }
0xdc: {  	_ =	swait.ge [sflag:s15], $0x2000  }
0xdd: {  	[sflag:s15] =	ssyncset.done $0x0  }
0xde: {  	s21 =	simm.s32 $0x200;
	[sflag:s15] =	ssyncadd.s32 $0xFFFFE000  }
0xdf: {  	[tilespmem:s25], [sflag:$0x1] =	stream.indirect.gather [hbm4b:s1+s24], $0x80, s21, s24, $0xb8;
	[tilespmem:$0x1E800] =	vst v63  }
0xe0: {  	_ =	swait.ge [sflag:s16], $0x2000  }
0xe1: {  	[sflag:s16] =	ssyncset.done $0x0  }
0xe2: {  	s20 =	simm.s32 $0x280;
	[sflag:s16] =	ssyncadd.s32 $0xFFFFE000  }
0xe3: {  	[tilespmem:s28], [sflag:$0x2] =	stream.indirect.gather [hbm4b:s1+s24], $0x80, s20, s24, $0xb8;
	[tilespmem:$0x1E800] =	vst v63  }
0xe4: {  	_ =	swait.ge [sflag:s17], $0x2000  }
0xe5: {  	[sflag:s17] =	ssyncset.done $0x0  }
0xe6: {  	s21 =	simm.s32 $0x300;
	[sflag:s17] =	ssyncadd.s32 $0xFFFFE000  }
0xe7: {  	[tilespmem:s30], [sflag:$0x3] =	stream.indirect.gather [hbm4b:s1+s24], $0x80, s21, s24, $0xb8;
	[tilespmem:$0x1E800] =	vst v63  }
0xe8: {  	_ =	swait.ge [sflag:s18], $0x2000  }
0xe9: {  	[sflag:s18] =	ssyncset.done $0x0  }
0xea: {  	s11 =	simm.s32 $0x800;
	s20 =	simm.s32 $0x380;
	[sflag:s18] =	ssyncadd.s32 $0xFFFFE000  }
.LBB2_4:
0xeb: {  	[tilespmem:s0], [sflag:$0x4] =	stream.indirect.gather [hbm4b:s1+s24], $0x80, s20, s24, $0xb8;
	[tilespmem:$0x1E800] =	vst v63  }
0xec: {  	s20 =	smov.u32 s11  }
0xed: {  	p1 =	sne.s32 s11, $0x4000;
	s11 =	sadd.s32 $0x800, s11;
	_ =	swait.ge [sflag:s2], $0x2000  }
0xee: {  	s20 =	sshra.s32 s20, $0x2;
	[sflag:s2] =	ssyncset.done $0x0  }
0xef: {  	s21 =	sadd.s32 $0x1400, s20;
	[sflag:s2] =	ssyncadd.s32 $0xFFFFE000  }
0xf0: {  	[spmem:s3] =	stream.indirect.scatter.add.f32 [tilespmem:s25], [sflag:$0x5], $0x80, s21, s24, $0xb8;
	[tilespmem:$0x1E800] =	vst v63  }
0xf1: {  	_ =	swait.ge [sflag:s12], $0x2000  }
0xf2: {  	[sflag:s12] =	ssyncset.done $0x0  }
0xf3: {  	s21 =	sadd.s32 $0x1480, s20;
	[sflag:s12] =	ssyncadd.s32 $0xFFFFE000  }
0xf4: {  	[spmem:s3] =	stream.indirect.scatter.add.f32 [tilespmem:s28], [sflag:$0x6], $0x80, s21, s24, $0xb8;
	[tilespmem:$0x1E800] =	vst v63  }
0xf5: {  	_ =	swait.ge [sflag:s13], $0x2000  }
0xf6: {  	[sflag:s13] =	ssyncset.done $0x0  }
0xf7: {  	s21 =	sadd.s32 $0x1500, s20;
	[sflag:s13] =	ssyncadd.s32 $0xFFFFE000  }
0xf8: {  	[spmem:s3] =	stream.indirect.scatter.add.f32 [tilespmem:s30], [sflag:$0x7], $0x80, s21, s24, $0xb8;
	[tilespmem:$0x1E800] =	vst v63  }
0xf9: {  	_ =	swait.ge [sflag:s14], $0x2000  }
0xfa: {  	[sflag:s14] =	ssyncset.done $0x0  }
0xfb: {  	s21 =	sadd.s32 $0x1580, s20;
	[sflag:s14] =	ssyncadd.s32 $0xFFFFE000  }
0xfc: {  	[spmem:s3] =	stream.indirect.scatter.add.f32 [tilespmem:s0], [sflag:$0x8], $0x80, s21, s24, $0xb8;
	[tilespmem:$0x1E800] =	vst v63  }
0xfd: {  	_ =	swait.ge [sflag:s15], $0x2000  }
0xfe: {  	[sflag:s15] =	ssyncset.done $0x0  }
0xff: {  	s21 =	sadd.s32 $0x200, s20;
	[sflag:s15] =	ssyncadd.s32 $0xFFFFE000  }
0x100: {  	[tilespmem:s25], [sflag:$0x1] =	stream.indirect.gather [hbm4b:s1+s24], $0x80, s21, s24, $0xb8;
	[tilespmem:$0x1E800] =	vst v63  }
0x101: {  	_ =	swait.ge [sflag:s16], $0x2000  }
0x102: {  	[sflag:s16] =	ssyncset.done $0x0  }
0x103: {  	s21 =	sadd.s32 $0x280, s20;
	[sflag:s16] =	ssyncadd.s32 $0xFFFFE000  }
0x104: {  	[tilespmem:s28], [sflag:$0x2] =	stream.indirect.gather [hbm4b:s1+s24], $0x80, s21, s24, $0xb8;
	[tilespmem:$0x1E800] =	vst v63  }
0x105: {  	_ =	swait.ge [sflag:s17], $0x2000  }
0x106: {  	[sflag:s17] =	ssyncset.done $0x0  }
.Ltmp3:
0x107: {  	s21 =	sadd.s32 $0x300, s20;
	[sflag:s17] =	ssyncadd.s32 $0xFFFFE000;
	(pc) =	sbr.rel @p1 .LBB2_4-.Ltmp3, $4  }
0x108: {  	[tilespmem:s30], [sflag:$0x3] =	stream.indirect.gather [hbm4b:s1+s24], $0x80, s21, s24, $0xb8;
	[tilespmem:$0x1E800] =	vst v63  }
0x109: {  	_ =	swait.ge [sflag:s18], $0x2000  }
0x10a: {  	[sflag:s18] =	ssyncset.done $0x0  }
0x10b: {  	s20 =	sadd.s32 $0x380, s20;
	[sflag:s18] =	ssyncadd.s32 $0xFFFFE000  }
0x10c: {  	[tilespmem:s0], [sflag:$0x4] =	stream.indirect.gather [hbm4b:s1+s24], $0x80, s20, s24, $0xb8;
	[tilespmem:$0x1E800] =	vst v63  }
0x10d: {  	_ =	swait.ge [sflag:s2], $0x2000  }
0x10e: {  	[sflag:s2] =	ssyncset.done $0x0  }
0x10f: {  	[sflag:s2] =	ssyncadd.s32 $0xFFFFE000  }
0x110: {  	[spmem:s3] =	stream.indirect.scatter.add.f32 [tilespmem:s25], [sflag:$0x5], $0x80, s19, s24, $0xb8;
	[tilespmem:$0x1E800] =	vst v63  }
0x111: {  	_ =	swait.ge [sflag:s12], $0x2000  }
0x112: {  	[sflag:s12] =	ssyncset.done $0x0  }
0x113: {  	[sflag:s12] =	ssyncadd.s32 $0xFFFFE000  }
0x114: {  	[spmem:s3] =	stream.indirect.scatter.add.f32 [tilespmem:s28], [sflag:$0x6], $0x80, s5, s24, $0xb8;
	[tilespmem:$0x1E800] =	vst v63  }
0x115: {  	_ =	swait.ge [sflag:s13], $0x2000  }
0x116: {  	[sflag:s13] =	ssyncset.done $0x0  }
0x117: {  	[sflag:s13] =	ssyncadd.s32 $0xFFFFE000  }
0x118: {  	[spmem:s3] =	stream.indirect.scatter.add.f32 [tilespmem:s30], [sflag:$0x7], $0x80, s6, s24, $0xb8;
	[tilespmem:$0x1E800] =	vst v63  }
0x119: {  	_ =	swait.ge [sflag:s14], $0x2000  }
0x11a: {  	[sflag:s14] =	ssyncset.done $0x0  }
0x11b: {  	[sflag:s14] =	ssyncadd.s32 $0xFFFFE000  }
0x11c: {  	[spmem:s3] =	stream.indirect.scatter.add.f32 [tilespmem:s0], [sflag:$0x8], $0x80, s8, s24, $0xb8;
	[tilespmem:$0x1E800] =	vst v63  }
0x11d: {  	_ =	swait.ge [sflag:s15], $0x2000  }
0x11e: {  	[sflag:s15] =	ssyncset.done $0x0  }
0x11f: {  	[sflag:s15] =	ssyncadd.s32 $0xFFFFE000  }
0x120: {  	_ =	swait.ge [sflag:s16], $0x2000  }
0x121: {  	[sflag:s16] =	ssyncset.done $0x0  }
0x122: {  	[sflag:s16] =	ssyncadd.s32 $0xFFFFE000  }
0x123: {  	_ =	swait.ge [sflag:s17], $0x2000  }
.Ltmp4:
0x124: {  	[sflag:s17] =	ssyncset.done $0x0;
	(pc) =	sbr.rel @p0 .LBB2_15-.Ltmp4, $4  }
0x125: {  	[sflag:s17] =	ssyncadd.s32 $0xFFFFE000  }
0x126: {  	_ =	swait.ge [sflag:s18], $0x2000  }
0x127: {  	[sflag:s18] =	ssyncset.done $0x0  }
0x128: {  	[sflag:s18] =	ssyncadd.s32 $0xFFFFE000  }
0x129: {  	s11 =	simm.s32 $0x0;
	s20 =	rddreg [dreg:$0xb]  }
0x12a: {  	[tilespmem:s11], [sflag:$0x9] =	stream.linear.gather [hbm4b:s20+s11], $0x1400, $0x38;
	[tilespmem:$0x1E800] =	vst v63  }
0x12b: {  	_ =	swait.ge [sflag:s22], $0x1400  }
0x12c: {  	[sflag:s22] =	ssyncset.done $0x0  }
0x12d: {  	s21 =	rddreg [dreg:$0xc];
	[sflag:s22] =	ssyncadd.s32 $0xFFFFEC00  }
0x12e: {  	[tilespmem:s23], [sflag:$0x9] =	stream.linear.gather [hbm4b:s21+s11], $0x1400, $0x38;
	[tilespmem:$0x1E800] =	vst v63  }
0x12f: {  	_ =	swait.ge [sflag:s22], $0x1400  }
0x130: {  	[sflag:s22] =	ssyncset.done $0x0  }
0x131: {  	[sflag:s22] =	ssyncadd.s32 $0xFFFFEC00  }
0x132: {  	[tilespmem:s25], [sflag:$0x1] =	stream.indirect.gather [hbm4b:s1+s24], $0x80, s11, s24, $0xb8;
	[tilespmem:$0x1E800] =	vst v63  }
0x133: {  	_ = 	snop  }
0x134: {  	[tilespmem:s28], [sflag:$0x2] =	stream.indirect.gather [hbm4b:s1+s24], $0x80, s26, s24, $0xb8;
	[tilespmem:$0x1E800] =	vst v63  }
0x135: {  	_ = 	snop  }
0x136: {  	[tilespmem:s30], [sflag:$0x3] =	stream.indirect.gather [hbm4b:s1+s24], $0x80, s29, s24, $0xb8;
	[tilespmem:$0x1E800] =	vst v63  }
0x137: {  	_ = 	snop  }
0x138: {  	[tilespmem:s0], [sflag:$0x4] =	stream.indirect.gather [hbm4b:s1+s24], $0x80, s31, s24, $0xb8;
	[tilespmem:$0x1E800] =	vst v63  }
0x139: {  	_ =	swait.ge [sflag:s2], $0x2000  }
0x13a: {  	[sflag:s2] =	ssyncset.done $0x0  }
0x13b: {  	s21 =	simm.s32 $0x1400;
	[sflag:s2] =	ssyncadd.s32 $0xFFFFE000  }
0x13c: {  	[spmem:s3] =	stream.indirect.scatter.add.f32 [tilespmem:s25], [sflag:$0x5], $0x80, s21, s24, $0xb8;
	[tilespmem:$0x1E800] =	vst v63  }
0x13d: {  	_ =	swait.ge [sflag:s12], $0x2000  }
0x13e: {  	[sflag:s12] =	ssyncset.done $0x0  }
0x13f: {  	s20 =	simm.s32 $0x1480;
	[sflag:s12] =	ssyncadd.s32 $0xFFFFE000  }
0x140: {  	[spmem:s3] =	stream.indirect.scatter.add.f32 [tilespmem:s28], [sflag:$0x6], $0x80, s20, s24, $0xb8;
	[tilespmem:$0x1E800] =	vst v63  }
0x141: {  	_ =	swait.ge [sflag:s13], $0x2000  }
0x142: {  	[sflag:s13] =	ssyncset.done $0x0  }
0x143: {  	s21 =	simm.s32 $0x1500;
	[sflag:s13] =	ssyncadd.s32 $0xFFFFE000  }
0x144: {  	[spmem:s3] =	stream.indirect.scatter.add.f32 [tilespmem:s30], [sflag:$0x7], $0x80, s21, s24, $0xb8;
	[tilespmem:$0x1E800] =	vst v63  }
0x145: {  	_ =	swait.ge [sflag:s14], $0x2000  }
0x146: {  	[sflag:s14] =	ssyncset.done $0x0  }
0x147: {  	s20 =	simm.s32 $0x1580;
	[sflag:s14] =	ssyncadd.s32 $0xFFFFE000  }
0x148: {  	[spmem:s3] =	stream.indirect.scatter.add.f32 [tilespmem:s0], [sflag:$0x8], $0x80, s20, s24, $0xb8;
	[tilespmem:$0x1E800] =	vst v63  }
0x149: {  	_ =	swait.ge [sflag:s15], $0x2000  }
0x14a: {  	[sflag:s15] =	ssyncset.done $0x0  }
0x14b: {  	s21 =	simm.s32 $0x200;
	[sflag:s15] =	ssyncadd.s32 $0xFFFFE000  }
0x14c: {  	[tilespmem:s25], [sflag:$0x1] =	stream.indirect.gather [hbm4b:s1+s24], $0x80, s21, s24, $0xb8;
	[tilespmem:$0x1E800] =	vst v63  }
0x14d: {  	_ =	swait.ge [sflag:s16], $0x2000  }
0x14e: {  	[sflag:s16] =	ssyncset.done $0x0  }
0x14f: {  	s20 =	simm.s32 $0x280;
	[sflag:s16] =	ssyncadd.s32 $0xFFFFE000  }
0x150: {  	[tilespmem:s28], [sflag:$0x2] =	stream.indirect.gather [hbm4b:s1+s24], $0x80, s20, s24, $0xb8;
	[tilespmem:$0x1E800] =	vst v63  }
0x151: {  	_ =	swait.ge [sflag:s17], $0x2000  }
0x152: {  	[sflag:s17] =	ssyncset.done $0x0  }
0x153: {  	s21 =	simm.s32 $0x300;
	[sflag:s17] =	ssyncadd.s32 $0xFFFFE000  }
0x154: {  	[tilespmem:s30], [sflag:$0x3] =	stream.indirect.gather [hbm4b:s1+s24], $0x80, s21, s24, $0xb8;
	[tilespmem:$0x1E800] =	vst v63  }
0x155: {  	_ =	swait.ge [sflag:s18], $0x2000  }
0x156: {  	[sflag:s18] =	ssyncset.done $0x0  }
0x157: {  	s11 =	simm.s32 $0x800;
	s20 =	simm.s32 $0x380;
	[sflag:s18] =	ssyncadd.s32 $0xFFFFE000  }
.LBB2_7:
0x158: {  	[tilespmem:s0], [sflag:$0x4] =	stream.indirect.gather [hbm4b:s1+s24], $0x80, s20, s24, $0xb8;
	[tilespmem:$0x1E800] =	vst v63  }
0x159: {  	s20 =	smov.u32 s11  }
0x15a: {  	p1 =	sne.s32 s11, $0x4000;
	s11 =	sadd.s32 $0x800, s11;
	_ =	swait.ge [sflag:s2], $0x2000  }
0x15b: {  	s20 =	sshra.s32 s20, $0x2;
	[sflag:s2] =	ssyncset.done $0x0  }
0x15c: {  	s21 =	sadd.s32 $0x1400, s20;
	[sflag:s2] =	ssyncadd.s32 $0xFFFFE000  }
0x15d: {  	[spmem:s3] =	stream.indirect.scatter.add.f32 [tilespmem:s25], [sflag:$0x5], $0x80, s21, s24, $0xb8;
	[tilespmem:$0x1E800] =	vst v63  }
0x15e: {  	_ =	swait.ge [sflag:s12], $0x2000  }
0x15f: {  	[sflag:s12] =	ssyncset.done $0x0  }
0x160: {  	s21 =	sadd.s32 $0x1480, s20;
	[sflag:s12] =	ssyncadd.s32 $0xFFFFE000  }
0x161: {  	[spmem:s3] =	stream.indirect.scatter.add.f32 [tilespmem:s28], [sflag:$0x6], $0x80, s21, s24, $0xb8;
	[tilespmem:$0x1E800] =	vst v63  }
0x162: {  	_ =	swait.ge [sflag:s13], $0x2000  }
0x163: {  	[sflag:s13] =	ssyncset.done $0x0  }
0x164: {  	s21 =	sadd.s32 $0x1500, s20;
	[sflag:s13] =	ssyncadd.s32 $0xFFFFE000  }
0x165: {  	[spmem:s3] =	stream.indirect.scatter.add.f32 [tilespmem:s30], [sflag:$0x7], $0x80, s21, s24, $0xb8;
	[tilespmem:$0x1E800] =	vst v63  }
0x166: {  	_ =	swait.ge [sflag:s14], $0x2000  }
0x167: {  	[sflag:s14] =	ssyncset.done $0x0  }
0x168: {  	s21 =	sadd.s32 $0x1580, s20;
	[sflag:s14] =	ssyncadd.s32 $0xFFFFE000  }
0x169: {  	[spmem:s3] =	stream.indirect.scatter.add.f32 [tilespmem:s0], [sflag:$0x8], $0x80, s21, s24, $0xb8;
	[tilespmem:$0x1E800] =	vst v63  }
0x16a: {  	_ =	swait.ge [sflag:s15], $0x2000  }
0x16b: {  	[sflag:s15] =	ssyncset.done $0x0  }
0x16c: {  	s21 =	sadd.s32 $0x200, s20;
	[sflag:s15] =	ssyncadd.s32 $0xFFFFE000  }
0x16d: {  	[tilespmem:s25], [sflag:$0x1] =	stream.indirect.gather [hbm4b:s1+s24], $0x80, s21, s24, $0xb8;
	[tilespmem:$0x1E800] =	vst v63  }
0x16e: {  	_ =	swait.ge [sflag:s16], $0x2000  }
0x16f: {  	[sflag:s16] =	ssyncset.done $0x0  }
0x170: {  	s21 =	sadd.s32 $0x280, s20;
	[sflag:s16] =	ssyncadd.s32 $0xFFFFE000  }
0x171: {  	[tilespmem:s28], [sflag:$0x2] =	stream.indirect.gather [hbm4b:s1+s24], $0x80, s21, s24, $0xb8;
	[tilespmem:$0x1E800] =	vst v63  }
0x172: {  	_ =	swait.ge [sflag:s17], $0x2000  }
0x173: {  	[sflag:s17] =	ssyncset.done $0x0  }
.Ltmp5:
0x174: {  	s21 =	sadd.s32 $0x300, s20;
	[sflag:s17] =	ssyncadd.s32 $0xFFFFE000;
	(pc) =	sbr.rel @p1 .LBB2_7-.Ltmp5, $4  }
0x175: {  	[tilespmem:s30], [sflag:$0x3] =	stream.indirect.gather [hbm4b:s1+s24], $0x80, s21, s24, $0xb8;
	[tilespmem:$0x1E800] =	vst v63  }
0x176: {  	_ =	swait.ge [sflag:s18], $0x2000  }
0x177: {  	[sflag:s18] =	ssyncset.done $0x0  }
0x178: {  	s20 =	sadd.s32 $0x380, s20;
	[sflag:s18] =	ssyncadd.s32 $0xFFFFE000  }
0x179: {  	[tilespmem:s0], [sflag:$0x4] =	stream.indirect.gather [hbm4b:s1+s24], $0x80, s20, s24, $0xb8;
	[tilespmem:$0x1E800] =	vst v63  }
0x17a: {  	_ =	swait.ge [sflag:s2], $0x2000  }
0x17b: {  	[sflag:s2] =	ssyncset.done $0x0  }
0x17c: {  	[sflag:s2] =	ssyncadd.s32 $0xFFFFE000  }
0x17d: {  	[spmem:s3] =	stream.indirect.scatter.add.f32 [tilespmem:s25], [sflag:$0x5], $0x80, s19, s24, $0xb8;
	[tilespmem:$0x1E800] =	vst v63  }
0x17e: {  	_ =	swait.ge [sflag:s12], $0x2000  }
0x17f: {  	[sflag:s12] =	ssyncset.done $0x0  }
0x180: {  	[sflag:s12] =	ssyncadd.s32 $0xFFFFE000  }
0x181: {  	[spmem:s3] =	stream.indirect.scatter.add.f32 [tilespmem:s28], [sflag:$0x6], $0x80, s5, s24, $0xb8;
	[tilespmem:$0x1E800] =	vst v63  }
0x182: {  	_ =	swait.ge [sflag:s13], $0x2000  }
0x183: {  	[sflag:s13] =	ssyncset.done $0x0  }
0x184: {  	[sflag:s13] =	ssyncadd.s32 $0xFFFFE000  }
0x185: {  	[spmem:s3] =	stream.indirect.scatter.add.f32 [tilespmem:s30], [sflag:$0x7], $0x80, s6, s24, $0xb8;
	[tilespmem:$0x1E800] =	vst v63  }
0x186: {  	_ =	swait.ge [sflag:s14], $0x2000  }
0x187: {  	[sflag:s14] =	ssyncset.done $0x0  }
0x188: {  	[sflag:s14] =	ssyncadd.s32 $0xFFFFE000  }
0x189: {  	[spmem:s3] =	stream.indirect.scatter.add.f32 [tilespmem:s0], [sflag:$0x8], $0x80, s8, s24, $0xb8;
	[tilespmem:$0x1E800] =	vst v63  }
0x18a: {  	_ =	swait.ge [sflag:s15], $0x2000  }
0x18b: {  	[sflag:s15] =	ssyncset.done $0x0  }
0x18c: {  	[sflag:s15] =	ssyncadd.s32 $0xFFFFE000  }
0x18d: {  	_ =	swait.ge [sflag:s16], $0x2000  }
0x18e: {  	[sflag:s16] =	ssyncset.done $0x0  }
0x18f: {  	[sflag:s16] =	ssyncadd.s32 $0xFFFFE000  }
0x190: {  	_ =	swait.ge [sflag:s17], $0x2000  }
0x191: {  	[sflag:s17] =	ssyncset.done $0x0  }
0x192: {  	[sflag:s17] =	ssyncadd.s32 $0xFFFFE000  }
0x193: {  	_ =	swait.ge [sflag:s18], $0x2000  }
0x194: {  	[sflag:s18] =	ssyncset.done $0x0  }
0x195: {  	s11 =	simm.s32 $0x0;
	s21 =	rddreg [dreg:$0xd];
	[sflag:s18] =	ssyncadd.s32 $0xFFFFE000  }
0x196: {  	[tilespmem:s11], [sflag:$0x9] =	stream.linear.gather [hbm4b:s21+s11], $0x1400, $0x38;
	[tilespmem:$0x1E800] =	vst v63  }
0x197: {  	_ =	swait.ge [sflag:s22], $0x1400  }
0x198: {  	[sflag:s22] =	ssyncset.done $0x0  }
0x199: {  	s21 =	rddreg [dreg:$0xe];
	[sflag:s22] =	ssyncadd.s32 $0xFFFFEC00  }
0x19a: {  	[tilespmem:s23], [sflag:$0x9] =	stream.linear.gather [hbm4b:s21+s11], $0x1400, $0x38;
	[tilespmem:$0x1E800] =	vst v63  }
0x19b: {  	_ =	swait.ge [sflag:s22], $0x1400  }
0x19c: {  	[sflag:s22] =	ssyncset.done $0x0  }
0x19d: {  	[sflag:s22] =	ssyncadd.s32 $0xFFFFEC00  }
0x19e: {  	[tilespmem:s25], [sflag:$0x1] =	stream.indirect.gather [hbm4b:s1+s24], $0x80, s11, s24, $0xb8;
	[tilespmem:$0x1E800] =	vst v63  }
0x19f: {  	_ = 	snop  }
0x1a0: {  	[tilespmem:s28], [sflag:$0x2] =	stream.indirect.gather [hbm4b:s1+s24], $0x80, s26, s24, $0xb8;
	[tilespmem:$0x1E800] =	vst v63  }
0x1a1: {  	_ = 	snop  }
0x1a2: {  	[tilespmem:s30], [sflag:$0x3] =	stream.indirect.gather [hbm4b:s1+s24], $0x80, s29, s24, $0xb8;
	[tilespmem:$0x1E800] =	vst v63  }
0x1a3: {  	_ = 	snop  }
0x1a4: {  	[tilespmem:s0], [sflag:$0x4] =	stream.indirect.gather [hbm4b:s1+s24], $0x80, s31, s24, $0xb8;
	[tilespmem:$0x1E800] =	vst v63  }
0x1a5: {  	_ =	swait.ge [sflag:s2], $0x2000  }
0x1a6: {  	[sflag:s2] =	ssyncset.done $0x0  }
0x1a7: {  	s21 =	simm.s32 $0x1400;
	[sflag:s2] =	ssyncadd.s32 $0xFFFFE000  }
0x1a8: {  	[spmem:s3] =	stream.indirect.scatter.add.f32 [tilespmem:s25], [sflag:$0x5], $0x80, s21, s24, $0xb8;
	[tilespmem:$0x1E800] =	vst v63  }
0x1a9: {  	_ =	swait.ge [sflag:s12], $0x2000  }
0x1aa: {  	[sflag:s12] =	ssyncset.done $0x0  }
0x1ab: {  	s20 =	simm.s32 $0x1480;
	[sflag:s12] =	ssyncadd.s32 $0xFFFFE000  }
0x1ac: {  	[spmem:s3] =	stream.indirect.scatter.add.f32 [tilespmem:s28], [sflag:$0x6], $0x80, s20, s24, $0xb8;
	[tilespmem:$0x1E800] =	vst v63  }
0x1ad: {  	_ =	swait.ge [sflag:s13], $0x2000  }
0x1ae: {  	[sflag:s13] =	ssyncset.done $0x0  }
0x1af: {  	s21 =	simm.s32 $0x1500;
	[sflag:s13] =	ssyncadd.s32 $0xFFFFE000  }
0x1b0: {  	[spmem:s3] =	stream.indirect.scatter.add.f32 [tilespmem:s30], [sflag:$0x7], $0x80, s21, s24, $0xb8;
	[tilespmem:$0x1E800] =	vst v63  }
0x1b1: {  	_ =	swait.ge [sflag:s14], $0x2000  }
0x1b2: {  	[sflag:s14] =	ssyncset.done $0x0  }
0x1b3: {  	s20 =	simm.s32 $0x1580;
	[sflag:s14] =	ssyncadd.s32 $0xFFFFE000  }
0x1b4: {  	[spmem:s3] =	stream.indirect.scatter.add.f32 [tilespmem:s0], [sflag:$0x8], $0x80, s20, s24, $0xb8;
	[tilespmem:$0x1E800] =	vst v63  }
0x1b5: {  	_ =	swait.ge [sflag:s15], $0x2000  }
0x1b6: {  	[sflag:s15] =	ssyncset.done $0x0  }
0x1b7: {  	s21 =	simm.s32 $0x200;
	[sflag:s15] =	ssyncadd.s32 $0xFFFFE000  }
0x1b8: {  	[tilespmem:s25], [sflag:$0x1] =	stream.indirect.gather [hbm4b:s1+s24], $0x80, s21, s24, $0xb8;
	[tilespmem:$0x1E800] =	vst v63  }
0x1b9: {  	_ =	swait.ge [sflag:s16], $0x2000  }
0x1ba: {  	[sflag:s16] =	ssyncset.done $0x0  }
0x1bb: {  	s20 =	simm.s32 $0x280;
	[sflag:s16] =	ssyncadd.s32 $0xFFFFE000  }
0x1bc: {  	[tilespmem:s28], [sflag:$0x2] =	stream.indirect.gather [hbm4b:s1+s24], $0x80, s20, s24, $0xb8;
	[tilespmem:$0x1E800] =	vst v63  }
0x1bd: {  	_ =	swait.ge [sflag:s17], $0x2000  }
0x1be: {  	[sflag:s17] =	ssyncset.done $0x0  }
0x1bf: {  	s21 =	simm.s32 $0x300;
	[sflag:s17] =	ssyncadd.s32 $0xFFFFE000  }
0x1c0: {  	[tilespmem:s30], [sflag:$0x3] =	stream.indirect.gather [hbm4b:s1+s24], $0x80, s21, s24, $0xb8;
	[tilespmem:$0x1E800] =	vst v63  }
0x1c1: {  	_ =	swait.ge [sflag:s18], $0x2000  }
0x1c2: {  	[sflag:s18] =	ssyncset.done $0x0  }
0x1c3: {  	s11 =	simm.s32 $0x800;
	s20 =	simm.s32 $0x380;
	[sflag:s18] =	ssyncadd.s32 $0xFFFFE000  }
.LBB2_9:
0x1c4: {  	[tilespmem:s0], [sflag:$0x4] =	stream.indirect.gather [hbm4b:s1+s24], $0x80, s20, s24, $0xb8;
	[tilespmem:$0x1E800] =	vst v63  }
0x1c5: {  	s20 =	smov.u32 s11  }
0x1c6: {  	p1 =	sne.s32 s11, $0x4000;
	s11 =	sadd.s32 $0x800, s11;
	_ =	swait.ge [sflag:s2], $0x2000  }
0x1c7: {  	s20 =	sshra.s32 s20, $0x2;
	[sflag:s2] =	ssyncset.done $0x0  }
0x1c8: {  	s21 =	sadd.s32 $0x1400, s20;
	[sflag:s2] =	ssyncadd.s32 $0xFFFFE000  }
0x1c9: {  	[spmem:s3] =	stream.indirect.scatter.add.f32 [tilespmem:s25], [sflag:$0x5], $0x80, s21, s24, $0xb8;
	[tilespmem:$0x1E800] =	vst v63  }
0x1ca: {  	_ =	swait.ge [sflag:s12], $0x2000  }
0x1cb: {  	[sflag:s12] =	ssyncset.done $0x0  }
0x1cc: {  	s21 =	sadd.s32 $0x1480, s20;
	[sflag:s12] =	ssyncadd.s32 $0xFFFFE000  }
0x1cd: {  	[spmem:s3] =	stream.indirect.scatter.add.f32 [tilespmem:s28], [sflag:$0x6], $0x80, s21, s24, $0xb8;
	[tilespmem:$0x1E800] =	vst v63  }
0x1ce: {  	_ =	swait.ge [sflag:s13], $0x2000  }
0x1cf: {  	[sflag:s13] =	ssyncset.done $0x0  }
0x1d0: {  	s21 =	sadd.s32 $0x1500, s20;
	[sflag:s13] =	ssyncadd.s32 $0xFFFFE000  }
0x1d1: {  	[spmem:s3] =	stream.indirect.scatter.add.f32 [tilespmem:s30], [sflag:$0x7], $0x80, s21, s24, $0xb8;
	[tilespmem:$0x1E800] =	vst v63  }
0x1d2: {  	_ =	swait.ge [sflag:s14], $0x2000  }
0x1d3: {  	[sflag:s14] =	ssyncset.done $0x0  }
0x1d4: {  	s21 =	sadd.s32 $0x1580, s20;
	[sflag:s14] =	ssyncadd.s32 $0xFFFFE000  }
0x1d5: {  	[spmem:s3] =	stream.indirect.scatter.add.f32 [tilespmem:s0], [sflag:$0x8], $0x80, s21, s24, $0xb8;
	[tilespmem:$0x1E800] =	vst v63  }
0x1d6: {  	_ =	swait.ge [sflag:s15], $0x2000  }
0x1d7: {  	[sflag:s15] =	ssyncset.done $0x0  }
0x1d8: {  	s21 =	sadd.s32 $0x200, s20;
	[sflag:s15] =	ssyncadd.s32 $0xFFFFE000  }
0x1d9: {  	[tilespmem:s25], [sflag:$0x1] =	stream.indirect.gather [hbm4b:s1+s24], $0x80, s21, s24, $0xb8;
	[tilespmem:$0x1E800] =	vst v63  }
0x1da: {  	_ =	swait.ge [sflag:s16], $0x2000  }
0x1db: {  	[sflag:s16] =	ssyncset.done $0x0  }
0x1dc: {  	s21 =	sadd.s32 $0x280, s20;
	[sflag:s16] =	ssyncadd.s32 $0xFFFFE000  }
0x1dd: {  	[tilespmem:s28], [sflag:$0x2] =	stream.indirect.gather [hbm4b:s1+s24], $0x80, s21, s24, $0xb8;
	[tilespmem:$0x1E800] =	vst v63  }
0x1de: {  	_ =	swait.ge [sflag:s17], $0x2000  }
0x1df: {  	[sflag:s17] =	ssyncset.done $0x0  }
.Ltmp6:
0x1e0: {  	s21 =	sadd.s32 $0x300, s20;
	[sflag:s17] =	ssyncadd.s32 $0xFFFFE000;
	(pc) =	sbr.rel @p1 .LBB2_9-.Ltmp6, $4  }
0x1e1: {  	[tilespmem:s30], [sflag:$0x3] =	stream.indirect.gather [hbm4b:s1+s24], $0x80, s21, s24, $0xb8;
	[tilespmem:$0x1E800] =	vst v63  }
0x1e2: {  	_ =	swait.ge [sflag:s18], $0x2000  }
0x1e3: {  	[sflag:s18] =	ssyncset.done $0x0  }
0x1e4: {  	s20 =	sadd.s32 $0x380, s20;
	[sflag:s18] =	ssyncadd.s32 $0xFFFFE000  }
0x1e5: {  	[tilespmem:s0], [sflag:$0x4] =	stream.indirect.gather [hbm4b:s1+s24], $0x80, s20, s24, $0xb8;
	[tilespmem:$0x1E800] =	vst v63  }
0x1e6: {  	_ =	swait.ge [sflag:s2], $0x2000  }
0x1e7: {  	[sflag:s2] =	ssyncset.done $0x0  }
0x1e8: {  	[sflag:s2] =	ssyncadd.s32 $0xFFFFE000  }
0x1e9: {  	[spmem:s3] =	stream.indirect.scatter.add.f32 [tilespmem:s25], [sflag:$0x5], $0x80, s19, s24, $0xb8;
	[tilespmem:$0x1E800] =	vst v63  }
0x1ea: {  	_ =	swait.ge [sflag:s12], $0x2000  }
0x1eb: {  	[sflag:s12] =	ssyncset.done $0x0  }
0x1ec: {  	[sflag:s12] =	ssyncadd.s32 $0xFFFFE000  }
0x1ed: {  	[spmem:s3] =	stream.indirect.scatter.add.f32 [tilespmem:s28], [sflag:$0x6], $0x80, s5, s24, $0xb8;
	[tilespmem:$0x1E800] =	vst v63  }
0x1ee: {  	_ =	swait.ge [sflag:s13], $0x2000  }
0x1ef: {  	[sflag:s13] =	ssyncset.done $0x0  }
0x1f0: {  	[sflag:s13] =	ssyncadd.s32 $0xFFFFE000  }
0x1f1: {  	[spmem:s3] =	stream.indirect.scatter.add.f32 [tilespmem:s30], [sflag:$0x7], $0x80, s6, s24, $0xb8;
	[tilespmem:$0x1E800] =	vst v63  }
0x1f2: {  	_ =	swait.ge [sflag:s14], $0x2000  }
0x1f3: {  	[sflag:s14] =	ssyncset.done $0x0  }
0x1f4: {  	[sflag:s14] =	ssyncadd.s32 $0xFFFFE000  }
0x1f5: {  	[spmem:s3] =	stream.indirect.scatter.add.f32 [tilespmem:s0], [sflag:$0x8], $0x80, s8, s24, $0xb8;
	[tilespmem:$0x1E800] =	vst v63  }
0x1f6: {  	_ =	swait.ge [sflag:s15], $0x2000  }
0x1f7: {  	[sflag:s15] =	ssyncset.done $0x0  }
0x1f8: {  	[sflag:s15] =	ssyncadd.s32 $0xFFFFE000  }
0x1f9: {  	_ =	swait.ge [sflag:s16], $0x2000  }
0x1fa: {  	[sflag:s16] =	ssyncset.done $0x0  }
0x1fb: {  	[sflag:s16] =	ssyncadd.s32 $0xFFFFE000  }
0x1fc: {  	_ =	swait.ge [sflag:s17], $0x2000  }
0x1fd: {  	[sflag:s17] =	ssyncset.done $0x0  }
0x1fe: {  	[sflag:s17] =	ssyncadd.s32 $0xFFFFE000  }
0x1ff: {  	_ =	swait.ge [sflag:s18], $0x2000  }
0x200: {  	[sflag:s18] =	ssyncset.done $0x0  }
0x201: {  	s11 =	simm.s32 $0x0;
	s21 =	rddreg [dreg:$0xf];
	[sflag:s18] =	ssyncadd.s32 $0xFFFFE000  }
0x202: {  	[tilespmem:s11], [sflag:$0x9] =	stream.linear.gather [hbm4b:s21+s11], $0x1400, $0x38;
	[tilespmem:$0x1E800] =	vst v63  }
0x203: {  	_ =	swait.ge [sflag:s22], $0x1400  }
0x204: {  	[sflag:s22] =	ssyncset.done $0x0  }
0x205: {  	s21 =	rddreg [dreg:$0x10];
	[sflag:s22] =	ssyncadd.s32 $0xFFFFEC00  }
0x206: {  	[tilespmem:s23], [sflag:$0x9] =	stream.linear.gather [hbm4b:s21+s11], $0x1400, $0x38;
	[tilespmem:$0x1E800] =	vst v63  }
0x207: {  	_ =	swait.ge [sflag:s22], $0x1400  }
0x208: {  	[sflag:s22] =	ssyncset.done $0x0  }
0x209: {  	[sflag:s22] =	ssyncadd.s32 $0xFFFFEC00  }
0x20a: {  	[tilespmem:s25], [sflag:$0x1] =	stream.indirect.gather [hbm4b:s1+s24], $0x80, s11, s24, $0xb8;
	[tilespmem:$0x1E800] =	vst v63  }
0x20b: {  	_ = 	snop  }
0x20c: {  	[tilespmem:s28], [sflag:$0x2] =	stream.indirect.gather [hbm4b:s1+s24], $0x80, s26, s24, $0xb8;
	[tilespmem:$0x1E800] =	vst v63  }
0x20d: {  	_ = 	snop  }
0x20e: {  	[tilespmem:s30], [sflag:$0x3] =	stream.indirect.gather [hbm4b:s1+s24], $0x80, s29, s24, $0xb8;
	[tilespmem:$0x1E800] =	vst v63  }
0x20f: {  	_ = 	snop  }
0x210: {  	[tilespmem:s0], [sflag:$0x4] =	stream.indirect.gather [hbm4b:s1+s24], $0x80, s31, s24, $0xb8;
	[tilespmem:$0x1E800] =	vst v63  }
0x211: {  	_ =	swait.ge [sflag:s2], $0x2000  }
0x212: {  	[sflag:s2] =	ssyncset.done $0x0  }
0x213: {  	s21 =	simm.s32 $0x1400;
	[sflag:s2] =	ssyncadd.s32 $0xFFFFE000  }
0x214: {  	[spmem:s3] =	stream.indirect.scatter.add.f32 [tilespmem:s25], [sflag:$0x5], $0x80, s21, s24, $0xb8;
	[tilespmem:$0x1E800] =	vst v63  }
0x215: {  	_ =	swait.ge [sflag:s12], $0x2000  }
0x216: {  	[sflag:s12] =	ssyncset.done $0x0  }
0x217: {  	s20 =	simm.s32 $0x1480;
	[sflag:s12] =	ssyncadd.s32 $0xFFFFE000  }
0x218: {  	[spmem:s3] =	stream.indirect.scatter.add.f32 [tilespmem:s28], [sflag:$0x6], $0x80, s20, s24, $0xb8;
	[tilespmem:$0x1E800] =	vst v63  }
0x219: {  	_ =	swait.ge [sflag:s13], $0x2000  }
0x21a: {  	[sflag:s13] =	ssyncset.done $0x0  }
0x21b: {  	s21 =	simm.s32 $0x1500;
	[sflag:s13] =	ssyncadd.s32 $0xFFFFE000  }
0x21c: {  	[spmem:s3] =	stream.indirect.scatter.add.f32 [tilespmem:s30], [sflag:$0x7], $0x80, s21, s24, $0xb8;
	[tilespmem:$0x1E800] =	vst v63  }
0x21d: {  	_ =	swait.ge [sflag:s14], $0x2000  }
0x21e: {  	[sflag:s14] =	ssyncset.done $0x0  }
0x21f: {  	s20 =	simm.s32 $0x1580;
	[sflag:s14] =	ssyncadd.s32 $0xFFFFE000  }
0x220: {  	[spmem:s3] =	stream.indirect.scatter.add.f32 [tilespmem:s0], [sflag:$0x8], $0x80, s20, s24, $0xb8;
	[tilespmem:$0x1E800] =	vst v63  }
0x221: {  	_ =	swait.ge [sflag:s15], $0x2000  }
0x222: {  	[sflag:s15] =	ssyncset.done $0x0  }
0x223: {  	s21 =	simm.s32 $0x200;
	[sflag:s15] =	ssyncadd.s32 $0xFFFFE000  }
0x224: {  	[tilespmem:s25], [sflag:$0x1] =	stream.indirect.gather [hbm4b:s1+s24], $0x80, s21, s24, $0xb8;
	[tilespmem:$0x1E800] =	vst v63  }
0x225: {  	_ =	swait.ge [sflag:s16], $0x2000  }
0x226: {  	[sflag:s16] =	ssyncset.done $0x0  }
0x227: {  	s20 =	simm.s32 $0x280;
	[sflag:s16] =	ssyncadd.s32 $0xFFFFE000  }
0x228: {  	[tilespmem:s28], [sflag:$0x2] =	stream.indirect.gather [hbm4b:s1+s24], $0x80, s20, s24, $0xb8;
	[tilespmem:$0x1E800] =	vst v63  }
0x229: {  	_ =	swait.ge [sflag:s17], $0x2000  }
0x22a: {  	[sflag:s17] =	ssyncset.done $0x0  }
0x22b: {  	s21 =	simm.s32 $0x300;
	[sflag:s17] =	ssyncadd.s32 $0xFFFFE000  }
0x22c: {  	[tilespmem:s30], [sflag:$0x3] =	stream.indirect.gather [hbm4b:s1+s24], $0x80, s21, s24, $0xb8;
	[tilespmem:$0x1E800] =	vst v63  }
0x22d: {  	_ =	swait.ge [sflag:s18], $0x2000  }
0x22e: {  	[sflag:s18] =	ssyncset.done $0x0  }
0x22f: {  	s11 =	simm.s32 $0x800;
	s20 =	simm.s32 $0x380;
	[sflag:s18] =	ssyncadd.s32 $0xFFFFE000  }
.LBB2_11:
0x230: {  	[tilespmem:s0], [sflag:$0x4] =	stream.indirect.gather [hbm4b:s1+s24], $0x80, s20, s24, $0xb8;
	[tilespmem:$0x1E800] =	vst v63  }
0x231: {  	s20 =	smov.u32 s11  }
0x232: {  	p1 =	sne.s32 s11, $0x4000;
	s11 =	sadd.s32 $0x800, s11;
	_ =	swait.ge [sflag:s2], $0x2000  }
0x233: {  	s20 =	sshra.s32 s20, $0x2;
	[sflag:s2] =	ssyncset.done $0x0  }
0x234: {  	s21 =	sadd.s32 $0x1400, s20;
	[sflag:s2] =	ssyncadd.s32 $0xFFFFE000  }
0x235: {  	[spmem:s3] =	stream.indirect.scatter.add.f32 [tilespmem:s25], [sflag:$0x5], $0x80, s21, s24, $0xb8;
	[tilespmem:$0x1E800] =	vst v63  }
0x236: {  	_ =	swait.ge [sflag:s12], $0x2000  }
0x237: {  	[sflag:s12] =	ssyncset.done $0x0  }
0x238: {  	s21 =	sadd.s32 $0x1480, s20;
	[sflag:s12] =	ssyncadd.s32 $0xFFFFE000  }
0x239: {  	[spmem:s3] =	stream.indirect.scatter.add.f32 [tilespmem:s28], [sflag:$0x6], $0x80, s21, s24, $0xb8;
	[tilespmem:$0x1E800] =	vst v63  }
0x23a: {  	_ =	swait.ge [sflag:s13], $0x2000  }
0x23b: {  	[sflag:s13] =	ssyncset.done $0x0  }
0x23c: {  	s21 =	sadd.s32 $0x1500, s20;
	[sflag:s13] =	ssyncadd.s32 $0xFFFFE000  }
0x23d: {  	[spmem:s3] =	stream.indirect.scatter.add.f32 [tilespmem:s30], [sflag:$0x7], $0x80, s21, s24, $0xb8;
	[tilespmem:$0x1E800] =	vst v63  }
0x23e: {  	_ =	swait.ge [sflag:s14], $0x2000  }
0x23f: {  	[sflag:s14] =	ssyncset.done $0x0  }
0x240: {  	s21 =	sadd.s32 $0x1580, s20;
	[sflag:s14] =	ssyncadd.s32 $0xFFFFE000  }
0x241: {  	[spmem:s3] =	stream.indirect.scatter.add.f32 [tilespmem:s0], [sflag:$0x8], $0x80, s21, s24, $0xb8;
	[tilespmem:$0x1E800] =	vst v63  }
0x242: {  	_ =	swait.ge [sflag:s15], $0x2000  }
0x243: {  	[sflag:s15] =	ssyncset.done $0x0  }
0x244: {  	s21 =	sadd.s32 $0x200, s20;
	[sflag:s15] =	ssyncadd.s32 $0xFFFFE000  }
0x245: {  	[tilespmem:s25], [sflag:$0x1] =	stream.indirect.gather [hbm4b:s1+s24], $0x80, s21, s24, $0xb8;
	[tilespmem:$0x1E800] =	vst v63  }
0x246: {  	_ =	swait.ge [sflag:s16], $0x2000  }
0x247: {  	[sflag:s16] =	ssyncset.done $0x0  }
0x248: {  	s21 =	sadd.s32 $0x280, s20;
	[sflag:s16] =	ssyncadd.s32 $0xFFFFE000  }
0x249: {  	[tilespmem:s28], [sflag:$0x2] =	stream.indirect.gather [hbm4b:s1+s24], $0x80, s21, s24, $0xb8;
	[tilespmem:$0x1E800] =	vst v63  }
0x24a: {  	_ =	swait.ge [sflag:s17], $0x2000  }
0x24b: {  	[sflag:s17] =	ssyncset.done $0x0  }
.Ltmp7:
0x24c: {  	s21 =	sadd.s32 $0x300, s20;
	[sflag:s17] =	ssyncadd.s32 $0xFFFFE000;
	(pc) =	sbr.rel @p1 .LBB2_11-.Ltmp7, $4  }
0x24d: {  	[tilespmem:s30], [sflag:$0x3] =	stream.indirect.gather [hbm4b:s1+s24], $0x80, s21, s24, $0xb8;
	[tilespmem:$0x1E800] =	vst v63  }
0x24e: {  	_ =	swait.ge [sflag:s18], $0x2000  }
0x24f: {  	[sflag:s18] =	ssyncset.done $0x0  }
0x250: {  	s20 =	sadd.s32 $0x380, s20;
	[sflag:s18] =	ssyncadd.s32 $0xFFFFE000  }
0x251: {  	[tilespmem:s0], [sflag:$0x4] =	stream.indirect.gather [hbm4b:s1+s24], $0x80, s20, s24, $0xb8;
	[tilespmem:$0x1E800] =	vst v63  }
0x252: {  	_ =	swait.ge [sflag:s2], $0x2000  }
0x253: {  	[sflag:s2] =	ssyncset.done $0x0  }
0x254: {  	[sflag:s2] =	ssyncadd.s32 $0xFFFFE000  }
0x255: {  	[spmem:s3] =	stream.indirect.scatter.add.f32 [tilespmem:s25], [sflag:$0x5], $0x80, s19, s24, $0xb8;
	[tilespmem:$0x1E800] =	vst v63  }
0x256: {  	_ =	swait.ge [sflag:s12], $0x2000  }
0x257: {  	[sflag:s12] =	ssyncset.done $0x0  }
0x258: {  	[sflag:s12] =	ssyncadd.s32 $0xFFFFE000  }
0x259: {  	[spmem:s3] =	stream.indirect.scatter.add.f32 [tilespmem:s28], [sflag:$0x6], $0x80, s5, s24, $0xb8;
	[tilespmem:$0x1E800] =	vst v63  }
0x25a: {  	_ =	swait.ge [sflag:s13], $0x2000  }
0x25b: {  	[sflag:s13] =	ssyncset.done $0x0  }
0x25c: {  	[sflag:s13] =	ssyncadd.s32 $0xFFFFE000  }
0x25d: {  	[spmem:s3] =	stream.indirect.scatter.add.f32 [tilespmem:s30], [sflag:$0x7], $0x80, s6, s24, $0xb8;
	[tilespmem:$0x1E800] =	vst v63  }
0x25e: {  	_ =	swait.ge [sflag:s14], $0x2000  }
0x25f: {  	[sflag:s14] =	ssyncset.done $0x0  }
0x260: {  	[sflag:s14] =	ssyncadd.s32 $0xFFFFE000  }
0x261: {  	[spmem:s3] =	stream.indirect.scatter.add.f32 [tilespmem:s0], [sflag:$0x8], $0x80, s8, s24, $0xb8;
	[tilespmem:$0x1E800] =	vst v63  }
0x262: {  	_ =	swait.ge [sflag:s15], $0x2000  }
0x263: {  	[sflag:s15] =	ssyncset.done $0x0  }
0x264: {  	[sflag:s15] =	ssyncadd.s32 $0xFFFFE000  }
0x265: {  	_ =	swait.ge [sflag:s16], $0x2000  }
0x266: {  	[sflag:s16] =	ssyncset.done $0x0  }
0x267: {  	[sflag:s16] =	ssyncadd.s32 $0xFFFFE000  }
0x268: {  	_ =	swait.ge [sflag:s17], $0x2000  }
0x269: {  	[sflag:s17] =	ssyncset.done $0x0  }
0x26a: {  	[sflag:s17] =	ssyncadd.s32 $0xFFFFE000  }
0x26b: {  	_ =	swait.ge [sflag:s18], $0x2000  }
0x26c: {  	[sflag:s18] =	ssyncset.done $0x0  }
0x26d: {  	s11 =	simm.s32 $0x0;
	s21 =	rddreg [dreg:$0x11];
	[sflag:s18] =	ssyncadd.s32 $0xFFFFE000  }
0x26e: {  	[tilespmem:s11], [sflag:$0x9] =	stream.linear.gather [hbm4b:s21+s11], $0x1400, $0x38;
	[tilespmem:$0x1E800] =	vst v63  }
0x26f: {  	_ =	swait.ge [sflag:s22], $0x1400  }
0x270: {  	[sflag:s22] =	ssyncset.done $0x0  }
0x271: {  	s21 =	rddreg [dreg:$0x12];
	[sflag:s22] =	ssyncadd.s32 $0xFFFFEC00  }
0x272: {  	[tilespmem:s23], [sflag:$0x9] =	stream.linear.gather [hbm4b:s21+s11], $0x1400, $0x38;
	[tilespmem:$0x1E800] =	vst v63  }
0x273: {  	_ =	swait.ge [sflag:s22], $0x1400  }
0x274: {  	[sflag:s22] =	ssyncset.done $0x0  }
0x275: {  	[sflag:s22] =	ssyncadd.s32 $0xFFFFEC00  }
0x276: {  	[tilespmem:s25], [sflag:$0x1] =	stream.indirect.gather [hbm4b:s1+s24], $0x80, s11, s24, $0xb8;
	[tilespmem:$0x1E800] =	vst v63  }
0x277: {  	_ = 	snop  }
0x278: {  	[tilespmem:s28], [sflag:$0x2] =	stream.indirect.gather [hbm4b:s1+s24], $0x80, s26, s24, $0xb8;
	[tilespmem:$0x1E800] =	vst v63  }
0x279: {  	_ = 	snop  }
0x27a: {  	[tilespmem:s30], [sflag:$0x3] =	stream.indirect.gather [hbm4b:s1+s24], $0x80, s29, s24, $0xb8;
	[tilespmem:$0x1E800] =	vst v63  }
0x27b: {  	_ = 	snop  }
0x27c: {  	[tilespmem:s0], [sflag:$0x4] =	stream.indirect.gather [hbm4b:s1+s24], $0x80, s31, s24, $0xb8;
	[tilespmem:$0x1E800] =	vst v63  }
0x27d: {  	_ =	swait.ge [sflag:s2], $0x2000  }
0x27e: {  	[sflag:s2] =	ssyncset.done $0x0  }
0x27f: {  	s21 =	simm.s32 $0x1400;
	[sflag:s2] =	ssyncadd.s32 $0xFFFFE000  }
0x280: {  	[spmem:s3] =	stream.indirect.scatter.add.f32 [tilespmem:s25], [sflag:$0x5], $0x80, s21, s24, $0xb8;
	[tilespmem:$0x1E800] =	vst v63  }
0x281: {  	_ =	swait.ge [sflag:s12], $0x2000  }
0x282: {  	[sflag:s12] =	ssyncset.done $0x0  }
0x283: {  	s20 =	simm.s32 $0x1480;
	[sflag:s12] =	ssyncadd.s32 $0xFFFFE000  }
0x284: {  	[spmem:s3] =	stream.indirect.scatter.add.f32 [tilespmem:s28], [sflag:$0x6], $0x80, s20, s24, $0xb8;
	[tilespmem:$0x1E800] =	vst v63  }
0x285: {  	_ =	swait.ge [sflag:s13], $0x2000  }
0x286: {  	[sflag:s13] =	ssyncset.done $0x0  }
0x287: {  	s21 =	simm.s32 $0x1500;
	[sflag:s13] =	ssyncadd.s32 $0xFFFFE000  }
0x288: {  	[spmem:s3] =	stream.indirect.scatter.add.f32 [tilespmem:s30], [sflag:$0x7], $0x80, s21, s24, $0xb8;
	[tilespmem:$0x1E800] =	vst v63  }
0x289: {  	_ =	swait.ge [sflag:s14], $0x2000  }
0x28a: {  	[sflag:s14] =	ssyncset.done $0x0  }
0x28b: {  	s20 =	simm.s32 $0x1580;
	[sflag:s14] =	ssyncadd.s32 $0xFFFFE000  }
0x28c: {  	[spmem:s3] =	stream.indirect.scatter.add.f32 [tilespmem:s0], [sflag:$0x8], $0x80, s20, s24, $0xb8;
	[tilespmem:$0x1E800] =	vst v63  }
0x28d: {  	_ =	swait.ge [sflag:s15], $0x2000  }
0x28e: {  	[sflag:s15] =	ssyncset.done $0x0  }
0x28f: {  	s21 =	simm.s32 $0x200;
	[sflag:s15] =	ssyncadd.s32 $0xFFFFE000  }
0x290: {  	[tilespmem:s25], [sflag:$0x1] =	stream.indirect.gather [hbm4b:s1+s24], $0x80, s21, s24, $0xb8;
	[tilespmem:$0x1E800] =	vst v63  }
0x291: {  	_ =	swait.ge [sflag:s16], $0x2000  }
0x292: {  	[sflag:s16] =	ssyncset.done $0x0  }
0x293: {  	s20 =	simm.s32 $0x280;
	[sflag:s16] =	ssyncadd.s32 $0xFFFFE000  }
0x294: {  	[tilespmem:s28], [sflag:$0x2] =	stream.indirect.gather [hbm4b:s1+s24], $0x80, s20, s24, $0xb8;
	[tilespmem:$0x1E800] =	vst v63  }
0x295: {  	_ =	swait.ge [sflag:s17], $0x2000  }
0x296: {  	[sflag:s17] =	ssyncset.done $0x0  }
0x297: {  	s21 =	simm.s32 $0x300;
	[sflag:s17] =	ssyncadd.s32 $0xFFFFE000  }
0x298: {  	[tilespmem:s30], [sflag:$0x3] =	stream.indirect.gather [hbm4b:s1+s24], $0x80, s21, s24, $0xb8;
	[tilespmem:$0x1E800] =	vst v63  }
0x299: {  	_ =	swait.ge [sflag:s18], $0x2000  }
0x29a: {  	[sflag:s18] =	ssyncset.done $0x0  }
0x29b: {  	s11 =	simm.s32 $0x800;
	s20 =	simm.s32 $0x380;
	[sflag:s18] =	ssyncadd.s32 $0xFFFFE000  }
.LBB2_13:
0x29c: {  	[tilespmem:s0], [sflag:$0x4] =	stream.indirect.gather [hbm4b:s1+s24], $0x80, s20, s24, $0xb8;
	[tilespmem:$0x1E800] =	vst v63  }
0x29d: {  	s20 =	smov.u32 s11  }
0x29e: {  	p1 =	sne.s32 s11, $0x4000;
	s11 =	sadd.s32 $0x800, s11;
	_ =	swait.ge [sflag:s2], $0x2000  }
0x29f: {  	s20 =	sshra.s32 s20, $0x2;
	[sflag:s2] =	ssyncset.done $0x0  }
0x2a0: {  	s21 =	sadd.s32 $0x1400, s20;
	[sflag:s2] =	ssyncadd.s32 $0xFFFFE000  }
0x2a1: {  	[spmem:s3] =	stream.indirect.scatter.add.f32 [tilespmem:s25], [sflag:$0x5], $0x80, s21, s24, $0xb8;
	[tilespmem:$0x1E800] =	vst v63  }
0x2a2: {  	_ =	swait.ge [sflag:s12], $0x2000  }
0x2a3: {  	[sflag:s12] =	ssyncset.done $0x0  }
0x2a4: {  	s21 =	sadd.s32 $0x1480, s20;
	[sflag:s12] =	ssyncadd.s32 $0xFFFFE000  }
0x2a5: {  	[spmem:s3] =	stream.indirect.scatter.add.f32 [tilespmem:s28], [sflag:$0x6], $0x80, s21, s24, $0xb8;
	[tilespmem:$0x1E800] =	vst v63  }
0x2a6: {  	_ =	swait.ge [sflag:s13], $0x2000  }
0x2a7: {  	[sflag:s13] =	ssyncset.done $0x0  }
0x2a8: {  	s21 =	sadd.s32 $0x1500, s20;
	[sflag:s13] =	ssyncadd.s32 $0xFFFFE000  }
0x2a9: {  	[spmem:s3] =	stream.indirect.scatter.add.f32 [tilespmem:s30], [sflag:$0x7], $0x80, s21, s24, $0xb8;
	[tilespmem:$0x1E800] =	vst v63  }
0x2aa: {  	_ =	swait.ge [sflag:s14], $0x2000  }
0x2ab: {  	[sflag:s14] =	ssyncset.done $0x0  }
0x2ac: {  	s21 =	sadd.s32 $0x1580, s20;
	[sflag:s14] =	ssyncadd.s32 $0xFFFFE000  }
0x2ad: {  	[spmem:s3] =	stream.indirect.scatter.add.f32 [tilespmem:s0], [sflag:$0x8], $0x80, s21, s24, $0xb8;
	[tilespmem:$0x1E800] =	vst v63  }
0x2ae: {  	_ =	swait.ge [sflag:s15], $0x2000  }
0x2af: {  	[sflag:s15] =	ssyncset.done $0x0  }
0x2b0: {  	s21 =	sadd.s32 $0x200, s20;
	[sflag:s15] =	ssyncadd.s32 $0xFFFFE000  }
0x2b1: {  	[tilespmem:s25], [sflag:$0x1] =	stream.indirect.gather [hbm4b:s1+s24], $0x80, s21, s24, $0xb8;
	[tilespmem:$0x1E800] =	vst v63  }
0x2b2: {  	_ =	swait.ge [sflag:s16], $0x2000  }
0x2b3: {  	[sflag:s16] =	ssyncset.done $0x0  }
0x2b4: {  	s21 =	sadd.s32 $0x280, s20;
	[sflag:s16] =	ssyncadd.s32 $0xFFFFE000  }
0x2b5: {  	[tilespmem:s28], [sflag:$0x2] =	stream.indirect.gather [hbm4b:s1+s24], $0x80, s21, s24, $0xb8;
	[tilespmem:$0x1E800] =	vst v63  }
0x2b6: {  	_ =	swait.ge [sflag:s17], $0x2000  }
0x2b7: {  	[sflag:s17] =	ssyncset.done $0x0  }
.Ltmp8:
0x2b8: {  	s21 =	sadd.s32 $0x300, s20;
	[sflag:s17] =	ssyncadd.s32 $0xFFFFE000;
	(pc) =	sbr.rel @p1 .LBB2_13-.Ltmp8, $4  }
0x2b9: {  	[tilespmem:s30], [sflag:$0x3] =	stream.indirect.gather [hbm4b:s1+s24], $0x80, s21, s24, $0xb8;
	[tilespmem:$0x1E800] =	vst v63  }
0x2ba: {  	_ =	swait.ge [sflag:s18], $0x2000  }
0x2bb: {  	[sflag:s18] =	ssyncset.done $0x0  }
0x2bc: {  	s20 =	sadd.s32 $0x380, s20;
	[sflag:s18] =	ssyncadd.s32 $0xFFFFE000  }
.Ltmp9:
0x2bd: {  	_ = 	snop;
	(pc) =	sbr.rel .LBB2_14-.Ltmp9, $1  }
0x2be: {  	_ =	sdelay $0x3  }
.LBB2_16:
0x2bf: {  	_ =	sfence.sel $0x180000  }
0x2c0: {  	[bflag:$0x0] =	sbarrier.arrive $0xFFFF  }
0x2c1: {  	_ =	strace $0x90000047  }
0x2c2: {  	s0 =	stileid.u32;
	[bflag:$0x2] =	sbarrier.arrive $0xFFFF  }
0x2c3: {  	p0 =	sne.s32 s0, $0x0;
	s0 =	rddreg [dreg:$0x4]  }
0x2c4: {  	s0 =	sadd.s32 @!p0 $0x100000, s0  }
0x2c5: {  	[sflag:s0] =	ssyncadd.tile.s32 @!p0 $0x1;
	_ =	shalt  }
.Lfunc_end2:
_tile_overlayer_lowered:
.L_overlay_start_2:
0x2c6: {  	(tag) =	ssettag $0x2  }
0x2c7: {  	s0 =	rddreg [dreg:$0x0];
	s2 =	stileid.u32  }
0x2c8: {  	s1 =	rddreg [dreg:$0x1];
	p0 =	sne.s32 s2, $0x0  }
0x2c9: {  	s3 =	rddreg [dreg:$0x2];
	[bflag:$0x3] =	sbarrier.arrive $0xFFFF;
	s2 =	simm.s32 @!p0 $0x1C09  }
0x2ca: {  	[timem:s3], [sflag:s2] =	dma.local @!p0 [hbm:s0], s1  }
0x2cb: {  	s0 =	simm.s32 @!p0 $0x9  }
0x2cc: {  	_ =	swait.ge @!p0 [sflag:s0], s1  }
0x2cd: {  	s1 =	ssub.s32 @!p0 $0x0, s1;
	[sflag:s0] =	ssyncset.done @!p0 $0x0  }
0x2ce: {  	[sflag:s0] =	ssyncadd.s32 @!p0 s1  }
0x2cf: {  	[bflag:$0x3] =	sbarrier.arrive $0xFFFF  }
0x2d0: {  	_ =	shalt  }

</sc_bundles>
